<compile_context>
chip_gen: v7x
topology: tpu7x:2x2x1
jax: 0.10.2.dev20260603
libtpu: 0.0.44.dev20260713+nightly
codegen_flags: <defaults>
</compile_context>

<pallas_src>
import functools

import jax
import jax.numpy as jnp
from jax import lax
from jax.experimental import pallas as pl
from jax.experimental.pallas import tpu as pltpu
from jax.experimental.pallas import tpu_sc as plsc

VOCAB = 100000
EMBED = 64
SEQ = 200
BATCH = 4096
MAXLEN = 512

NC, NS = 2, 16
NW = NC * NS
BC = BATCH // NW
LANES = 16
NCH = EMBED // LANES
TPAD = BC + 1
SB = 2
NG = SEQ // SB
NBUF = 2
NTV = 4

_mesh = plsc.VectorSubcoreMesh(
    core_axis_name="c", subcore_axis_name="s", num_cores=NC, num_subcores=NS
)


@functools.partial(
    pl.kernel,
    out_type=jax.ShapeDtypeStruct((SEQ, 8, NW, 8, BC), jnp.float32),
    mesh=_mesh,
    scratch_types=[
        pltpu.VMEM((NG, SB * BC), jnp.int32),
        pltpu.VMEM((SB * BC, EMBED), jnp.float32),
        pltpu.VMEM((SB * BC, EMBED), jnp.float32),
        pltpu.VMEM((8, 8, TPAD), jnp.float32),
        pltpu.VMEM((8, 8, TPAD), jnp.float32),
        pltpu.VMEM((8, 8, TPAD), jnp.float32),
        pltpu.VMEM((8, 8, TPAD), jnp.float32),
        pltpu.VMEM((BC, LANES), jnp.int32),
        pltpu.VMEM((SEQ, EMBED), jnp.float32),
        pltpu.SemaphoreType.DMA,
        pltpu.SemaphoreType.DMA,
        pltpu.SemaphoreType.DMA,
        pltpu.SemaphoreType.DMA,
        pltpu.SemaphoreType.DMA,
        pltpu.SemaphoreType.DMA,
    ],
    compiler_params=pltpu.CompilerParams(
        use_tc_tiling_on_sc=False,
        needs_layout_passes=False,
        disable_bounds_checks=True,
    ),
)
def _embed_kernel(
    xt_hbm, tab_hbm, pos_hbm, out_hbm,
    idx_all, rows0, rows1, tv0, tv1, tv2, tv3, bmat, pos_v,
    gsem0, gsem1, wsem0, wsem1, wsem2, wsem3,
):
    wid = lax.axis_index("s") * NC + lax.axis_index("c")
    pltpu.sync_copy(xt_hbm.at[wid], idx_all)
    pltpu.sync_copy(pos_hbm.at[pl.ds(0, SEQ)], pos_v)
    rows = (rows0, rows1)
    gsems = (gsem0, gsem1)
    tvs = (tv0, tv1, tv2, tv3)
    wsems = (wsem0, wsem1, wsem2, wsem3)
    dt_vecs = [(lax.iota(jnp.int32, LANES) + c * LANES) // 8 for c in range(NCH)]
    di_vecs = [(lax.iota(jnp.int32, LANES) + c * LANES) % 8 for c in range(NCH)]

    def binit(b, inner):
        bmat[b] = jnp.full((LANES,), b, dtype=jnp.int32)
        return inner

    lax.fori_loop(0, BC, binit, 0)

    def issue(g, p):
        pltpu.async_copy(tab_hbm.at[idx_all.at[g]], rows[p], gsems[p])

    def wait_gather(g, p):
        pltpu.make_async_copy(tab_hbm.at[idx_all.at[g]], rows[p], gsems[p]).wait()

    def wait_write(tp):
        pltpu.make_async_copy(
            tvs[tp].at[:, :, pl.ds(0, BC)], out_hbm.at[0, :, wid], wsems[tp]
        ).wait()

    def process(g, p, gpar):
        rows_v = rows[p]
        for j in range(SB):
            s = g * SB + j
            tp = 2 * gpar + j
            t_v = tvs[tp]
            pvecs = [pos_v[s, pl.ds(c * LANES, LANES)] for c in range(NCH)]

            def b_body(b, inner):
                bvec = bmat[b]
                for c in range(NCH):
                    val = rows_v[j * BC + b, pl.ds(c * LANES, LANES)] + pvecs[c]
                    plsc.store_scatter(t_v, [dt_vecs[c], di_vecs[c], bvec], val)
                return inner

            lax.fori_loop(0, BC, b_body, 0, unroll=16)
            pltpu.async_copy(
                t_v.at[:, :, pl.ds(0, BC)], out_hbm.at[s, :, wid], wsems[tp]
            )

    issue(0, 0)
    issue(1, 1)

    def loop_body(i, carry):
        for p in range(NBUF):
            g = i * NBUF + p
            wait_gather(g, p)

            @pl.when(g >= 2)
            def _():
                wait_write(2 * p)
                wait_write(2 * p + 1)

            process(g, p, p)

            @pl.when(g < NG - NBUF)
            def _():
                issue(g + NBUF, p)

        return carry

    lax.fori_loop(0, NG // NBUF, loop_body, 0)
    for tp in range(NTV):
        wait_write(tp)


def kernel(x, token_embed, pos_embed):
    xt = jnp.transpose(x.astype(jnp.int32))
    xprep = (
        xt.reshape(SEQ, NW, BC)
        .transpose(1, 0, 2)
        .reshape(NW, NG, SB * BC)
    )
    pos2d = pos_embed.reshape(MAXLEN, EMBED)
    out5 = _embed_kernel(xprep, token_embed, pos2d)
    return out5.transpose(2, 4, 0, 1, 3).reshape(BATCH, SEQ, EMBED)

# --- scband reference (transcript-rebuilt; emitter-appended) ---
"""Pipeline reference for scband-text-tokenize-56951266345019 (READ-ONLY COPY).

The authoritative reference and input builder live on the scoring server;
editing this copy changes nothing except your own understanding.
"""

import jax, jax.numpy as jnp
import numpy as np

VOCAB = 100000
EMBED = 64
MAXLEN = 512
BATCH = 4096
SEQ = 200

def setup_inputs(seed: int = 0) -> dict:
    key = jax.random.key(seed)
    k1, k2, k3 = jax.random.split(key, 3)
    x = jax.random.randint(k1, (BATCH, SEQ), 0, VOCAB, dtype=jnp.int64 if jax.config.jax_enable_x64 else jnp.int32)
    token_embed = jax.random.normal(k2, (VOCAB, EMBED), dtype=jnp.float32) * 0.02
    pos_embed = jax.random.normal(k3, (1, MAXLEN, EMBED), dtype=jnp.float32)
    return {"x": x, "token_embed": token_embed, "pos_embed": pos_embed}

def reference(x, token_embed, pos_embed):
    # token embedding lookup (gather)
    emb = jnp.take(token_embed, x, axis=0)  # [B, S, D]
    # add learned positional embedding, sliced to current seq len
    out = emb + pos_embed[:, : x.shape[1], :]
    return out

if __name__ == "__main__":
    import jax
    _d = setup_inputs()
    print(jax.jit(kernel)(*tuple(_d.values())))

</pallas_src>

<mosaic_0001>
#map = affine_map<(d0, d1) -> (0, 0, 0)>
#map1 = affine_map<(d0, d1) -> (0, 0)>
#map2 = affine_map<(d0, d1) -> (0, 0, 0, 0, 0)>
module attributes {stable_mosaic.version = 14 : i64} {
  func.func @_embed_kernel(%arg0: i32, %arg1: i32, %arg2: memref<32x100x256xi32, #tpu.memory_space<hbm>>, %arg3: memref<100000x64xf32, #tpu.memory_space<hbm>>, %arg4: memref<512x64xf32, #tpu.memory_space<hbm>>, %arg5: memref<200x8x32x8x128xf32, #tpu.memory_space<hbm>>, %arg6: memref<100x256xi32, #tpu.memory_space<vmem>>, %arg7: memref<256x64xf32, #tpu.memory_space<vmem>>, %arg8: memref<256x64xf32, #tpu.memory_space<vmem>>, %arg9: memref<8x8x129xf32, #tpu.memory_space<vmem>>, %arg10: memref<8x8x129xf32, #tpu.memory_space<vmem>>, %arg11: memref<8x8x129xf32, #tpu.memory_space<vmem>>, %arg12: memref<8x8x129xf32, #tpu.memory_space<vmem>>, %arg13: memref<128x16xi32, #tpu.memory_space<vmem>>, %arg14: memref<200x64xf32, #tpu.memory_space<vmem>>, %arg15: memref<!tpu.dma_semaphore, #tpu.memory_space<semaphore_mem>>, %arg16: memref<!tpu.dma_semaphore, #tpu.memory_space<semaphore_mem>>, %arg17: memref<!tpu.dma_semaphore, #tpu.memory_space<semaphore_mem>>, %arg18: memref<!tpu.dma_semaphore, #tpu.memory_space<semaphore_mem>>, %arg19: memref<!tpu.dma_semaphore, #tpu.memory_space<semaphore_mem>>, %arg20: memref<!tpu.dma_semaphore, #tpu.memory_space<semaphore_mem>>) attributes {dimension_semantics = [#tpu.dimension_semantics<core_parallel>, #tpu.dimension_semantics<subcore_parallel>], iteration_bounds = array<i64: 2, 16>, scalar_prefetch = 0 : i64, scratch_operands = 15 : i64, tpu.core_type = #tpu.core_type<sc_vector_subcore>, window_params = [{transform_indices = #map}, {transform_indices = #map1}, {transform_indices = #map1}, {transform_indices = #map2}]} {
    %mul3A = arith.constant 2 : i32
    %mul3A_0 = arith.muli %arg1, %mul3A : i32
    %add3A = arith.addi %mul3A_0, %arg0 : i32
    "tpu.region"() ({
      %run_scoped3A = tpu.sem_alloc : memref<!tpu.dma_semaphore, #tpu.memory_space<semaphore_mem>>
      %dma_start3A_333 = arith.constant 0 : i32
      %dma_start3A_334 = arith.constant 0 : i32
      %dma_start3A_335 = tpu.memref_slice %arg2[%add3A, %dma_start3A_333, %dma_start3A_334] : memref<32x100x256xi32, #tpu.memory_space<hbm>> -> memref<1x100x256xi32, #tpu.memory_space<hbm>>
      %dma_start3A_336 = tpu.memref_squeeze %dma_start3A_335 : memref<1x100x256xi32, #tpu.memory_space<hbm>> -> memref<100x256xi32, #tpu.memory_space<hbm>>
      %dma_start3A_337 = arith.constant 0 : i32
      %dma_start3A_338 = arith.constant 0 : i32
      %dma_start3A_339 = tpu.memref_slice %arg2[%add3A, %dma_start3A_337, %dma_start3A_338] : memref<32x100x256xi32, #tpu.memory_space<hbm>> -> memref<1x100x256xi32, #tpu.memory_space<hbm>>
      %dma_start3A_340 = tpu.memref_squeeze %dma_start3A_339 : memref<1x100x256xi32, #tpu.memory_space<hbm>> -> memref<100x256xi32, #tpu.memory_space<hbm>>
      tpu.enqueue_dma source(%dma_start3A_340 : memref<100x256xi32, #tpu.memory_space<hbm>>) target(%arg6 : memref<100x256xi32, #tpu.memory_space<vmem>>) target_semaphore(%run_scoped3A : memref<!tpu.dma_semaphore, #tpu.memory_space<semaphore_mem>>)
      %dma_wait3A_341 = arith.constant 0 : i32
      %dma_wait3A_342 = arith.constant 0 : i32
      %dma_wait3A_343 = tpu.memref_slice %arg2[%add3A, %dma_wait3A_341, %dma_wait3A_342] : memref<32x100x256xi32, #tpu.memory_space<hbm>> -> memref<1x100x256xi32, #tpu.memory_space<hbm>>
      %dma_wait3A_344 = tpu.memref_squeeze %dma_wait3A_343 : memref<1x100x256xi32, #tpu.memory_space<hbm>> -> memref<100x256xi32, #tpu.memory_space<hbm>>
      %dma_wait3A_345 = arith.constant 0 : i32
      %dma_wait3A_346 = arith.constant 0 : i32
      %dma_wait3A_347 = tpu.memref_slice %arg2[%add3A, %dma_wait3A_345, %dma_wait3A_346] : memref<32x100x256xi32, #tpu.memory_space<hbm>> -> memref<1x100x256xi32, #tpu.memory_space<hbm>>
      %dma_wait3A_348 = tpu.memref_squeeze %dma_wait3A_347 : memref<1x100x256xi32, #tpu.memory_space<hbm>> -> memref<100x256xi32, #tpu.memory_space<hbm>>
      tpu.wait_dma2 semaphore(%run_scoped3A : memref<!tpu.dma_semaphore, #tpu.memory_space<semaphore_mem>>) src(%dma_wait3A_348 : memref<100x256xi32, #tpu.memory_space<hbm>>) dst(%arg6 : memref<100x256xi32, #tpu.memory_space<vmem>>)
      tpu.yield
    }) : () -> ()
    "tpu.region"() ({
      %run_scoped3A = tpu.sem_alloc : memref<!tpu.dma_semaphore, #tpu.memory_space<semaphore_mem>>
      %dma_start3A_333 = arith.constant 0 : i32
      %dma_start3A_334 = arith.constant 0 : i32
      %dma_start3A_335 = tpu.memref_slice %arg4[%dma_start3A_333, %dma_start3A_334] : memref<512x64xf32, #tpu.memory_space<hbm>> -> memref<200x64xf32, #tpu.memory_space<hbm>>
      %dma_start3A_336 = arith.constant 0 : i32
      %dma_start3A_337 = arith.constant 0 : i32
      %dma_start3A_338 = tpu.memref_slice %arg4[%dma_start3A_336, %dma_start3A_337] : memref<512x64xf32, #tpu.memory_space<hbm>> -> memref<200x64xf32, #tpu.memory_space<hbm>>
      tpu.enqueue_dma source(%dma_start3A_338 : memref<200x64xf32, #tpu.memory_space<hbm>>) target(%arg14 : memref<200x64xf32, #tpu.memory_space<vmem>>) target_semaphore(%run_scoped3A : memref<!tpu.dma_semaphore, #tpu.memory_space<semaphore_mem>>)
      %dma_wait3A_339 = arith.constant 0 : i32
      %dma_wait3A_340 = arith.constant 0 : i32
      %dma_wait3A_341 = tpu.memref_slice %arg4[%dma_wait3A_339, %dma_wait3A_340] : memref<512x64xf32, #tpu.memory_space<hbm>> -> memref<200x64xf32, #tpu.memory_space<hbm>>
      %dma_wait3A_342 = arith.constant 0 : i32
      %dma_wait3A_343 = arith.constant 0 : i32
      %dma_wait3A_344 = tpu.memref_slice %arg4[%dma_wait3A_342, %dma_wait3A_343] : memref<512x64xf32, #tpu.memory_space<hbm>> -> memref<200x64xf32, #tpu.memory_space<hbm>>
      tpu.wait_dma2 semaphore(%run_scoped3A : memref<!tpu.dma_semaphore, #tpu.memory_space<semaphore_mem>>) src(%dma_wait3A_344 : memref<200x64xf32, #tpu.memory_space<hbm>>) dst(%arg14 : memref<200x64xf32, #tpu.memory_space<vmem>>)
      tpu.yield
    }) : () -> ()
    %iota3A = tpu.iota {dimensions = array<i32: 0>} : vector<16xi32>
    %add3A_1 = arith.constant 0 : i32
    %add3A_2 = vector.broadcast %add3A_1 : i32 to vector<16xi32>
    %add3A_3 = arith.addi %iota3A, %add3A_2 : vector<16xi32>
    %jit3A = arith.constant 8 : i32
    %div3A = vector.broadcast %jit3A : i32 to vector<16xi32>
    %div3A_4 = arith.divsi %add3A_3, %div3A : vector<16xi32>
    %sign3A = arith.constant 0 : i32
    %sign3A_5 = vector.broadcast %sign3A : i32 to vector<16xi32>
    %sign3A_6 = arith.cmpi sgt, %add3A_3, %sign3A_5 : vector<16xi32>
    %sign3A_7 = arith.extui %sign3A_6 : vector<16xi1> to vector<16xi32>
    %sign3A_8 = arith.constant 0 : i32
    %sign3A_9 = vector.broadcast %sign3A_8 : i32 to vector<16xi32>
    %sign3A_10 = arith.cmpi slt, %add3A_3, %sign3A_9 : vector<16xi32>
    %sign3A_11 = arith.extui %sign3A_10 : vector<16xi1> to vector<16xi32>
    %sign3A_12 = arith.subi %sign3A_7, %sign3A_11 : vector<16xi32>
    %sign3A_13 = arith.constant 0 : i32
    %sign3A_14 = arith.cmpi sgt, %jit3A, %sign3A_13 : i32
    %sign3A_15 = arith.extui %sign3A_14 : i1 to i32
    %sign3A_16 = arith.constant 0 : i32
    %sign3A_17 = arith.cmpi slt, %jit3A, %sign3A_16 : i32
    %sign3A_18 = arith.extui %sign3A_17 : i1 to i32
    %sign3A_19 = arith.subi %sign3A_15, %sign3A_18 : i32
    %ne3A = vector.broadcast %sign3A_19 : i32 to vector<16xi32>
    %ne3A_20 = arith.cmpi ne, %sign3A_12, %ne3A : vector<16xi32>
    %rem3A = vector.broadcast %jit3A : i32 to vector<16xi32>
    %rem3A_21 = arith.remsi %add3A_3, %rem3A : vector<16xi32>
    %ne3A_22 = arith.constant 0 : i32
    %ne3A_23 = vector.broadcast %ne3A_22 : i32 to vector<16xi32>
    %ne3A_24 = arith.cmpi ne, %rem3A_21, %ne3A_23 : vector<16xi32>
    %and3A = arith.andi %ne3A_20, %ne3A_24 : vector<16xi1>
    %sub3A = arith.constant 1 : i32
    %sub3A_25 = vector.broadcast %sub3A : i32 to vector<16xi32>
    %sub3A_26 = arith.subi %div3A_4, %sub3A_25 : vector<16xi32>
    %select_n3A = arith.select %and3A, %sub3A_26, %div3A_4 : vector<16xi1>, vector<16xi32>
    %iota3A_27 = tpu.iota {dimensions = array<i32: 0>} : vector<16xi32>
    %add3A_28 = arith.constant 16 : i32
    %add3A_29 = vector.broadcast %add3A_28 : i32 to vector<16xi32>
    %add3A_30 = arith.addi %iota3A_27, %add3A_29 : vector<16xi32>
    %jit3A_31 = arith.constant 8 : i32
    %div3A_32 = vector.broadcast %jit3A_31 : i32 to vector<16xi32>
    %div3A_33 = arith.divsi %add3A_30, %div3A_32 : vector<16xi32>
    %sign3A_34 = arith.constant 0 : i32
    %sign3A_35 = vector.broadcast %sign3A_34 : i32 to vector<16xi32>
    %sign3A_36 = arith.cmpi sgt, %add3A_30, %sign3A_35 : vector<16xi32>
    %sign3A_37 = arith.extui %sign3A_36 : vector<16xi1> to vector<16xi32>
    %sign3A_38 = arith.constant 0 : i32
    %sign3A_39 = vector.broadcast %sign3A_38 : i32 to vector<16xi32>
    %sign3A_40 = arith.cmpi slt, %add3A_30, %sign3A_39 : vector<16xi32>
    %sign3A_41 = arith.extui %sign3A_40 : vector<16xi1> to vector<16xi32>
    %sign3A_42 = arith.subi %sign3A_37, %sign3A_41 : vector<16xi32>
    %sign3A_43 = arith.constant 0 : i32
    %sign3A_44 = arith.cmpi sgt, %jit3A_31, %sign3A_43 : i32
    %sign3A_45 = arith.extui %sign3A_44 : i1 to i32
    %sign3A_46 = arith.constant 0 : i32
    %sign3A_47 = arith.cmpi slt, %jit3A_31, %sign3A_46 : i32
    %sign3A_48 = arith.extui %sign3A_47 : i1 to i32
    %sign3A_49 = arith.subi %sign3A_45, %sign3A_48 : i32
    %ne3A_50 = vector.broadcast %sign3A_49 : i32 to vector<16xi32>
    %ne3A_51 = arith.cmpi ne, %sign3A_42, %ne3A_50 : vector<16xi32>
    %rem3A_52 = vector.broadcast %jit3A_31 : i32 to vector<16xi32>
    %rem3A_53 = arith.remsi %add3A_30, %rem3A_52 : vector<16xi32>
    %ne3A_54 = arith.constant 0 : i32
    %ne3A_55 = vector.broadcast %ne3A_54 : i32 to vector<16xi32>
    %ne3A_56 = arith.cmpi ne, %rem3A_53, %ne3A_55 : vector<16xi32>
    %and3A_57 = arith.andi %ne3A_51, %ne3A_56 : vector<16xi1>
    %sub3A_58 = arith.constant 1 : i32
    %sub3A_59 = vector.broadcast %sub3A_58 : i32 to vector<16xi32>
    %sub3A_60 = arith.subi %div3A_33, %sub3A_59 : vector<16xi32>
    %select_n3A_61 = arith.select %and3A_57, %sub3A_60, %div3A_33 : vector<16xi1>, vector<16xi32>
    %iota3A_62 = tpu.iota {dimensions = array<i32: 0>} : vector<16xi32>
    %add3A_63 = arith.constant 32 : i32
    %add3A_64 = vector.broadcast %add3A_63 : i32 to vector<16xi32>
    %add3A_65 = arith.addi %iota3A_62, %add3A_64 : vector<16xi32>
    %jit3A_66 = arith.constant 8 : i32
    %div3A_67 = vector.broadcast %jit3A_66 : i32 to vector<16xi32>
    %div3A_68 = arith.divsi %add3A_65, %div3A_67 : vector<16xi32>
    %sign3A_69 = arith.constant 0 : i32
    %sign3A_70 = vector.broadcast %sign3A_69 : i32 to vector<16xi32>
    %sign3A_71 = arith.cmpi sgt, %add3A_65, %sign3A_70 : vector<16xi32>
    %sign3A_72 = arith.extui %sign3A_71 : vector<16xi1> to vector<16xi32>
    %sign3A_73 = arith.constant 0 : i32
    %sign3A_74 = vector.broadcast %sign3A_73 : i32 to vector<16xi32>
    %sign3A_75 = arith.cmpi slt, %add3A_65, %sign3A_74 : vector<16xi32>
    %sign3A_76 = arith.extui %sign3A_75 : vector<16xi1> to vector<16xi32>
    %sign3A_77 = arith.subi %sign3A_72, %sign3A_76 : vector<16xi32>
    %sign3A_78 = arith.constant 0 : i32
    %sign3A_79 = arith.cmpi sgt, %jit3A_66, %sign3A_78 : i32
    %sign3A_80 = arith.extui %sign3A_79 : i1 to i32
    %sign3A_81 = arith.constant 0 : i32
    %sign3A_82 = arith.cmpi slt, %jit3A_66, %sign3A_81 : i32
    %sign3A_83 = arith.extui %sign3A_82 : i1 to i32
    %sign3A_84 = arith.subi %sign3A_80, %sign3A_83 : i32
    %ne3A_85 = vector.broadcast %sign3A_84 : i32 to vector<16xi32>
    %ne3A_86 = arith.cmpi ne, %sign3A_77, %ne3A_85 : vector<16xi32>
    %rem3A_87 = vector.broadcast %jit3A_66 : i32 to vector<16xi32>
    %rem3A_88 = arith.remsi %add3A_65, %rem3A_87 : vector<16xi32>
    %ne3A_89 = arith.constant 0 : i32
    %ne3A_90 = vector.broadcast %ne3A_89 : i32 to vector<16xi32>
    %ne3A_91 = arith.cmpi ne, %rem3A_88, %ne3A_90 : vector<16xi32>
    %and3A_92 = arith.andi %ne3A_86, %ne3A_91 : vector<16xi1>
    %sub3A_93 = arith.constant 1 : i32
    %sub3A_94 = vector.broadcast %sub3A_93 : i32 to vector<16xi32>
    %sub3A_95 = arith.subi %div3A_68, %sub3A_94 : vector<16xi32>
    %select_n3A_96 = arith.select %and3A_92, %sub3A_95, %div3A_68 : vector<16xi1>, vector<16xi32>
    %iota3A_97 = tpu.iota {dimensions = array<i32: 0>} : vector<16xi32>
    %add3A_98 = arith.constant 48 : i32
    %add3A_99 = vector.broadcast %add3A_98 : i32 to vector<16xi32>
    %add3A_100 = arith.addi %iota3A_97, %add3A_99 : vector<16xi32>
    %jit3A_101 = arith.constant 8 : i32
    %div3A_102 = vector.broadcast %jit3A_101 : i32 to vector<16xi32>
    %div3A_103 = arith.divsi %add3A_100, %div3A_102 : vector<16xi32>
    %sign3A_104 = arith.constant 0 : i32
    %sign3A_105 = vector.broadcast %sign3A_104 : i32 to vector<16xi32>
    %sign3A_106 = arith.cmpi sgt, %add3A_100, %sign3A_105 : vector<16xi32>
    %sign3A_107 = arith.extui %sign3A_106 : vector<16xi1> to vector<16xi32>
    %sign3A_108 = arith.constant 0 : i32
    %sign3A_109 = vector.broadcast %sign3A_108 : i32 to vector<16xi32>
    %sign3A_110 = arith.cmpi slt, %add3A_100, %sign3A_109 : vector<16xi32>
    %sign3A_111 = arith.extui %sign3A_110 : vector<16xi1> to vector<16xi32>
    %sign3A_112 = arith.subi %sign3A_107, %sign3A_111 : vector<16xi32>
    %sign3A_113 = arith.constant 0 : i32
    %sign3A_114 = arith.cmpi sgt, %jit3A_101, %sign3A_113 : i32
    %sign3A_115 = arith.extui %sign3A_114 : i1 to i32
    %sign3A_116 = arith.constant 0 : i32
    %sign3A_117 = arith.cmpi slt, %jit3A_101, %sign3A_116 : i32
    %sign3A_118 = arith.extui %sign3A_117 : i1 to i32
    %sign3A_119 = arith.subi %sign3A_115, %sign3A_118 : i32
    %ne3A_120 = vector.broadcast %sign3A_119 : i32 to vector<16xi32>
    %ne3A_121 = arith.cmpi ne, %sign3A_112, %ne3A_120 : vector<16xi32>
    %rem3A_122 = vector.broadcast %jit3A_101 : i32 to vector<16xi32>
    %rem3A_123 = arith.remsi %add3A_100, %rem3A_122 : vector<16xi32>
    %ne3A_124 = arith.constant 0 : i32
    %ne3A_125 = vector.broadcast %ne3A_124 : i32 to vector<16xi32>
    %ne3A_126 = arith.cmpi ne, %rem3A_123, %ne3A_125 : vector<16xi32>
    %and3A_127 = arith.andi %ne3A_121, %ne3A_126 : vector<16xi1>
    %sub3A_128 = arith.constant 1 : i32
    %sub3A_129 = vector.broadcast %sub3A_128 : i32 to vector<16xi32>
    %sub3A_130 = arith.subi %div3A_103, %sub3A_129 : vector<16xi32>
    %select_n3A_131 = arith.select %and3A_127, %sub3A_130, %div3A_103 : vector<16xi1>, vector<16xi32>
    %iota3A_132 = tpu.iota {dimensions = array<i32: 0>} : vector<16xi32>
    %add3A_133 = arith.constant 0 : i32
    %add3A_134 = vector.broadcast %add3A_133 : i32 to vector<16xi32>
    %add3A_135 = arith.addi %iota3A_132, %add3A_134 : vector<16xi32>
    %jit3A_136 = arith.constant 8 : i32
    %eq3A = arith.constant 0 : i32
    %eq3A_137 = arith.cmpi eq, %jit3A_136, %eq3A : i32
    %jit3A_138 = arith.constant 1 : i32
    %select_n3A_139 = arith.select %eq3A_137, %jit3A_138, %jit3A_136 : i32
    %rem3A_140 = vector.broadcast %select_n3A_139 : i32 to vector<16xi32>
    %rem3A_141 = arith.remsi %add3A_135, %rem3A_140 : vector<16xi32>
    %ne3A_142 = arith.constant 0 : i32
    %ne3A_143 = vector.broadcast %ne3A_142 : i32 to vector<16xi32>
    %ne3A_144 = arith.cmpi ne, %rem3A_141, %ne3A_143 : vector<16xi32>
    %lt3A = arith.constant 0 : i32
    %lt3A_145 = vector.broadcast %lt3A : i32 to vector<16xi32>
    %lt3A_146 = arith.cmpi slt, %rem3A_141, %lt3A_145 : vector<16xi32>
    %lt3A_147 = arith.constant 0 : i32
    %lt3A_148 = arith.cmpi slt, %select_n3A_139, %lt3A_147 : i32
    %ne3A_149 = vector.broadcast %lt3A_148 : i1 to vector<16xi1>
    %ne3A_150 = vector.broadcast %ne3A_149 : vector<16xi1> to vector<16xi1>
    %ne3A_151 = arith.xori %lt3A_146, %ne3A_150 : vector<16xi1>
    %and3A_152 = arith.andi %ne3A_151, %ne3A_144 : vector<16xi1>
    %add3A_153 = vector.broadcast %select_n3A_139 : i32 to vector<16xi32>
    %add3A_154 = arith.addi %rem3A_141, %add3A_153 : vector<16xi32>
    %select_n3A_155 = arith.select %and3A_152, %add3A_154, %rem3A_141 : vector<16xi1>, vector<16xi32>
    %iota3A_156 = tpu.iota {dimensions = array<i32: 0>} : vector<16xi32>
    %add3A_157 = arith.constant 16 : i32
    %add3A_158 = vector.broadcast %add3A_157 : i32 to vector<16xi32>
    %add3A_159 = arith.addi %iota3A_156, %add3A_158 : vector<16xi32>
    %jit3A_160 = arith.constant 8 : i32
    %eq3A_161 = arith.constant 0 : i32
    %eq3A_162 = arith.cmpi eq, %jit3A_160, %eq3A_161 : i32
    %jit3A_163 = arith.constant 1 : i32
    %select_n3A_164 = arith.select %eq3A_162, %jit3A_163, %jit3A_160 : i32
    %rem3A_165 = vector.broadcast %select_n3A_164 : i32 to vector<16xi32>
    %rem3A_166 = arith.remsi %add3A_159, %rem3A_165 : vector<16xi32>
    %ne3A_167 = arith.constant 0 : i32
    %ne3A_168 = vector.broadcast %ne3A_167 : i32 to vector<16xi32>
    %ne3A_169 = arith.cmpi ne, %rem3A_166, %ne3A_168 : vector<16xi32>
    %lt3A_170 = arith.constant 0 : i32
    %lt3A_171 = vector.broadcast %lt3A_170 : i32 to vector<16xi32>
    %lt3A_172 = arith.cmpi slt, %rem3A_166, %lt3A_171 : vector<16xi32>
    %lt3A_173 = arith.constant 0 : i32
    %lt3A_174 = arith.cmpi slt, %select_n3A_164, %lt3A_173 : i32
    %ne3A_175 = vector.broadcast %lt3A_174 : i1 to vector<16xi1>
    %ne3A_176 = vector.broadcast %ne3A_175 : vector<16xi1> to vector<16xi1>
    %ne3A_177 = arith.xori %lt3A_172, %ne3A_176 : vector<16xi1>
    %and3A_178 = arith.andi %ne3A_177, %ne3A_169 : vector<16xi1>
    %add3A_179 = vector.broadcast %select_n3A_164 : i32 to vector<16xi32>
    %add3A_180 = arith.addi %rem3A_166, %add3A_179 : vector<16xi32>
    %select_n3A_181 = arith.select %and3A_178, %add3A_180, %rem3A_166 : vector<16xi1>, vector<16xi32>
    %iota3A_182 = tpu.iota {dimensions = array<i32: 0>} : vector<16xi32>
    %add3A_183 = arith.constant 32 : i32
    %add3A_184 = vector.broadcast %add3A_183 : i32 to vector<16xi32>
    %add3A_185 = arith.addi %iota3A_182, %add3A_184 : vector<16xi32>
    %jit3A_186 = arith.constant 8 : i32
    %eq3A_187 = arith.constant 0 : i32
    %eq3A_188 = arith.cmpi eq, %jit3A_186, %eq3A_187 : i32
    %jit3A_189 = arith.constant 1 : i32
    %select_n3A_190 = arith.select %eq3A_188, %jit3A_189, %jit3A_186 : i32
    %rem3A_191 = vector.broadcast %select_n3A_190 : i32 to vector<16xi32>
    %rem3A_192 = arith.remsi %add3A_185, %rem3A_191 : vector<16xi32>
    %ne3A_193 = arith.constant 0 : i32
    %ne3A_194 = vector.broadcast %ne3A_193 : i32 to vector<16xi32>
    %ne3A_195 = arith.cmpi ne, %rem3A_192, %ne3A_194 : vector<16xi32>
    %lt3A_196 = arith.constant 0 : i32
    %lt3A_197 = vector.broadcast %lt3A_196 : i32 to vector<16xi32>
    %lt3A_198 = arith.cmpi slt, %rem3A_192, %lt3A_197 : vector<16xi32>
    %lt3A_199 = arith.constant 0 : i32
    %lt3A_200 = arith.cmpi slt, %select_n3A_190, %lt3A_199 : i32
    %ne3A_201 = vector.broadcast %lt3A_200 : i1 to vector<16xi1>
    %ne3A_202 = vector.broadcast %ne3A_201 : vector<16xi1> to vector<16xi1>
    %ne3A_203 = arith.xori %lt3A_198, %ne3A_202 : vector<16xi1>
    %and3A_204 = arith.andi %ne3A_203, %ne3A_195 : vector<16xi1>
    %add3A_205 = vector.broadcast %select_n3A_190 : i32 to vector<16xi32>
    %add3A_206 = arith.addi %rem3A_192, %add3A_205 : vector<16xi32>
    %select_n3A_207 = arith.select %and3A_204, %add3A_206, %rem3A_192 : vector<16xi1>, vector<16xi32>
    %iota3A_208 = tpu.iota {dimensions = array<i32: 0>} : vector<16xi32>
    %add3A_209 = arith.constant 48 : i32
    %add3A_210 = vector.broadcast %add3A_209 : i32 to vector<16xi32>
    %add3A_211 = arith.addi %iota3A_208, %add3A_210 : vector<16xi32>
    %jit3A_212 = arith.constant 8 : i32
    %eq3A_213 = arith.constant 0 : i32
    %eq3A_214 = arith.cmpi eq, %jit3A_212, %eq3A_213 : i32
    %jit3A_215 = arith.constant 1 : i32
    %select_n3A_216 = arith.select %eq3A_214, %jit3A_215, %jit3A_212 : i32
    %rem3A_217 = vector.broadcast %select_n3A_216 : i32 to vector<16xi32>
    %rem3A_218 = arith.remsi %add3A_211, %rem3A_217 : vector<16xi32>
    %ne3A_219 = arith.constant 0 : i32
    %ne3A_220 = vector.broadcast %ne3A_219 : i32 to vector<16xi32>
    %ne3A_221 = arith.cmpi ne, %rem3A_218, %ne3A_220 : vector<16xi32>
    %lt3A_222 = arith.constant 0 : i32
    %lt3A_223 = vector.broadcast %lt3A_222 : i32 to vector<16xi32>
    %lt3A_224 = arith.cmpi slt, %rem3A_218, %lt3A_223 : vector<16xi32>
    %lt3A_225 = arith.constant 0 : i32
    %lt3A_226 = arith.cmpi slt, %select_n3A_216, %lt3A_225 : i32
    %ne3A_227 = vector.broadcast %lt3A_226 : i1 to vector<16xi1>
    %ne3A_228 = vector.broadcast %ne3A_227 : vector<16xi1> to vector<16xi1>
    %ne3A_229 = arith.xori %lt3A_224, %ne3A_228 : vector<16xi1>
    %and3A_230 = arith.andi %ne3A_229, %ne3A_221 : vector<16xi1>
    %add3A_231 = vector.broadcast %select_n3A_216 : i32 to vector<16xi32>
    %add3A_232 = arith.addi %rem3A_218, %add3A_231 : vector<16xi32>
    %select_n3A_233 = arith.select %and3A_230, %add3A_232, %rem3A_218 : vector<16xi1>, vector<16xi32>
    %scan3A = arith.constant 0 : i32
    %scan3A_234 = arith.constant 0 : i32
    %scan3A_235 = arith.constant 128 : i32
    %scan3A_236 = arith.addi %scan3A_234, %scan3A_235 : i32
    %scan3A_237 = arith.constant 1 : i32
    scf.for %scan3A_333 = %scan3A_234 to %scan3A_236 step %scan3A_237  : i32 {
      %broadcast_in_dim3A = vector.broadcast %scan3A_333 : i32 to vector<16xi32>
      %swap3A = arith.index_cast %scan3A_333 : i32 to index
      %swap3A_334 = arith.constant 0 : index
      %swap3A_335 = tpu.vector_load %arg13[%swap3A, %swap3A_334] {strides = array<i32>} : memref<128x16xi32, #tpu.memory_space<vmem>>, vector<16xi32>,
      tpu.vector_store %arg13[%swap3A, %swap3A_334], %broadcast_in_dim3A {strides = array<i32>} : memref<128x16xi32, #tpu.memory_space<vmem>>, vector<16xi32>,
    }
    %scan3A_238 = arith.constant 128 : i32
    %dma_start3A = arith.constant 0 : i32
    %dma_start3A_239 = arith.constant 0 : i32
    %dma_start3A_240 = tpu.memref_slice %arg6[%dma_start3A, %dma_start3A_239] : memref<100x256xi32, #tpu.memory_space<vmem>> -> memref<1x256xi32, #tpu.memory_space<vmem>>
    %dma_start3A_241 = tpu.memref_squeeze %dma_start3A_240 : memref<1x256xi32, #tpu.memory_space<vmem>> -> memref<256xi32, #tpu.memory_space<vmem>>
    %dma_start3A_242 = arith.constant 0 : i32
    %dma_start3A_243 = arith.constant 0 : i32
    %dma_start3A_244 = tpu.memref_slice %arg3[%dma_start3A_242, %dma_start3A_243] : memref<100000x64xf32, #tpu.memory_space<hbm>> -> memref<100000x64xf32, #tpu.memory_space<hbm>>
    tpu.enqueue_indirect_dma source(%dma_start3A_244 : memref<100000x64xf32, #tpu.memory_space<hbm>>) target(%arg7 : memref<256x64xf32, #tpu.memory_space<vmem>>) offsets(%dma_start3A_241 : memref<256xi32, #tpu.memory_space<vmem>>) semaphore(%arg15 : memref<!tpu.dma_semaphore, #tpu.memory_space<semaphore_mem>>)
    %dma_start3A_245 = arith.constant 1 : i32
    %dma_start3A_246 = arith.constant 0 : i32
    %dma_start3A_247 = tpu.memref_slice %arg6[%dma_start3A_245, %dma_start3A_246] : memref<100x256xi32, #tpu.memory_space<vmem>> -> memref<1x256xi32, #tpu.memory_space<vmem>>
    %dma_start3A_248 = tpu.memref_squeeze %dma_start3A_247 : memref<1x256xi32, #tpu.memory_space<vmem>> -> memref<256xi32, #tpu.memory_space<vmem>>
    %dma_start3A_249 = arith.constant 0 : i32
    %dma_start3A_250 = arith.constant 0 : i32
    %dma_start3A_251 = tpu.memref_slice %arg3[%dma_start3A_249, %dma_start3A_250] : memref<100000x64xf32, #tpu.memory_space<hbm>> -> memref<100000x64xf32, #tpu.memory_space<hbm>>
    tpu.enqueue_indirect_dma source(%dma_start3A_251 : memref<100000x64xf32, #tpu.memory_space<hbm>>) target(%arg8 : memref<256x64xf32, #tpu.memory_space<vmem>>) offsets(%dma_start3A_248 : memref<256xi32, #tpu.memory_space<vmem>>) semaphore(%arg16 : memref<!tpu.dma_semaphore, #tpu.memory_space<semaphore_mem>>)
    %scan3A_252 = arith.constant 0 : i32
    %scan3A_253 = arith.constant 0 : i32
    %scan3A_254 = arith.constant 50 : i32
    %scan3A_255 = arith.addi %scan3A_253, %scan3A_254 : i32
    %scan3A_256 = arith.constant 1 : i32
    scf.for %scan3A_333 = %scan3A_253 to %scan3A_255 step %scan3A_256  : i32 {
      %mul3A_334 = arith.constant 2 : i32
      %mul3A_335 = arith.muli %scan3A_333, %mul3A_334 : i32
      %add3A_336 = arith.constant 0 : i32
      %add3A_337 = arith.addi %mul3A_335, %add3A_336 : i32
      %dma_wait3A_338 = arith.constant 0 : i32
      %dma_wait3A_339 = tpu.memref_slice %arg6[%add3A_337, %dma_wait3A_338] : memref<100x256xi32, #tpu.memory_space<vmem>> -> memref<1x256xi32, #tpu.memory_space<vmem>>
      %dma_wait3A_340 = tpu.memref_squeeze %dma_wait3A_339 : memref<1x256xi32, #tpu.memory_space<vmem>> -> memref<256xi32, #tpu.memory_space<vmem>>
      %dma_wait3A_341 = arith.constant 0 : i32
      %dma_wait3A_342 = arith.constant 0 : i32
      %dma_wait3A_343 = tpu.memref_slice %arg3[%dma_wait3A_341, %dma_wait3A_342] : memref<100000x64xf32, #tpu.memory_space<hbm>> -> memref<100000x64xf32, #tpu.memory_space<hbm>>
      tpu.wait_indirect_dma semaphore(%arg15 : memref<!tpu.dma_semaphore, #tpu.memory_space<semaphore_mem>>) src(%dma_wait3A_343 : memref<100000x64xf32, #tpu.memory_space<hbm>>) dst(%arg7 : memref<256x64xf32, #tpu.memory_space<vmem>>)
      %ge3A = arith.constant 2 : i32
      %ge3A_344 = arith.cmpi sge, %add3A_337, %ge3A : i32
      %convert_element_type3A = arith.extui %ge3A_344 : i1 to i32
      %cond3A = arith.constant 0 : i32
      %cond3A_345 = arith.cmpi ne, %convert_element_type3A, %cond3A : i32
      scf.if %cond3A_345 {
        %dma_wait3A_530 = arith.constant 0 : i32
        %dma_wait3A_531 = arith.constant 0 : i32
        %dma_wait3A_532 = arith.constant 0 : i32
        %dma_wait3A_533 = arith.constant 0 : i32
        %dma_wait3A_534 = tpu.memref_slice %arg9[%dma_wait3A_531, %dma_wait3A_532, %dma_wait3A_533] : memref<8x8x129xf32, #tpu.memory_space<vmem>> -> memref<8x8x128xf32, #tpu.memory_space<vmem>>
        %dma_wait3A_535 = arith.constant 0 : i32
        %dma_wait3A_536 = arith.constant 0 : i32
        %dma_wait3A_537 = arith.constant 0 : i32
        %dma_wait3A_538 = tpu.memref_slice %arg5[%dma_wait3A_530, %dma_wait3A_535, %add3A, %dma_wait3A_536, %dma_wait3A_537] : memref<200x8x32x8x128xf32, #tpu.memory_space<hbm>> -> memref<1x8x1x8x128xf32, #tpu.memory_space<hbm>>
        %dma_wait3A_539 = tpu.memref_squeeze %dma_wait3A_538 : memref<1x8x1x8x128xf32, #tpu.memory_space<hbm>> -> memref<8x8x128xf32, #tpu.memory_space<hbm>>
        %dma_wait3A_540 = arith.constant 0 : i32
        %dma_wait3A_541 = arith.constant 0 : i32
        %dma_wait3A_542 = arith.constant 0 : i32
        %dma_wait3A_543 = tpu.memref_slice %arg5[%dma_wait3A_530, %dma_wait3A_540, %add3A, %dma_wait3A_541, %dma_wait3A_542] : memref<200x8x32x8x128xf32, #tpu.memory_space<hbm>> -> memref<1x8x1x8x128xf32, #tpu.memory_space<hbm>>
        %dma_wait3A_544 = tpu.memref_squeeze %dma_wait3A_543 : memref<1x8x1x8x128xf32, #tpu.memory_space<hbm>> -> memref<8x8x128xf32, #tpu.memory_space<hbm>>
        %dma_wait3A_545 = arith.constant 0 : i32
        %dma_wait3A_546 = arith.constant 0 : i32
        %dma_wait3A_547 = arith.constant 0 : i32
        %dma_wait3A_548 = tpu.memref_slice %arg9[%dma_wait3A_545, %dma_wait3A_546, %dma_wait3A_547] : memref<8x8x129xf32, #tpu.memory_space<vmem>> -> memref<8x8x128xf32, #tpu.memory_space<vmem>>
        tpu.wait_dma2 semaphore(%arg17 : memref<!tpu.dma_semaphore, #tpu.memory_space<semaphore_mem>>) src(%dma_wait3A_548 : memref<8x8x128xf32, #tpu.memory_space<vmem>>) dst(%dma_wait3A_544 : memref<8x8x128xf32, #tpu.memory_space<hbm>>)
        %dma_wait3A_549 = arith.constant 0 : i32
        %dma_wait3A_550 = arith.constant 0 : i32
        %dma_wait3A_551 = arith.constant 0 : i32
        %dma_wait3A_552 = arith.constant 0 : i32
        %dma_wait3A_553 = tpu.memref_slice %arg10[%dma_wait3A_550, %dma_wait3A_551, %dma_wait3A_552] : memref<8x8x129xf32, #tpu.memory_space<vmem>> -> memref<8x8x128xf32, #tpu.memory_space<vmem>>
        %dma_wait3A_554 = arith.constant 0 : i32
        %dma_wait3A_555 = arith.constant 0 : i32
        %dma_wait3A_556 = arith.constant 0 : i32
        %dma_wait3A_557 = tpu.memref_slice %arg5[%dma_wait3A_549, %dma_wait3A_554, %add3A, %dma_wait3A_555, %dma_wait3A_556] : memref<200x8x32x8x128xf32, #tpu.memory_space<hbm>> -> memref<1x8x1x8x128xf32, #tpu.memory_space<hbm>>
        %dma_wait3A_558 = tpu.memref_squeeze %dma_wait3A_557 : memref<1x8x1x8x128xf32, #tpu.memory_space<hbm>> -> memref<8x8x128xf32, #tpu.memory_space<hbm>>
        %dma_wait3A_559 = arith.constant 0 : i32
        %dma_wait3A_560 = arith.constant 0 : i32
        %dma_wait3A_561 = arith.constant 0 : i32
        %dma_wait3A_562 = tpu.memref_slice %arg5[%dma_wait3A_549, %dma_wait3A_559, %add3A, %dma_wait3A_560, %dma_wait3A_561] : memref<200x8x32x8x128xf32, #tpu.memory_space<hbm>> -> memref<1x8x1x8x128xf32, #tpu.memory_space<hbm>>
        %dma_wait3A_563 = tpu.memref_squeeze %dma_wait3A_562 : memref<1x8x1x8x128xf32, #tpu.memory_space<hbm>> -> memref<8x8x128xf32, #tpu.memory_space<hbm>>
        %dma_wait3A_564 = arith.constant 0 : i32
        %dma_wait3A_565 = arith.constant 0 : i32
        %dma_wait3A_566 = arith.constant 0 : i32
        %dma_wait3A_567 = tpu.memref_slice %arg10[%dma_wait3A_564, %dma_wait3A_565, %dma_wait3A_566] : memref<8x8x129xf32, #tpu.memory_space<vmem>> -> memref<8x8x128xf32, #tpu.memory_space<vmem>>
        tpu.wait_dma2 semaphore(%arg18 : memref<!tpu.dma_semaphore, #tpu.memory_space<semaphore_mem>>) src(%dma_wait3A_567 : memref<8x8x128xf32, #tpu.memory_space<vmem>>) dst(%dma_wait3A_563 : memref<8x8x128xf32, #tpu.memory_space<hbm>>)
      } else {
      }
      %mul3A_346 = arith.constant 2 : i32
      %mul3A_347 = arith.muli %add3A_337, %mul3A_346 : i32
      %add3A_348 = arith.constant 0 : i32
      %add3A_349 = arith.addi %mul3A_347, %add3A_348 : i32
      %get3A = arith.index_cast %add3A_349 : i32 to index
      %get3A_350 = arith.constant 0 : index
      %get3A_351 = tpu.vector_load %arg14[%get3A, %get3A_350] {strides = array<i32>} : memref<200x64xf32, #tpu.memory_space<vmem>>, vector<16xf32>,
      %get3A_352 = arith.index_cast %add3A_349 : i32 to index
      %get3A_353 = arith.constant 16 : index
      %get3A_354 = tpu.vector_load %arg14[%get3A_352, %get3A_353] {strides = array<i32>} : memref<200x64xf32, #tpu.memory_space<vmem>>, vector<16xf32>,
      %get3A_355 = arith.index_cast %add3A_349 : i32 to index
      %get3A_356 = arith.constant 32 : index
      %get3A_357 = tpu.vector_load %arg14[%get3A_355, %get3A_356] {strides = array<i32>} : memref<200x64xf32, #tpu.memory_space<vmem>>, vector<16xf32>,
      %get3A_358 = arith.index_cast %add3A_349 : i32 to index
      %get3A_359 = arith.constant 48 : index
      %get3A_360 = tpu.vector_load %arg14[%get3A_358, %get3A_359] {strides = array<i32>} : memref<200x64xf32, #tpu.memory_space<vmem>>, vector<16xf32>,
      %scan3A_361 = arith.constant 0 : i32
      %scan3A_362 = arith.constant 0 : i32
      %scan3A_363 = arith.constant 128 : i32
      %scan3A_364 = arith.addi %scan3A_362, %scan3A_363 : i32
      %scan3A_365 = arith.constant 16 : i32
      scf.for %scan3A_530 = %scan3A_362 to %scan3A_364 step %scan3A_365  : i32 {
        %get3A_531 = arith.index_cast %scan3A_530 : i32 to index
        %get3A_532 = arith.constant 0 : index
        %get3A_533 = tpu.vector_load %arg13[%get3A_531, %get3A_532] {strides = array<i32>} : memref<128x16xi32, #tpu.memory_space<vmem>>, vector<16xi32>,
        %add3A_534 = arith.constant 0 : i32
        %add3A_535 = arith.addi %add3A_534, %scan3A_530 : i32
        %get3A_536 = arith.index_cast %add3A_535 : i32 to index
        %get3A_537 = arith.constant 0 : index
        %get3A_538 = tpu.vector_load %arg7[%get3A_536, %get3A_537] {strides = array<i32>} : memref<256x64xf32, #tpu.memory_space<vmem>>, vector<16xf32>,
        %add3A_539 = arith.addf %get3A_538, %get3A_351 : vector<16xf32>
        tpu.vector_store_idx %arg9[%select_n3A, %select_n3A_155, %get3A_533], %add3A_539 : memref<8x8x129xf32, #tpu.memory_space<vmem>>[vector<16xi32>, vector<16xi32>, vector<16xi32>], vector<16xf32>,
        %add3A_540 = arith.constant 0 : i32
        %add3A_541 = arith.addi %add3A_540, %scan3A_530 : i32
        %get3A_542 = arith.index_cast %add3A_541 : i32 to index
        %get3A_543 = arith.constant 16 : index
        %get3A_544 = tpu.vector_load %arg7[%get3A_542, %get3A_543] {strides = array<i32>} : memref<256x64xf32, #tpu.memory_space<vmem>>, vector<16xf32>,
        %add3A_545 = arith.addf %get3A_544, %get3A_354 : vector<16xf32>
        tpu.vector_store_idx %arg9[%select_n3A_61, %select_n3A_181, %get3A_533], %add3A_545 : memref<8x8x129xf32, #tpu.memory_space<vmem>>[vector<16xi32>, vector<16xi32>, vector<16xi32>], vector<16xf32>,
        %add3A_546 = arith.constant 0 : i32
        %add3A_547 = arith.addi %add3A_546, %scan3A_530 : i32
        %get3A_548 = arith.index_cast %add3A_547 : i32 to index
        %get3A_549 = arith.constant 32 : index
        %get3A_550 = tpu.vector_load %arg7[%get3A_548, %get3A_549] {strides = array<i32>} : memref<256x64xf32, #tpu.memory_space<vmem>>, vector<16xf32>,
        %add3A_551 = arith.addf %get3A_550, %get3A_357 : vector<16xf32>
        tpu.vector_store_idx %arg9[%select_n3A_96, %select_n3A_207, %get3A_533], %add3A_551 : memref<8x8x129xf32, #tpu.memory_space<vmem>>[vector<16xi32>, vector<16xi32>, vector<16xi32>], vector<16xf32>,
        %add3A_552 = arith.constant 0 : i32
        %add3A_553 = arith.addi %add3A_552, %scan3A_530 : i32
        %get3A_554 = arith.index_cast %add3A_553 : i32 to index
        %get3A_555 = arith.constant 48 : index
        %get3A_556 = tpu.vector_load %arg7[%get3A_554, %get3A_555] {strides = array<i32>} : memref<256x64xf32, #tpu.memory_space<vmem>>, vector<16xf32>,
        %add3A_557 = arith.addf %get3A_556, %get3A_360 : vector<16xf32>
        tpu.vector_store_idx %arg9[%select_n3A_131, %select_n3A_233, %get3A_533], %add3A_557 : memref<8x8x129xf32, #tpu.memory_space<vmem>>[vector<16xi32>, vector<16xi32>, vector<16xi32>], vector<16xf32>,
        %scan3A_558 = arith.constant 1 : i32
        %scan3A_559 = arith.addi %scan3A_530, %scan3A_558 : i32
        %get3A_560 = arith.index_cast %scan3A_559 : i32 to index
        %get3A_561 = arith.constant 0 : index
        %get3A_562 = tpu.vector_load %arg13[%get3A_560, %get3A_561] {strides = array<i32>} : memref<128x16xi32, #tpu.memory_space<vmem>>, vector<16xi32>,
        %add3A_563 = arith.constant 0 : i32
        %add3A_564 = arith.addi %add3A_563, %scan3A_559 : i32
        %get3A_565 = arith.index_cast %add3A_564 : i32 to index
        %get3A_566 = arith.constant 0 : index
        %get3A_567 = tpu.vector_load %arg7[%get3A_565, %get3A_566] {strides = array<i32>} : memref<256x64xf32, #tpu.memory_space<vmem>>, vector<16xf32>,
        %add3A_568 = arith.addf %get3A_567, %get3A_351 : vector<16xf32>
        tpu.vector_store_idx %arg9[%select_n3A, %select_n3A_155, %get3A_562], %add3A_568 : memref<8x8x129xf32, #tpu.memory_space<vmem>>[vector<16xi32>, vector<16xi32>, vector<16xi32>], vector<16xf32>,
        %add3A_569 = arith.constant 0 : i32
        %add3A_570 = arith.addi %add3A_569, %scan3A_559 : i32
        %get3A_571 = arith.index_cast %add3A_570 : i32 to index
        %get3A_572 = arith.constant 16 : index
        %get3A_573 = tpu.vector_load %arg7[%get3A_571, %get3A_572] {strides = array<i32>} : memref<256x64xf32, #tpu.memory_space<vmem>>, vector<16xf32>,
        %add3A_574 = arith.addf %get3A_573, %get3A_354 : vector<16xf32>
        tpu.vector_store_idx %arg9[%select_n3A_61, %select_n3A_181, %get3A_562], %add3A_574 : memref<8x8x129xf32, #tpu.memory_space<vmem>>[vector<16xi32>, vector<16xi32>, vector<16xi32>], vector<16xf32>,
        %add3A_575 = arith.constant 0 : i32
        %add3A_576 = arith.addi %add3A_575, %scan3A_559 : i32
        %get3A_577 = arith.index_cast %add3A_576 : i32 to index
        %get3A_578 = arith.constant 32 : index
        %get3A_579 = tpu.vector_load %arg7[%get3A_577, %get3A_578] {strides = array<i32>} : memref<256x64xf32, #tpu.memory_space<vmem>>, vector<16xf32>,
        %add3A_580 = arith.addf %get3A_579, %get3A_357 : vector<16xf32>
        tpu.vector_store_idx %arg9[%select_n3A_96, %select_n3A_207, %get3A_562], %add3A_580 : memref<8x8x129xf32, #tpu.memory_space<vmem>>[vector<16xi32>, vector<16xi32>, vector<16xi32>], vector<16xf32>,
        %add3A_581 = arith.constant 0 : i32
        %add3A_582 = arith.addi %add3A_581, %scan3A_559 : i32
        %get3A_583 = arith.index_cast %add3A_582 : i32 to index
        %get3A_584 = arith.constant 48 : index
        %get3A_585 = tpu.vector_load %arg7[%get3A_583, %get3A_584] {strides = array<i32>} : memref<256x64xf32, #tpu.memory_space<vmem>>, vector<16xf32>,
        %add3A_586 = arith.addf %get3A_585, %get3A_360 : vector<16xf32>
        tpu.vector_store_idx %arg9[%select_n3A_131, %select_n3A_233, %get3A_562], %add3A_586 : memref<8x8x129xf32, #tpu.memory_space<vmem>>[vector<16xi32>, vector<16xi32>, vector<16xi32>], vector<16xf32>,
        %scan3A_587 = arith.constant 2 : i32
        %scan3A_588 = arith.addi %scan3A_530, %scan3A_587 : i32
        %get3A_589 = arith.index_cast %scan3A_588 : i32 to index
        %get3A_590 = arith.constant 0 : index
        %get3A_591 = tpu.vector_load %arg13[%get3A_589, %get3A_590] {strides = array<i32>} : memref<128x16xi32, #tpu.memory_space<vmem>>, vector<16xi32>,
        %add3A_592 = arith.constant 0 : i32
        %add3A_593 = arith.addi %add3A_592, %scan3A_588 : i32
        %get3A_594 = arith.index_cast %add3A_593 : i32 to index
        %get3A_595 = arith.constant 0 : index
        %get3A_596 = tpu.vector_load %arg7[%get3A_594, %get3A_595] {strides = array<i32>} : memref<256x64xf32, #tpu.memory_space<vmem>>, vector<16xf32>,
        %add3A_597 = arith.addf %get3A_596, %get3A_351 : vector<16xf32>
        tpu.vector_store_idx %arg9[%select_n3A, %select_n3A_155, %get3A_591], %add3A_597 : memref<8x8x129xf32, #tpu.memory_space<vmem>>[vector<16xi32>, vector<16xi32>, vector<16xi32>], vector<16xf32>,
        %add3A_598 = arith.constant 0 : i32
        %add3A_599 = arith.addi %add3A_598, %scan3A_588 : i32
        %get3A_600 = arith.index_cast %add3A_599 : i32 to index
        %get3A_601 = arith.constant 16 : index
        %get3A_602 = tpu.vector_load %arg7[%get3A_600, %get3A_601] {strides = array<i32>} : memref<256x64xf32, #tpu.memory_space<vmem>>, vector<16xf32>,
        %add3A_603 = arith.addf %get3A_602, %get3A_354 : vector<16xf32>
        tpu.vector_store_idx %arg9[%select_n3A_61, %select_n3A_181, %get3A_591], %add3A_603 : memref<8x8x129xf32, #tpu.memory_space<vmem>>[vector<16xi32>, vector<16xi32>, vector<16xi32>], vector<16xf32>,
        %add3A_604 = arith.constant 0 : i32
        %add3A_605 = arith.addi %add3A_604, %scan3A_588 : i32
        %get3A_606 = arith.index_cast %add3A_605 : i32 to index
        %get3A_607 = arith.constant 32 : index
        %get3A_608 = tpu.vector_load %arg7[%get3A_606, %get3A_607] {strides = array<i32>} : memref<256x64xf32, #tpu.memory_space<vmem>>, vector<16xf32>,
        %add3A_609 = arith.addf %get3A_608, %get3A_357 : vector<16xf32>
        tpu.vector_store_idx %arg9[%select_n3A_96, %select_n3A_207, %get3A_591], %add3A_609 : memref<8x8x129xf32, #tpu.memory_space<vmem>>[vector<16xi32>, vector<16xi32>, vector<16xi32>], vector<16xf32>,
        %add3A_610 = arith.constant 0 : i32
        %add3A_611 = arith.addi %add3A_610, %scan3A_588 : i32
        %get3A_612 = arith.index_cast %add3A_611 : i32 to index
        %get3A_613 = arith.constant 48 : index
        %get3A_614 = tpu.vector_load %arg7[%get3A_612, %get3A_613] {strides = array<i32>} : memref<256x64xf32, #tpu.memory_space<vmem>>, vector<16xf32>,
        %add3A_615 = arith.addf %get3A_614, %get3A_360 : vector<16xf32>
        tpu.vector_store_idx %arg9[%select_n3A_131, %select_n3A_233, %get3A_591], %add3A_615 : memref<8x8x129xf32, #tpu.memory_space<vmem>>[vector<16xi32>, vector<16xi32>, vector<16xi32>], vector<16xf32>,
        %scan3A_616 = arith.constant 3 : i32
        %scan3A_617 = arith.addi %scan3A_530, %scan3A_616 : i32
        %get3A_618 = arith.index_cast %scan3A_617 : i32 to index
        %get3A_619 = arith.constant 0 : index
        %get3A_620 = tpu.vector_load %arg13[%get3A_618, %get3A_619] {strides = array<i32>} : memref<128x16xi32, #tpu.memory_space<vmem>>, vector<16xi32>,
        %add3A_621 = arith.constant 0 : i32
        %add3A_622 = arith.addi %add3A_621, %scan3A_617 : i32
        %get3A_623 = arith.index_cast %add3A_622 : i32 to index
        %get3A_624 = arith.constant 0 : index
        %get3A_625 = tpu.vector_load %arg7[%get3A_623, %get3A_624] {strides = array<i32>} : memref<256x64xf32, #tpu.memory_space<vmem>>, vector<16xf32>,
        %add3A_626 = arith.addf %get3A_625, %get3A_351 : vector<16xf32>
        tpu.vector_store_idx %arg9[%select_n3A, %select_n3A_155, %get3A_620], %add3A_626 : memref<8x8x129xf32, #tpu.memory_space<vmem>>[vector<16xi32>, vector<16xi32>, vector<16xi32>], vector<16xf32>,
        %add3A_627 = arith.constant 0 : i32
        %add3A_628 = arith.addi %add3A_627, %scan3A_617 : i32
        %get3A_629 = arith.index_cast %add3A_628 : i32 to index
        %get3A_630 = arith.constant 16 : index
        %get3A_631 = tpu.vector_load %arg7[%get3A_629, %get3A_630] {strides = array<i32>} : memref<256x64xf32, #tpu.memory_space<vmem>>, vector<16xf32>,
        %add3A_632 = arith.addf %get3A_631, %get3A_354 : vector<16xf32>
        tpu.vector_store_idx %arg9[%select_n3A_61, %select_n3A_181, %get3A_620], %add3A_632 : memref<8x8x129xf32, #tpu.memory_space<vmem>>[vector<16xi32>, vector<16xi32>, vector<16xi32>], vector<16xf32>,
        %add3A_633 = arith.constant 0 : i32
        %add3A_634 = arith.addi %add3A_633, %scan3A_617 : i32
        %get3A_635 = arith.index_cast %add3A_634 : i32 to index
        %get3A_636 = arith.constant 32 : index
        %get3A_637 = tpu.vector_load %arg7[%get3A_635, %get3A_636] {strides = array<i32>} : memref<256x64xf32, #tpu.memory_space<vmem>>, vector<16xf32>,
        %add3A_638 = arith.addf %get3A_637, %get3A_357 : vector<16xf32>
        tpu.vector_store_idx %arg9[%select_n3A_96, %select_n3A_207, %get3A_620], %add3A_638 : memref<8x8x129xf32, #tpu.memory_space<vmem>>[vector<16xi32>, vector<16xi32>, vector<16xi32>], vector<16xf32>,
        %add3A_639 = arith.constant 0 : i32
        %add3A_640 = arith.addi %add3A_639, %scan3A_617 : i32
        %get3A_641 = arith.index_cast %add3A_640 : i32 to index
        %get3A_642 = arith.constant 48 : index
        %get3A_643 = tpu.vector_load %arg7[%get3A_641, %get3A_642] {strides = array<i32>} : memref<256x64xf32, #tpu.memory_space<vmem>>, vector<16xf32>,
        %add3A_644 = arith.addf %get3A_643, %get3A_360 : vector<16xf32>
        tpu.vector_store_idx %arg9[%select_n3A_131, %select_n3A_233, %get3A_620], %add3A_644 : memref<8x8x129xf32, #tpu.memory_space<vmem>>[vector<16xi32>, vector<16xi32>, vector<16xi32>], vector<16xf32>,
        %scan3A_645 = arith.constant 4 : i32
        %scan3A_646 = arith.addi %scan3A_530, %scan3A_645 : i32
        %get3A_647 = arith.index_cast %scan3A_646 : i32 to index
        %get3A_648 = arith.constant 0 : index
        %get3A_649 = tpu.vector_load %arg13[%get3A_647, %get3A_648] {strides = array<i32>} : memref<128x16xi32, #tpu.memory_space<vmem>>, vector<16xi32>,
        %add3A_650 = arith.constant 0 : i32
        %add3A_651 = arith.addi %add3A_650, %scan3A_646 : i32
        %get3A_652 = arith.index_cast %add3A_651 : i32 to index
        %get3A_653 = arith.constant 0 : index
        %get3A_654 = tpu.vector_load %arg7[%get3A_652, %get3A_653] {strides = array<i32>} : memref<256x64xf32, #tpu.memory_space<vmem>>, vector<16xf32>,
        %add3A_655 = arith.addf %get3A_654, %get3A_351 : vector<16xf32>
        tpu.vector_store_idx %arg9[%select_n3A, %select_n3A_155, %get3A_649], %add3A_655 : memref<8x8x129xf32, #tpu.memory_space<vmem>>[vector<16xi32>, vector<16xi32>, vector<16xi32>], vector<16xf32>,
        %add3A_656 = arith.constant 0 : i32
        %add3A_657 = arith.addi %add3A_656, %scan3A_646 : i32
        %get3A_658 = arith.index_cast %add3A_657 : i32 to index
        %get3A_659 = arith.constant 16 : index
        %get3A_660 = tpu.vector_load %arg7[%get3A_658, %get3A_659] {strides = array<i32>} : memref<256x64xf32, #tpu.memory_space<vmem>>, vector<16xf32>,
        %add3A_661 = arith.addf %get3A_660, %get3A_354 : vector<16xf32>
        tpu.vector_store_idx %arg9[%select_n3A_61, %select_n3A_181, %get3A_649], %add3A_661 : memref<8x8x129xf32, #tpu.memory_space<vmem>>[vector<16xi32>, vector<16xi32>, vector<16xi32>], vector<16xf32>,
        %add3A_662 = arith.constant 0 : i32
        %add3A_663 = arith.addi %add3A_662, %scan3A_646 : i32
        %get3A_664 = arith.index_cast %add3A_663 : i32 to index
        %get3A_665 = arith.constant 32 : index
        %get3A_666 = tpu.vector_load %arg7[%get3A_664, %get3A_665] {strides = array<i32>} : memref<256x64xf32, #tpu.memory_space<vmem>>, vector<16xf32>,
        %add3A_667 = arith.addf %get3A_666, %get3A_357 : vector<16xf32>
        tpu.vector_store_idx %arg9[%select_n3A_96, %select_n3A_207, %get3A_649], %add3A_667 : memref<8x8x129xf32, #tpu.memory_space<vmem>>[vector<16xi32>, vector<16xi32>, vector<16xi32>], vector<16xf32>,
        %add3A_668 = arith.constant 0 : i32
        %add3A_669 = arith.addi %add3A_668, %scan3A_646 : i32
        %get3A_670 = arith.index_cast %add3A_669 : i32 to index
        %get3A_671 = arith.constant 48 : index
        %get3A_672 = tpu.vector_load %arg7[%get3A_670, %get3A_671] {strides = array<i32>} : memref<256x64xf32, #tpu.memory_space<vmem>>, vector<16xf32>,
        %add3A_673 = arith.addf %get3A_672, %get3A_360 : vector<16xf32>
        tpu.vector_store_idx %arg9[%select_n3A_131, %select_n3A_233, %get3A_649], %add3A_673 : memref<8x8x129xf32, #tpu.memory_space<vmem>>[vector<16xi32>, vector<16xi32>, vector<16xi32>], vector<16xf32>,
        %scan3A_674 = arith.constant 5 : i32
        %scan3A_675 = arith.addi %scan3A_530, %scan3A_674 : i32
        %get3A_676 = arith.index_cast %scan3A_675 : i32 to index
        %get3A_677 = arith.constant 0 : index
        %get3A_678 = tpu.vector_load %arg13[%get3A_676, %get3A_677] {strides = array<i32>} : memref<128x16xi32, #tpu.memory_space<vmem>>, vector<16xi32>,
        %add3A_679 = arith.constant 0 : i32
        %add3A_680 = arith.addi %add3A_679, %scan3A_675 : i32
        %get3A_681 = arith.index_cast %add3A_680 : i32 to index
        %get3A_682 = arith.constant 0 : index
        %get3A_683 = tpu.vector_load %arg7[%get3A_681, %get3A_682] {strides = array<i32>} : memref<256x64xf32, #tpu.memory_space<vmem>>, vector<16xf32>,
        %add3A_684 = arith.addf %get3A_683, %get3A_351 : vector<16xf32>
        tpu.vector_store_idx %arg9[%select_n3A, %select_n3A_155, %get3A_678], %add3A_684 : memref<8x8x129xf32, #tpu.memory_space<vmem>>[vector<16xi32>, vector<16xi32>, vector<16xi32>], vector<16xf32>,
        %add3A_685 = arith.constant 0 : i32
        %add3A_686 = arith.addi %add3A_685, %scan3A_675 : i32
        %get3A_687 = arith.index_cast %add3A_686 : i32 to index
        %get3A_688 = arith.constant 16 : index
        %get3A_689 = tpu.vector_load %arg7[%get3A_687, %get3A_688] {strides = array<i32>} : memref<256x64xf32, #tpu.memory_space<vmem>>, vector<16xf32>,
        %add3A_690 = arith.addf %get3A_689, %get3A_354 : vector<16xf32>
        tpu.vector_store_idx %arg9[%select_n3A_61, %select_n3A_181, %get3A_678], %add3A_690 : memref<8x8x129xf32, #tpu.memory_space<vmem>>[vector<16xi32>, vector<16xi32>, vector<16xi32>], vector<16xf32>,
        %add3A_691 = arith.constant 0 : i32
        %add3A_692 = arith.addi %add3A_691, %scan3A_675 : i32
        %get3A_693 = arith.index_cast %add3A_692 : i32 to index
        %get3A_694 = arith.constant 32 : index
        %get3A_695 = tpu.vector_load %arg7[%get3A_693, %get3A_694] {strides = array<i32>} : memref<256x64xf32, #tpu.memory_space<vmem>>, vector<16xf32>,
        %add3A_696 = arith.addf %get3A_695, %get3A_357 : vector<16xf32>
        tpu.vector_store_idx %arg9[%select_n3A_96, %select_n3A_207, %get3A_678], %add3A_696 : memref<8x8x129xf32, #tpu.memory_space<vmem>>[vector<16xi32>, vector<16xi32>, vector<16xi32>], vector<16xf32>,
        %add3A_697 = arith.constant 0 : i32
        %add3A_698 = arith.addi %add3A_697, %scan3A_675 : i32
        %get3A_699 = arith.index_cast %add3A_698 : i32 to index
        %get3A_700 = arith.constant 48 : index
        %get3A_701 = tpu.vector_load %arg7[%get3A_699, %get3A_700] {strides = array<i32>} : memref<256x64xf32, #tpu.memory_space<vmem>>, vector<16xf32>,
        %add3A_702 = arith.addf %get3A_701, %get3A_360 : vector<16xf32>
        tpu.vector_store_idx %arg9[%select_n3A_131, %select_n3A_233, %get3A_678], %add3A_702 : memref<8x8x129xf32, #tpu.memory_space<vmem>>[vector<16xi32>, vector<16xi32>, vector<16xi32>], vector<16xf32>,
        %scan3A_703 = arith.constant 6 : i32
        %scan3A_704 = arith.addi %scan3A_530, %scan3A_703 : i32
        %get3A_705 = arith.index_cast %scan3A_704 : i32 to index
        %get3A_706 = arith.constant 0 : index
        %get3A_707 = tpu.vector_load %arg13[%get3A_705, %get3A_706] {strides = array<i32>} : memref<128x16xi32, #tpu.memory_space<vmem>>, vector<16xi32>,
        %add3A_708 = arith.constant 0 : i32
        %add3A_709 = arith.addi %add3A_708, %scan3A_704 : i32
        %get3A_710 = arith.index_cast %add3A_709 : i32 to index
        %get3A_711 = arith.constant 0 : index
        %get3A_712 = tpu.vector_load %arg7[%get3A_710, %get3A_711] {strides = array<i32>} : memref<256x64xf32, #tpu.memory_space<vmem>>, vector<16xf32>,
        %add3A_713 = arith.addf %get3A_712, %get3A_351 : vector<16xf32>
        tpu.vector_store_idx %arg9[%select_n3A, %select_n3A_155, %get3A_707], %add3A_713 : memref<8x8x129xf32, #tpu.memory_space<vmem>>[vector<16xi32>, vector<16xi32>, vector<16xi32>], vector<16xf32>,
        %add3A_714 = arith.constant 0 : i32
        %add3A_715 = arith.addi %add3A_714, %scan3A_704 : i32
        %get3A_716 = arith.index_cast %add3A_715 : i32 to index
        %get3A_717 = arith.constant 16 : index
        %get3A_718 = tpu.vector_load %arg7[%get3A_716, %get3A_717] {strides = array<i32>} : memref<256x64xf32, #tpu.memory_space<vmem>>, vector<16xf32>,
        %add3A_719 = arith.addf %get3A_718, %get3A_354 : vector<16xf32>
        tpu.vector_store_idx %arg9[%select_n3A_61, %select_n3A_181, %get3A_707], %add3A_719 : memref<8x8x129xf32, #tpu.memory_space<vmem>>[vector<16xi32>, vector<16xi32>, vector<16xi32>], vector<16xf32>,
        %add3A_720 = arith.constant 0 : i32
        %add3A_721 = arith.addi %add3A_720, %scan3A_704 : i32
        %get3A_722 = arith.index_cast %add3A_721 : i32 to index
        %get3A_723 = arith.constant 32 : index
        %get3A_724 = tpu.vector_load %arg7[%get3A_722, %get3A_723] {strides = array<i32>} : memref<256x64xf32, #tpu.memory_space<vmem>>, vector<16xf32>,
        %add3A_725 = arith.addf %get3A_724, %get3A_357 : vector<16xf32>
        tpu.vector_store_idx %arg9[%select_n3A_96, %select_n3A_207, %get3A_707], %add3A_725 : memref<8x8x129xf32, #tpu.memory_space<vmem>>[vector<16xi32>, vector<16xi32>, vector<16xi32>], vector<16xf32>,
        %add3A_726 = arith.constant 0 : i32
        %add3A_727 = arith.addi %add3A_726, %scan3A_704 : i32
        %get3A_728 = arith.index_cast %add3A_727 : i32 to index
        %get3A_729 = arith.constant 48 : index
        %get3A_730 = tpu.vector_load %arg7[%get3A_728, %get3A_729] {strides = array<i32>} : memref<256x64xf32, #tpu.memory_space<vmem>>, vector<16xf32>,
        %add3A_731 = arith.addf %get3A_730, %get3A_360 : vector<16xf32>
        tpu.vector_store_idx %arg9[%select_n3A_131, %select_n3A_233, %get3A_707], %add3A_731 : memref<8x8x129xf32, #tpu.memory_space<vmem>>[vector<16xi32>, vector<16xi32>, vector<16xi32>], vector<16xf32>,
        %scan3A_732 = arith.constant 7 : i32
        %scan3A_733 = arith.addi %scan3A_530, %scan3A_732 : i32
        %get3A_734 = arith.index_cast %scan3A_733 : i32 to index
        %get3A_735 = arith.constant 0 : index
        %get3A_736 = tpu.vector_load %arg13[%get3A_734, %get3A_735] {strides = array<i32>} : memref<128x16xi32, #tpu.memory_space<vmem>>, vector<16xi32>,
        %add3A_737 = arith.constant 0 : i32
        %add3A_738 = arith.addi %add3A_737, %scan3A_733 : i32
        %get3A_739 = arith.index_cast %add3A_738 : i32 to index
        %get3A_740 = arith.constant 0 : index
        %get3A_741 = tpu.vector_load %arg7[%get3A_739, %get3A_740] {strides = array<i32>} : memref<256x64xf32, #tpu.memory_space<vmem>>, vector<16xf32>,
        %add3A_742 = arith.addf %get3A_741, %get3A_351 : vector<16xf32>
        tpu.vector_store_idx %arg9[%select_n3A, %select_n3A_155, %get3A_736], %add3A_742 : memref<8x8x129xf32, #tpu.memory_space<vmem>>[vector<16xi32>, vector<16xi32>, vector<16xi32>], vector<16xf32>,
        %add3A_743 = arith.constant 0 : i32
        %add3A_744 = arith.addi %add3A_743, %scan3A_733 : i32
        %get3A_745 = arith.index_cast %add3A_744 : i32 to index
        %get3A_746 = arith.constant 16 : index
        %get3A_747 = tpu.vector_load %arg7[%get3A_745, %get3A_746] {strides = array<i32>} : memref<256x64xf32, #tpu.memory_space<vmem>>, vector<16xf32>,
        %add3A_748 = arith.addf %get3A_747, %get3A_354 : vector<16xf32>
        tpu.vector_store_idx %arg9[%select_n3A_61, %select_n3A_181, %get3A_736], %add3A_748 : memref<8x8x129xf32, #tpu.memory_space<vmem>>[vector<16xi32>, vector<16xi32>, vector<16xi32>], vector<16xf32>,
        %add3A_749 = arith.constant 0 : i32
        %add3A_750 = arith.addi %add3A_749, %scan3A_733 : i32
        %get3A_751 = arith.index_cast %add3A_750 : i32 to index
        %get3A_752 = arith.constant 32 : index
        %get3A_753 = tpu.vector_load %arg7[%get3A_751, %get3A_752] {strides = array<i32>} : memref<256x64xf32, #tpu.memory_space<vmem>>, vector<16xf32>,
        %add3A_754 = arith.addf %get3A_753, %get3A_357 : vector<16xf32>
        tpu.vector_store_idx %arg9[%select_n3A_96, %select_n3A_207, %get3A_736], %add3A_754 : memref<8x8x129xf32, #tpu.memory_space<vmem>>[vector<16xi32>, vector<16xi32>, vector<16xi32>], vector<16xf32>,
        %add3A_755 = arith.constant 0 : i32
        %add3A_756 = arith.addi %add3A_755, %scan3A_733 : i32
        %get3A_757 = arith.index_cast %add3A_756 : i32 to index
        %get3A_758 = arith.constant 48 : index
        %get3A_759 = tpu.vector_load %arg7[%get3A_757, %get3A_758] {strides = array<i32>} : memref<256x64xf32, #tpu.memory_space<vmem>>, vector<16xf32>,
        %add3A_760 = arith.addf %get3A_759, %get3A_360 : vector<16xf32>
        tpu.vector_store_idx %arg9[%select_n3A_131, %select_n3A_233, %get3A_736], %add3A_760 : memref<8x8x129xf32, #tpu.memory_space<vmem>>[vector<16xi32>, vector<16xi32>, vector<16xi32>], vector<16xf32>,
        %scan3A_761 = arith.constant 8 : i32
        %scan3A_762 = arith.addi %scan3A_530, %scan3A_761 : i32
        %get3A_763 = arith.index_cast %scan3A_762 : i32 to index
        %get3A_764 = arith.constant 0 : index
        %get3A_765 = tpu.vector_load %arg13[%get3A_763, %get3A_764] {strides = array<i32>} : memref<128x16xi32, #tpu.memory_space<vmem>>, vector<16xi32>,
        %add3A_766 = arith.constant 0 : i32
        %add3A_767 = arith.addi %add3A_766, %scan3A_762 : i32
        %get3A_768 = arith.index_cast %add3A_767 : i32 to index
        %get3A_769 = arith.constant 0 : index
        %get3A_770 = tpu.vector_load %arg7[%get3A_768, %get3A_769] {strides = array<i32>} : memref<256x64xf32, #tpu.memory_space<vmem>>, vector<16xf32>,
        %add3A_771 = arith.addf %get3A_770, %get3A_351 : vector<16xf32>
        tpu.vector_store_idx %arg9[%select_n3A, %select_n3A_155, %get3A_765], %add3A_771 : memref<8x8x129xf32, #tpu.memory_space<vmem>>[vector<16xi32>, vector<16xi32>, vector<16xi32>], vector<16xf32>,
        %add3A_772 = arith.constant 0 : i32
        %add3A_773 = arith.addi %add3A_772, %scan3A_762 : i32
        %get3A_774 = arith.index_cast %add3A_773 : i32 to index
        %get3A_775 = arith.constant 16 : index
        %get3A_776 = tpu.vector_load %arg7[%get3A_774, %get3A_775] {strides = array<i32>} : memref<256x64xf32, #tpu.memory_space<vmem>>, vector<16xf32>,
        %add3A_777 = arith.addf %get3A_776, %get3A_354 : vector<16xf32>
        tpu.vector_store_idx %arg9[%select_n3A_61, %select_n3A_181, %get3A_765], %add3A_777 : memref<8x8x129xf32, #tpu.memory_space<vmem>>[vector<16xi32>, vector<16xi32>, vector<16xi32>], vector<16xf32>,
        %add3A_778 = arith.constant 0 : i32
        %add3A_779 = arith.addi %add3A_778, %scan3A_762 : i32
        %get3A_780 = arith.index_cast %add3A_779 : i32 to index
        %get3A_781 = arith.constant 32 : index
        %get3A_782 = tpu.vector_load %arg7[%get3A_780, %get3A_781] {strides = array<i32>} : memref<256x64xf32, #tpu.memory_space<vmem>>, vector<16xf32>,
        %add3A_783 = arith.addf %get3A_782, %get3A_357 : vector<16xf32>
        tpu.vector_store_idx %arg9[%select_n3A_96, %select_n3A_207, %get3A_765], %add3A_783 : memref<8x8x129xf32, #tpu.memory_space<vmem>>[vector<16xi32>, vector<16xi32>, vector<16xi32>], vector<16xf32>,
        %add3A_784 = arith.constant 0 : i32
        %add3A_785 = arith.addi %add3A_784, %scan3A_762 : i32
        %get3A_786 = arith.index_cast %add3A_785 : i32 to index
        %get3A_787 = arith.constant 48 : index
        %get3A_788 = tpu.vector_load %arg7[%get3A_786, %get3A_787] {strides = array<i32>} : memref<256x64xf32, #tpu.memory_space<vmem>>, vector<16xf32>,
        %add3A_789 = arith.addf %get3A_788, %get3A_360 : vector<16xf32>
        tpu.vector_store_idx %arg9[%select_n3A_131, %select_n3A_233, %get3A_765], %add3A_789 : memref<8x8x129xf32, #tpu.memory_space<vmem>>[vector<16xi32>, vector<16xi32>, vector<16xi32>], vector<16xf32>,
        %scan3A_790 = arith.constant 9 : i32
        %scan3A_791 = arith.addi %scan3A_530, %scan3A_790 : i32
        %get3A_792 = arith.index_cast %scan3A_791 : i32 to index
        %get3A_793 = arith.constant 0 : index
        %get3A_794 = tpu.vector_load %arg13[%get3A_792, %get3A_793] {strides = array<i32>} : memref<128x16xi32, #tpu.memory_space<vmem>>, vector<16xi32>,
        %add3A_795 = arith.constant 0 : i32
        %add3A_796 = arith.addi %add3A_795, %scan3A_791 : i32
        %get3A_797 = arith.index_cast %add3A_796 : i32 to index
        %get3A_798 = arith.constant 0 : index
        %get3A_799 = tpu.vector_load %arg7[%get3A_797, %get3A_798] {strides = array<i32>} : memref<256x64xf32, #tpu.memory_space<vmem>>, vector<16xf32>,
        %add3A_800 = arith.addf %get3A_799, %get3A_351 : vector<16xf32>
        tpu.vector_store_idx %arg9[%select_n3A, %select_n3A_155, %get3A_794], %add3A_800 : memref<8x8x129xf32, #tpu.memory_space<vmem>>[vector<16xi32>, vector<16xi32>, vector<16xi32>], vector<16xf32>,
        %add3A_801 = arith.constant 0 : i32
        %add3A_802 = arith.addi %add3A_801, %scan3A_791 : i32
        %get3A_803 = arith.index_cast %add3A_802 : i32 to index
        %get3A_804 = arith.constant 16 : index
        %get3A_805 = tpu.vector_load %arg7[%get3A_803, %get3A_804] {strides = array<i32>} : memref<256x64xf32, #tpu.memory_space<vmem>>, vector<16xf32>,
        %add3A_806 = arith.addf %get3A_805, %get3A_354 : vector<16xf32>
        tpu.vector_store_idx %arg9[%select_n3A_61, %select_n3A_181, %get3A_794], %add3A_806 : memref<8x8x129xf32, #tpu.memory_space<vmem>>[vector<16xi32>, vector<16xi32>, vector<16xi32>], vector<16xf32>,
        %add3A_807 = arith.constant 0 : i32
        %add3A_808 = arith.addi %add3A_807, %scan3A_791 : i32
        %get3A_809 = arith.index_cast %add3A_808 : i32 to index
        %get3A_810 = arith.constant 32 : index
        %get3A_811 = tpu.vector_load %arg7[%get3A_809, %get3A_810] {strides = array<i32>} : memref<256x64xf32, #tpu.memory_space<vmem>>, vector<16xf32>,
        %add3A_812 = arith.addf %get3A_811, %get3A_357 : vector<16xf32>
        tpu.vector_store_idx %arg9[%select_n3A_96, %select_n3A_207, %get3A_794], %add3A_812 : memref<8x8x129xf32, #tpu.memory_space<vmem>>[vector<16xi32>, vector<16xi32>, vector<16xi32>], vector<16xf32>,
        %add3A_813 = arith.constant 0 : i32
        %add3A_814 = arith.addi %add3A_813, %scan3A_791 : i32
        %get3A_815 = arith.index_cast %add3A_814 : i32 to index
        %get3A_816 = arith.constant 48 : index
        %get3A_817 = tpu.vector_load %arg7[%get3A_815, %get3A_816] {strides = array<i32>} : memref<256x64xf32, #tpu.memory_space<vmem>>, vector<16xf32>,
        %add3A_818 = arith.addf %get3A_817, %get3A_360 : vector<16xf32>
        tpu.vector_store_idx %arg9[%select_n3A_131, %select_n3A_233, %get3A_794], %add3A_818 : memref<8x8x129xf32, #tpu.memory_space<vmem>>[vector<16xi32>, vector<16xi32>, vector<16xi32>], vector<16xf32>,
        %scan3A_819 = arith.constant 10 : i32
        %scan3A_820 = arith.addi %scan3A_530, %scan3A_819 : i32
        %get3A_821 = arith.index_cast %scan3A_820 : i32 to index
        %get3A_822 = arith.constant 0 : index
        %get3A_823 = tpu.vector_load %arg13[%get3A_821, %get3A_822] {strides = array<i32>} : memref<128x16xi32, #tpu.memory_space<vmem>>, vector<16xi32>,
        %add3A_824 = arith.constant 0 : i32
        %add3A_825 = arith.addi %add3A_824, %scan3A_820 : i32
        %get3A_826 = arith.index_cast %add3A_825 : i32 to index
        %get3A_827 = arith.constant 0 : index
        %get3A_828 = tpu.vector_load %arg7[%get3A_826, %get3A_827] {strides = array<i32>} : memref<256x64xf32, #tpu.memory_space<vmem>>, vector<16xf32>,
        %add3A_829 = arith.addf %get3A_828, %get3A_351 : vector<16xf32>
        tpu.vector_store_idx %arg9[%select_n3A, %select_n3A_155, %get3A_823], %add3A_829 : memref<8x8x129xf32, #tpu.memory_space<vmem>>[vector<16xi32>, vector<16xi32>, vector<16xi32>], vector<16xf32>,
        %add3A_830 = arith.constant 0 : i32
        %add3A_831 = arith.addi %add3A_830, %scan3A_820 : i32
        %get3A_832 = arith.index_cast %add3A_831 : i32 to index
        %get3A_833 = arith.constant 16 : index
        %get3A_834 = tpu.vector_load %arg7[%get3A_832, %get3A_833] {strides = array<i32>} : memref<256x64xf32, #tpu.memory_space<vmem>>, vector<16xf32>,
        %add3A_835 = arith.addf %get3A_834, %get3A_354 : vector<16xf32>
        tpu.vector_store_idx %arg9[%select_n3A_61, %select_n3A_181, %get3A_823], %add3A_835 : memref<8x8x129xf32, #tpu.memory_space<vmem>>[vector<16xi32>, vector<16xi32>, vector<16xi32>], vector<16xf32>,
        %add3A_836 = arith.constant 0 : i32
        %add3A_837 = arith.addi %add3A_836, %scan3A_820 : i32
        %get3A_838 = arith.index_cast %add3A_837 : i32 to index
        %get3A_839 = arith.constant 32 : index
        %get3A_840 = tpu.vector_load %arg7[%get3A_838, %get3A_839] {strides = array<i32>} : memref<256x64xf32, #tpu.memory_space<vmem>>, vector<16xf32>,
        %add3A_841 = arith.addf %get3A_840, %get3A_357 : vector<16xf32>
        tpu.vector_store_idx %arg9[%select_n3A_96, %select_n3A_207, %get3A_823], %add3A_841 : memref<8x8x129xf32, #tpu.memory_space<vmem>>[vector<16xi32>, vector<16xi32>, vector<16xi32>], vector<16xf32>,
        %add3A_842 = arith.constant 0 : i32
        %add3A_843 = arith.addi %add3A_842, %scan3A_820 : i32
        %get3A_844 = arith.index_cast %add3A_843 : i32 to index
        %get3A_845 = arith.constant 48 : index
        %get3A_846 = tpu.vector_load %arg7[%get3A_844, %get3A_845] {strides = array<i32>} : memref<256x64xf32, #tpu.memory_space<vmem>>, vector<16xf32>,
        %add3A_847 = arith.addf %get3A_846, %get3A_360 : vector<16xf32>
        tpu.vector_store_idx %arg9[%select_n3A_131, %select_n3A_233, %get3A_823], %add3A_847 : memref<8x8x129xf32, #tpu.memory_space<vmem>>[vector<16xi32>, vector<16xi32>, vector<16xi32>], vector<16xf32>,
        %scan3A_848 = arith.constant 11 : i32
        %scan3A_849 = arith.addi %scan3A_530, %scan3A_848 : i32
        %get3A_850 = arith.index_cast %scan3A_849 : i32 to index
        %get3A_851 = arith.constant 0 : index
        %get3A_852 = tpu.vector_load %arg13[%get3A_850, %get3A_851] {strides = array<i32>} : memref<128x16xi32, #tpu.memory_space<vmem>>, vector<16xi32>,
        %add3A_853 = arith.constant 0 : i32
        %add3A_854 = arith.addi %add3A_853, %scan3A_849 : i32
        %get3A_855 = arith.index_cast %add3A_854 : i32 to index
        %get3A_856 = arith.constant 0 : index
        %get3A_857 = tpu.vector_load %arg7[%get3A_855, %get3A_856] {strides = array<i32>} : memref<256x64xf32, #tpu.memory_space<vmem>>, vector<16xf32>,
        %add3A_858 = arith.addf %get3A_857, %get3A_351 : vector<16xf32>
        tpu.vector_store_idx %arg9[%select_n3A, %select_n3A_155, %get3A_852], %add3A_858 : memref<8x8x129xf32, #tpu.memory_space<vmem>>[vector<16xi32>, vector<16xi32>, vector<16xi32>], vector<16xf32>,
        %add3A_859 = arith.constant 0 : i32
        %add3A_860 = arith.addi %add3A_859, %scan3A_849 : i32
        %get3A_861 = arith.index_cast %add3A_860 : i32 to index
        %get3A_862 = arith.constant 16 : index
        %get3A_863 = tpu.vector_load %arg7[%get3A_861, %get3A_862] {strides = array<i32>} : memref<256x64xf32, #tpu.memory_space<vmem>>, vector<16xf32>,
        %add3A_864 = arith.addf %get3A_863, %get3A_354 : vector<16xf32>
        tpu.vector_store_idx %arg9[%select_n3A_61, %select_n3A_181, %get3A_852], %add3A_864 : memref<8x8x129xf32, #tpu.memory_space<vmem>>[vector<16xi32>, vector<16xi32>, vector<16xi32>], vector<16xf32>,
        %add3A_865 = arith.constant 0 : i32
        %add3A_866 = arith.addi %add3A_865, %scan3A_849 : i32
        %get3A_867 = arith.index_cast %add3A_866 : i32 to index
        %get3A_868 = arith.constant 32 : index
        %get3A_869 = tpu.vector_load %arg7[%get3A_867, %get3A_868] {strides = array<i32>} : memref<256x64xf32, #tpu.memory_space<vmem>>, vector<16xf32>,
        %add3A_870 = arith.addf %get3A_869, %get3A_357 : vector<16xf32>
        tpu.vector_store_idx %arg9[%select_n3A_96, %select_n3A_207, %get3A_852], %add3A_870 : memref<8x8x129xf32, #tpu.memory_space<vmem>>[vector<16xi32>, vector<16xi32>, vector<16xi32>], vector<16xf32>,
        %add3A_871 = arith.constant 0 : i32
        %add3A_872 = arith.addi %add3A_871, %scan3A_849 : i32
        %get3A_873 = arith.index_cast %add3A_872 : i32 to index
        %get3A_874 = arith.constant 48 : index
        %get3A_875 = tpu.vector_load %arg7[%get3A_873, %get3A_874] {strides = array<i32>} : memref<256x64xf32, #tpu.memory_space<vmem>>, vector<16xf32>,
        %add3A_876 = arith.addf %get3A_875, %get3A_360 : vector<16xf32>
        tpu.vector_store_idx %arg9[%select_n3A_131, %select_n3A_233, %get3A_852], %add3A_876 : memref<8x8x129xf32, #tpu.memory_space<vmem>>[vector<16xi32>, vector<16xi32>, vector<16xi32>], vector<16xf32>,
        %scan3A_877 = arith.constant 12 : i32
        %scan3A_878 = arith.addi %scan3A_530, %scan3A_877 : i32
        %get3A_879 = arith.index_cast %scan3A_878 : i32 to index
        %get3A_880 = arith.constant 0 : index
        %get3A_881 = tpu.vector_load %arg13[%get3A_879, %get3A_880] {strides = array<i32>} : memref<128x16xi32, #tpu.memory_space<vmem>>, vector<16xi32>,
        %add3A_882 = arith.constant 0 : i32
        %add3A_883 = arith.addi %add3A_882, %scan3A_878 : i32
        %get3A_884 = arith.index_cast %add3A_883 : i32 to index
        %get3A_885 = arith.constant 0 : index
        %get3A_886 = tpu.vector_load %arg7[%get3A_884, %get3A_885] {strides = array<i32>} : memref<256x64xf32, #tpu.memory_space<vmem>>, vector<16xf32>,
        %add3A_887 = arith.addf %get3A_886, %get3A_351 : vector<16xf32>
        tpu.vector_store_idx %arg9[%select_n3A, %select_n3A_155, %get3A_881], %add3A_887 : memref<8x8x129xf32, #tpu.memory_space<vmem>>[vector<16xi32>, vector<16xi32>, vector<16xi32>], vector<16xf32>,
        %add3A_888 = arith.constant 0 : i32
        %add3A_889 = arith.addi %add3A_888, %scan3A_878 : i32
        %get3A_890 = arith.index_cast %add3A_889 : i32 to index
        %get3A_891 = arith.constant 16 : index
        %get3A_892 = tpu.vector_load %arg7[%get3A_890, %get3A_891] {strides = array<i32>} : memref<256x64xf32, #tpu.memory_space<vmem>>, vector<16xf32>,
        %add3A_893 = arith.addf %get3A_892, %get3A_354 : vector<16xf32>
        tpu.vector_store_idx %arg9[%select_n3A_61, %select_n3A_181, %get3A_881], %add3A_893 : memref<8x8x129xf32, #tpu.memory_space<vmem>>[vector<16xi32>, vector<16xi32>, vector<16xi32>], vector<16xf32>,
        %add3A_894 = arith.constant 0 : i32
        %add3A_895 = arith.addi %add3A_894, %scan3A_878 : i32
        %get3A_896 = arith.index_cast %add3A_895 : i32 to index
        %get3A_897 = arith.constant 32 : index
        %get3A_898 = tpu.vector_load %arg7[%get3A_896, %get3A_897] {strides = array<i32>} : memref<256x64xf32, #tpu.memory_space<vmem>>, vector<16xf32>,
        %add3A_899 = arith.addf %get3A_898, %get3A_357 : vector<16xf32>
        tpu.vector_store_idx %arg9[%select_n3A_96, %select_n3A_207, %get3A_881], %add3A_899 : memref<8x8x129xf32, #tpu.memory_space<vmem>>[vector<16xi32>, vector<16xi32>, vector<16xi32>], vector<16xf32>,
        %add3A_900 = arith.constant 0 : i32
        %add3A_901 = arith.addi %add3A_900, %scan3A_878 : i32
        %get3A_902 = arith.index_cast %add3A_901 : i32 to index
        %get3A_903 = arith.constant 48 : index
        %get3A_904 = tpu.vector_load %arg7[%get3A_902, %get3A_903] {strides = array<i32>} : memref<256x64xf32, #tpu.memory_space<vmem>>, vector<16xf32>,
        %add3A_905 = arith.addf %get3A_904, %get3A_360 : vector<16xf32>
        tpu.vector_store_idx %arg9[%select_n3A_131, %select_n3A_233, %get3A_881], %add3A_905 : memref<8x8x129xf32, #tpu.memory_space<vmem>>[vector<16xi32>, vector<16xi32>, vector<16xi32>], vector<16xf32>,
        %scan3A_906 = arith.constant 13 : i32
        %scan3A_907 = arith.addi %scan3A_530, %scan3A_906 : i32
        %get3A_908 = arith.index_cast %scan3A_907 : i32 to index
        %get3A_909 = arith.constant 0 : index
        %get3A_910 = tpu.vector_load %arg13[%get3A_908, %get3A_909] {strides = array<i32>} : memref<128x16xi32, #tpu.memory_space<vmem>>, vector<16xi32>,
        %add3A_911 = arith.constant 0 : i32
        %add3A_912 = arith.addi %add3A_911, %scan3A_907 : i32
        %get3A_913 = arith.index_cast %add3A_912 : i32 to index
        %get3A_914 = arith.constant 0 : index
        %get3A_915 = tpu.vector_load %arg7[%get3A_913, %get3A_914] {strides = array<i32>} : memref<256x64xf32, #tpu.memory_space<vmem>>, vector<16xf32>,
        %add3A_916 = arith.addf %get3A_915, %get3A_351 : vector<16xf32>
        tpu.vector_store_idx %arg9[%select_n3A, %select_n3A_155, %get3A_910], %add3A_916 : memref<8x8x129xf32, #tpu.memory_space<vmem>>[vector<16xi32>, vector<16xi32>, vector<16xi32>], vector<16xf32>,
        %add3A_917 = arith.constant 0 : i32
        %add3A_918 = arith.addi %add3A_917, %scan3A_907 : i32
        %get3A_919 = arith.index_cast %add3A_918 : i32 to index
        %get3A_920 = arith.constant 16 : index
        %get3A_921 = tpu.vector_load %arg7[%get3A_919, %get3A_920] {strides = array<i32>} : memref<256x64xf32, #tpu.memory_space<vmem>>, vector<16xf32>,
        %add3A_922 = arith.addf %get3A_921, %get3A_354 : vector<16xf32>
        tpu.vector_store_idx %arg9[%select_n3A_61, %select_n3A_181, %get3A_910], %add3A_922 : memref<8x8x129xf32, #tpu.memory_space<vmem>>[vector<16xi32>, vector<16xi32>, vector<16xi32>], vector<16xf32>,
        %add3A_923 = arith.constant 0 : i32
        %add3A_924 = arith.addi %add3A_923, %scan3A_907 : i32
        %get3A_925 = arith.index_cast %add3A_924 : i32 to index
        %get3A_926 = arith.constant 32 : index
        %get3A_927 = tpu.vector_load %arg7[%get3A_925, %get3A_926] {strides = array<i32>} : memref<256x64xf32, #tpu.memory_space<vmem>>, vector<16xf32>,
        %add3A_928 = arith.addf %get3A_927, %get3A_357 : vector<16xf32>
        tpu.vector_store_idx %arg9[%select_n3A_96, %select_n3A_207, %get3A_910], %add3A_928 : memref<8x8x129xf32, #tpu.memory_space<vmem>>[vector<16xi32>, vector<16xi32>, vector<16xi32>], vector<16xf32>,
        %add3A_929 = arith.constant 0 : i32
        %add3A_930 = arith.addi %add3A_929, %scan3A_907 : i32
        %get3A_931 = arith.index_cast %add3A_930 : i32 to index
        %get3A_932 = arith.constant 48 : index
        %get3A_933 = tpu.vector_load %arg7[%get3A_931, %get3A_932] {strides = array<i32>} : memref<256x64xf32, #tpu.memory_space<vmem>>, vector<16xf32>,
        %add3A_934 = arith.addf %get3A_933, %get3A_360 : vector<16xf32>
        tpu.vector_store_idx %arg9[%select_n3A_131, %select_n3A_233, %get3A_910], %add3A_934 : memref<8x8x129xf32, #tpu.memory_space<vmem>>[vector<16xi32>, vector<16xi32>, vector<16xi32>], vector<16xf32>,
        %scan3A_935 = arith.constant 14 : i32
        %scan3A_936 = arith.addi %scan3A_530, %scan3A_935 : i32
        %get3A_937 = arith.index_cast %scan3A_936 : i32 to index
        %get3A_938 = arith.constant 0 : index
        %get3A_939 = tpu.vector_load %arg13[%get3A_937, %get3A_938] {strides = array<i32>} : memref<128x16xi32, #tpu.memory_space<vmem>>, vector<16xi32>,
        %add3A_940 = arith.constant 0 : i32
        %add3A_941 = arith.addi %add3A_940, %scan3A_936 : i32
        %get3A_942 = arith.index_cast %add3A_941 : i32 to index
        %get3A_943 = arith.constant 0 : index
        %get3A_944 = tpu.vector_load %arg7[%get3A_942, %get3A_943] {strides = array<i32>} : memref<256x64xf32, #tpu.memory_space<vmem>>, vector<16xf32>,
        %add3A_945 = arith.addf %get3A_944, %get3A_351 : vector<16xf32>
        tpu.vector_store_idx %arg9[%select_n3A, %select_n3A_155, %get3A_939], %add3A_945 : memref<8x8x129xf32, #tpu.memory_space<vmem>>[vector<16xi32>, vector<16xi32>, vector<16xi32>], vector<16xf32>,
        %add3A_946 = arith.constant 0 : i32
        %add3A_947 = arith.addi %add3A_946, %scan3A_936 : i32
        %get3A_948 = arith.index_cast %add3A_947 : i32 to index
        %get3A_949 = arith.constant 16 : index
        %get3A_950 = tpu.vector_load %arg7[%get3A_948, %get3A_949] {strides = array<i32>} : memref<256x64xf32, #tpu.memory_space<vmem>>, vector<16xf32>,
        %add3A_951 = arith.addf %get3A_950, %get3A_354 : vector<16xf32>
        tpu.vector_store_idx %arg9[%select_n3A_61, %select_n3A_181, %get3A_939], %add3A_951 : memref<8x8x129xf32, #tpu.memory_space<vmem>>[vector<16xi32>, vector<16xi32>, vector<16xi32>], vector<16xf32>,
        %add3A_952 = arith.constant 0 : i32
        %add3A_953 = arith.addi %add3A_952, %scan3A_936 : i32
        %get3A_954 = arith.index_cast %add3A_953 : i32 to index
        %get3A_955 = arith.constant 32 : index
        %get3A_956 = tpu.vector_load %arg7[%get3A_954, %get3A_955] {strides = array<i32>} : memref<256x64xf32, #tpu.memory_space<vmem>>, vector<16xf32>,
        %add3A_957 = arith.addf %get3A_956, %get3A_357 : vector<16xf32>
        tpu.vector_store_idx %arg9[%select_n3A_96, %select_n3A_207, %get3A_939], %add3A_957 : memref<8x8x129xf32, #tpu.memory_space<vmem>>[vector<16xi32>, vector<16xi32>, vector<16xi32>], vector<16xf32>,
        %add3A_958 = arith.constant 0 : i32
        %add3A_959 = arith.addi %add3A_958, %scan3A_936 : i32
        %get3A_960 = arith.index_cast %add3A_959 : i32 to index
        %get3A_961 = arith.constant 48 : index
        %get3A_962 = tpu.vector_load %arg7[%get3A_960, %get3A_961] {strides = array<i32>} : memref<256x64xf32, #tpu.memory_space<vmem>>, vector<16xf32>,
        %add3A_963 = arith.addf %get3A_962, %get3A_360 : vector<16xf32>
        tpu.vector_store_idx %arg9[%select_n3A_131, %select_n3A_233, %get3A_939], %add3A_963 : memref<8x8x129xf32, #tpu.memory_space<vmem>>[vector<16xi32>, vector<16xi32>, vector<16xi32>], vector<16xf32>,
        %scan3A_964 = arith.constant 15 : i32
        %scan3A_965 = arith.addi %scan3A_530, %scan3A_964 : i32
        %get3A_966 = arith.index_cast %scan3A_965 : i32 to index
        %get3A_967 = arith.constant 0 : index
        %get3A_968 = tpu.vector_load %arg13[%get3A_966, %get3A_967] {strides = array<i32>} : memref<128x16xi32, #tpu.memory_space<vmem>>, vector<16xi32>,
        %add3A_969 = arith.constant 0 : i32
        %add3A_970 = arith.addi %add3A_969, %scan3A_965 : i32
        %get3A_971 = arith.index_cast %add3A_970 : i32 to index
        %get3A_972 = arith.constant 0 : index
        %get3A_973 = tpu.vector_load %arg7[%get3A_971, %get3A_972] {strides = array<i32>} : memref<256x64xf32, #tpu.memory_space<vmem>>, vector<16xf32>,
        %add3A_974 = arith.addf %get3A_973, %get3A_351 : vector<16xf32>
        tpu.vector_store_idx %arg9[%select_n3A, %select_n3A_155, %get3A_968], %add3A_974 : memref<8x8x129xf32, #tpu.memory_space<vmem>>[vector<16xi32>, vector<16xi32>, vector<16xi32>], vector<16xf32>,
        %add3A_975 = arith.constant 0 : i32
        %add3A_976 = arith.addi %add3A_975, %scan3A_965 : i32
        %get3A_977 = arith.index_cast %add3A_976 : i32 to index
        %get3A_978 = arith.constant 16 : index
        %get3A_979 = tpu.vector_load %arg7[%get3A_977, %get3A_978] {strides = array<i32>} : memref<256x64xf32, #tpu.memory_space<vmem>>, vector<16xf32>,
        %add3A_980 = arith.addf %get3A_979, %get3A_354 : vector<16xf32>
        tpu.vector_store_idx %arg9[%select_n3A_61, %select_n3A_181, %get3A_968], %add3A_980 : memref<8x8x129xf32, #tpu.memory_space<vmem>>[vector<16xi32>, vector<16xi32>, vector<16xi32>], vector<16xf32>,
        %add3A_981 = arith.constant 0 : i32
        %add3A_982 = arith.addi %add3A_981, %scan3A_965 : i32
        %get3A_983 = arith.index_cast %add3A_982 : i32 to index
        %get3A_984 = arith.constant 32 : index
        %get3A_985 = tpu.vector_load %arg7[%get3A_983, %get3A_984] {strides = array<i32>} : memref<256x64xf32, #tpu.memory_space<vmem>>, vector<16xf32>,
        %add3A_986 = arith.addf %get3A_985, %get3A_357 : vector<16xf32>
        tpu.vector_store_idx %arg9[%select_n3A_96, %select_n3A_207, %get3A_968], %add3A_986 : memref<8x8x129xf32, #tpu.memory_space<vmem>>[vector<16xi32>, vector<16xi32>, vector<16xi32>], vector<16xf32>,
        %add3A_987 = arith.constant 0 : i32
        %add3A_988 = arith.addi %add3A_987, %scan3A_965 : i32
        %get3A_989 = arith.index_cast %add3A_988 : i32 to index
        %get3A_990 = arith.constant 48 : index
        %get3A_991 = tpu.vector_load %arg7[%get3A_989, %get3A_990] {strides = array<i32>} : memref<256x64xf32, #tpu.memory_space<vmem>>, vector<16xf32>,
        %add3A_992 = arith.addf %get3A_991, %get3A_360 : vector<16xf32>
        tpu.vector_store_idx %arg9[%select_n3A_131, %select_n3A_233, %get3A_968], %add3A_992 : memref<8x8x129xf32, #tpu.memory_space<vmem>>[vector<16xi32>, vector<16xi32>, vector<16xi32>], vector<16xf32>,
      }
      %scan3A_366 = arith.constant 128 : i32
      %dma_start3A_367 = arith.constant 0 : i32
      %dma_start3A_368 = arith.constant 0 : i32
      %dma_start3A_369 = arith.constant 0 : i32
      %dma_start3A_370 = tpu.memref_slice %arg9[%dma_start3A_367, %dma_start3A_368, %dma_start3A_369] : memref<8x8x129xf32, #tpu.memory_space<vmem>> -> memref<8x8x128xf32, #tpu.memory_space<vmem>>
      %dma_start3A_371 = arith.constant 0 : i32
      %dma_start3A_372 = arith.constant 0 : i32
      %dma_start3A_373 = arith.constant 0 : i32
      %dma_start3A_374 = tpu.memref_slice %arg5[%add3A_349, %dma_start3A_371, %add3A, %dma_start3A_372, %dma_start3A_373] : memref<200x8x32x8x128xf32, #tpu.memory_space<hbm>> -> memref<1x8x1x8x128xf32, #tpu.memory_space<hbm>>
      %dma_start3A_375 = tpu.memref_squeeze %dma_start3A_374 : memref<1x8x1x8x128xf32, #tpu.memory_space<hbm>> -> memref<8x8x128xf32, #tpu.memory_space<hbm>>
      %dma_start3A_376 = arith.constant 0 : i32
      %dma_start3A_377 = arith.constant 0 : i32
      %dma_start3A_378 = arith.constant 0 : i32
      %dma_start3A_379 = tpu.memref_slice %arg5[%add3A_349, %dma_start3A_376, %add3A, %dma_start3A_377, %dma_start3A_378] : memref<200x8x32x8x128xf32, #tpu.memory_space<hbm>> -> memref<1x8x1x8x128xf32, #tpu.memory_space<hbm>>
      %dma_start3A_380 = tpu.memref_squeeze %dma_start3A_379 : memref<1x8x1x8x128xf32, #tpu.memory_space<hbm>> -> memref<8x8x128xf32, #tpu.memory_space<hbm>>
      %dma_start3A_381 = arith.constant 0 : i32
      %dma_start3A_382 = arith.constant 0 : i32
      %dma_start3A_383 = arith.constant 0 : i32
      %dma_start3A_384 = tpu.memref_slice %arg9[%dma_start3A_381, %dma_start3A_382, %dma_start3A_383] : memref<8x8x129xf32, #tpu.memory_space<vmem>> -> memref<8x8x128xf32, #tpu.memory_space<vmem>>
      tpu.enqueue_dma source(%dma_start3A_384 : memref<8x8x128xf32, #tpu.memory_space<vmem>>) target(%dma_start3A_380 : memref<8x8x128xf32, #tpu.memory_space<hbm>>) target_semaphore(%arg17 : memref<!tpu.dma_semaphore, #tpu.memory_space<semaphore_mem>>)
      %mul3A_385 = arith.constant 2 : i32
      %mul3A_386 = arith.muli %add3A_337, %mul3A_385 : i32
      %add3A_387 = arith.constant 1 : i32
      %add3A_388 = arith.addi %mul3A_386, %add3A_387 : i32
      %get3A_389 = arith.index_cast %add3A_388 : i32 to index
      %get3A_390 = arith.constant 0 : index
      %get3A_391 = tpu.vector_load %arg14[%get3A_389, %get3A_390] {strides = array<i32>} : memref<200x64xf32, #tpu.memory_space<vmem>>, vector<16xf32>,
      %get3A_392 = arith.index_cast %add3A_388 : i32 to index
      %get3A_393 = arith.constant 16 : index
      %get3A_394 = tpu.vector_load %arg14[%get3A_392, %get3A_393] {strides = array<i32>} : memref<200x64xf32, #tpu.memory_space<vmem>>, vector<16xf32>,
      %get3A_395 = arith.index_cast %add3A_388 : i32 to index
      %get3A_396 = arith.constant 32 : index
      %get3A_397 = tpu.vector_load %arg14[%get3A_395, %get3A_396] {strides = array<i32>} : memref<200x64xf32, #tpu.memory_space<vmem>>, vector<16xf32>,
      %get3A_398 = arith.index_cast %add3A_388 : i32 to index
      %get3A_399 = arith.constant 48 : index
      %get3A_400 = tpu.vector_load %arg14[%get3A_398, %get3A_399] {strides = array<i32>} : memref<200x64xf32, #tpu.memory_space<vmem>>, vector<16xf32>,
      %scan3A_401 = arith.constant 0 : i32
      %scan3A_402 = arith.constant 0 : i32
      %scan3A_403 = arith.constant 128 : i32
      %scan3A_404 = arith.addi %scan3A_402, %scan3A_403 : i32
      %scan3A_405 = arith.constant 16 : i32
      scf.for %scan3A_530 = %scan3A_402 to %scan3A_404 step %scan3A_405  : i32 {
        %get3A_531 = arith.index_cast %scan3A_530 : i32 to index
        %get3A_532 = arith.constant 0 : index
        %get3A_533 = tpu.vector_load %arg13[%get3A_531, %get3A_532] {strides = array<i32>} : memref<128x16xi32, #tpu.memory_space<vmem>>, vector<16xi32>,
        %add3A_534 = arith.constant 128 : i32
        %add3A_535 = arith.addi %add3A_534, %scan3A_530 : i32
        %get3A_536 = arith.index_cast %add3A_535 : i32 to index
        %get3A_537 = arith.constant 0 : index
        %get3A_538 = tpu.vector_load %arg7[%get3A_536, %get3A_537] {strides = array<i32>} : memref<256x64xf32, #tpu.memory_space<vmem>>, vector<16xf32>,
        %add3A_539 = arith.addf %get3A_538, %get3A_391 : vector<16xf32>
        tpu.vector_store_idx %arg10[%select_n3A, %select_n3A_155, %get3A_533], %add3A_539 : memref<8x8x129xf32, #tpu.memory_space<vmem>>[vector<16xi32>, vector<16xi32>, vector<16xi32>], vector<16xf32>,
        %add3A_540 = arith.constant 128 : i32
        %add3A_541 = arith.addi %add3A_540, %scan3A_530 : i32
        %get3A_542 = arith.index_cast %add3A_541 : i32 to index
        %get3A_543 = arith.constant 16 : index
        %get3A_544 = tpu.vector_load %arg7[%get3A_542, %get3A_543] {strides = array<i32>} : memref<256x64xf32, #tpu.memory_space<vmem>>, vector<16xf32>,
        %add3A_545 = arith.addf %get3A_544, %get3A_394 : vector<16xf32>
        tpu.vector_store_idx %arg10[%select_n3A_61, %select_n3A_181, %get3A_533], %add3A_545 : memref<8x8x129xf32, #tpu.memory_space<vmem>>[vector<16xi32>, vector<16xi32>, vector<16xi32>], vector<16xf32>,
        %add3A_546 = arith.constant 128 : i32
        %add3A_547 = arith.addi %add3A_546, %scan3A_530 : i32
        %get3A_548 = arith.index_cast %add3A_547 : i32 to index
        %get3A_549 = arith.constant 32 : index
        %get3A_550 = tpu.vector_load %arg7[%get3A_548, %get3A_549] {strides = array<i32>} : memref<256x64xf32, #tpu.memory_space<vmem>>, vector<16xf32>,
        %add3A_551 = arith.addf %get3A_550, %get3A_397 : vector<16xf32>
        tpu.vector_store_idx %arg10[%select_n3A_96, %select_n3A_207, %get3A_533], %add3A_551 : memref<8x8x129xf32, #tpu.memory_space<vmem>>[vector<16xi32>, vector<16xi32>, vector<16xi32>], vector<16xf32>,
        %add3A_552 = arith.constant 128 : i32
        %add3A_553 = arith.addi %add3A_552, %scan3A_530 : i32
        %get3A_554 = arith.index_cast %add3A_553 : i32 to index
        %get3A_555 = arith.constant 48 : index
        %get3A_556 = tpu.vector_load %arg7[%get3A_554, %get3A_555] {strides = array<i32>} : memref<256x64xf32, #tpu.memory_space<vmem>>, vector<16xf32>,
        %add3A_557 = arith.addf %get3A_556, %get3A_400 : vector<16xf32>
        tpu.vector_store_idx %arg10[%select_n3A_131, %select_n3A_233, %get3A_533], %add3A_557 : memref<8x8x129xf32, #tpu.memory_space<vmem>>[vector<16xi32>, vector<16xi32>, vector<16xi32>], vector<16xf32>,
        %scan3A_558 = arith.constant 1 : i32
        %scan3A_559 = arith.addi %scan3A_530, %scan3A_558 : i32
        %get3A_560 = arith.index_cast %scan3A_559 : i32 to index
        %get3A_561 = arith.constant 0 : index
        %get3A_562 = tpu.vector_load %arg13[%get3A_560, %get3A_561] {strides = array<i32>} : memref<128x16xi32, #tpu.memory_space<vmem>>, vector<16xi32>,
        %add3A_563 = arith.constant 128 : i32
        %add3A_564 = arith.addi %add3A_563, %scan3A_559 : i32
        %get3A_565 = arith.index_cast %add3A_564 : i32 to index
        %get3A_566 = arith.constant 0 : index
        %get3A_567 = tpu.vector_load %arg7[%get3A_565, %get3A_566] {strides = array<i32>} : memref<256x64xf32, #tpu.memory_space<vmem>>, vector<16xf32>,
        %add3A_568 = arith.addf %get3A_567, %get3A_391 : vector<16xf32>
        tpu.vector_store_idx %arg10[%select_n3A, %select_n3A_155, %get3A_562], %add3A_568 : memref<8x8x129xf32, #tpu.memory_space<vmem>>[vector<16xi32>, vector<16xi32>, vector<16xi32>], vector<16xf32>,
        %add3A_569 = arith.constant 128 : i32
        %add3A_570 = arith.addi %add3A_569, %scan3A_559 : i32
        %get3A_571 = arith.index_cast %add3A_570 : i32 to index
        %get3A_572 = arith.constant 16 : index
        %get3A_573 = tpu.vector_load %arg7[%get3A_571, %get3A_572] {strides = array<i32>} : memref<256x64xf32, #tpu.memory_space<vmem>>, vector<16xf32>,
        %add3A_574 = arith.addf %get3A_573, %get3A_394 : vector<16xf32>
        tpu.vector_store_idx %arg10[%select_n3A_61, %select_n3A_181, %get3A_562], %add3A_574 : memref<8x8x129xf32, #tpu.memory_space<vmem>>[vector<16xi32>, vector<16xi32>, vector<16xi32>], vector<16xf32>,
        %add3A_575 = arith.constant 128 : i32
        %add3A_576 = arith.addi %add3A_575, %scan3A_559 : i32
        %get3A_577 = arith.index_cast %add3A_576 : i32 to index
        %get3A_578 = arith.constant 32 : index
        %get3A_579 = tpu.vector_load %arg7[%get3A_577, %get3A_578] {strides = array<i32>} : memref<256x64xf32, #tpu.memory_space<vmem>>, vector<16xf32>,
        %add3A_580 = arith.addf %get3A_579, %get3A_397 : vector<16xf32>
        tpu.vector_store_idx %arg10[%select_n3A_96, %select_n3A_207, %get3A_562], %add3A_580 : memref<8x8x129xf32, #tpu.memory_space<vmem>>[vector<16xi32>, vector<16xi32>, vector<16xi32>], vector<16xf32>,
        %add3A_581 = arith.constant 128 : i32
        %add3A_582 = arith.addi %add3A_581, %scan3A_559 : i32
        %get3A_583 = arith.index_cast %add3A_582 : i32 to index
        %get3A_584 = arith.constant 48 : index
        %get3A_585 = tpu.vector_load %arg7[%get3A_583, %get3A_584] {strides = array<i32>} : memref<256x64xf32, #tpu.memory_space<vmem>>, vector<16xf32>,
        %add3A_586 = arith.addf %get3A_585, %get3A_400 : vector<16xf32>
        tpu.vector_store_idx %arg10[%select_n3A_131, %select_n3A_233, %get3A_562], %add3A_586 : memref<8x8x129xf32, #tpu.memory_space<vmem>>[vector<16xi32>, vector<16xi32>, vector<16xi32>], vector<16xf32>,
        %scan3A_587 = arith.constant 2 : i32
        %scan3A_588 = arith.addi %scan3A_530, %scan3A_587 : i32
        %get3A_589 = arith.index_cast %scan3A_588 : i32 to index
        %get3A_590 = arith.constant 0 : index
        %get3A_591 = tpu.vector_load %arg13[%get3A_589, %get3A_590] {strides = array<i32>} : memref<128x16xi32, #tpu.memory_space<vmem>>, vector<16xi32>,
        %add3A_592 = arith.constant 128 : i32
        %add3A_593 = arith.addi %add3A_592, %scan3A_588 : i32
        %get3A_594 = arith.index_cast %add3A_593 : i32 to index
        %get3A_595 = arith.constant 0 : index
        %get3A_596 = tpu.vector_load %arg7[%get3A_594, %get3A_595] {strides = array<i32>} : memref<256x64xf32, #tpu.memory_space<vmem>>, vector<16xf32>,
        %add3A_597 = arith.addf %get3A_596, %get3A_391 : vector<16xf32>
        tpu.vector_store_idx %arg10[%select_n3A, %select_n3A_155, %get3A_591], %add3A_597 : memref<8x8x129xf32, #tpu.memory_space<vmem>>[vector<16xi32>, vector<16xi32>, vector<16xi32>], vector<16xf32>,
        %add3A_598 = arith.constant 128 : i32
        %add3A_599 = arith.addi %add3A_598, %scan3A_588 : i32
        %get3A_600 = arith.index_cast %add3A_599 : i32 to index
        %get3A_601 = arith.constant 16 : index
        %get3A_602 = tpu.vector_load %arg7[%get3A_600, %get3A_601] {strides = array<i32>} : memref<256x64xf32, #tpu.memory_space<vmem>>, vector<16xf32>,
        %add3A_603 = arith.addf %get3A_602, %get3A_394 : vector<16xf32>
        tpu.vector_store_idx %arg10[%select_n3A_61, %select_n3A_181, %get3A_591], %add3A_603 : memref<8x8x129xf32, #tpu.memory_space<vmem>>[vector<16xi32>, vector<16xi32>, vector<16xi32>], vector<16xf32>,
        %add3A_604 = arith.constant 128 : i32
        %add3A_605 = arith.addi %add3A_604, %scan3A_588 : i32
        %get3A_606 = arith.index_cast %add3A_605 : i32 to index
        %get3A_607 = arith.constant 32 : index
        %get3A_608 = tpu.vector_load %arg7[%get3A_606, %get3A_607] {strides = array<i32>} : memref<256x64xf32, #tpu.memory_space<vmem>>, vector<16xf32>,
        %add3A_609 = arith.addf %get3A_608, %get3A_397 : vector<16xf32>
        tpu.vector_store_idx %arg10[%select_n3A_96, %select_n3A_207, %get3A_591], %add3A_609 : memref<8x8x129xf32, #tpu.memory_space<vmem>>[vector<16xi32>, vector<16xi32>, vector<16xi32>], vector<16xf32>,
        %add3A_610 = arith.constant 128 : i32
        %add3A_611 = arith.addi %add3A_610, %scan3A_588 : i32
        %get3A_612 = arith.index_cast %add3A_611 : i32 to index
        %get3A_613 = arith.constant 48 : index
        %get3A_614 = tpu.vector_load %arg7[%get3A_612, %get3A_613] {strides = array<i32>} : memref<256x64xf32, #tpu.memory_space<vmem>>, vector<16xf32>,
        %add3A_615 = arith.addf %get3A_614, %get3A_400 : vector<16xf32>
        tpu.vector_store_idx %arg10[%select_n3A_131, %select_n3A_233, %get3A_591], %add3A_615 : memref<8x8x129xf32, #tpu.memory_space<vmem>>[vector<16xi32>, vector<16xi32>, vector<16xi32>], vector<16xf32>,
        %scan3A_616 = arith.constant 3 : i32
        %scan3A_617 = arith.addi %scan3A_530, %scan3A_616 : i32
        %get3A_618 = arith.index_cast %scan3A_617 : i32 to index
        %get3A_619 = arith.constant 0 : index
        %get3A_620 = tpu.vector_load %arg13[%get3A_618, %get3A_619] {strides = array<i32>} : memref<128x16xi32, #tpu.memory_space<vmem>>, vector<16xi32>,
        %add3A_621 = arith.constant 128 : i32
        %add3A_622 = arith.addi %add3A_621, %scan3A_617 : i32
        %get3A_623 = arith.index_cast %add3A_622 : i32 to index
        %get3A_624 = arith.constant 0 : index
        %get3A_625 = tpu.vector_load %arg7[%get3A_623, %get3A_624] {strides = array<i32>} : memref<256x64xf32, #tpu.memory_space<vmem>>, vector<16xf32>,
        %add3A_626 = arith.addf %get3A_625, %get3A_391 : vector<16xf32>
        tpu.vector_store_idx %arg10[%select_n3A, %select_n3A_155, %get3A_620], %add3A_626 : memref<8x8x129xf32, #tpu.memory_space<vmem>>[vector<16xi32>, vector<16xi32>, vector<16xi32>], vector<16xf32>,
        %add3A_627 = arith.constant 128 : i32
        %add3A_628 = arith.addi %add3A_627, %scan3A_617 : i32
        %get3A_629 = arith.index_cast %add3A_628 : i32 to index
        %get3A_630 = arith.constant 16 : index
        %get3A_631 = tpu.vector_load %arg7[%get3A_629, %get3A_630] {strides = array<i32>} : memref<256x64xf32, #tpu.memory_space<vmem>>, vector<16xf32>,
        %add3A_632 = arith.addf %get3A_631, %get3A_394 : vector<16xf32>
        tpu.vector_store_idx %arg10[%select_n3A_61, %select_n3A_181, %get3A_620], %add3A_632 : memref<8x8x129xf32, #tpu.memory_space<vmem>>[vector<16xi32>, vector<16xi32>, vector<16xi32>], vector<16xf32>,
        %add3A_633 = arith.constant 128 : i32
        %add3A_634 = arith.addi %add3A_633, %scan3A_617 : i32
        %get3A_635 = arith.index_cast %add3A_634 : i32 to index
        %get3A_636 = arith.constant 32 : index
        %get3A_637 = tpu.vector_load %arg7[%get3A_635, %get3A_636] {strides = array<i32>} : memref<256x64xf32, #tpu.memory_space<vmem>>, vector<16xf32>,
        %add3A_638 = arith.addf %get3A_637, %get3A_397 : vector<16xf32>
        tpu.vector_store_idx %arg10[%select_n3A_96, %select_n3A_207, %get3A_620], %add3A_638 : memref<8x8x129xf32, #tpu.memory_space<vmem>>[vector<16xi32>, vector<16xi32>, vector<16xi32>], vector<16xf32>,
        %add3A_639 = arith.constant 128 : i32
        %add3A_640 = arith.addi %add3A_639, %scan3A_617 : i32
        %get3A_641 = arith.index_cast %add3A_640 : i32 to index
        %get3A_642 = arith.constant 48 : index
        %get3A_643 = tpu.vector_load %arg7[%get3A_641, %get3A_642] {strides = array<i32>} : memref<256x64xf32, #tpu.memory_space<vmem>>, vector<16xf32>,
        %add3A_644 = arith.addf %get3A_643, %get3A_400 : vector<16xf32>
        tpu.vector_store_idx %arg10[%select_n3A_131, %select_n3A_233, %get3A_620], %add3A_644 : memref<8x8x129xf32, #tpu.memory_space<vmem>>[vector<16xi32>, vector<16xi32>, vector<16xi32>], vector<16xf32>,
        %scan3A_645 = arith.constant 4 : i32
        %scan3A_646 = arith.addi %scan3A_530, %scan3A_645 : i32
        %get3A_647 = arith.index_cast %scan3A_646 : i32 to index
        %get3A_648 = arith.constant 0 : index
        %get3A_649 = tpu.vector_load %arg13[%get3A_647, %get3A_648] {strides = array<i32>} : memref<128x16xi32, #tpu.memory_space<vmem>>, vector<16xi32>,
        %add3A_650 = arith.constant 128 : i32
        %add3A_651 = arith.addi %add3A_650, %scan3A_646 : i32
        %get3A_652 = arith.index_cast %add3A_651 : i32 to index
        %get3A_653 = arith.constant 0 : index
        %get3A_654 = tpu.vector_load %arg7[%get3A_652, %get3A_653] {strides = array<i32>} : memref<256x64xf32, #tpu.memory_space<vmem>>, vector<16xf32>,
        %add3A_655 = arith.addf %get3A_654, %get3A_391 : vector<16xf32>
        tpu.vector_store_idx %arg10[%select_n3A, %select_n3A_155, %get3A_649], %add3A_655 : memref<8x8x129xf32, #tpu.memory_space<vmem>>[vector<16xi32>, vector<16xi32>, vector<16xi32>], vector<16xf32>,
        %add3A_656 = arith.constant 128 : i32
        %add3A_657 = arith.addi %add3A_656, %scan3A_646 : i32
        %get3A_658 = arith.index_cast %add3A_657 : i32 to index
        %get3A_659 = arith.constant 16 : index
        %get3A_660 = tpu.vector_load %arg7[%get3A_658, %get3A_659] {strides = array<i32>} : memref<256x64xf32, #tpu.memory_space<vmem>>, vector<16xf32>,
        %add3A_661 = arith.addf %get3A_660, %get3A_394 : vector<16xf32>
        tpu.vector_store_idx %arg10[%select_n3A_61, %select_n3A_181, %get3A_649], %add3A_661 : memref<8x8x129xf32, #tpu.memory_space<vmem>>[vector<16xi32>, vector<16xi32>, vector<16xi32>], vector<16xf32>,
        %add3A_662 = arith.constant 128 : i32
        %add3A_663 = arith.addi %add3A_662, %scan3A_646 : i32
        %get3A_664 = arith.index_cast %add3A_663 : i32 to index
        %get3A_665 = arith.constant 32 : index
        %get3A_666 = tpu.vector_load %arg7[%get3A_664, %get3A_665] {strides = array<i32>} : memref<256x64xf32, #tpu.memory_space<vmem>>, vector<16xf32>,
        %add3A_667 = arith.addf %get3A_666, %get3A_397 : vector<16xf32>
        tpu.vector_store_idx %arg10[%select_n3A_96, %select_n3A_207, %get3A_649], %add3A_667 : memref<8x8x129xf32, #tpu.memory_space<vmem>>[vector<16xi32>, vector<16xi32>, vector<16xi32>], vector<16xf32>,
        %add3A_668 = arith.constant 128 : i32
        %add3A_669 = arith.addi %add3A_668, %scan3A_646 : i32
        %get3A_670 = arith.index_cast %add3A_669 : i32 to index
        %get3A_671 = arith.constant 48 : index
        %get3A_672 = tpu.vector_load %arg7[%get3A_670, %get3A_671] {strides = array<i32>} : memref<256x64xf32, #tpu.memory_space<vmem>>, vector<16xf32>,
        %add3A_673 = arith.addf %get3A_672, %get3A_400 : vector<16xf32>
        tpu.vector_store_idx %arg10[%select_n3A_131, %select_n3A_233, %get3A_649], %add3A_673 : memref<8x8x129xf32, #tpu.memory_space<vmem>>[vector<16xi32>, vector<16xi32>, vector<16xi32>], vector<16xf32>,
        %scan3A_674 = arith.constant 5 : i32
        %scan3A_675 = arith.addi %scan3A_530, %scan3A_674 : i32
        %get3A_676 = arith.index_cast %scan3A_675 : i32 to index
        %get3A_677 = arith.constant 0 : index
        %get3A_678 = tpu.vector_load %arg13[%get3A_676, %get3A_677] {strides = array<i32>} : memref<128x16xi32, #tpu.memory_space<vmem>>, vector<16xi32>,
        %add3A_679 = arith.constant 128 : i32
        %add3A_680 = arith.addi %add3A_679, %scan3A_675 : i32
        %get3A_681 = arith.index_cast %add3A_680 : i32 to index
        %get3A_682 = arith.constant 0 : index
        %get3A_683 = tpu.vector_load %arg7[%get3A_681, %get3A_682] {strides = array<i32>} : memref<256x64xf32, #tpu.memory_space<vmem>>, vector<16xf32>,
        %add3A_684 = arith.addf %get3A_683, %get3A_391 : vector<16xf32>
        tpu.vector_store_idx %arg10[%select_n3A, %select_n3A_155, %get3A_678], %add3A_684 : memref<8x8x129xf32, #tpu.memory_space<vmem>>[vector<16xi32>, vector<16xi32>, vector<16xi32>], vector<16xf32>,
        %add3A_685 = arith.constant 128 : i32
        %add3A_686 = arith.addi %add3A_685, %scan3A_675 : i32
        %get3A_687 = arith.index_cast %add3A_686 : i32 to index
        %get3A_688 = arith.constant 16 : index
        %get3A_689 = tpu.vector_load %arg7[%get3A_687, %get3A_688] {strides = array<i32>} : memref<256x64xf32, #tpu.memory_space<vmem>>, vector<16xf32>,
        %add3A_690 = arith.addf %get3A_689, %get3A_394 : vector<16xf32>
        tpu.vector_store_idx %arg10[%select_n3A_61, %select_n3A_181, %get3A_678], %add3A_690 : memref<8x8x129xf32, #tpu.memory_space<vmem>>[vector<16xi32>, vector<16xi32>, vector<16xi32>], vector<16xf32>,
        %add3A_691 = arith.constant 128 : i32
        %add3A_692 = arith.addi %add3A_691, %scan3A_675 : i32
        %get3A_693 = arith.index_cast %add3A_692 : i32 to index
        %get3A_694 = arith.constant 32 : index
        %get3A_695 = tpu.vector_load %arg7[%get3A_693, %get3A_694] {strides = array<i32>} : memref<256x64xf32, #tpu.memory_space<vmem>>, vector<16xf32>,
        %add3A_696 = arith.addf %get3A_695, %get3A_397 : vector<16xf32>
        tpu.vector_store_idx %arg10[%select_n3A_96, %select_n3A_207, %get3A_678], %add3A_696 : memref<8x8x129xf32, #tpu.memory_space<vmem>>[vector<16xi32>, vector<16xi32>, vector<16xi32>], vector<16xf32>,
        %add3A_697 = arith.constant 128 : i32
        %add3A_698 = arith.addi %add3A_697, %scan3A_675 : i32
        %get3A_699 = arith.index_cast %add3A_698 : i32 to index
        %get3A_700 = arith.constant 48 : index
        %get3A_701 = tpu.vector_load %arg7[%get3A_699, %get3A_700] {strides = array<i32>} : memref<256x64xf32, #tpu.memory_space<vmem>>, vector<16xf32>,
        %add3A_702 = arith.addf %get3A_701, %get3A_400 : vector<16xf32>
        tpu.vector_store_idx %arg10[%select_n3A_131, %select_n3A_233, %get3A_678], %add3A_702 : memref<8x8x129xf32, #tpu.memory_space<vmem>>[vector<16xi32>, vector<16xi32>, vector<16xi32>], vector<16xf32>,
        %scan3A_703 = arith.constant 6 : i32
        %scan3A_704 = arith.addi %scan3A_530, %scan3A_703 : i32
        %get3A_705 = arith.index_cast %scan3A_704 : i32 to index
        %get3A_706 = arith.constant 0 : index
        %get3A_707 = tpu.vector_load %arg13[%get3A_705, %get3A_706] {strides = array<i32>} : memref<128x16xi32, #tpu.memory_space<vmem>>, vector<16xi32>,
        %add3A_708 = arith.constant 128 : i32
        %add3A_709 = arith.addi %add3A_708, %scan3A_704 : i32
        %get3A_710 = arith.index_cast %add3A_709 : i32 to index
        %get3A_711 = arith.constant 0 : index
        %get3A_712 = tpu.vector_load %arg7[%get3A_710, %get3A_711] {strides = array<i32>} : memref<256x64xf32, #tpu.memory_space<vmem>>, vector<16xf32>,
        %add3A_713 = arith.addf %get3A_712, %get3A_391 : vector<16xf32>
        tpu.vector_store_idx %arg10[%select_n3A, %select_n3A_155, %get3A_707], %add3A_713 : memref<8x8x129xf32, #tpu.memory_space<vmem>>[vector<16xi32>, vector<16xi32>, vector<16xi32>], vector<16xf32>,
        %add3A_714 = arith.constant 128 : i32
        %add3A_715 = arith.addi %add3A_714, %scan3A_704 : i32
        %get3A_716 = arith.index_cast %add3A_715 : i32 to index
        %get3A_717 = arith.constant 16 : index
        %get3A_718 = tpu.vector_load %arg7[%get3A_716, %get3A_717] {strides = array<i32>} : memref<256x64xf32, #tpu.memory_space<vmem>>, vector<16xf32>,
        %add3A_719 = arith.addf %get3A_718, %get3A_394 : vector<16xf32>
        tpu.vector_store_idx %arg10[%select_n3A_61, %select_n3A_181, %get3A_707], %add3A_719 : memref<8x8x129xf32, #tpu.memory_space<vmem>>[vector<16xi32>, vector<16xi32>, vector<16xi32>], vector<16xf32>,
        %add3A_720 = arith.constant 128 : i32
        %add3A_721 = arith.addi %add3A_720, %scan3A_704 : i32
        %get3A_722 = arith.index_cast %add3A_721 : i32 to index
        %get3A_723 = arith.constant 32 : index
        %get3A_724 = tpu.vector_load %arg7[%get3A_722, %get3A_723] {strides = array<i32>} : memref<256x64xf32, #tpu.memory_space<vmem>>, vector<16xf32>,
        %add3A_725 = arith.addf %get3A_724, %get3A_397 : vector<16xf32>
        tpu.vector_store_idx %arg10[%select_n3A_96, %select_n3A_207, %get3A_707], %add3A_725 : memref<8x8x129xf32, #tpu.memory_space<vmem>>[vector<16xi32>, vector<16xi32>, vector<16xi32>], vector<16xf32>,
        %add3A_726 = arith.constant 128 : i32
        %add3A_727 = arith.addi %add3A_726, %scan3A_704 : i32
        %get3A_728 = arith.index_cast %add3A_727 : i32 to index
        %get3A_729 = arith.constant 48 : index
        %get3A_730 = tpu.vector_load %arg7[%get3A_728, %get3A_729] {strides = array<i32>} : memref<256x64xf32, #tpu.memory_space<vmem>>, vector<16xf32>,
        %add3A_731 = arith.addf %get3A_730, %get3A_400 : vector<16xf32>
        tpu.vector_store_idx %arg10[%select_n3A_131, %select_n3A_233, %get3A_707], %add3A_731 : memref<8x8x129xf32, #tpu.memory_space<vmem>>[vector<16xi32>, vector<16xi32>, vector<16xi32>], vector<16xf32>,
        %scan3A_732 = arith.constant 7 : i32
        %scan3A_733 = arith.addi %scan3A_530, %scan3A_732 : i32
        %get3A_734 = arith.index_cast %scan3A_733 : i32 to index
        %get3A_735 = arith.constant 0 : index
        %get3A_736 = tpu.vector_load %arg13[%get3A_734, %get3A_735] {strides = array<i32>} : memref<128x16xi32, #tpu.memory_space<vmem>>, vector<16xi32>,
        %add3A_737 = arith.constant 128 : i32
        %add3A_738 = arith.addi %add3A_737, %scan3A_733 : i32
        %get3A_739 = arith.index_cast %add3A_738 : i32 to index
        %get3A_740 = arith.constant 0 : index
        %get3A_741 = tpu.vector_load %arg7[%get3A_739, %get3A_740] {strides = array<i32>} : memref<256x64xf32, #tpu.memory_space<vmem>>, vector<16xf32>,
        %add3A_742 = arith.addf %get3A_741, %get3A_391 : vector<16xf32>
        tpu.vector_store_idx %arg10[%select_n3A, %select_n3A_155, %get3A_736], %add3A_742 : memref<8x8x129xf32, #tpu.memory_space<vmem>>[vector<16xi32>, vector<16xi32>, vector<16xi32>], vector<16xf32>,
        %add3A_743 = arith.constant 128 : i32
        %add3A_744 = arith.addi %add3A_743, %scan3A_733 : i32
        %get3A_745 = arith.index_cast %add3A_744 : i32 to index
        %get3A_746 = arith.constant 16 : index
        %get3A_747 = tpu.vector_load %arg7[%get3A_745, %get3A_746] {strides = array<i32>} : memref<256x64xf32, #tpu.memory_space<vmem>>, vector<16xf32>,
        %add3A_748 = arith.addf %get3A_747, %get3A_394 : vector<16xf32>
        tpu.vector_store_idx %arg10[%select_n3A_61, %select_n3A_181, %get3A_736], %add3A_748 : memref<8x8x129xf32, #tpu.memory_space<vmem>>[vector<16xi32>, vector<16xi32>, vector<16xi32>], vector<16xf32>,
        %add3A_749 = arith.constant 128 : i32
        %add3A_750 = arith.addi %add3A_749, %scan3A_733 : i32
        %get3A_751 = arith.index_cast %add3A_750 : i32 to index
        %get3A_752 = arith.constant 32 : index
        %get3A_753 = tpu.vector_load %arg7[%get3A_751, %get3A_752] {strides = array<i32>} : memref<256x64xf32, #tpu.memory_space<vmem>>, vector<16xf32>,
        %add3A_754 = arith.addf %get3A_753, %get3A_397 : vector<16xf32>
        tpu.vector_store_idx %arg10[%select_n3A_96, %select_n3A_207, %get3A_736], %add3A_754 : memref<8x8x129xf32, #tpu.memory_space<vmem>>[vector<16xi32>, vector<16xi32>, vector<16xi32>], vector<16xf32>,
        %add3A_755 = arith.constant 128 : i32
        %add3A_756 = arith.addi %add3A_755, %scan3A_733 : i32
        %get3A_757 = arith.index_cast %add3A_756 : i32 to index
        %get3A_758 = arith.constant 48 : index
        %get3A_759 = tpu.vector_load %arg7[%get3A_757, %get3A_758] {strides = array<i32>} : memref<256x64xf32, #tpu.memory_space<vmem>>, vector<16xf32>,
        %add3A_760 = arith.addf %get3A_759, %get3A_400 : vector<16xf32>
        tpu.vector_store_idx %arg10[%select_n3A_131, %select_n3A_233, %get3A_736], %add3A_760 : memref<8x8x129xf32, #tpu.memory_space<vmem>>[vector<16xi32>, vector<16xi32>, vector<16xi32>], vector<16xf32>,
        %scan3A_761 = arith.constant 8 : i32
        %scan3A_762 = arith.addi %scan3A_530, %scan3A_761 : i32
        %get3A_763 = arith.index_cast %scan3A_762 : i32 to index
        %get3A_764 = arith.constant 0 : index
        %get3A_765 = tpu.vector_load %arg13[%get3A_763, %get3A_764] {strides = array<i32>} : memref<128x16xi32, #tpu.memory_space<vmem>>, vector<16xi32>,
        %add3A_766 = arith.constant 128 : i32
        %add3A_767 = arith.addi %add3A_766, %scan3A_762 : i32
        %get3A_768 = arith.index_cast %add3A_767 : i32 to index
        %get3A_769 = arith.constant 0 : index
        %get3A_770 = tpu.vector_load %arg7[%get3A_768, %get3A_769] {strides = array<i32>} : memref<256x64xf32, #tpu.memory_space<vmem>>, vector<16xf32>,
        %add3A_771 = arith.addf %get3A_770, %get3A_391 : vector<16xf32>
        tpu.vector_store_idx %arg10[%select_n3A, %select_n3A_155, %get3A_765], %add3A_771 : memref<8x8x129xf32, #tpu.memory_space<vmem>>[vector<16xi32>, vector<16xi32>, vector<16xi32>], vector<16xf32>,
        %add3A_772 = arith.constant 128 : i32
        %add3A_773 = arith.addi %add3A_772, %scan3A_762 : i32
        %get3A_774 = arith.index_cast %add3A_773 : i32 to index
        %get3A_775 = arith.constant 16 : index
        %get3A_776 = tpu.vector_load %arg7[%get3A_774, %get3A_775] {strides = array<i32>} : memref<256x64xf32, #tpu.memory_space<vmem>>, vector<16xf32>,
        %add3A_777 = arith.addf %get3A_776, %get3A_394 : vector<16xf32>
        tpu.vector_store_idx %arg10[%select_n3A_61, %select_n3A_181, %get3A_765], %add3A_777 : memref<8x8x129xf32, #tpu.memory_space<vmem>>[vector<16xi32>, vector<16xi32>, vector<16xi32>], vector<16xf32>,
        %add3A_778 = arith.constant 128 : i32
        %add3A_779 = arith.addi %add3A_778, %scan3A_762 : i32
        %get3A_780 = arith.index_cast %add3A_779 : i32 to index
        %get3A_781 = arith.constant 32 : index
        %get3A_782 = tpu.vector_load %arg7[%get3A_780, %get3A_781] {strides = array<i32>} : memref<256x64xf32, #tpu.memory_space<vmem>>, vector<16xf32>,
        %add3A_783 = arith.addf %get3A_782, %get3A_397 : vector<16xf32>
        tpu.vector_store_idx %arg10[%select_n3A_96, %select_n3A_207, %get3A_765], %add3A_783 : memref<8x8x129xf32, #tpu.memory_space<vmem>>[vector<16xi32>, vector<16xi32>, vector<16xi32>], vector<16xf32>,
        %add3A_784 = arith.constant 128 : i32
        %add3A_785 = arith.addi %add3A_784, %scan3A_762 : i32
        %get3A_786 = arith.index_cast %add3A_785 : i32 to index
        %get3A_787 = arith.constant 48 : index
        %get3A_788 = tpu.vector_load %arg7[%get3A_786, %get3A_787] {strides = array<i32>} : memref<256x64xf32, #tpu.memory_space<vmem>>, vector<16xf32>,
        %add3A_789 = arith.addf %get3A_788, %get3A_400 : vector<16xf32>
        tpu.vector_store_idx %arg10[%select_n3A_131, %select_n3A_233, %get3A_765], %add3A_789 : memref<8x8x129xf32, #tpu.memory_space<vmem>>[vector<16xi32>, vector<16xi32>, vector<16xi32>], vector<16xf32>,
        %scan3A_790 = arith.constant 9 : i32
        %scan3A_791 = arith.addi %scan3A_530, %scan3A_790 : i32
        %get3A_792 = arith.index_cast %scan3A_791 : i32 to index
        %get3A_793 = arith.constant 0 : index
        %get3A_794 = tpu.vector_load %arg13[%get3A_792, %get3A_793] {strides = array<i32>} : memref<128x16xi32, #tpu.memory_space<vmem>>, vector<16xi32>,
        %add3A_795 = arith.constant 128 : i32
        %add3A_796 = arith.addi %add3A_795, %scan3A_791 : i32
        %get3A_797 = arith.index_cast %add3A_796 : i32 to index
        %get3A_798 = arith.constant 0 : index
        %get3A_799 = tpu.vector_load %arg7[%get3A_797, %get3A_798] {strides = array<i32>} : memref<256x64xf32, #tpu.memory_space<vmem>>, vector<16xf32>,
        %add3A_800 = arith.addf %get3A_799, %get3A_391 : vector<16xf32>
        tpu.vector_store_idx %arg10[%select_n3A, %select_n3A_155, %get3A_794], %add3A_800 : memref<8x8x129xf32, #tpu.memory_space<vmem>>[vector<16xi32>, vector<16xi32>, vector<16xi32>], vector<16xf32>,
        %add3A_801 = arith.constant 128 : i32
        %add3A_802 = arith.addi %add3A_801, %scan3A_791 : i32
        %get3A_803 = arith.index_cast %add3A_802 : i32 to index
        %get3A_804 = arith.constant 16 : index
        %get3A_805 = tpu.vector_load %arg7[%get3A_803, %get3A_804] {strides = array<i32>} : memref<256x64xf32, #tpu.memory_space<vmem>>, vector<16xf32>,
        %add3A_806 = arith.addf %get3A_805, %get3A_394 : vector<16xf32>
        tpu.vector_store_idx %arg10[%select_n3A_61, %select_n3A_181, %get3A_794], %add3A_806 : memref<8x8x129xf32, #tpu.memory_space<vmem>>[vector<16xi32>, vector<16xi32>, vector<16xi32>], vector<16xf32>,
        %add3A_807 = arith.constant 128 : i32
        %add3A_808 = arith.addi %add3A_807, %scan3A_791 : i32
        %get3A_809 = arith.index_cast %add3A_808 : i32 to index
        %get3A_810 = arith.constant 32 : index
        %get3A_811 = tpu.vector_load %arg7[%get3A_809, %get3A_810] {strides = array<i32>} : memref<256x64xf32, #tpu.memory_space<vmem>>, vector<16xf32>,
        %add3A_812 = arith.addf %get3A_811, %get3A_397 : vector<16xf32>
        tpu.vector_store_idx %arg10[%select_n3A_96, %select_n3A_207, %get3A_794], %add3A_812 : memref<8x8x129xf32, #tpu.memory_space<vmem>>[vector<16xi32>, vector<16xi32>, vector<16xi32>], vector<16xf32>,
        %add3A_813 = arith.constant 128 : i32
        %add3A_814 = arith.addi %add3A_813, %scan3A_791 : i32
        %get3A_815 = arith.index_cast %add3A_814 : i32 to index
        %get3A_816 = arith.constant 48 : index
        %get3A_817 = tpu.vector_load %arg7[%get3A_815, %get3A_816] {strides = array<i32>} : memref<256x64xf32, #tpu.memory_space<vmem>>, vector<16xf32>,
        %add3A_818 = arith.addf %get3A_817, %get3A_400 : vector<16xf32>
        tpu.vector_store_idx %arg10[%select_n3A_131, %select_n3A_233, %get3A_794], %add3A_818 : memref<8x8x129xf32, #tpu.memory_space<vmem>>[vector<16xi32>, vector<16xi32>, vector<16xi32>], vector<16xf32>,
        %scan3A_819 = arith.constant 10 : i32
        %scan3A_820 = arith.addi %scan3A_530, %scan3A_819 : i32
        %get3A_821 = arith.index_cast %scan3A_820 : i32 to index
        %get3A_822 = arith.constant 0 : index
        %get3A_823 = tpu.vector_load %arg13[%get3A_821, %get3A_822] {strides = array<i32>} : memref<128x16xi32, #tpu.memory_space<vmem>>, vector<16xi32>,
        %add3A_824 = arith.constant 128 : i32
        %add3A_825 = arith.addi %add3A_824, %scan3A_820 : i32
        %get3A_826 = arith.index_cast %add3A_825 : i32 to index
        %get3A_827 = arith.constant 0 : index
        %get3A_828 = tpu.vector_load %arg7[%get3A_826, %get3A_827] {strides = array<i32>} : memref<256x64xf32, #tpu.memory_space<vmem>>, vector<16xf32>,
        %add3A_829 = arith.addf %get3A_828, %get3A_391 : vector<16xf32>
        tpu.vector_store_idx %arg10[%select_n3A, %select_n3A_155, %get3A_823], %add3A_829 : memref<8x8x129xf32, #tpu.memory_space<vmem>>[vector<16xi32>, vector<16xi32>, vector<16xi32>], vector<16xf32>,
        %add3A_830 = arith.constant 128 : i32
        %add3A_831 = arith.addi %add3A_830, %scan3A_820 : i32
        %get3A_832 = arith.index_cast %add3A_831 : i32 to index
        %get3A_833 = arith.constant 16 : index
        %get3A_834 = tpu.vector_load %arg7[%get3A_832, %get3A_833] {strides = array<i32>} : memref<256x64xf32, #tpu.memory_space<vmem>>, vector<16xf32>,
        %add3A_835 = arith.addf %get3A_834, %get3A_394 : vector<16xf32>
        tpu.vector_store_idx %arg10[%select_n3A_61, %select_n3A_181, %get3A_823], %add3A_835 : memref<8x8x129xf32, #tpu.memory_space<vmem>>[vector<16xi32>, vector<16xi32>, vector<16xi32>], vector<16xf32>,
        %add3A_836 = arith.constant 128 : i32
        %add3A_837 = arith.addi %add3A_836, %scan3A_820 : i32
        %get3A_838 = arith.index_cast %add3A_837 : i32 to index
        %get3A_839 = arith.constant 32 : index
        %get3A_840 = tpu.vector_load %arg7[%get3A_838, %get3A_839] {strides = array<i32>} : memref<256x64xf32, #tpu.memory_space<vmem>>, vector<16xf32>,
        %add3A_841 = arith.addf %get3A_840, %get3A_397 : vector<16xf32>
        tpu.vector_store_idx %arg10[%select_n3A_96, %select_n3A_207, %get3A_823], %add3A_841 : memref<8x8x129xf32, #tpu.memory_space<vmem>>[vector<16xi32>, vector<16xi32>, vector<16xi32>], vector<16xf32>,
        %add3A_842 = arith.constant 128 : i32
        %add3A_843 = arith.addi %add3A_842, %scan3A_820 : i32
        %get3A_844 = arith.index_cast %add3A_843 : i32 to index
        %get3A_845 = arith.constant 48 : index
        %get3A_846 = tpu.vector_load %arg7[%get3A_844, %get3A_845] {strides = array<i32>} : memref<256x64xf32, #tpu.memory_space<vmem>>, vector<16xf32>,
        %add3A_847 = arith.addf %get3A_846, %get3A_400 : vector<16xf32>
        tpu.vector_store_idx %arg10[%select_n3A_131, %select_n3A_233, %get3A_823], %add3A_847 : memref<8x8x129xf32, #tpu.memory_space<vmem>>[vector<16xi32>, vector<16xi32>, vector<16xi32>], vector<16xf32>,
        %scan3A_848 = arith.constant 11 : i32
        %scan3A_849 = arith.addi %scan3A_530, %scan3A_848 : i32
        %get3A_850 = arith.index_cast %scan3A_849 : i32 to index
        %get3A_851 = arith.constant 0 : index
        %get3A_852 = tpu.vector_load %arg13[%get3A_850, %get3A_851] {strides = array<i32>} : memref<128x16xi32, #tpu.memory_space<vmem>>, vector<16xi32>,
        %add3A_853 = arith.constant 128 : i32
        %add3A_854 = arith.addi %add3A_853, %scan3A_849 : i32
        %get3A_855 = arith.index_cast %add3A_854 : i32 to index
        %get3A_856 = arith.constant 0 : index
        %get3A_857 = tpu.vector_load %arg7[%get3A_855, %get3A_856] {strides = array<i32>} : memref<256x64xf32, #tpu.memory_space<vmem>>, vector<16xf32>,
        %add3A_858 = arith.addf %get3A_857, %get3A_391 : vector<16xf32>
        tpu.vector_store_idx %arg10[%select_n3A, %select_n3A_155, %get3A_852], %add3A_858 : memref<8x8x129xf32, #tpu.memory_space<vmem>>[vector<16xi32>, vector<16xi32>, vector<16xi32>], vector<16xf32>,
        %add3A_859 = arith.constant 128 : i32
        %add3A_860 = arith.addi %add3A_859, %scan3A_849 : i32
        %get3A_861 = arith.index_cast %add3A_860 : i32 to index
        %get3A_862 = arith.constant 16 : index
        %get3A_863 = tpu.vector_load %arg7[%get3A_861, %get3A_862] {strides = array<i32>} : memref<256x64xf32, #tpu.memory_space<vmem>>, vector<16xf32>,
        %add3A_864 = arith.addf %get3A_863, %get3A_394 : vector<16xf32>
        tpu.vector_store_idx %arg10[%select_n3A_61, %select_n3A_181, %get3A_852], %add3A_864 : memref<8x8x129xf32, #tpu.memory_space<vmem>>[vector<16xi32>, vector<16xi32>, vector<16xi32>], vector<16xf32>,
        %add3A_865 = arith.constant 128 : i32
        %add3A_866 = arith.addi %add3A_865, %scan3A_849 : i32
        %get3A_867 = arith.index_cast %add3A_866 : i32 to index
        %get3A_868 = arith.constant 32 : index
        %get3A_869 = tpu.vector_load %arg7[%get3A_867, %get3A_868] {strides = array<i32>} : memref<256x64xf32, #tpu.memory_space<vmem>>, vector<16xf32>,
        %add3A_870 = arith.addf %get3A_869, %get3A_397 : vector<16xf32>
        tpu.vector_store_idx %arg10[%select_n3A_96, %select_n3A_207, %get3A_852], %add3A_870 : memref<8x8x129xf32, #tpu.memory_space<vmem>>[vector<16xi32>, vector<16xi32>, vector<16xi32>], vector<16xf32>,
        %add3A_871 = arith.constant 128 : i32
        %add3A_872 = arith.addi %add3A_871, %scan3A_849 : i32
        %get3A_873 = arith.index_cast %add3A_872 : i32 to index
        %get3A_874 = arith.constant 48 : index
        %get3A_875 = tpu.vector_load %arg7[%get3A_873, %get3A_874] {strides = array<i32>} : memref<256x64xf32, #tpu.memory_space<vmem>>, vector<16xf32>,
        %add3A_876 = arith.addf %get3A_875, %get3A_400 : vector<16xf32>
        tpu.vector_store_idx %arg10[%select_n3A_131, %select_n3A_233, %get3A_852], %add3A_876 : memref<8x8x129xf32, #tpu.memory_space<vmem>>[vector<16xi32>, vector<16xi32>, vector<16xi32>], vector<16xf32>,
        %scan3A_877 = arith.constant 12 : i32
        %scan3A_878 = arith.addi %scan3A_530, %scan3A_877 : i32
        %get3A_879 = arith.index_cast %scan3A_878 : i32 to index
        %get3A_880 = arith.constant 0 : index
        %get3A_881 = tpu.vector_load %arg13[%get3A_879, %get3A_880] {strides = array<i32>} : memref<128x16xi32, #tpu.memory_space<vmem>>, vector<16xi32>,
        %add3A_882 = arith.constant 128 : i32
        %add3A_883 = arith.addi %add3A_882, %scan3A_878 : i32
        %get3A_884 = arith.index_cast %add3A_883 : i32 to index
        %get3A_885 = arith.constant 0 : index
        %get3A_886 = tpu.vector_load %arg7[%get3A_884, %get3A_885] {strides = array<i32>} : memref<256x64xf32, #tpu.memory_space<vmem>>, vector<16xf32>,
        %add3A_887 = arith.addf %get3A_886, %get3A_391 : vector<16xf32>
        tpu.vector_store_idx %arg10[%select_n3A, %select_n3A_155, %get3A_881], %add3A_887 : memref<8x8x129xf32, #tpu.memory_space<vmem>>[vector<16xi32>, vector<16xi32>, vector<16xi32>], vector<16xf32>,
        %add3A_888 = arith.constant 128 : i32
        %add3A_889 = arith.addi %add3A_888, %scan3A_878 : i32
        %get3A_890 = arith.index_cast %add3A_889 : i32 to index
        %get3A_891 = arith.constant 16 : index
        %get3A_892 = tpu.vector_load %arg7[%get3A_890, %get3A_891] {strides = array<i32>} : memref<256x64xf32, #tpu.memory_space<vmem>>, vector<16xf32>,
        %add3A_893 = arith.addf %get3A_892, %get3A_394 : vector<16xf32>
        tpu.vector_store_idx %arg10[%select_n3A_61, %select_n3A_181, %get3A_881], %add3A_893 : memref<8x8x129xf32, #tpu.memory_space<vmem>>[vector<16xi32>, vector<16xi32>, vector<16xi32>], vector<16xf32>,
        %add3A_894 = arith.constant 128 : i32
        %add3A_895 = arith.addi %add3A_894, %scan3A_878 : i32
        %get3A_896 = arith.index_cast %add3A_895 : i32 to index
        %get3A_897 = arith.constant 32 : index
        %get3A_898 = tpu.vector_load %arg7[%get3A_896, %get3A_897] {strides = array<i32>} : memref<256x64xf32, #tpu.memory_space<vmem>>, vector<16xf32>,
        %add3A_899 = arith.addf %get3A_898, %get3A_397 : vector<16xf32>
        tpu.vector_store_idx %arg10[%select_n3A_96, %select_n3A_207, %get3A_881], %add3A_899 : memref<8x8x129xf32, #tpu.memory_space<vmem>>[vector<16xi32>, vector<16xi32>, vector<16xi32>], vector<16xf32>,
        %add3A_900 = arith.constant 128 : i32
        %add3A_901 = arith.addi %add3A_900, %scan3A_878 : i32
        %get3A_902 = arith.index_cast %add3A_901 : i32 to index
        %get3A_903 = arith.constant 48 : index
        %get3A_904 = tpu.vector_load %arg7[%get3A_902, %get3A_903] {strides = array<i32>} : memref<256x64xf32, #tpu.memory_space<vmem>>, vector<16xf32>,
        %add3A_905 = arith.addf %get3A_904, %get3A_400 : vector<16xf32>
        tpu.vector_store_idx %arg10[%select_n3A_131, %select_n3A_233, %get3A_881], %add3A_905 : memref<8x8x129xf32, #tpu.memory_space<vmem>>[vector<16xi32>, vector<16xi32>, vector<16xi32>], vector<16xf32>,
        %scan3A_906 = arith.constant 13 : i32
        %scan3A_907 = arith.addi %scan3A_530, %scan3A_906 : i32
        %get3A_908 = arith.index_cast %scan3A_907 : i32 to index
        %get3A_909 = arith.constant 0 : index
        %get3A_910 = tpu.vector_load %arg13[%get3A_908, %get3A_909] {strides = array<i32>} : memref<128x16xi32, #tpu.memory_space<vmem>>, vector<16xi32>,
        %add3A_911 = arith.constant 128 : i32
        %add3A_912 = arith.addi %add3A_911, %scan3A_907 : i32
        %get3A_913 = arith.index_cast %add3A_912 : i32 to index
        %get3A_914 = arith.constant 0 : index
        %get3A_915 = tpu.vector_load %arg7[%get3A_913, %get3A_914] {strides = array<i32>} : memref<256x64xf32, #tpu.memory_space<vmem>>, vector<16xf32>,
        %add3A_916 = arith.addf %get3A_915, %get3A_391 : vector<16xf32>
        tpu.vector_store_idx %arg10[%select_n3A, %select_n3A_155, %get3A_910], %add3A_916 : memref<8x8x129xf32, #tpu.memory_space<vmem>>[vector<16xi32>, vector<16xi32>, vector<16xi32>], vector<16xf32>,
        %add3A_917 = arith.constant 128 : i32
        %add3A_918 = arith.addi %add3A_917, %scan3A_907 : i32
        %get3A_919 = arith.index_cast %add3A_918 : i32 to index
        %get3A_920 = arith.constant 16 : index
        %get3A_921 = tpu.vector_load %arg7[%get3A_919, %get3A_920] {strides = array<i32>} : memref<256x64xf32, #tpu.memory_space<vmem>>, vector<16xf32>,
        %add3A_922 = arith.addf %get3A_921, %get3A_394 : vector<16xf32>
        tpu.vector_store_idx %arg10[%select_n3A_61, %select_n3A_181, %get3A_910], %add3A_922 : memref<8x8x129xf32, #tpu.memory_space<vmem>>[vector<16xi32>, vector<16xi32>, vector<16xi32>], vector<16xf32>,
        %add3A_923 = arith.constant 128 : i32
        %add3A_924 = arith.addi %add3A_923, %scan3A_907 : i32
        %get3A_925 = arith.index_cast %add3A_924 : i32 to index
        %get3A_926 = arith.constant 32 : index
        %get3A_927 = tpu.vector_load %arg7[%get3A_925, %get3A_926] {strides = array<i32>} : memref<256x64xf32, #tpu.memory_space<vmem>>, vector<16xf32>,
        %add3A_928 = arith.addf %get3A_927, %get3A_397 : vector<16xf32>
        tpu.vector_store_idx %arg10[%select_n3A_96, %select_n3A_207, %get3A_910], %add3A_928 : memref<8x8x129xf32, #tpu.memory_space<vmem>>[vector<16xi32>, vector<16xi32>, vector<16xi32>], vector<16xf32>,
        %add3A_929 = arith.constant 128 : i32
        %add3A_930 = arith.addi %add3A_929, %scan3A_907 : i32
        %get3A_931 = arith.index_cast %add3A_930 : i32 to index
        %get3A_932 = arith.constant 48 : index
        %get3A_933 = tpu.vector_load %arg7[%get3A_931, %get3A_932] {strides = array<i32>} : memref<256x64xf32, #tpu.memory_space<vmem>>, vector<16xf32>,
        %add3A_934 = arith.addf %get3A_933, %get3A_400 : vector<16xf32>
        tpu.vector_store_idx %arg10[%select_n3A_131, %select_n3A_233, %get3A_910], %add3A_934 : memref<8x8x129xf32, #tpu.memory_space<vmem>>[vector<16xi32>, vector<16xi32>, vector<16xi32>], vector<16xf32>,
        %scan3A_935 = arith.constant 14 : i32
        %scan3A_936 = arith.addi %scan3A_530, %scan3A_935 : i32
        %get3A_937 = arith.index_cast %scan3A_936 : i32 to index
        %get3A_938 = arith.constant 0 : index
        %get3A_939 = tpu.vector_load %arg13[%get3A_937, %get3A_938] {strides = array<i32>} : memref<128x16xi32, #tpu.memory_space<vmem>>, vector<16xi32>,
        %add3A_940 = arith.constant 128 : i32
        %add3A_941 = arith.addi %add3A_940, %scan3A_936 : i32
        %get3A_942 = arith.index_cast %add3A_941 : i32 to index
        %get3A_943 = arith.constant 0 : index
        %get3A_944 = tpu.vector_load %arg7[%get3A_942, %get3A_943] {strides = array<i32>} : memref<256x64xf32, #tpu.memory_space<vmem>>, vector<16xf32>,
        %add3A_945 = arith.addf %get3A_944, %get3A_391 : vector<16xf32>
        tpu.vector_store_idx %arg10[%select_n3A, %select_n3A_155, %get3A_939], %add3A_945 : memref<8x8x129xf32, #tpu.memory_space<vmem>>[vector<16xi32>, vector<16xi32>, vector<16xi32>], vector<16xf32>,
        %add3A_946 = arith.constant 128 : i32
        %add3A_947 = arith.addi %add3A_946, %scan3A_936 : i32
        %get3A_948 = arith.index_cast %add3A_947 : i32 to index
        %get3A_949 = arith.constant 16 : index
        %get3A_950 = tpu.vector_load %arg7[%get3A_948, %get3A_949] {strides = array<i32>} : memref<256x64xf32, #tpu.memory_space<vmem>>, vector<16xf32>,
        %add3A_951 = arith.addf %get3A_950, %get3A_394 : vector<16xf32>
        tpu.vector_store_idx %arg10[%select_n3A_61, %select_n3A_181, %get3A_939], %add3A_951 : memref<8x8x129xf32, #tpu.memory_space<vmem>>[vector<16xi32>, vector<16xi32>, vector<16xi32>], vector<16xf32>,
        %add3A_952 = arith.constant 128 : i32
        %add3A_953 = arith.addi %add3A_952, %scan3A_936 : i32
        %get3A_954 = arith.index_cast %add3A_953 : i32 to index
        %get3A_955 = arith.constant 32 : index
        %get3A_956 = tpu.vector_load %arg7[%get3A_954, %get3A_955] {strides = array<i32>} : memref<256x64xf32, #tpu.memory_space<vmem>>, vector<16xf32>,
        %add3A_957 = arith.addf %get3A_956, %get3A_397 : vector<16xf32>
        tpu.vector_store_idx %arg10[%select_n3A_96, %select_n3A_207, %get3A_939], %add3A_957 : memref<8x8x129xf32, #tpu.memory_space<vmem>>[vector<16xi32>, vector<16xi32>, vector<16xi32>], vector<16xf32>,
        %add3A_958 = arith.constant 128 : i32
        %add3A_959 = arith.addi %add3A_958, %scan3A_936 : i32
        %get3A_960 = arith.index_cast %add3A_959 : i32 to index
        %get3A_961 = arith.constant 48 : index
        %get3A_962 = tpu.vector_load %arg7[%get3A_960, %get3A_961] {strides = array<i32>} : memref<256x64xf32, #tpu.memory_space<vmem>>, vector<16xf32>,
        %add3A_963 = arith.addf %get3A_962, %get3A_400 : vector<16xf32>
        tpu.vector_store_idx %arg10[%select_n3A_131, %select_n3A_233, %get3A_939], %add3A_963 : memref<8x8x129xf32, #tpu.memory_space<vmem>>[vector<16xi32>, vector<16xi32>, vector<16xi32>], vector<16xf32>,
        %scan3A_964 = arith.constant 15 : i32
        %scan3A_965 = arith.addi %scan3A_530, %scan3A_964 : i32
        %get3A_966 = arith.index_cast %scan3A_965 : i32 to index
        %get3A_967 = arith.constant 0 : index
        %get3A_968 = tpu.vector_load %arg13[%get3A_966, %get3A_967] {strides = array<i32>} : memref<128x16xi32, #tpu.memory_space<vmem>>, vector<16xi32>,
        %add3A_969 = arith.constant 128 : i32
        %add3A_970 = arith.addi %add3A_969, %scan3A_965 : i32
        %get3A_971 = arith.index_cast %add3A_970 : i32 to index
        %get3A_972 = arith.constant 0 : index
        %get3A_973 = tpu.vector_load %arg7[%get3A_971, %get3A_972] {strides = array<i32>} : memref<256x64xf32, #tpu.memory_space<vmem>>, vector<16xf32>,
        %add3A_974 = arith.addf %get3A_973, %get3A_391 : vector<16xf32>
        tpu.vector_store_idx %arg10[%select_n3A, %select_n3A_155, %get3A_968], %add3A_974 : memref<8x8x129xf32, #tpu.memory_space<vmem>>[vector<16xi32>, vector<16xi32>, vector<16xi32>], vector<16xf32>,
        %add3A_975 = arith.constant 128 : i32
        %add3A_976 = arith.addi %add3A_975, %scan3A_965 : i32
        %get3A_977 = arith.index_cast %add3A_976 : i32 to index
        %get3A_978 = arith.constant 16 : index
        %get3A_979 = tpu.vector_load %arg7[%get3A_977, %get3A_978] {strides = array<i32>} : memref<256x64xf32, #tpu.memory_space<vmem>>, vector<16xf32>,
        %add3A_980 = arith.addf %get3A_979, %get3A_394 : vector<16xf32>
        tpu.vector_store_idx %arg10[%select_n3A_61, %select_n3A_181, %get3A_968], %add3A_980 : memref<8x8x129xf32, #tpu.memory_space<vmem>>[vector<16xi32>, vector<16xi32>, vector<16xi32>], vector<16xf32>,
        %add3A_981 = arith.constant 128 : i32
        %add3A_982 = arith.addi %add3A_981, %scan3A_965 : i32
        %get3A_983 = arith.index_cast %add3A_982 : i32 to index
        %get3A_984 = arith.constant 32 : index
        %get3A_985 = tpu.vector_load %arg7[%get3A_983, %get3A_984] {strides = array<i32>} : memref<256x64xf32, #tpu.memory_space<vmem>>, vector<16xf32>,
        %add3A_986 = arith.addf %get3A_985, %get3A_397 : vector<16xf32>
        tpu.vector_store_idx %arg10[%select_n3A_96, %select_n3A_207, %get3A_968], %add3A_986 : memref<8x8x129xf32, #tpu.memory_space<vmem>>[vector<16xi32>, vector<16xi32>, vector<16xi32>], vector<16xf32>,
        %add3A_987 = arith.constant 128 : i32
        %add3A_988 = arith.addi %add3A_987, %scan3A_965 : i32
        %get3A_989 = arith.index_cast %add3A_988 : i32 to index
        %get3A_990 = arith.constant 48 : index
        %get3A_991 = tpu.vector_load %arg7[%get3A_989, %get3A_990] {strides = array<i32>} : memref<256x64xf32, #tpu.memory_space<vmem>>, vector<16xf32>,
        %add3A_992 = arith.addf %get3A_991, %get3A_400 : vector<16xf32>
        tpu.vector_store_idx %arg10[%select_n3A_131, %select_n3A_233, %get3A_968], %add3A_992 : memref<8x8x129xf32, #tpu.memory_space<vmem>>[vector<16xi32>, vector<16xi32>, vector<16xi32>], vector<16xf32>,
      }
      %scan3A_406 = arith.constant 128 : i32
      %dma_start3A_407 = arith.constant 0 : i32
      %dma_start3A_408 = arith.constant 0 : i32
      %dma_start3A_409 = arith.constant 0 : i32
      %dma_start3A_410 = tpu.memref_slice %arg10[%dma_start3A_407, %dma_start3A_408, %dma_start3A_409] : memref<8x8x129xf32, #tpu.memory_space<vmem>> -> memref<8x8x128xf32, #tpu.memory_space<vmem>>
      %dma_start3A_411 = arith.constant 0 : i32
      %dma_start3A_412 = arith.constant 0 : i32
      %dma_start3A_413 = arith.constant 0 : i32
      %dma_start3A_414 = tpu.memref_slice %arg5[%add3A_388, %dma_start3A_411, %add3A, %dma_start3A_412, %dma_start3A_413] : memref<200x8x32x8x128xf32, #tpu.memory_space<hbm>> -> memref<1x8x1x8x128xf32, #tpu.memory_space<hbm>>
      %dma_start3A_415 = tpu.memref_squeeze %dma_start3A_414 : memref<1x8x1x8x128xf32, #tpu.memory_space<hbm>> -> memref<8x8x128xf32, #tpu.memory_space<hbm>>
      %dma_start3A_416 = arith.constant 0 : i32
      %dma_start3A_417 = arith.constant 0 : i32
      %dma_start3A_418 = arith.constant 0 : i32
      %dma_start3A_419 = tpu.memref_slice %arg5[%add3A_388, %dma_start3A_416, %add3A, %dma_start3A_417, %dma_start3A_418] : memref<200x8x32x8x128xf32, #tpu.memory_space<hbm>> -> memref<1x8x1x8x128xf32, #tpu.memory_space<hbm>>
      %dma_start3A_420 = tpu.memref_squeeze %dma_start3A_419 : memref<1x8x1x8x128xf32, #tpu.memory_space<hbm>> -> memref<8x8x128xf32, #tpu.memory_space<hbm>>
      %dma_start3A_421 = arith.constant 0 : i32
      %dma_start3A_422 = arith.constant 0 : i32
      %dma_start3A_423 = arith.constant 0 : i32
      %dma_start3A_424 = tpu.memref_slice %arg10[%dma_start3A_421, %dma_start3A_422, %dma_start3A_423] : memref<8x8x129xf32, #tpu.memory_space<vmem>> -> memref<8x8x128xf32, #tpu.memory_space<vmem>>
      tpu.enqueue_dma source(%dma_start3A_424 : memref<8x8x128xf32, #tpu.memory_space<vmem>>) target(%dma_start3A_420 : memref<8x8x128xf32, #tpu.memory_space<hbm>>) target_semaphore(%arg18 : memref<!tpu.dma_semaphore, #tpu.memory_space<semaphore_mem>>)
      %lt3A_425 = arith.constant 98 : i32
      %lt3A_426 = arith.cmpi slt, %add3A_337, %lt3A_425 : i32
      %convert_element_type3A_427 = arith.extui %lt3A_426 : i1 to i32
      %cond3A_428 = arith.constant 0 : i32
      %cond3A_429 = arith.cmpi ne, %convert_element_type3A_427, %cond3A_428 : i32
      scf.if %cond3A_429 {
        %add3A_530 = arith.constant 2 : i32
        %add3A_531 = arith.addi %add3A_337, %add3A_530 : i32
        %dma_start3A_532 = arith.constant 0 : i32
        %dma_start3A_533 = tpu.memref_slice %arg6[%add3A_531, %dma_start3A_532] : memref<100x256xi32, #tpu.memory_space<vmem>> -> memref<1x256xi32, #tpu.memory_space<vmem>>
        %dma_start3A_534 = tpu.memref_squeeze %dma_start3A_533 : memref<1x256xi32, #tpu.memory_space<vmem>> -> memref<256xi32, #tpu.memory_space<vmem>>
        %dma_start3A_535 = arith.constant 0 : i32
        %dma_start3A_536 = arith.constant 0 : i32
        %dma_start3A_537 = tpu.memref_slice %arg3[%dma_start3A_535, %dma_start3A_536] : memref<100000x64xf32, #tpu.memory_space<hbm>> -> memref<100000x64xf32, #tpu.memory_space<hbm>>
        tpu.enqueue_indirect_dma source(%dma_start3A_537 : memref<100000x64xf32, #tpu.memory_space<hbm>>) target(%arg7 : memref<256x64xf32, #tpu.memory_space<vmem>>) offsets(%dma_start3A_534 : memref<256xi32, #tpu.memory_space<vmem>>) semaphore(%arg15 : memref<!tpu.dma_semaphore, #tpu.memory_space<semaphore_mem>>)
      } else {
      }
      %mul3A_430 = arith.constant 2 : i32
      %mul3A_431 = arith.muli %scan3A_333, %mul3A_430 : i32
      %add3A_432 = arith.constant 1 : i32
      %add3A_433 = arith.addi %mul3A_431, %add3A_432 : i32
      %dma_wait3A_434 = arith.constant 0 : i32
      %dma_wait3A_435 = tpu.memref_slice %arg6[%add3A_433, %dma_wait3A_434] : memref<100x256xi32, #tpu.memory_space<vmem>> -> memref<1x256xi32, #tpu.memory_space<vmem>>
      %dma_wait3A_436 = tpu.memref_squeeze %dma_wait3A_435 : memref<1x256xi32, #tpu.memory_space<vmem>> -> memref<256xi32, #tpu.memory_space<vmem>>
      %dma_wait3A_437 = arith.constant 0 : i32
      %dma_wait3A_438 = arith.constant 0 : i32
      %dma_wait3A_439 = tpu.memref_slice %arg3[%dma_wait3A_437, %dma_wait3A_438] : memref<100000x64xf32, #tpu.memory_space<hbm>> -> memref<100000x64xf32, #tpu.memory_space<hbm>>
      tpu.wait_indirect_dma semaphore(%arg16 : memref<!tpu.dma_semaphore, #tpu.memory_space<semaphore_mem>>) src(%dma_wait3A_439 : memref<100000x64xf32, #tpu.memory_space<hbm>>) dst(%arg8 : memref<256x64xf32, #tpu.memory_space<vmem>>)
      %ge3A_440 = arith.constant 2 : i32
      %ge3A_441 = arith.cmpi sge, %add3A_433, %ge3A_440 : i32
      %convert_element_type3A_442 = arith.extui %ge3A_441 : i1 to i32
      %cond3A_443 = arith.constant 0 : i32
      %cond3A_444 = arith.cmpi ne, %convert_element_type3A_442, %cond3A_443 : i32
      scf.if %cond3A_444 {
        %dma_wait3A_530 = arith.constant 0 : i32
        %dma_wait3A_531 = arith.constant 0 : i32
        %dma_wait3A_532 = arith.constant 0 : i32
        %dma_wait3A_533 = arith.constant 0 : i32
        %dma_wait3A_534 = tpu.memref_slice %arg11[%dma_wait3A_531, %dma_wait3A_532, %dma_wait3A_533] : memref<8x8x129xf32, #tpu.memory_space<vmem>> -> memref<8x8x128xf32, #tpu.memory_space<vmem>>
        %dma_wait3A_535 = arith.constant 0 : i32
        %dma_wait3A_536 = arith.constant 0 : i32
        %dma_wait3A_537 = arith.constant 0 : i32
        %dma_wait3A_538 = tpu.memref_slice %arg5[%dma_wait3A_530, %dma_wait3A_535, %add3A, %dma_wait3A_536, %dma_wait3A_537] : memref<200x8x32x8x128xf32, #tpu.memory_space<hbm>> -> memref<1x8x1x8x128xf32, #tpu.memory_space<hbm>>
        %dma_wait3A_539 = tpu.memref_squeeze %dma_wait3A_538 : memref<1x8x1x8x128xf32, #tpu.memory_space<hbm>> -> memref<8x8x128xf32, #tpu.memory_space<hbm>>
        %dma_wait3A_540 = arith.constant 0 : i32
        %dma_wait3A_541 = arith.constant 0 : i32
        %dma_wait3A_542 = arith.constant 0 : i32
        %dma_wait3A_543 = tpu.memref_slice %arg5[%dma_wait3A_530, %dma_wait3A_540, %add3A, %dma_wait3A_541, %dma_wait3A_542] : memref<200x8x32x8x128xf32, #tpu.memory_space<hbm>> -> memref<1x8x1x8x128xf32, #tpu.memory_space<hbm>>
        %dma_wait3A_544 = tpu.memref_squeeze %dma_wait3A_543 : memref<1x8x1x8x128xf32, #tpu.memory_space<hbm>> -> memref<8x8x128xf32, #tpu.memory_space<hbm>>
        %dma_wait3A_545 = arith.constant 0 : i32
        %dma_wait3A_546 = arith.constant 0 : i32
        %dma_wait3A_547 = arith.constant 0 : i32
        %dma_wait3A_548 = tpu.memref_slice %arg11[%dma_wait3A_545, %dma_wait3A_546, %dma_wait3A_547] : memref<8x8x129xf32, #tpu.memory_space<vmem>> -> memref<8x8x128xf32, #tpu.memory_space<vmem>>
        tpu.wait_dma2 semaphore(%arg19 : memref<!tpu.dma_semaphore, #tpu.memory_space<semaphore_mem>>) src(%dma_wait3A_548 : memref<8x8x128xf32, #tpu.memory_space<vmem>>) dst(%dma_wait3A_544 : memref<8x8x128xf32, #tpu.memory_space<hbm>>)
        %dma_wait3A_549 = arith.constant 0 : i32
        %dma_wait3A_550 = arith.constant 0 : i32
        %dma_wait3A_551 = arith.constant 0 : i32
        %dma_wait3A_552 = arith.constant 0 : i32
        %dma_wait3A_553 = tpu.memref_slice %arg12[%dma_wait3A_550, %dma_wait3A_551, %dma_wait3A_552] : memref<8x8x129xf32, #tpu.memory_space<vmem>> -> memref<8x8x128xf32, #tpu.memory_space<vmem>>
        %dma_wait3A_554 = arith.constant 0 : i32
        %dma_wait3A_555 = arith.constant 0 : i32
        %dma_wait3A_556 = arith.constant 0 : i32
        %dma_wait3A_557 = tpu.memref_slice %arg5[%dma_wait3A_549, %dma_wait3A_554, %add3A, %dma_wait3A_555, %dma_wait3A_556] : memref<200x8x32x8x128xf32, #tpu.memory_space<hbm>> -> memref<1x8x1x8x128xf32, #tpu.memory_space<hbm>>
        %dma_wait3A_558 = tpu.memref_squeeze %dma_wait3A_557 : memref<1x8x1x8x128xf32, #tpu.memory_space<hbm>> -> memref<8x8x128xf32, #tpu.memory_space<hbm>>
        %dma_wait3A_559 = arith.constant 0 : i32
        %dma_wait3A_560 = arith.constant 0 : i32
        %dma_wait3A_561 = arith.constant 0 : i32
        %dma_wait3A_562 = tpu.memref_slice %arg5[%dma_wait3A_549, %dma_wait3A_559, %add3A, %dma_wait3A_560, %dma_wait3A_561] : memref<200x8x32x8x128xf32, #tpu.memory_space<hbm>> -> memref<1x8x1x8x128xf32, #tpu.memory_space<hbm>>
        %dma_wait3A_563 = tpu.memref_squeeze %dma_wait3A_562 : memref<1x8x1x8x128xf32, #tpu.memory_space<hbm>> -> memref<8x8x128xf32, #tpu.memory_space<hbm>>
        %dma_wait3A_564 = arith.constant 0 : i32
        %dma_wait3A_565 = arith.constant 0 : i32
        %dma_wait3A_566 = arith.constant 0 : i32
        %dma_wait3A_567 = tpu.memref_slice %arg12[%dma_wait3A_564, %dma_wait3A_565, %dma_wait3A_566] : memref<8x8x129xf32, #tpu.memory_space<vmem>> -> memref<8x8x128xf32, #tpu.memory_space<vmem>>
        tpu.wait_dma2 semaphore(%arg20 : memref<!tpu.dma_semaphore, #tpu.memory_space<semaphore_mem>>) src(%dma_wait3A_567 : memref<8x8x128xf32, #tpu.memory_space<vmem>>) dst(%dma_wait3A_563 : memref<8x8x128xf32, #tpu.memory_space<hbm>>)
      } else {
      }
      %mul3A_445 = arith.constant 2 : i32
      %mul3A_446 = arith.muli %add3A_433, %mul3A_445 : i32
      %add3A_447 = arith.constant 0 : i32
      %add3A_448 = arith.addi %mul3A_446, %add3A_447 : i32
      %get3A_449 = arith.index_cast %add3A_448 : i32 to index
      %get3A_450 = arith.constant 0 : index
      %get3A_451 = tpu.vector_load %arg14[%get3A_449, %get3A_450] {strides = array<i32>} : memref<200x64xf32, #tpu.memory_space<vmem>>, vector<16xf32>,
      %get3A_452 = arith.index_cast %add3A_448 : i32 to index
      %get3A_453 = arith.constant 16 : index
      %get3A_454 = tpu.vector_load %arg14[%get3A_452, %get3A_453] {strides = array<i32>} : memref<200x64xf32, #tpu.memory_space<vmem>>, vector<16xf32>,
      %get3A_455 = arith.index_cast %add3A_448 : i32 to index
      %get3A_456 = arith.constant 32 : index
      %get3A_457 = tpu.vector_load %arg14[%get3A_455, %get3A_456] {strides = array<i32>} : memref<200x64xf32, #tpu.memory_space<vmem>>, vector<16xf32>,
      %get3A_458 = arith.index_cast %add3A_448 : i32 to index
      %get3A_459 = arith.constant 48 : index
      %get3A_460 = tpu.vector_load %arg14[%get3A_458, %get3A_459] {strides = array<i32>} : memref<200x64xf32, #tpu.memory_space<vmem>>, vector<16xf32>,
      %scan3A_461 = arith.constant 0 : i32
      %scan3A_462 = arith.constant 0 : i32
      %scan3A_463 = arith.constant 128 : i32
      %scan3A_464 = arith.addi %scan3A_462, %scan3A_463 : i32
      %scan3A_465 = arith.constant 16 : i32
      scf.for %scan3A_530 = %scan3A_462 to %scan3A_464 step %scan3A_465  : i32 {
        %get3A_531 = arith.index_cast %scan3A_530 : i32 to index
        %get3A_532 = arith.constant 0 : index
        %get3A_533 = tpu.vector_load %arg13[%get3A_531, %get3A_532] {strides = array<i32>} : memref<128x16xi32, #tpu.memory_space<vmem>>, vector<16xi32>,
        %add3A_534 = arith.constant 0 : i32
        %add3A_535 = arith.addi %add3A_534, %scan3A_530 : i32
        %get3A_536 = arith.index_cast %add3A_535 : i32 to index
        %get3A_537 = arith.constant 0 : index
        %get3A_538 = tpu.vector_load %arg8[%get3A_536, %get3A_537] {strides = array<i32>} : memref<256x64xf32, #tpu.memory_space<vmem>>, vector<16xf32>,
        %add3A_539 = arith.addf %get3A_538, %get3A_451 : vector<16xf32>
        tpu.vector_store_idx %arg11[%select_n3A, %select_n3A_155, %get3A_533], %add3A_539 : memref<8x8x129xf32, #tpu.memory_space<vmem>>[vector<16xi32>, vector<16xi32>, vector<16xi32>], vector<16xf32>,
        %add3A_540 = arith.constant 0 : i32
        %add3A_541 = arith.addi %add3A_540, %scan3A_530 : i32
        %get3A_542 = arith.index_cast %add3A_541 : i32 to index
        %get3A_543 = arith.constant 16 : index
        %get3A_544 = tpu.vector_load %arg8[%get3A_542, %get3A_543] {strides = array<i32>} : memref<256x64xf32, #tpu.memory_space<vmem>>, vector<16xf32>,
        %add3A_545 = arith.addf %get3A_544, %get3A_454 : vector<16xf32>
        tpu.vector_store_idx %arg11[%select_n3A_61, %select_n3A_181, %get3A_533], %add3A_545 : memref<8x8x129xf32, #tpu.memory_space<vmem>>[vector<16xi32>, vector<16xi32>, vector<16xi32>], vector<16xf32>,
        %add3A_546 = arith.constant 0 : i32
        %add3A_547 = arith.addi %add3A_546, %scan3A_530 : i32
        %get3A_548 = arith.index_cast %add3A_547 : i32 to index
        %get3A_549 = arith.constant 32 : index
        %get3A_550 = tpu.vector_load %arg8[%get3A_548, %get3A_549] {strides = array<i32>} : memref<256x64xf32, #tpu.memory_space<vmem>>, vector<16xf32>,
        %add3A_551 = arith.addf %get3A_550, %get3A_457 : vector<16xf32>
        tpu.vector_store_idx %arg11[%select_n3A_96, %select_n3A_207, %get3A_533], %add3A_551 : memref<8x8x129xf32, #tpu.memory_space<vmem>>[vector<16xi32>, vector<16xi32>, vector<16xi32>], vector<16xf32>,
        %add3A_552 = arith.constant 0 : i32
        %add3A_553 = arith.addi %add3A_552, %scan3A_530 : i32
        %get3A_554 = arith.index_cast %add3A_553 : i32 to index
        %get3A_555 = arith.constant 48 : index
        %get3A_556 = tpu.vector_load %arg8[%get3A_554, %get3A_555] {strides = array<i32>} : memref<256x64xf32, #tpu.memory_space<vmem>>, vector<16xf32>,
        %add3A_557 = arith.addf %get3A_556, %get3A_460 : vector<16xf32>
        tpu.vector_store_idx %arg11[%select_n3A_131, %select_n3A_233, %get3A_533], %add3A_557 : memref<8x8x129xf32, #tpu.memory_space<vmem>>[vector<16xi32>, vector<16xi32>, vector<16xi32>], vector<16xf32>,
        %scan3A_558 = arith.constant 1 : i32
        %scan3A_559 = arith.addi %scan3A_530, %scan3A_558 : i32
        %get3A_560 = arith.index_cast %scan3A_559 : i32 to index
        %get3A_561 = arith.constant 0 : index
        %get3A_562 = tpu.vector_load %arg13[%get3A_560, %get3A_561] {strides = array<i32>} : memref<128x16xi32, #tpu.memory_space<vmem>>, vector<16xi32>,
        %add3A_563 = arith.constant 0 : i32
        %add3A_564 = arith.addi %add3A_563, %scan3A_559 : i32
        %get3A_565 = arith.index_cast %add3A_564 : i32 to index
        %get3A_566 = arith.constant 0 : index
        %get3A_567 = tpu.vector_load %arg8[%get3A_565, %get3A_566] {strides = array<i32>} : memref<256x64xf32, #tpu.memory_space<vmem>>, vector<16xf32>,
        %add3A_568 = arith.addf %get3A_567, %get3A_451 : vector<16xf32>
        tpu.vector_store_idx %arg11[%select_n3A, %select_n3A_155, %get3A_562], %add3A_568 : memref<8x8x129xf32, #tpu.memory_space<vmem>>[vector<16xi32>, vector<16xi32>, vector<16xi32>], vector<16xf32>,
        %add3A_569 = arith.constant 0 : i32
        %add3A_570 = arith.addi %add3A_569, %scan3A_559 : i32
        %get3A_571 = arith.index_cast %add3A_570 : i32 to index
        %get3A_572 = arith.constant 16 : index
        %get3A_573 = tpu.vector_load %arg8[%get3A_571, %get3A_572] {strides = array<i32>} : memref<256x64xf32, #tpu.memory_space<vmem>>, vector<16xf32>,
        %add3A_574 = arith.addf %get3A_573, %get3A_454 : vector<16xf32>
        tpu.vector_store_idx %arg11[%select_n3A_61, %select_n3A_181, %get3A_562], %add3A_574 : memref<8x8x129xf32, #tpu.memory_space<vmem>>[vector<16xi32>, vector<16xi32>, vector<16xi32>], vector<16xf32>,
        %add3A_575 = arith.constant 0 : i32
        %add3A_576 = arith.addi %add3A_575, %scan3A_559 : i32
        %get3A_577 = arith.index_cast %add3A_576 : i32 to index
        %get3A_578 = arith.constant 32 : index
        %get3A_579 = tpu.vector_load %arg8[%get3A_577, %get3A_578] {strides = array<i32>} : memref<256x64xf32, #tpu.memory_space<vmem>>, vector<16xf32>,
        %add3A_580 = arith.addf %get3A_579, %get3A_457 : vector<16xf32>
        tpu.vector_store_idx %arg11[%select_n3A_96, %select_n3A_207, %get3A_562], %add3A_580 : memref<8x8x129xf32, #tpu.memory_space<vmem>>[vector<16xi32>, vector<16xi32>, vector<16xi32>], vector<16xf32>,
        %add3A_581 = arith.constant 0 : i32
        %add3A_582 = arith.addi %add3A_581, %scan3A_559 : i32
        %get3A_583 = arith.index_cast %add3A_582 : i32 to index
        %get3A_584 = arith.constant 48 : index
        %get3A_585 = tpu.vector_load %arg8[%get3A_583, %get3A_584] {strides = array<i32>} : memref<256x64xf32, #tpu.memory_space<vmem>>, vector<16xf32>,
        %add3A_586 = arith.addf %get3A_585, %get3A_460 : vector<16xf32>
        tpu.vector_store_idx %arg11[%select_n3A_131, %select_n3A_233, %get3A_562], %add3A_586 : memref<8x8x129xf32, #tpu.memory_space<vmem>>[vector<16xi32>, vector<16xi32>, vector<16xi32>], vector<16xf32>,
        %scan3A_587 = arith.constant 2 : i32
        %scan3A_588 = arith.addi %scan3A_530, %scan3A_587 : i32
        %get3A_589 = arith.index_cast %scan3A_588 : i32 to index
        %get3A_590 = arith.constant 0 : index
        %get3A_591 = tpu.vector_load %arg13[%get3A_589, %get3A_590] {strides = array<i32>} : memref<128x16xi32, #tpu.memory_space<vmem>>, vector<16xi32>,
        %add3A_592 = arith.constant 0 : i32
        %add3A_593 = arith.addi %add3A_592, %scan3A_588 : i32
        %get3A_594 = arith.index_cast %add3A_593 : i32 to index
        %get3A_595 = arith.constant 0 : index
        %get3A_596 = tpu.vector_load %arg8[%get3A_594, %get3A_595] {strides = array<i32>} : memref<256x64xf32, #tpu.memory_space<vmem>>, vector<16xf32>,
        %add3A_597 = arith.addf %get3A_596, %get3A_451 : vector<16xf32>
        tpu.vector_store_idx %arg11[%select_n3A, %select_n3A_155, %get3A_591], %add3A_597 : memref<8x8x129xf32, #tpu.memory_space<vmem>>[vector<16xi32>, vector<16xi32>, vector<16xi32>], vector<16xf32>,
        %add3A_598 = arith.constant 0 : i32
        %add3A_599 = arith.addi %add3A_598, %scan3A_588 : i32
        %get3A_600 = arith.index_cast %add3A_599 : i32 to index
        %get3A_601 = arith.constant 16 : index
        %get3A_602 = tpu.vector_load %arg8[%get3A_600, %get3A_601] {strides = array<i32>} : memref<256x64xf32, #tpu.memory_space<vmem>>, vector<16xf32>,
        %add3A_603 = arith.addf %get3A_602, %get3A_454 : vector<16xf32>
        tpu.vector_store_idx %arg11[%select_n3A_61, %select_n3A_181, %get3A_591], %add3A_603 : memref<8x8x129xf32, #tpu.memory_space<vmem>>[vector<16xi32>, vector<16xi32>, vector<16xi32>], vector<16xf32>,
        %add3A_604 = arith.constant 0 : i32
        %add3A_605 = arith.addi %add3A_604, %scan3A_588 : i32
        %get3A_606 = arith.index_cast %add3A_605 : i32 to index
        %get3A_607 = arith.constant 32 : index
        %get3A_608 = tpu.vector_load %arg8[%get3A_606, %get3A_607] {strides = array<i32>} : memref<256x64xf32, #tpu.memory_space<vmem>>, vector<16xf32>,
        %add3A_609 = arith.addf %get3A_608, %get3A_457 : vector<16xf32>
        tpu.vector_store_idx %arg11[%select_n3A_96, %select_n3A_207, %get3A_591], %add3A_609 : memref<8x8x129xf32, #tpu.memory_space<vmem>>[vector<16xi32>, vector<16xi32>, vector<16xi32>], vector<16xf32>,
        %add3A_610 = arith.constant 0 : i32
        %add3A_611 = arith.addi %add3A_610, %scan3A_588 : i32
        %get3A_612 = arith.index_cast %add3A_611 : i32 to index
        %get3A_613 = arith.constant 48 : index
        %get3A_614 = tpu.vector_load %arg8[%get3A_612, %get3A_613] {strides = array<i32>} : memref<256x64xf32, #tpu.memory_space<vmem>>, vector<16xf32>,
        %add3A_615 = arith.addf %get3A_614, %get3A_460 : vector<16xf32>
        tpu.vector_store_idx %arg11[%select_n3A_131, %select_n3A_233, %get3A_591], %add3A_615 : memref<8x8x129xf32, #tpu.memory_space<vmem>>[vector<16xi32>, vector<16xi32>, vector<16xi32>], vector<16xf32>,
        %scan3A_616 = arith.constant 3 : i32
        %scan3A_617 = arith.addi %scan3A_530, %scan3A_616 : i32
        %get3A_618 = arith.index_cast %scan3A_617 : i32 to index
        %get3A_619 = arith.constant 0 : index
        %get3A_620 = tpu.vector_load %arg13[%get3A_618, %get3A_619] {strides = array<i32>} : memref<128x16xi32, #tpu.memory_space<vmem>>, vector<16xi32>,
        %add3A_621 = arith.constant 0 : i32
        %add3A_622 = arith.addi %add3A_621, %scan3A_617 : i32
        %get3A_623 = arith.index_cast %add3A_622 : i32 to index
        %get3A_624 = arith.constant 0 : index
        %get3A_625 = tpu.vector_load %arg8[%get3A_623, %get3A_624] {strides = array<i32>} : memref<256x64xf32, #tpu.memory_space<vmem>>, vector<16xf32>,
        %add3A_626 = arith.addf %get3A_625, %get3A_451 : vector<16xf32>
        tpu.vector_store_idx %arg11[%select_n3A, %select_n3A_155, %get3A_620], %add3A_626 : memref<8x8x129xf32, #tpu.memory_space<vmem>>[vector<16xi32>, vector<16xi32>, vector<16xi32>], vector<16xf32>,
        %add3A_627 = arith.constant 0 : i32
        %add3A_628 = arith.addi %add3A_627, %scan3A_617 : i32
        %get3A_629 = arith.index_cast %add3A_628 : i32 to index
        %get3A_630 = arith.constant 16 : index
        %get3A_631 = tpu.vector_load %arg8[%get3A_629, %get3A_630] {strides = array<i32>} : memref<256x64xf32, #tpu.memory_space<vmem>>, vector<16xf32>,
        %add3A_632 = arith.addf %get3A_631, %get3A_454 : vector<16xf32>
        tpu.vector_store_idx %arg11[%select_n3A_61, %select_n3A_181, %get3A_620], %add3A_632 : memref<8x8x129xf32, #tpu.memory_space<vmem>>[vector<16xi32>, vector<16xi32>, vector<16xi32>], vector<16xf32>,
        %add3A_633 = arith.constant 0 : i32
        %add3A_634 = arith.addi %add3A_633, %scan3A_617 : i32
        %get3A_635 = arith.index_cast %add3A_634 : i32 to index
        %get3A_636 = arith.constant 32 : index
        %get3A_637 = tpu.vector_load %arg8[%get3A_635, %get3A_636] {strides = array<i32>} : memref<256x64xf32, #tpu.memory_space<vmem>>, vector<16xf32>,
        %add3A_638 = arith.addf %get3A_637, %get3A_457 : vector<16xf32>
        tpu.vector_store_idx %arg11[%select_n3A_96, %select_n3A_207, %get3A_620], %add3A_638 : memref<8x8x129xf32, #tpu.memory_space<vmem>>[vector<16xi32>, vector<16xi32>, vector<16xi32>], vector<16xf32>,
        %add3A_639 = arith.constant 0 : i32
        %add3A_640 = arith.addi %add3A_639, %scan3A_617 : i32
        %get3A_641 = arith.index_cast %add3A_640 : i32 to index
        %get3A_642 = arith.constant 48 : index
        %get3A_643 = tpu.vector_load %arg8[%get3A_641, %get3A_642] {strides = array<i32>} : memref<256x64xf32, #tpu.memory_space<vmem>>, vector<16xf32>,
        %add3A_644 = arith.addf %get3A_643, %get3A_460 : vector<16xf32>
        tpu.vector_store_idx %arg11[%select_n3A_131, %select_n3A_233, %get3A_620], %add3A_644 : memref<8x8x129xf32, #tpu.memory_space<vmem>>[vector<16xi32>, vector<16xi32>, vector<16xi32>], vector<16xf32>,
        %scan3A_645 = arith.constant 4 : i32
        %scan3A_646 = arith.addi %scan3A_530, %scan3A_645 : i32
        %get3A_647 = arith.index_cast %scan3A_646 : i32 to index
        %get3A_648 = arith.constant 0 : index
        %get3A_649 = tpu.vector_load %arg13[%get3A_647, %get3A_648] {strides = array<i32>} : memref<128x16xi32, #tpu.memory_space<vmem>>, vector<16xi32>,
        %add3A_650 = arith.constant 0 : i32
        %add3A_651 = arith.addi %add3A_650, %scan3A_646 : i32
        %get3A_652 = arith.index_cast %add3A_651 : i32 to index
        %get3A_653 = arith.constant 0 : index
        %get3A_654 = tpu.vector_load %arg8[%get3A_652, %get3A_653] {strides = array<i32>} : memref<256x64xf32, #tpu.memory_space<vmem>>, vector<16xf32>,
        %add3A_655 = arith.addf %get3A_654, %get3A_451 : vector<16xf32>
        tpu.vector_store_idx %arg11[%select_n3A, %select_n3A_155, %get3A_649], %add3A_655 : memref<8x8x129xf32, #tpu.memory_space<vmem>>[vector<16xi32>, vector<16xi32>, vector<16xi32>], vector<16xf32>,
        %add3A_656 = arith.constant 0 : i32
        %add3A_657 = arith.addi %add3A_656, %scan3A_646 : i32
        %get3A_658 = arith.index_cast %add3A_657 : i32 to index
        %get3A_659 = arith.constant 16 : index
        %get3A_660 = tpu.vector_load %arg8[%get3A_658, %get3A_659] {strides = array<i32>} : memref<256x64xf32, #tpu.memory_space<vmem>>, vector<16xf32>,
        %add3A_661 = arith.addf %get3A_660, %get3A_454 : vector<16xf32>
        tpu.vector_store_idx %arg11[%select_n3A_61, %select_n3A_181, %get3A_649], %add3A_661 : memref<8x8x129xf32, #tpu.memory_space<vmem>>[vector<16xi32>, vector<16xi32>, vector<16xi32>], vector<16xf32>,
        %add3A_662 = arith.constant 0 : i32
        %add3A_663 = arith.addi %add3A_662, %scan3A_646 : i32
        %get3A_664 = arith.index_cast %add3A_663 : i32 to index
        %get3A_665 = arith.constant 32 : index
        %get3A_666 = tpu.vector_load %arg8[%get3A_664, %get3A_665] {strides = array<i32>} : memref<256x64xf32, #tpu.memory_space<vmem>>, vector<16xf32>,
        %add3A_667 = arith.addf %get3A_666, %get3A_457 : vector<16xf32>
        tpu.vector_store_idx %arg11[%select_n3A_96, %select_n3A_207, %get3A_649], %add3A_667 : memref<8x8x129xf32, #tpu.memory_space<vmem>>[vector<16xi32>, vector<16xi32>, vector<16xi32>], vector<16xf32>,
        %add3A_668 = arith.constant 0 : i32
        %add3A_669 = arith.addi %add3A_668, %scan3A_646 : i32
        %get3A_670 = arith.index_cast %add3A_669 : i32 to index
        %get3A_671 = arith.constant 48 : index
        %get3A_672 = tpu.vector_load %arg8[%get3A_670, %get3A_671] {strides = array<i32>} : memref<256x64xf32, #tpu.memory_space<vmem>>, vector<16xf32>,
        %add3A_673 = arith.addf %get3A_672, %get3A_460 : vector<16xf32>
        tpu.vector_store_idx %arg11[%select_n3A_131, %select_n3A_233, %get3A_649], %add3A_673 : memref<8x8x129xf32, #tpu.memory_space<vmem>>[vector<16xi32>, vector<16xi32>, vector<16xi32>], vector<16xf32>,
        %scan3A_674 = arith.constant 5 : i32
        %scan3A_675 = arith.addi %scan3A_530, %scan3A_674 : i32
        %get3A_676 = arith.index_cast %scan3A_675 : i32 to index
        %get3A_677 = arith.constant 0 : index
        %get3A_678 = tpu.vector_load %arg13[%get3A_676, %get3A_677] {strides = array<i32>} : memref<128x16xi32, #tpu.memory_space<vmem>>, vector<16xi32>,
        %add3A_679 = arith.constant 0 : i32
        %add3A_680 = arith.addi %add3A_679, %scan3A_675 : i32
        %get3A_681 = arith.index_cast %add3A_680 : i32 to index
        %get3A_682 = arith.constant 0 : index
        %get3A_683 = tpu.vector_load %arg8[%get3A_681, %get3A_682] {strides = array<i32>} : memref<256x64xf32, #tpu.memory_space<vmem>>, vector<16xf32>,
        %add3A_684 = arith.addf %get3A_683, %get3A_451 : vector<16xf32>
        tpu.vector_store_idx %arg11[%select_n3A, %select_n3A_155, %get3A_678], %add3A_684 : memref<8x8x129xf32, #tpu.memory_space<vmem>>[vector<16xi32>, vector<16xi32>, vector<16xi32>], vector<16xf32>,
        %add3A_685 = arith.constant 0 : i32
        %add3A_686 = arith.addi %add3A_685, %scan3A_675 : i32
        %get3A_687 = arith.index_cast %add3A_686 : i32 to index
        %get3A_688 = arith.constant 16 : index
        %get3A_689 = tpu.vector_load %arg8[%get3A_687, %get3A_688] {strides = array<i32>} : memref<256x64xf32, #tpu.memory_space<vmem>>, vector<16xf32>,
        %add3A_690 = arith.addf %get3A_689, %get3A_454 : vector<16xf32>
        tpu.vector_store_idx %arg11[%select_n3A_61, %select_n3A_181, %get3A_678], %add3A_690 : memref<8x8x129xf32, #tpu.memory_space<vmem>>[vector<16xi32>, vector<16xi32>, vector<16xi32>], vector<16xf32>,
        %add3A_691 = arith.constant 0 : i32
        %add3A_692 = arith.addi %add3A_691, %scan3A_675 : i32
        %get3A_693 = arith.index_cast %add3A_692 : i32 to index
        %get3A_694 = arith.constant 32 : index
        %get3A_695 = tpu.vector_load %arg8[%get3A_693, %get3A_694] {strides = array<i32>} : memref<256x64xf32, #tpu.memory_space<vmem>>, vector<16xf32>,
        %add3A_696 = arith.addf %get3A_695, %get3A_457 : vector<16xf32>
        tpu.vector_store_idx %arg11[%select_n3A_96, %select_n3A_207, %get3A_678], %add3A_696 : memref<8x8x129xf32, #tpu.memory_space<vmem>>[vector<16xi32>, vector<16xi32>, vector<16xi32>], vector<16xf32>,
        %add3A_697 = arith.constant 0 : i32
        %add3A_698 = arith.addi %add3A_697, %scan3A_675 : i32
        %get3A_699 = arith.index_cast %add3A_698 : i32 to index
        %get3A_700 = arith.constant 48 : index
        %get3A_701 = tpu.vector_load %arg8[%get3A_699, %get3A_700] {strides = array<i32>} : memref<256x64xf32, #tpu.memory_space<vmem>>, vector<16xf32>,
        %add3A_702 = arith.addf %get3A_701, %get3A_460 : vector<16xf32>
        tpu.vector_store_idx %arg11[%select_n3A_131, %select_n3A_233, %get3A_678], %add3A_702 : memref<8x8x129xf32, #tpu.memory_space<vmem>>[vector<16xi32>, vector<16xi32>, vector<16xi32>], vector<16xf32>,
        %scan3A_703 = arith.constant 6 : i32
        %scan3A_704 = arith.addi %scan3A_530, %scan3A_703 : i32
        %get3A_705 = arith.index_cast %scan3A_704 : i32 to index
        %get3A_706 = arith.constant 0 : index
        %get3A_707 = tpu.vector_load %arg13[%get3A_705, %get3A_706] {strides = array<i32>} : memref<128x16xi32, #tpu.memory_space<vmem>>, vector<16xi32>,
        %add3A_708 = arith.constant 0 : i32
        %add3A_709 = arith.addi %add3A_708, %scan3A_704 : i32
        %get3A_710 = arith.index_cast %add3A_709 : i32 to index
        %get3A_711 = arith.constant 0 : index
        %get3A_712 = tpu.vector_load %arg8[%get3A_710, %get3A_711] {strides = array<i32>} : memref<256x64xf32, #tpu.memory_space<vmem>>, vector<16xf32>,
        %add3A_713 = arith.addf %get3A_712, %get3A_451 : vector<16xf32>
        tpu.vector_store_idx %arg11[%select_n3A, %select_n3A_155, %get3A_707], %add3A_713 : memref<8x8x129xf32, #tpu.memory_space<vmem>>[vector<16xi32>, vector<16xi32>, vector<16xi32>], vector<16xf32>,
        %add3A_714 = arith.constant 0 : i32
        %add3A_715 = arith.addi %add3A_714, %scan3A_704 : i32
        %get3A_716 = arith.index_cast %add3A_715 : i32 to index
        %get3A_717 = arith.constant 16 : index
        %get3A_718 = tpu.vector_load %arg8[%get3A_716, %get3A_717] {strides = array<i32>} : memref<256x64xf32, #tpu.memory_space<vmem>>, vector<16xf32>,
        %add3A_719 = arith.addf %get3A_718, %get3A_454 : vector<16xf32>
        tpu.vector_store_idx %arg11[%select_n3A_61, %select_n3A_181, %get3A_707], %add3A_719 : memref<8x8x129xf32, #tpu.memory_space<vmem>>[vector<16xi32>, vector<16xi32>, vector<16xi32>], vector<16xf32>,
        %add3A_720 = arith.constant 0 : i32
        %add3A_721 = arith.addi %add3A_720, %scan3A_704 : i32
        %get3A_722 = arith.index_cast %add3A_721 : i32 to index
        %get3A_723 = arith.constant 32 : index
        %get3A_724 = tpu.vector_load %arg8[%get3A_722, %get3A_723] {strides = array<i32>} : memref<256x64xf32, #tpu.memory_space<vmem>>, vector<16xf32>,
        %add3A_725 = arith.addf %get3A_724, %get3A_457 : vector<16xf32>
        tpu.vector_store_idx %arg11[%select_n3A_96, %select_n3A_207, %get3A_707], %add3A_725 : memref<8x8x129xf32, #tpu.memory_space<vmem>>[vector<16xi32>, vector<16xi32>, vector<16xi32>], vector<16xf32>,
        %add3A_726 = arith.constant 0 : i32
        %add3A_727 = arith.addi %add3A_726, %scan3A_704 : i32
        %get3A_728 = arith.index_cast %add3A_727 : i32 to index
        %get3A_729 = arith.constant 48 : index
        %get3A_730 = tpu.vector_load %arg8[%get3A_728, %get3A_729] {strides = array<i32>} : memref<256x64xf32, #tpu.memory_space<vmem>>, vector<16xf32>,
        %add3A_731 = arith.addf %get3A_730, %get3A_460 : vector<16xf32>
        tpu.vector_store_idx %arg11[%select_n3A_131, %select_n3A_233, %get3A_707], %add3A_731 : memref<8x8x129xf32, #tpu.memory_space<vmem>>[vector<16xi32>, vector<16xi32>, vector<16xi32>], vector<16xf32>,
        %scan3A_732 = arith.constant 7 : i32
        %scan3A_733 = arith.addi %scan3A_530, %scan3A_732 : i32
        %get3A_734 = arith.index_cast %scan3A_733 : i32 to index
        %get3A_735 = arith.constant 0 : index
        %get3A_736 = tpu.vector_load %arg13[%get3A_734, %get3A_735] {strides = array<i32>} : memref<128x16xi32, #tpu.memory_space<vmem>>, vector<16xi32>,
        %add3A_737 = arith.constant 0 : i32
        %add3A_738 = arith.addi %add3A_737, %scan3A_733 : i32
        %get3A_739 = arith.index_cast %add3A_738 : i32 to index
        %get3A_740 = arith.constant 0 : index
        %get3A_741 = tpu.vector_load %arg8[%get3A_739, %get3A_740] {strides = array<i32>} : memref<256x64xf32, #tpu.memory_space<vmem>>, vector<16xf32>,
        %add3A_742 = arith.addf %get3A_741, %get3A_451 : vector<16xf32>
        tpu.vector_store_idx %arg11[%select_n3A, %select_n3A_155, %get3A_736], %add3A_742 : memref<8x8x129xf32, #tpu.memory_space<vmem>>[vector<16xi32>, vector<16xi32>, vector<16xi32>], vector<16xf32>,
        %add3A_743 = arith.constant 0 : i32
        %add3A_744 = arith.addi %add3A_743, %scan3A_733 : i32
        %get3A_745 = arith.index_cast %add3A_744 : i32 to index
        %get3A_746 = arith.constant 16 : index
        %get3A_747 = tpu.vector_load %arg8[%get3A_745, %get3A_746] {strides = array<i32>} : memref<256x64xf32, #tpu.memory_space<vmem>>, vector<16xf32>,
        %add3A_748 = arith.addf %get3A_747, %get3A_454 : vector<16xf32>
        tpu.vector_store_idx %arg11[%select_n3A_61, %select_n3A_181, %get3A_736], %add3A_748 : memref<8x8x129xf32, #tpu.memory_space<vmem>>[vector<16xi32>, vector<16xi32>, vector<16xi32>], vector<16xf32>,
        %add3A_749 = arith.constant 0 : i32
        %add3A_750 = arith.addi %add3A_749, %scan3A_733 : i32
        %get3A_751 = arith.index_cast %add3A_750 : i32 to index
        %get3A_752 = arith.constant 32 : index
        %get3A_753 = tpu.vector_load %arg8[%get3A_751, %get3A_752] {strides = array<i32>} : memref<256x64xf32, #tpu.memory_space<vmem>>, vector<16xf32>,
        %add3A_754 = arith.addf %get3A_753, %get3A_457 : vector<16xf32>
        tpu.vector_store_idx %arg11[%select_n3A_96, %select_n3A_207, %get3A_736], %add3A_754 : memref<8x8x129xf32, #tpu.memory_space<vmem>>[vector<16xi32>, vector<16xi32>, vector<16xi32>], vector<16xf32>,
        %add3A_755 = arith.constant 0 : i32
        %add3A_756 = arith.addi %add3A_755, %scan3A_733 : i32
        %get3A_757 = arith.index_cast %add3A_756 : i32 to index
        %get3A_758 = arith.constant 48 : index
        %get3A_759 = tpu.vector_load %arg8[%get3A_757, %get3A_758] {strides = array<i32>} : memref<256x64xf32, #tpu.memory_space<vmem>>, vector<16xf32>,
        %add3A_760 = arith.addf %get3A_759, %get3A_460 : vector<16xf32>
        tpu.vector_store_idx %arg11[%select_n3A_131, %select_n3A_233, %get3A_736], %add3A_760 : memref<8x8x129xf32, #tpu.memory_space<vmem>>[vector<16xi32>, vector<16xi32>, vector<16xi32>], vector<16xf32>,
        %scan3A_761 = arith.constant 8 : i32
        %scan3A_762 = arith.addi %scan3A_530, %scan3A_761 : i32
        %get3A_763 = arith.index_cast %scan3A_762 : i32 to index
        %get3A_764 = arith.constant 0 : index
        %get3A_765 = tpu.vector_load %arg13[%get3A_763, %get3A_764] {strides = array<i32>} : memref<128x16xi32, #tpu.memory_space<vmem>>, vector<16xi32>,
        %add3A_766 = arith.constant 0 : i32
        %add3A_767 = arith.addi %add3A_766, %scan3A_762 : i32
        %get3A_768 = arith.index_cast %add3A_767 : i32 to index
        %get3A_769 = arith.constant 0 : index
        %get3A_770 = tpu.vector_load %arg8[%get3A_768, %get3A_769] {strides = array<i32>} : memref<256x64xf32, #tpu.memory_space<vmem>>, vector<16xf32>,
        %add3A_771 = arith.addf %get3A_770, %get3A_451 : vector<16xf32>
        tpu.vector_store_idx %arg11[%select_n3A, %select_n3A_155, %get3A_765], %add3A_771 : memref<8x8x129xf32, #tpu.memory_space<vmem>>[vector<16xi32>, vector<16xi32>, vector<16xi32>], vector<16xf32>,
        %add3A_772 = arith.constant 0 : i32
        %add3A_773 = arith.addi %add3A_772, %scan3A_762 : i32
        %get3A_774 = arith.index_cast %add3A_773 : i32 to index
        %get3A_775 = arith.constant 16 : index
        %get3A_776 = tpu.vector_load %arg8[%get3A_774, %get3A_775] {strides = array<i32>} : memref<256x64xf32, #tpu.memory_space<vmem>>, vector<16xf32>,
        %add3A_777 = arith.addf %get3A_776, %get3A_454 : vector<16xf32>
        tpu.vector_store_idx %arg11[%select_n3A_61, %select_n3A_181, %get3A_765], %add3A_777 : memref<8x8x129xf32, #tpu.memory_space<vmem>>[vector<16xi32>, vector<16xi32>, vector<16xi32>], vector<16xf32>,
        %add3A_778 = arith.constant 0 : i32
        %add3A_779 = arith.addi %add3A_778, %scan3A_762 : i32
        %get3A_780 = arith.index_cast %add3A_779 : i32 to index
        %get3A_781 = arith.constant 32 : index
        %get3A_782 = tpu.vector_load %arg8[%get3A_780, %get3A_781] {strides = array<i32>} : memref<256x64xf32, #tpu.memory_space<vmem>>, vector<16xf32>,
        %add3A_783 = arith.addf %get3A_782, %get3A_457 : vector<16xf32>
        tpu.vector_store_idx %arg11[%select_n3A_96, %select_n3A_207, %get3A_765], %add3A_783 : memref<8x8x129xf32, #tpu.memory_space<vmem>>[vector<16xi32>, vector<16xi32>, vector<16xi32>], vector<16xf32>,
        %add3A_784 = arith.constant 0 : i32
        %add3A_785 = arith.addi %add3A_784, %scan3A_762 : i32
        %get3A_786 = arith.index_cast %add3A_785 : i32 to index
        %get3A_787 = arith.constant 48 : index
        %get3A_788 = tpu.vector_load %arg8[%get3A_786, %get3A_787] {strides = array<i32>} : memref<256x64xf32, #tpu.memory_space<vmem>>, vector<16xf32>,
        %add3A_789 = arith.addf %get3A_788, %get3A_460 : vector<16xf32>
        tpu.vector_store_idx %arg11[%select_n3A_131, %select_n3A_233, %get3A_765], %add3A_789 : memref<8x8x129xf32, #tpu.memory_space<vmem>>[vector<16xi32>, vector<16xi32>, vector<16xi32>], vector<16xf32>,
        %scan3A_790 = arith.constant 9 : i32
        %scan3A_791 = arith.addi %scan3A_530, %scan3A_790 : i32
        %get3A_792 = arith.index_cast %scan3A_791 : i32 to index
        %get3A_793 = arith.constant 0 : index
        %get3A_794 = tpu.vector_load %arg13[%get3A_792, %get3A_793] {strides = array<i32>} : memref<128x16xi32, #tpu.memory_space<vmem>>, vector<16xi32>,
        %add3A_795 = arith.constant 0 : i32
        %add3A_796 = arith.addi %add3A_795, %scan3A_791 : i32
        %get3A_797 = arith.index_cast %add3A_796 : i32 to index
        %get3A_798 = arith.constant 0 : index
        %get3A_799 = tpu.vector_load %arg8[%get3A_797, %get3A_798] {strides = array<i32>} : memref<256x64xf32, #tpu.memory_space<vmem>>, vector<16xf32>,
        %add3A_800 = arith.addf %get3A_799, %get3A_451 : vector<16xf32>
        tpu.vector_store_idx %arg11[%select_n3A, %select_n3A_155, %get3A_794], %add3A_800 : memref<8x8x129xf32, #tpu.memory_space<vmem>>[vector<16xi32>, vector<16xi32>, vector<16xi32>], vector<16xf32>,
        %add3A_801 = arith.constant 0 : i32
        %add3A_802 = arith.addi %add3A_801, %scan3A_791 : i32
        %get3A_803 = arith.index_cast %add3A_802 : i32 to index
        %get3A_804 = arith.constant 16 : index
        %get3A_805 = tpu.vector_load %arg8[%get3A_803, %get3A_804] {strides = array<i32>} : memref<256x64xf32, #tpu.memory_space<vmem>>, vector<16xf32>,
        %add3A_806 = arith.addf %get3A_805, %get3A_454 : vector<16xf32>
        tpu.vector_store_idx %arg11[%select_n3A_61, %select_n3A_181, %get3A_794], %add3A_806 : memref<8x8x129xf32, #tpu.memory_space<vmem>>[vector<16xi32>, vector<16xi32>, vector<16xi32>], vector<16xf32>,
        %add3A_807 = arith.constant 0 : i32
        %add3A_808 = arith.addi %add3A_807, %scan3A_791 : i32
        %get3A_809 = arith.index_cast %add3A_808 : i32 to index
        %get3A_810 = arith.constant 32 : index
        %get3A_811 = tpu.vector_load %arg8[%get3A_809, %get3A_810] {strides = array<i32>} : memref<256x64xf32, #tpu.memory_space<vmem>>, vector<16xf32>,
        %add3A_812 = arith.addf %get3A_811, %get3A_457 : vector<16xf32>
        tpu.vector_store_idx %arg11[%select_n3A_96, %select_n3A_207, %get3A_794], %add3A_812 : memref<8x8x129xf32, #tpu.memory_space<vmem>>[vector<16xi32>, vector<16xi32>, vector<16xi32>], vector<16xf32>,
        %add3A_813 = arith.constant 0 : i32
        %add3A_814 = arith.addi %add3A_813, %scan3A_791 : i32
        %get3A_815 = arith.index_cast %add3A_814 : i32 to index
        %get3A_816 = arith.constant 48 : index
        %get3A_817 = tpu.vector_load %arg8[%get3A_815, %get3A_816] {strides = array<i32>} : memref<256x64xf32, #tpu.memory_space<vmem>>, vector<16xf32>,
        %add3A_818 = arith.addf %get3A_817, %get3A_460 : vector<16xf32>
        tpu.vector_store_idx %arg11[%select_n3A_131, %select_n3A_233, %get3A_794], %add3A_818 : memref<8x8x129xf32, #tpu.memory_space<vmem>>[vector<16xi32>, vector<16xi32>, vector<16xi32>], vector<16xf32>,
        %scan3A_819 = arith.constant 10 : i32
        %scan3A_820 = arith.addi %scan3A_530, %scan3A_819 : i32
        %get3A_821 = arith.index_cast %scan3A_820 : i32 to index
        %get3A_822 = arith.constant 0 : index
        %get3A_823 = tpu.vector_load %arg13[%get3A_821, %get3A_822] {strides = array<i32>} : memref<128x16xi32, #tpu.memory_space<vmem>>, vector<16xi32>,
        %add3A_824 = arith.constant 0 : i32
        %add3A_825 = arith.addi %add3A_824, %scan3A_820 : i32
        %get3A_826 = arith.index_cast %add3A_825 : i32 to index
        %get3A_827 = arith.constant 0 : index
        %get3A_828 = tpu.vector_load %arg8[%get3A_826, %get3A_827] {strides = array<i32>} : memref<256x64xf32, #tpu.memory_space<vmem>>, vector<16xf32>,
        %add3A_829 = arith.addf %get3A_828, %get3A_451 : vector<16xf32>
        tpu.vector_store_idx %arg11[%select_n3A, %select_n3A_155, %get3A_823], %add3A_829 : memref<8x8x129xf32, #tpu.memory_space<vmem>>[vector<16xi32>, vector<16xi32>, vector<16xi32>], vector<16xf32>,
        %add3A_830 = arith.constant 0 : i32
        %add3A_831 = arith.addi %add3A_830, %scan3A_820 : i32
        %get3A_832 = arith.index_cast %add3A_831 : i32 to index
        %get3A_833 = arith.constant 16 : index
        %get3A_834 = tpu.vector_load %arg8[%get3A_832, %get3A_833] {strides = array<i32>} : memref<256x64xf32, #tpu.memory_space<vmem>>, vector<16xf32>,
        %add3A_835 = arith.addf %get3A_834, %get3A_454 : vector<16xf32>
        tpu.vector_store_idx %arg11[%select_n3A_61, %select_n3A_181, %get3A_823], %add3A_835 : memref<8x8x129xf32, #tpu.memory_space<vmem>>[vector<16xi32>, vector<16xi32>, vector<16xi32>], vector<16xf32>,
        %add3A_836 = arith.constant 0 : i32
        %add3A_837 = arith.addi %add3A_836, %scan3A_820 : i32
        %get3A_838 = arith.index_cast %add3A_837 : i32 to index
        %get3A_839 = arith.constant 32 : index
        %get3A_840 = tpu.vector_load %arg8[%get3A_838, %get3A_839] {strides = array<i32>} : memref<256x64xf32, #tpu.memory_space<vmem>>, vector<16xf32>,
        %add3A_841 = arith.addf %get3A_840, %get3A_457 : vector<16xf32>
        tpu.vector_store_idx %arg11[%select_n3A_96, %select_n3A_207, %get3A_823], %add3A_841 : memref<8x8x129xf32, #tpu.memory_space<vmem>>[vector<16xi32>, vector<16xi32>, vector<16xi32>], vector<16xf32>,
        %add3A_842 = arith.constant 0 : i32
        %add3A_843 = arith.addi %add3A_842, %scan3A_820 : i32
        %get3A_844 = arith.index_cast %add3A_843 : i32 to index
        %get3A_845 = arith.constant 48 : index
        %get3A_846 = tpu.vector_load %arg8[%get3A_844, %get3A_845] {strides = array<i32>} : memref<256x64xf32, #tpu.memory_space<vmem>>, vector<16xf32>,
        %add3A_847 = arith.addf %get3A_846, %get3A_460 : vector<16xf32>
        tpu.vector_store_idx %arg11[%select_n3A_131, %select_n3A_233, %get3A_823], %add3A_847 : memref<8x8x129xf32, #tpu.memory_space<vmem>>[vector<16xi32>, vector<16xi32>, vector<16xi32>], vector<16xf32>,
        %scan3A_848 = arith.constant 11 : i32
        %scan3A_849 = arith.addi %scan3A_530, %scan3A_848 : i32
        %get3A_850 = arith.index_cast %scan3A_849 : i32 to index
        %get3A_851 = arith.constant 0 : index
        %get3A_852 = tpu.vector_load %arg13[%get3A_850, %get3A_851] {strides = array<i32>} : memref<128x16xi32, #tpu.memory_space<vmem>>, vector<16xi32>,
        %add3A_853 = arith.constant 0 : i32
        %add3A_854 = arith.addi %add3A_853, %scan3A_849 : i32
        %get3A_855 = arith.index_cast %add3A_854 : i32 to index
        %get3A_856 = arith.constant 0 : index
        %get3A_857 = tpu.vector_load %arg8[%get3A_855, %get3A_856] {strides = array<i32>} : memref<256x64xf32, #tpu.memory_space<vmem>>, vector<16xf32>,
        %add3A_858 = arith.addf %get3A_857, %get3A_451 : vector<16xf32>
        tpu.vector_store_idx %arg11[%select_n3A, %select_n3A_155, %get3A_852], %add3A_858 : memref<8x8x129xf32, #tpu.memory_space<vmem>>[vector<16xi32>, vector<16xi32>, vector<16xi32>], vector<16xf32>,
        %add3A_859 = arith.constant 0 : i32
        %add3A_860 = arith.addi %add3A_859, %scan3A_849 : i32
        %get3A_861 = arith.index_cast %add3A_860 : i32 to index
        %get3A_862 = arith.constant 16 : index
        %get3A_863 = tpu.vector_load %arg8[%get3A_861, %get3A_862] {strides = array<i32>} : memref<256x64xf32, #tpu.memory_space<vmem>>, vector<16xf32>,
        %add3A_864 = arith.addf %get3A_863, %get3A_454 : vector<16xf32>
        tpu.vector_store_idx %arg11[%select_n3A_61, %select_n3A_181, %get3A_852], %add3A_864 : memref<8x8x129xf32, #tpu.memory_space<vmem>>[vector<16xi32>, vector<16xi32>, vector<16xi32>], vector<16xf32>,
        %add3A_865 = arith.constant 0 : i32
        %add3A_866 = arith.addi %add3A_865, %scan3A_849 : i32
        %get3A_867 = arith.index_cast %add3A_866 : i32 to index
        %get3A_868 = arith.constant 32 : index
        %get3A_869 = tpu.vector_load %arg8[%get3A_867, %get3A_868] {strides = array<i32>} : memref<256x64xf32, #tpu.memory_space<vmem>>, vector<16xf32>,
        %add3A_870 = arith.addf %get3A_869, %get3A_457 : vector<16xf32>
        tpu.vector_store_idx %arg11[%select_n3A_96, %select_n3A_207, %get3A_852], %add3A_870 : memref<8x8x129xf32, #tpu.memory_space<vmem>>[vector<16xi32>, vector<16xi32>, vector<16xi32>], vector<16xf32>,
        %add3A_871 = arith.constant 0 : i32
        %add3A_872 = arith.addi %add3A_871, %scan3A_849 : i32
        %get3A_873 = arith.index_cast %add3A_872 : i32 to index
        %get3A_874 = arith.constant 48 : index
        %get3A_875 = tpu.vector_load %arg8[%get3A_873, %get3A_874] {strides = array<i32>} : memref<256x64xf32, #tpu.memory_space<vmem>>, vector<16xf32>,
        %add3A_876 = arith.addf %get3A_875, %get3A_460 : vector<16xf32>
        tpu.vector_store_idx %arg11[%select_n3A_131, %select_n3A_233, %get3A_852], %add3A_876 : memref<8x8x129xf32, #tpu.memory_space<vmem>>[vector<16xi32>, vector<16xi32>, vector<16xi32>], vector<16xf32>,
        %scan3A_877 = arith.constant 12 : i32
        %scan3A_878 = arith.addi %scan3A_530, %scan3A_877 : i32
        %get3A_879 = arith.index_cast %scan3A_878 : i32 to index
        %get3A_880 = arith.constant 0 : index
        %get3A_881 = tpu.vector_load %arg13[%get3A_879, %get3A_880] {strides = array<i32>} : memref<128x16xi32, #tpu.memory_space<vmem>>, vector<16xi32>,
        %add3A_882 = arith.constant 0 : i32
        %add3A_883 = arith.addi %add3A_882, %scan3A_878 : i32
        %get3A_884 = arith.index_cast %add3A_883 : i32 to index
        %get3A_885 = arith.constant 0 : index
        %get3A_886 = tpu.vector_load %arg8[%get3A_884, %get3A_885] {strides = array<i32>} : memref<256x64xf32, #tpu.memory_space<vmem>>, vector<16xf32>,
        %add3A_887 = arith.addf %get3A_886, %get3A_451 : vector<16xf32>
        tpu.vector_store_idx %arg11[%select_n3A, %select_n3A_155, %get3A_881], %add3A_887 : memref<8x8x129xf32, #tpu.memory_space<vmem>>[vector<16xi32>, vector<16xi32>, vector<16xi32>], vector<16xf32>,
        %add3A_888 = arith.constant 0 : i32
        %add3A_889 = arith.addi %add3A_888, %scan3A_878 : i32
        %get3A_890 = arith.index_cast %add3A_889 : i32 to index
        %get3A_891 = arith.constant 16 : index
        %get3A_892 = tpu.vector_load %arg8[%get3A_890, %get3A_891] {strides = array<i32>} : memref<256x64xf32, #tpu.memory_space<vmem>>, vector<16xf32>,
        %add3A_893 = arith.addf %get3A_892, %get3A_454 : vector<16xf32>
        tpu.vector_store_idx %arg11[%select_n3A_61, %select_n3A_181, %get3A_881], %add3A_893 : memref<8x8x129xf32, #tpu.memory_space<vmem>>[vector<16xi32>, vector<16xi32>, vector<16xi32>], vector<16xf32>,
        %add3A_894 = arith.constant 0 : i32
        %add3A_895 = arith.addi %add3A_894, %scan3A_878 : i32
        %get3A_896 = arith.index_cast %add3A_895 : i32 to index
        %get3A_897 = arith.constant 32 : index
        %get3A_898 = tpu.vector_load %arg8[%get3A_896, %get3A_897] {strides = array<i32>} : memref<256x64xf32, #tpu.memory_space<vmem>>, vector<16xf32>,
        %add3A_899 = arith.addf %get3A_898, %get3A_457 : vector<16xf32>
        tpu.vector_store_idx %arg11[%select_n3A_96, %select_n3A_207, %get3A_881], %add3A_899 : memref<8x8x129xf32, #tpu.memory_space<vmem>>[vector<16xi32>, vector<16xi32>, vector<16xi32>], vector<16xf32>,
        %add3A_900 = arith.constant 0 : i32
        %add3A_901 = arith.addi %add3A_900, %scan3A_878 : i32
        %get3A_902 = arith.index_cast %add3A_901 : i32 to index
        %get3A_903 = arith.constant 48 : index
        %get3A_904 = tpu.vector_load %arg8[%get3A_902, %get3A_903] {strides = array<i32>} : memref<256x64xf32, #tpu.memory_space<vmem>>, vector<16xf32>,
        %add3A_905 = arith.addf %get3A_904, %get3A_460 : vector<16xf32>
        tpu.vector_store_idx %arg11[%select_n3A_131, %select_n3A_233, %get3A_881], %add3A_905 : memref<8x8x129xf32, #tpu.memory_space<vmem>>[vector<16xi32>, vector<16xi32>, vector<16xi32>], vector<16xf32>,
        %scan3A_906 = arith.constant 13 : i32
        %scan3A_907 = arith.addi %scan3A_530, %scan3A_906 : i32
        %get3A_908 = arith.index_cast %scan3A_907 : i32 to index
        %get3A_909 = arith.constant 0 : index
        %get3A_910 = tpu.vector_load %arg13[%get3A_908, %get3A_909] {strides = array<i32>} : memref<128x16xi32, #tpu.memory_space<vmem>>, vector<16xi32>,
        %add3A_911 = arith.constant 0 : i32
        %add3A_912 = arith.addi %add3A_911, %scan3A_907 : i32
        %get3A_913 = arith.index_cast %add3A_912 : i32 to index
        %get3A_914 = arith.constant 0 : index
        %get3A_915 = tpu.vector_load %arg8[%get3A_913, %get3A_914] {strides = array<i32>} : memref<256x64xf32, #tpu.memory_space<vmem>>, vector<16xf32>,
        %add3A_916 = arith.addf %get3A_915, %get3A_451 : vector<16xf32>
        tpu.vector_store_idx %arg11[%select_n3A, %select_n3A_155, %get3A_910], %add3A_916 : memref<8x8x129xf32, #tpu.memory_space<vmem>>[vector<16xi32>, vector<16xi32>, vector<16xi32>], vector<16xf32>,
        %add3A_917 = arith.constant 0 : i32
        %add3A_918 = arith.addi %add3A_917, %scan3A_907 : i32
        %get3A_919 = arith.index_cast %add3A_918 : i32 to index
        %get3A_920 = arith.constant 16 : index
        %get3A_921 = tpu.vector_load %arg8[%get3A_919, %get3A_920] {strides = array<i32>} : memref<256x64xf32, #tpu.memory_space<vmem>>, vector<16xf32>,
        %add3A_922 = arith.addf %get3A_921, %get3A_454 : vector<16xf32>
        tpu.vector_store_idx %arg11[%select_n3A_61, %select_n3A_181, %get3A_910], %add3A_922 : memref<8x8x129xf32, #tpu.memory_space<vmem>>[vector<16xi32>, vector<16xi32>, vector<16xi32>], vector<16xf32>,
        %add3A_923 = arith.constant 0 : i32
        %add3A_924 = arith.addi %add3A_923, %scan3A_907 : i32
        %get3A_925 = arith.index_cast %add3A_924 : i32 to index
        %get3A_926 = arith.constant 32 : index
        %get3A_927 = tpu.vector_load %arg8[%get3A_925, %get3A_926] {strides = array<i32>} : memref<256x64xf32, #tpu.memory_space<vmem>>, vector<16xf32>,
        %add3A_928 = arith.addf %get3A_927, %get3A_457 : vector<16xf32>
        tpu.vector_store_idx %arg11[%select_n3A_96, %select_n3A_207, %get3A_910], %add3A_928 : memref<8x8x129xf32, #tpu.memory_space<vmem>>[vector<16xi32>, vector<16xi32>, vector<16xi32>], vector<16xf32>,
        %add3A_929 = arith.constant 0 : i32
        %add3A_930 = arith.addi %add3A_929, %scan3A_907 : i32
        %get3A_931 = arith.index_cast %add3A_930 : i32 to index
        %get3A_932 = arith.constant 48 : index
        %get3A_933 = tpu.vector_load %arg8[%get3A_931, %get3A_932] {strides = array<i32>} : memref<256x64xf32, #tpu.memory_space<vmem>>, vector<16xf32>,
        %add3A_934 = arith.addf %get3A_933, %get3A_460 : vector<16xf32>
        tpu.vector_store_idx %arg11[%select_n3A_131, %select_n3A_233, %get3A_910], %add3A_934 : memref<8x8x129xf32, #tpu.memory_space<vmem>>[vector<16xi32>, vector<16xi32>, vector<16xi32>], vector<16xf32>,
        %scan3A_935 = arith.constant 14 : i32
        %scan3A_936 = arith.addi %scan3A_530, %scan3A_935 : i32
        %get3A_937 = arith.index_cast %scan3A_936 : i32 to index
        %get3A_938 = arith.constant 0 : index
        %get3A_939 = tpu.vector_load %arg13[%get3A_937, %get3A_938] {strides = array<i32>} : memref<128x16xi32, #tpu.memory_space<vmem>>, vector<16xi32>,
        %add3A_940 = arith.constant 0 : i32
        %add3A_941 = arith.addi %add3A_940, %scan3A_936 : i32
        %get3A_942 = arith.index_cast %add3A_941 : i32 to index
        %get3A_943 = arith.constant 0 : index
        %get3A_944 = tpu.vector_load %arg8[%get3A_942, %get3A_943] {strides = array<i32>} : memref<256x64xf32, #tpu.memory_space<vmem>>, vector<16xf32>,
        %add3A_945 = arith.addf %get3A_944, %get3A_451 : vector<16xf32>
        tpu.vector_store_idx %arg11[%select_n3A, %select_n3A_155, %get3A_939], %add3A_945 : memref<8x8x129xf32, #tpu.memory_space<vmem>>[vector<16xi32>, vector<16xi32>, vector<16xi32>], vector<16xf32>,
        %add3A_946 = arith.constant 0 : i32
        %add3A_947 = arith.addi %add3A_946, %scan3A_936 : i32
        %get3A_948 = arith.index_cast %add3A_947 : i32 to index
        %get3A_949 = arith.constant 16 : index
        %get3A_950 = tpu.vector_load %arg8[%get3A_948, %get3A_949] {strides = array<i32>} : memref<256x64xf32, #tpu.memory_space<vmem>>, vector<16xf32>,
        %add3A_951 = arith.addf %get3A_950, %get3A_454 : vector<16xf32>
        tpu.vector_store_idx %arg11[%select_n3A_61, %select_n3A_181, %get3A_939], %add3A_951 : memref<8x8x129xf32, #tpu.memory_space<vmem>>[vector<16xi32>, vector<16xi32>, vector<16xi32>], vector<16xf32>,
        %add3A_952 = arith.constant 0 : i32
        %add3A_953 = arith.addi %add3A_952, %scan3A_936 : i32
        %get3A_954 = arith.index_cast %add3A_953 : i32 to index
        %get3A_955 = arith.constant 32 : index
        %get3A_956 = tpu.vector_load %arg8[%get3A_954, %get3A_955] {strides = array<i32>} : memref<256x64xf32, #tpu.memory_space<vmem>>, vector<16xf32>,
        %add3A_957 = arith.addf %get3A_956, %get3A_457 : vector<16xf32>
        tpu.vector_store_idx %arg11[%select_n3A_96, %select_n3A_207, %get3A_939], %add3A_957 : memref<8x8x129xf32, #tpu.memory_space<vmem>>[vector<16xi32>, vector<16xi32>, vector<16xi32>], vector<16xf32>,
        %add3A_958 = arith.constant 0 : i32
        %add3A_959 = arith.addi %add3A_958, %scan3A_936 : i32
        %get3A_960 = arith.index_cast %add3A_959 : i32 to index
        %get3A_961 = arith.constant 48 : index
        %get3A_962 = tpu.vector_load %arg8[%get3A_960, %get3A_961] {strides = array<i32>} : memref<256x64xf32, #tpu.memory_space<vmem>>, vector<16xf32>,
        %add3A_963 = arith.addf %get3A_962, %get3A_460 : vector<16xf32>
        tpu.vector_store_idx %arg11[%select_n3A_131, %select_n3A_233, %get3A_939], %add3A_963 : memref<8x8x129xf32, #tpu.memory_space<vmem>>[vector<16xi32>, vector<16xi32>, vector<16xi32>], vector<16xf32>,
        %scan3A_964 = arith.constant 15 : i32
        %scan3A_965 = arith.addi %scan3A_530, %scan3A_964 : i32
        %get3A_966 = arith.index_cast %scan3A_965 : i32 to index
        %get3A_967 = arith.constant 0 : index
        %get3A_968 = tpu.vector_load %arg13[%get3A_966, %get3A_967] {strides = array<i32>} : memref<128x16xi32, #tpu.memory_space<vmem>>, vector<16xi32>,
        %add3A_969 = arith.constant 0 : i32
        %add3A_970 = arith.addi %add3A_969, %scan3A_965 : i32
        %get3A_971 = arith.index_cast %add3A_970 : i32 to index
        %get3A_972 = arith.constant 0 : index
        %get3A_973 = tpu.vector_load %arg8[%get3A_971, %get3A_972] {strides = array<i32>} : memref<256x64xf32, #tpu.memory_space<vmem>>, vector<16xf32>,
        %add3A_974 = arith.addf %get3A_973, %get3A_451 : vector<16xf32>
        tpu.vector_store_idx %arg11[%select_n3A, %select_n3A_155, %get3A_968], %add3A_974 : memref<8x8x129xf32, #tpu.memory_space<vmem>>[vector<16xi32>, vector<16xi32>, vector<16xi32>], vector<16xf32>,
        %add3A_975 = arith.constant 0 : i32
        %add3A_976 = arith.addi %add3A_975, %scan3A_965 : i32
        %get3A_977 = arith.index_cast %add3A_976 : i32 to index
        %get3A_978 = arith.constant 16 : index
        %get3A_979 = tpu.vector_load %arg8[%get3A_977, %get3A_978] {strides = array<i32>} : memref<256x64xf32, #tpu.memory_space<vmem>>, vector<16xf32>,
        %add3A_980 = arith.addf %get3A_979, %get3A_454 : vector<16xf32>
        tpu.vector_store_idx %arg11[%select_n3A_61, %select_n3A_181, %get3A_968], %add3A_980 : memref<8x8x129xf32, #tpu.memory_space<vmem>>[vector<16xi32>, vector<16xi32>, vector<16xi32>], vector<16xf32>,
        %add3A_981 = arith.constant 0 : i32
        %add3A_982 = arith.addi %add3A_981, %scan3A_965 : i32
        %get3A_983 = arith.index_cast %add3A_982 : i32 to index
        %get3A_984 = arith.constant 32 : index
        %get3A_985 = tpu.vector_load %arg8[%get3A_983, %get3A_984] {strides = array<i32>} : memref<256x64xf32, #tpu.memory_space<vmem>>, vector<16xf32>,
        %add3A_986 = arith.addf %get3A_985, %get3A_457 : vector<16xf32>
        tpu.vector_store_idx %arg11[%select_n3A_96, %select_n3A_207, %get3A_968], %add3A_986 : memref<8x8x129xf32, #tpu.memory_space<vmem>>[vector<16xi32>, vector<16xi32>, vector<16xi32>], vector<16xf32>,
        %add3A_987 = arith.constant 0 : i32
        %add3A_988 = arith.addi %add3A_987, %scan3A_965 : i32
        %get3A_989 = arith.index_cast %add3A_988 : i32 to index
        %get3A_990 = arith.constant 48 : index
        %get3A_991 = tpu.vector_load %arg8[%get3A_989, %get3A_990] {strides = array<i32>} : memref<256x64xf32, #tpu.memory_space<vmem>>, vector<16xf32>,
        %add3A_992 = arith.addf %get3A_991, %get3A_460 : vector<16xf32>
        tpu.vector_store_idx %arg11[%select_n3A_131, %select_n3A_233, %get3A_968], %add3A_992 : memref<8x8x129xf32, #tpu.memory_space<vmem>>[vector<16xi32>, vector<16xi32>, vector<16xi32>], vector<16xf32>,
      }
      %scan3A_466 = arith.constant 128 : i32
      %dma_start3A_467 = arith.constant 0 : i32
      %dma_start3A_468 = arith.constant 0 : i32
      %dma_start3A_469 = arith.constant 0 : i32
      %dma_start3A_470 = tpu.memref_slice %arg11[%dma_start3A_467, %dma_start3A_468, %dma_start3A_469] : memref<8x8x129xf32, #tpu.memory_space<vmem>> -> memref<8x8x128xf32, #tpu.memory_space<vmem>>
      %dma_start3A_471 = arith.constant 0 : i32
      %dma_start3A_472 = arith.constant 0 : i32
      %dma_start3A_473 = arith.constant 0 : i32
      %dma_start3A_474 = tpu.memref_slice %arg5[%add3A_448, %dma_start3A_471, %add3A, %dma_start3A_472, %dma_start3A_473] : memref<200x8x32x8x128xf32, #tpu.memory_space<hbm>> -> memref<1x8x1x8x128xf32, #tpu.memory_space<hbm>>
      %dma_start3A_475 = tpu.memref_squeeze %dma_start3A_474 : memref<1x8x1x8x128xf32, #tpu.memory_space<hbm>> -> memref<8x8x128xf32, #tpu.memory_space<hbm>>
      %dma_start3A_476 = arith.constant 0 : i32
      %dma_start3A_477 = arith.constant 0 : i32
      %dma_start3A_478 = arith.constant 0 : i32
      %dma_start3A_479 = tpu.memref_slice %arg5[%add3A_448, %dma_start3A_476, %add3A, %dma_start3A_477, %dma_start3A_478] : memref<200x8x32x8x128xf32, #tpu.memory_space<hbm>> -> memref<1x8x1x8x128xf32, #tpu.memory_space<hbm>>
      %dma_start3A_480 = tpu.memref_squeeze %dma_start3A_479 : memref<1x8x1x8x128xf32, #tpu.memory_space<hbm>> -> memref<8x8x128xf32, #tpu.memory_space<hbm>>
      %dma_start3A_481 = arith.constant 0 : i32
      %dma_start3A_482 = arith.constant 0 : i32
      %dma_start3A_483 = arith.constant 0 : i32
      %dma_start3A_484 = tpu.memref_slice %arg11[%dma_start3A_481, %dma_start3A_482, %dma_start3A_483] : memref<8x8x129xf32, #tpu.memory_space<vmem>> -> memref<8x8x128xf32, #tpu.memory_space<vmem>>
      tpu.enqueue_dma source(%dma_start3A_484 : memref<8x8x128xf32, #tpu.memory_space<vmem>>) target(%dma_start3A_480 : memref<8x8x128xf32, #tpu.memory_space<hbm>>) target_semaphore(%arg19 : memref<!tpu.dma_semaphore, #tpu.memory_space<semaphore_mem>>)
      %mul3A_485 = arith.constant 2 : i32
      %mul3A_486 = arith.muli %add3A_433, %mul3A_485 : i32
      %add3A_487 = arith.constant 1 : i32
      %add3A_488 = arith.addi %mul3A_486, %add3A_487 : i32
      %get3A_489 = arith.index_cast %add3A_488 : i32 to index
      %get3A_490 = arith.constant 0 : index
      %get3A_491 = tpu.vector_load %arg14[%get3A_489, %get3A_490] {strides = array<i32>} : memref<200x64xf32, #tpu.memory_space<vmem>>, vector<16xf32>,
      %get3A_492 = arith.index_cast %add3A_488 : i32 to index
      %get3A_493 = arith.constant 16 : index
      %get3A_494 = tpu.vector_load %arg14[%get3A_492, %get3A_493] {strides = array<i32>} : memref<200x64xf32, #tpu.memory_space<vmem>>, vector<16xf32>,
      %get3A_495 = arith.index_cast %add3A_488 : i32 to index
      %get3A_496 = arith.constant 32 : index
      %get3A_497 = tpu.vector_load %arg14[%get3A_495, %get3A_496] {strides = array<i32>} : memref<200x64xf32, #tpu.memory_space<vmem>>, vector<16xf32>,
      %get3A_498 = arith.index_cast %add3A_488 : i32 to index
      %get3A_499 = arith.constant 48 : index
      %get3A_500 = tpu.vector_load %arg14[%get3A_498, %get3A_499] {strides = array<i32>} : memref<200x64xf32, #tpu.memory_space<vmem>>, vector<16xf32>,
      %scan3A_501 = arith.constant 0 : i32
      %scan3A_502 = arith.constant 0 : i32
      %scan3A_503 = arith.constant 128 : i32
      %scan3A_504 = arith.addi %scan3A_502, %scan3A_503 : i32
      %scan3A_505 = arith.constant 16 : i32
      scf.for %scan3A_530 = %scan3A_502 to %scan3A_504 step %scan3A_505  : i32 {
        %get3A_531 = arith.index_cast %scan3A_530 : i32 to index
        %get3A_532 = arith.constant 0 : index
        %get3A_533 = tpu.vector_load %arg13[%get3A_531, %get3A_532] {strides = array<i32>} : memref<128x16xi32, #tpu.memory_space<vmem>>, vector<16xi32>,
        %add3A_534 = arith.constant 128 : i32
        %add3A_535 = arith.addi %add3A_534, %scan3A_530 : i32
        %get3A_536 = arith.index_cast %add3A_535 : i32 to index
        %get3A_537 = arith.constant 0 : index
        %get3A_538 = tpu.vector_load %arg8[%get3A_536, %get3A_537] {strides = array<i32>} : memref<256x64xf32, #tpu.memory_space<vmem>>, vector<16xf32>,
        %add3A_539 = arith.addf %get3A_538, %get3A_491 : vector<16xf32>
        tpu.vector_store_idx %arg12[%select_n3A, %select_n3A_155, %get3A_533], %add3A_539 : memref<8x8x129xf32, #tpu.memory_space<vmem>>[vector<16xi32>, vector<16xi32>, vector<16xi32>], vector<16xf32>,
        %add3A_540 = arith.constant 128 : i32
        %add3A_541 = arith.addi %add3A_540, %scan3A_530 : i32
        %get3A_542 = arith.index_cast %add3A_541 : i32 to index
        %get3A_543 = arith.constant 16 : index
        %get3A_544 = tpu.vector_load %arg8[%get3A_542, %get3A_543] {strides = array<i32>} : memref<256x64xf32, #tpu.memory_space<vmem>>, vector<16xf32>,
        %add3A_545 = arith.addf %get3A_544, %get3A_494 : vector<16xf32>
        tpu.vector_store_idx %arg12[%select_n3A_61, %select_n3A_181, %get3A_533], %add3A_545 : memref<8x8x129xf32, #tpu.memory_space<vmem>>[vector<16xi32>, vector<16xi32>, vector<16xi32>], vector<16xf32>,
        %add3A_546 = arith.constant 128 : i32
        %add3A_547 = arith.addi %add3A_546, %scan3A_530 : i32
        %get3A_548 = arith.index_cast %add3A_547 : i32 to index
        %get3A_549 = arith.constant 32 : index
        %get3A_550 = tpu.vector_load %arg8[%get3A_548, %get3A_549] {strides = array<i32>} : memref<256x64xf32, #tpu.memory_space<vmem>>, vector<16xf32>,
        %add3A_551 = arith.addf %get3A_550, %get3A_497 : vector<16xf32>
        tpu.vector_store_idx %arg12[%select_n3A_96, %select_n3A_207, %get3A_533], %add3A_551 : memref<8x8x129xf32, #tpu.memory_space<vmem>>[vector<16xi32>, vector<16xi32>, vector<16xi32>], vector<16xf32>,
        %add3A_552 = arith.constant 128 : i32
        %add3A_553 = arith.addi %add3A_552, %scan3A_530 : i32
        %get3A_554 = arith.index_cast %add3A_553 : i32 to index
        %get3A_555 = arith.constant 48 : index
        %get3A_556 = tpu.vector_load %arg8[%get3A_554, %get3A_555] {strides = array<i32>} : memref<256x64xf32, #tpu.memory_space<vmem>>, vector<16xf32>,
        %add3A_557 = arith.addf %get3A_556, %get3A_500 : vector<16xf32>
        tpu.vector_store_idx %arg12[%select_n3A_131, %select_n3A_233, %get3A_533], %add3A_557 : memref<8x8x129xf32, #tpu.memory_space<vmem>>[vector<16xi32>, vector<16xi32>, vector<16xi32>], vector<16xf32>,
        %scan3A_558 = arith.constant 1 : i32
        %scan3A_559 = arith.addi %scan3A_530, %scan3A_558 : i32
        %get3A_560 = arith.index_cast %scan3A_559 : i32 to index
        %get3A_561 = arith.constant 0 : index
        %get3A_562 = tpu.vector_load %arg13[%get3A_560, %get3A_561] {strides = array<i32>} : memref<128x16xi32, #tpu.memory_space<vmem>>, vector<16xi32>,
        %add3A_563 = arith.constant 128 : i32
        %add3A_564 = arith.addi %add3A_563, %scan3A_559 : i32
        %get3A_565 = arith.index_cast %add3A_564 : i32 to index
        %get3A_566 = arith.constant 0 : index
        %get3A_567 = tpu.vector_load %arg8[%get3A_565, %get3A_566] {strides = array<i32>} : memref<256x64xf32, #tpu.memory_space<vmem>>, vector<16xf32>,
        %add3A_568 = arith.addf %get3A_567, %get3A_491 : vector<16xf32>
        tpu.vector_store_idx %arg12[%select_n3A, %select_n3A_155, %get3A_562], %add3A_568 : memref<8x8x129xf32, #tpu.memory_space<vmem>>[vector<16xi32>, vector<16xi32>, vector<16xi32>], vector<16xf32>,
        %add3A_569 = arith.constant 128 : i32
        %add3A_570 = arith.addi %add3A_569, %scan3A_559 : i32
        %get3A_571 = arith.index_cast %add3A_570 : i32 to index
        %get3A_572 = arith.constant 16 : index
        %get3A_573 = tpu.vector_load %arg8[%get3A_571, %get3A_572] {strides = array<i32>} : memref<256x64xf32, #tpu.memory_space<vmem>>, vector<16xf32>,
        %add3A_574 = arith.addf %get3A_573, %get3A_494 : vector<16xf32>
        tpu.vector_store_idx %arg12[%select_n3A_61, %select_n3A_181, %get3A_562], %add3A_574 : memref<8x8x129xf32, #tpu.memory_space<vmem>>[vector<16xi32>, vector<16xi32>, vector<16xi32>], vector<16xf32>,
        %add3A_575 = arith.constant 128 : i32
        %add3A_576 = arith.addi %add3A_575, %scan3A_559 : i32
        %get3A_577 = arith.index_cast %add3A_576 : i32 to index
        %get3A_578 = arith.constant 32 : index
        %get3A_579 = tpu.vector_load %arg8[%get3A_577, %get3A_578] {strides = array<i32>} : memref<256x64xf32, #tpu.memory_space<vmem>>, vector<16xf32>,
        %add3A_580 = arith.addf %get3A_579, %get3A_497 : vector<16xf32>
        tpu.vector_store_idx %arg12[%select_n3A_96, %select_n3A_207, %get3A_562], %add3A_580 : memref<8x8x129xf32, #tpu.memory_space<vmem>>[vector<16xi32>, vector<16xi32>, vector<16xi32>], vector<16xf32>,
        %add3A_581 = arith.constant 128 : i32
        %add3A_582 = arith.addi %add3A_581, %scan3A_559 : i32
        %get3A_583 = arith.index_cast %add3A_582 : i32 to index
        %get3A_584 = arith.constant 48 : index
        %get3A_585 = tpu.vector_load %arg8[%get3A_583, %get3A_584] {strides = array<i32>} : memref<256x64xf32, #tpu.memory_space<vmem>>, vector<16xf32>,
        %add3A_586 = arith.addf %get3A_585, %get3A_500 : vector<16xf32>
        tpu.vector_store_idx %arg12[%select_n3A_131, %select_n3A_233, %get3A_562], %add3A_586 : memref<8x8x129xf32, #tpu.memory_space<vmem>>[vector<16xi32>, vector<16xi32>, vector<16xi32>], vector<16xf32>,
        %scan3A_587 = arith.constant 2 : i32
        %scan3A_588 = arith.addi %scan3A_530, %scan3A_587 : i32
        %get3A_589 = arith.index_cast %scan3A_588 : i32 to index
        %get3A_590 = arith.constant 0 : index
        %get3A_591 = tpu.vector_load %arg13[%get3A_589, %get3A_590] {strides = array<i32>} : memref<128x16xi32, #tpu.memory_space<vmem>>, vector<16xi32>,
        %add3A_592 = arith.constant 128 : i32
        %add3A_593 = arith.addi %add3A_592, %scan3A_588 : i32
        %get3A_594 = arith.index_cast %add3A_593 : i32 to index
        %get3A_595 = arith.constant 0 : index
        %get3A_596 = tpu.vector_load %arg8[%get3A_594, %get3A_595] {strides = array<i32>} : memref<256x64xf32, #tpu.memory_space<vmem>>, vector<16xf32>,
        %add3A_597 = arith.addf %get3A_596, %get3A_491 : vector<16xf32>
        tpu.vector_store_idx %arg12[%select_n3A, %select_n3A_155, %get3A_591], %add3A_597 : memref<8x8x129xf32, #tpu.memory_space<vmem>>[vector<16xi32>, vector<16xi32>, vector<16xi32>], vector<16xf32>,
        %add3A_598 = arith.constant 128 : i32
        %add3A_599 = arith.addi %add3A_598, %scan3A_588 : i32
        %get3A_600 = arith.index_cast %add3A_599 : i32 to index
        %get3A_601 = arith.constant 16 : index
        %get3A_602 = tpu.vector_load %arg8[%get3A_600, %get3A_601] {strides = array<i32>} : memref<256x64xf32, #tpu.memory_space<vmem>>, vector<16xf32>,
        %add3A_603 = arith.addf %get3A_602, %get3A_494 : vector<16xf32>
        tpu.vector_store_idx %arg12[%select_n3A_61, %select_n3A_181, %get3A_591], %add3A_603 : memref<8x8x129xf32, #tpu.memory_space<vmem>>[vector<16xi32>, vector<16xi32>, vector<16xi32>], vector<16xf32>,
        %add3A_604 = arith.constant 128 : i32
        %add3A_605 = arith.addi %add3A_604, %scan3A_588 : i32
        %get3A_606 = arith.index_cast %add3A_605 : i32 to index
        %get3A_607 = arith.constant 32 : index
        %get3A_608 = tpu.vector_load %arg8[%get3A_606, %get3A_607] {strides = array<i32>} : memref<256x64xf32, #tpu.memory_space<vmem>>, vector<16xf32>,
        %add3A_609 = arith.addf %get3A_608, %get3A_497 : vector<16xf32>
        tpu.vector_store_idx %arg12[%select_n3A_96, %select_n3A_207, %get3A_591], %add3A_609 : memref<8x8x129xf32, #tpu.memory_space<vmem>>[vector<16xi32>, vector<16xi32>, vector<16xi32>], vector<16xf32>,
        %add3A_610 = arith.constant 128 : i32
        %add3A_611 = arith.addi %add3A_610, %scan3A_588 : i32
        %get3A_612 = arith.index_cast %add3A_611 : i32 to index
        %get3A_613 = arith.constant 48 : index
        %get3A_614 = tpu.vector_load %arg8[%get3A_612, %get3A_613] {strides = array<i32>} : memref<256x64xf32, #tpu.memory_space<vmem>>, vector<16xf32>,
        %add3A_615 = arith.addf %get3A_614, %get3A_500 : vector<16xf32>
        tpu.vector_store_idx %arg12[%select_n3A_131, %select_n3A_233, %get3A_591], %add3A_615 : memref<8x8x129xf32, #tpu.memory_space<vmem>>[vector<16xi32>, vector<16xi32>, vector<16xi32>], vector<16xf32>,
        %scan3A_616 = arith.constant 3 : i32
        %scan3A_617 = arith.addi %scan3A_530, %scan3A_616 : i32
        %get3A_618 = arith.index_cast %scan3A_617 : i32 to index
        %get3A_619 = arith.constant 0 : index
        %get3A_620 = tpu.vector_load %arg13[%get3A_618, %get3A_619] {strides = array<i32>} : memref<128x16xi32, #tpu.memory_space<vmem>>, vector<16xi32>,
        %add3A_621 = arith.constant 128 : i32
        %add3A_622 = arith.addi %add3A_621, %scan3A_617 : i32
        %get3A_623 = arith.index_cast %add3A_622 : i32 to index
        %get3A_624 = arith.constant 0 : index
        %get3A_625 = tpu.vector_load %arg8[%get3A_623, %get3A_624] {strides = array<i32>} : memref<256x64xf32, #tpu.memory_space<vmem>>, vector<16xf32>,
        %add3A_626 = arith.addf %get3A_625, %get3A_491 : vector<16xf32>
        tpu.vector_store_idx %arg12[%select_n3A, %select_n3A_155, %get3A_620], %add3A_626 : memref<8x8x129xf32, #tpu.memory_space<vmem>>[vector<16xi32>, vector<16xi32>, vector<16xi32>], vector<16xf32>,
        %add3A_627 = arith.constant 128 : i32
        %add3A_628 = arith.addi %add3A_627, %scan3A_617 : i32
        %get3A_629 = arith.index_cast %add3A_628 : i32 to index
        %get3A_630 = arith.constant 16 : index
        %get3A_631 = tpu.vector_load %arg8[%get3A_629, %get3A_630] {strides = array<i32>} : memref<256x64xf32, #tpu.memory_space<vmem>>, vector<16xf32>,
        %add3A_632 = arith.addf %get3A_631, %get3A_494 : vector<16xf32>
        tpu.vector_store_idx %arg12[%select_n3A_61, %select_n3A_181, %get3A_620], %add3A_632 : memref<8x8x129xf32, #tpu.memory_space<vmem>>[vector<16xi32>, vector<16xi32>, vector<16xi32>], vector<16xf32>,
        %add3A_633 = arith.constant 128 : i32
        %add3A_634 = arith.addi %add3A_633, %scan3A_617 : i32
        %get3A_635 = arith.index_cast %add3A_634 : i32 to index
        %get3A_636 = arith.constant 32 : index
        %get3A_637 = tpu.vector_load %arg8[%get3A_635, %get3A_636] {strides = array<i32>} : memref<256x64xf32, #tpu.memory_space<vmem>>, vector<16xf32>,
        %add3A_638 = arith.addf %get3A_637, %get3A_497 : vector<16xf32>
        tpu.vector_store_idx %arg12[%select_n3A_96, %select_n3A_207, %get3A_620], %add3A_638 : memref<8x8x129xf32, #tpu.memory_space<vmem>>[vector<16xi32>, vector<16xi32>, vector<16xi32>], vector<16xf32>,
        %add3A_639 = arith.constant 128 : i32
        %add3A_640 = arith.addi %add3A_639, %scan3A_617 : i32
        %get3A_641 = arith.index_cast %add3A_640 : i32 to index
        %get3A_642 = arith.constant 48 : index
        %get3A_643 = tpu.vector_load %arg8[%get3A_641, %get3A_642] {strides = array<i32>} : memref<256x64xf32, #tpu.memory_space<vmem>>, vector<16xf32>,
        %add3A_644 = arith.addf %get3A_643, %get3A_500 : vector<16xf32>
        tpu.vector_store_idx %arg12[%select_n3A_131, %select_n3A_233, %get3A_620], %add3A_644 : memref<8x8x129xf32, #tpu.memory_space<vmem>>[vector<16xi32>, vector<16xi32>, vector<16xi32>], vector<16xf32>,
        %scan3A_645 = arith.constant 4 : i32
        %scan3A_646 = arith.addi %scan3A_530, %scan3A_645 : i32
        %get3A_647 = arith.index_cast %scan3A_646 : i32 to index
        %get3A_648 = arith.constant 0 : index
        %get3A_649 = tpu.vector_load %arg13[%get3A_647, %get3A_648] {strides = array<i32>} : memref<128x16xi32, #tpu.memory_space<vmem>>, vector<16xi32>,
        %add3A_650 = arith.constant 128 : i32
        %add3A_651 = arith.addi %add3A_650, %scan3A_646 : i32
        %get3A_652 = arith.index_cast %add3A_651 : i32 to index
        %get3A_653 = arith.constant 0 : index
        %get3A_654 = tpu.vector_load %arg8[%get3A_652, %get3A_653] {strides = array<i32>} : memref<256x64xf32, #tpu.memory_space<vmem>>, vector<16xf32>,
        %add3A_655 = arith.addf %get3A_654, %get3A_491 : vector<16xf32>
        tpu.vector_store_idx %arg12[%select_n3A, %select_n3A_155, %get3A_649], %add3A_655 : memref<8x8x129xf32, #tpu.memory_space<vmem>>[vector<16xi32>, vector<16xi32>, vector<16xi32>], vector<16xf32>,
        %add3A_656 = arith.constant 128 : i32
        %add3A_657 = arith.addi %add3A_656, %scan3A_646 : i32
        %get3A_658 = arith.index_cast %add3A_657 : i32 to index
        %get3A_659 = arith.constant 16 : index
        %get3A_660 = tpu.vector_load %arg8[%get3A_658, %get3A_659] {strides = array<i32>} : memref<256x64xf32, #tpu.memory_space<vmem>>, vector<16xf32>,
        %add3A_661 = arith.addf %get3A_660, %get3A_494 : vector<16xf32>
        tpu.vector_store_idx %arg12[%select_n3A_61, %select_n3A_181, %get3A_649], %add3A_661 : memref<8x8x129xf32, #tpu.memory_space<vmem>>[vector<16xi32>, vector<16xi32>, vector<16xi32>], vector<16xf32>,
        %add3A_662 = arith.constant 128 : i32
        %add3A_663 = arith.addi %add3A_662, %scan3A_646 : i32
        %get3A_664 = arith.index_cast %add3A_663 : i32 to index
        %get3A_665 = arith.constant 32 : index
        %get3A_666 = tpu.vector_load %arg8[%get3A_664, %get3A_665] {strides = array<i32>} : memref<256x64xf32, #tpu.memory_space<vmem>>, vector<16xf32>,
        %add3A_667 = arith.addf %get3A_666, %get3A_497 : vector<16xf32>
        tpu.vector_store_idx %arg12[%select_n3A_96, %select_n3A_207, %get3A_649], %add3A_667 : memref<8x8x129xf32, #tpu.memory_space<vmem>>[vector<16xi32>, vector<16xi32>, vector<16xi32>], vector<16xf32>,
        %add3A_668 = arith.constant 128 : i32
        %add3A_669 = arith.addi %add3A_668, %scan3A_646 : i32
        %get3A_670 = arith.index_cast %add3A_669 : i32 to index
        %get3A_671 = arith.constant 48 : index
        %get3A_672 = tpu.vector_load %arg8[%get3A_670, %get3A_671] {strides = array<i32>} : memref<256x64xf32, #tpu.memory_space<vmem>>, vector<16xf32>,
        %add3A_673 = arith.addf %get3A_672, %get3A_500 : vector<16xf32>
        tpu.vector_store_idx %arg12[%select_n3A_131, %select_n3A_233, %get3A_649], %add3A_673 : memref<8x8x129xf32, #tpu.memory_space<vmem>>[vector<16xi32>, vector<16xi32>, vector<16xi32>], vector<16xf32>,
        %scan3A_674 = arith.constant 5 : i32
        %scan3A_675 = arith.addi %scan3A_530, %scan3A_674 : i32
        %get3A_676 = arith.index_cast %scan3A_675 : i32 to index
        %get3A_677 = arith.constant 0 : index
        %get3A_678 = tpu.vector_load %arg13[%get3A_676, %get3A_677] {strides = array<i32>} : memref<128x16xi32, #tpu.memory_space<vmem>>, vector<16xi32>,
        %add3A_679 = arith.constant 128 : i32
        %add3A_680 = arith.addi %add3A_679, %scan3A_675 : i32
        %get3A_681 = arith.index_cast %add3A_680 : i32 to index
        %get3A_682 = arith.constant 0 : index
        %get3A_683 = tpu.vector_load %arg8[%get3A_681, %get3A_682] {strides = array<i32>} : memref<256x64xf32, #tpu.memory_space<vmem>>, vector<16xf32>,
        %add3A_684 = arith.addf %get3A_683, %get3A_491 : vector<16xf32>
        tpu.vector_store_idx %arg12[%select_n3A, %select_n3A_155, %get3A_678], %add3A_684 : memref<8x8x129xf32, #tpu.memory_space<vmem>>[vector<16xi32>, vector<16xi32>, vector<16xi32>], vector<16xf32>,
        %add3A_685 = arith.constant 128 : i32
        %add3A_686 = arith.addi %add3A_685, %scan3A_675 : i32
        %get3A_687 = arith.index_cast %add3A_686 : i32 to index
        %get3A_688 = arith.constant 16 : index
        %get3A_689 = tpu.vector_load %arg8[%get3A_687, %get3A_688] {strides = array<i32>} : memref<256x64xf32, #tpu.memory_space<vmem>>, vector<16xf32>,
        %add3A_690 = arith.addf %get3A_689, %get3A_494 : vector<16xf32>
        tpu.vector_store_idx %arg12[%select_n3A_61, %select_n3A_181, %get3A_678], %add3A_690 : memref<8x8x129xf32, #tpu.memory_space<vmem>>[vector<16xi32>, vector<16xi32>, vector<16xi32>], vector<16xf32>,
        %add3A_691 = arith.constant 128 : i32
        %add3A_692 = arith.addi %add3A_691, %scan3A_675 : i32
        %get3A_693 = arith.index_cast %add3A_692 : i32 to index
        %get3A_694 = arith.constant 32 : index
        %get3A_695 = tpu.vector_load %arg8[%get3A_693, %get3A_694] {strides = array<i32>} : memref<256x64xf32, #tpu.memory_space<vmem>>, vector<16xf32>,
        %add3A_696 = arith.addf %get3A_695, %get3A_497 : vector<16xf32>
        tpu.vector_store_idx %arg12[%select_n3A_96, %select_n3A_207, %get3A_678], %add3A_696 : memref<8x8x129xf32, #tpu.memory_space<vmem>>[vector<16xi32>, vector<16xi32>, vector<16xi32>], vector<16xf32>,
        %add3A_697 = arith.constant 128 : i32
        %add3A_698 = arith.addi %add3A_697, %scan3A_675 : i32
        %get3A_699 = arith.index_cast %add3A_698 : i32 to index
        %get3A_700 = arith.constant 48 : index
        %get3A_701 = tpu.vector_load %arg8[%get3A_699, %get3A_700] {strides = array<i32>} : memref<256x64xf32, #tpu.memory_space<vmem>>, vector<16xf32>,
        %add3A_702 = arith.addf %get3A_701, %get3A_500 : vector<16xf32>
        tpu.vector_store_idx %arg12[%select_n3A_131, %select_n3A_233, %get3A_678], %add3A_702 : memref<8x8x129xf32, #tpu.memory_space<vmem>>[vector<16xi32>, vector<16xi32>, vector<16xi32>], vector<16xf32>,
        %scan3A_703 = arith.constant 6 : i32
        %scan3A_704 = arith.addi %scan3A_530, %scan3A_703 : i32
        %get3A_705 = arith.index_cast %scan3A_704 : i32 to index
        %get3A_706 = arith.constant 0 : index
        %get3A_707 = tpu.vector_load %arg13[%get3A_705, %get3A_706] {strides = array<i32>} : memref<128x16xi32, #tpu.memory_space<vmem>>, vector<16xi32>,
        %add3A_708 = arith.constant 128 : i32
        %add3A_709 = arith.addi %add3A_708, %scan3A_704 : i32
        %get3A_710 = arith.index_cast %add3A_709 : i32 to index
        %get3A_711 = arith.constant 0 : index
        %get3A_712 = tpu.vector_load %arg8[%get3A_710, %get3A_711] {strides = array<i32>} : memref<256x64xf32, #tpu.memory_space<vmem>>, vector<16xf32>,
        %add3A_713 = arith.addf %get3A_712, %get3A_491 : vector<16xf32>
        tpu.vector_store_idx %arg12[%select_n3A, %select_n3A_155, %get3A_707], %add3A_713 : memref<8x8x129xf32, #tpu.memory_space<vmem>>[vector<16xi32>, vector<16xi32>, vector<16xi32>], vector<16xf32>,
        %add3A_714 = arith.constant 128 : i32
        %add3A_715 = arith.addi %add3A_714, %scan3A_704 : i32
        %get3A_716 = arith.index_cast %add3A_715 : i32 to index
        %get3A_717 = arith.constant 16 : index
        %get3A_718 = tpu.vector_load %arg8[%get3A_716, %get3A_717] {strides = array<i32>} : memref<256x64xf32, #tpu.memory_space<vmem>>, vector<16xf32>,
        %add3A_719 = arith.addf %get3A_718, %get3A_494 : vector<16xf32>
        tpu.vector_store_idx %arg12[%select_n3A_61, %select_n3A_181, %get3A_707], %add3A_719 : memref<8x8x129xf32, #tpu.memory_space<vmem>>[vector<16xi32>, vector<16xi32>, vector<16xi32>], vector<16xf32>,
        %add3A_720 = arith.constant 128 : i32
        %add3A_721 = arith.addi %add3A_720, %scan3A_704 : i32
        %get3A_722 = arith.index_cast %add3A_721 : i32 to index
        %get3A_723 = arith.constant 32 : index
        %get3A_724 = tpu.vector_load %arg8[%get3A_722, %get3A_723] {strides = array<i32>} : memref<256x64xf32, #tpu.memory_space<vmem>>, vector<16xf32>,
        %add3A_725 = arith.addf %get3A_724, %get3A_497 : vector<16xf32>
        tpu.vector_store_idx %arg12[%select_n3A_96, %select_n3A_207, %get3A_707], %add3A_725 : memref<8x8x129xf32, #tpu.memory_space<vmem>>[vector<16xi32>, vector<16xi32>, vector<16xi32>], vector<16xf32>,
        %add3A_726 = arith.constant 128 : i32
        %add3A_727 = arith.addi %add3A_726, %scan3A_704 : i32
        %get3A_728 = arith.index_cast %add3A_727 : i32 to index
        %get3A_729 = arith.constant 48 : index
        %get3A_730 = tpu.vector_load %arg8[%get3A_728, %get3A_729] {strides = array<i32>} : memref<256x64xf32, #tpu.memory_space<vmem>>, vector<16xf32>,
        %add3A_731 = arith.addf %get3A_730, %get3A_500 : vector<16xf32>
        tpu.vector_store_idx %arg12[%select_n3A_131, %select_n3A_233, %get3A_707], %add3A_731 : memref<8x8x129xf32, #tpu.memory_space<vmem>>[vector<16xi32>, vector<16xi32>, vector<16xi32>], vector<16xf32>,
        %scan3A_732 = arith.constant 7 : i32
        %scan3A_733 = arith.addi %scan3A_530, %scan3A_732 : i32
        %get3A_734 = arith.index_cast %scan3A_733 : i32 to index
        %get3A_735 = arith.constant 0 : index
        %get3A_736 = tpu.vector_load %arg13[%get3A_734, %get3A_735] {strides = array<i32>} : memref<128x16xi32, #tpu.memory_space<vmem>>, vector<16xi32>,
        %add3A_737 = arith.constant 128 : i32
        %add3A_738 = arith.addi %add3A_737, %scan3A_733 : i32
        %get3A_739 = arith.index_cast %add3A_738 : i32 to index
        %get3A_740 = arith.constant 0 : index
        %get3A_741 = tpu.vector_load %arg8[%get3A_739, %get3A_740] {strides = array<i32>} : memref<256x64xf32, #tpu.memory_space<vmem>>, vector<16xf32>,
        %add3A_742 = arith.addf %get3A_741, %get3A_491 : vector<16xf32>
        tpu.vector_store_idx %arg12[%select_n3A, %select_n3A_155, %get3A_736], %add3A_742 : memref<8x8x129xf32, #tpu.memory_space<vmem>>[vector<16xi32>, vector<16xi32>, vector<16xi32>], vector<16xf32>,
        %add3A_743 = arith.constant 128 : i32
        %add3A_744 = arith.addi %add3A_743, %scan3A_733 : i32
        %get3A_745 = arith.index_cast %add3A_744 : i32 to index
        %get3A_746 = arith.constant 16 : index
        %get3A_747 = tpu.vector_load %arg8[%get3A_745, %get3A_746] {strides = array<i32>} : memref<256x64xf32, #tpu.memory_space<vmem>>, vector<16xf32>,
        %add3A_748 = arith.addf %get3A_747, %get3A_494 : vector<16xf32>
        tpu.vector_store_idx %arg12[%select_n3A_61, %select_n3A_181, %get3A_736], %add3A_748 : memref<8x8x129xf32, #tpu.memory_space<vmem>>[vector<16xi32>, vector<16xi32>, vector<16xi32>], vector<16xf32>,
        %add3A_749 = arith.constant 128 : i32
        %add3A_750 = arith.addi %add3A_749, %scan3A_733 : i32
        %get3A_751 = arith.index_cast %add3A_750 : i32 to index
        %get3A_752 = arith.constant 32 : index
        %get3A_753 = tpu.vector_load %arg8[%get3A_751, %get3A_752] {strides = array<i32>} : memref<256x64xf32, #tpu.memory_space<vmem>>, vector<16xf32>,
        %add3A_754 = arith.addf %get3A_753, %get3A_497 : vector<16xf32>
        tpu.vector_store_idx %arg12[%select_n3A_96, %select_n3A_207, %get3A_736], %add3A_754 : memref<8x8x129xf32, #tpu.memory_space<vmem>>[vector<16xi32>, vector<16xi32>, vector<16xi32>], vector<16xf32>,
        %add3A_755 = arith.constant 128 : i32
        %add3A_756 = arith.addi %add3A_755, %scan3A_733 : i32
        %get3A_757 = arith.index_cast %add3A_756 : i32 to index
        %get3A_758 = arith.constant 48 : index
        %get3A_759 = tpu.vector_load %arg8[%get3A_757, %get3A_758] {strides = array<i32>} : memref<256x64xf32, #tpu.memory_space<vmem>>, vector<16xf32>,
        %add3A_760 = arith.addf %get3A_759, %get3A_500 : vector<16xf32>
        tpu.vector_store_idx %arg12[%select_n3A_131, %select_n3A_233, %get3A_736], %add3A_760 : memref<8x8x129xf32, #tpu.memory_space<vmem>>[vector<16xi32>, vector<16xi32>, vector<16xi32>], vector<16xf32>,
        %scan3A_761 = arith.constant 8 : i32
        %scan3A_762 = arith.addi %scan3A_530, %scan3A_761 : i32
        %get3A_763 = arith.index_cast %scan3A_762 : i32 to index
        %get3A_764 = arith.constant 0 : index
        %get3A_765 = tpu.vector_load %arg13[%get3A_763, %get3A_764] {strides = array<i32>} : memref<128x16xi32, #tpu.memory_space<vmem>>, vector<16xi32>,
        %add3A_766 = arith.constant 128 : i32
        %add3A_767 = arith.addi %add3A_766, %scan3A_762 : i32
        %get3A_768 = arith.index_cast %add3A_767 : i32 to index
        %get3A_769 = arith.constant 0 : index
        %get3A_770 = tpu.vector_load %arg8[%get3A_768, %get3A_769] {strides = array<i32>} : memref<256x64xf32, #tpu.memory_space<vmem>>, vector<16xf32>,
        %add3A_771 = arith.addf %get3A_770, %get3A_491 : vector<16xf32>
        tpu.vector_store_idx %arg12[%select_n3A, %select_n3A_155, %get3A_765], %add3A_771 : memref<8x8x129xf32, #tpu.memory_space<vmem>>[vector<16xi32>, vector<16xi32>, vector<16xi32>], vector<16xf32>,
        %add3A_772 = arith.constant 128 : i32
        %add3A_773 = arith.addi %add3A_772, %scan3A_762 : i32
        %get3A_774 = arith.index_cast %add3A_773 : i32 to index
        %get3A_775 = arith.constant 16 : index
        %get3A_776 = tpu.vector_load %arg8[%get3A_774, %get3A_775] {strides = array<i32>} : memref<256x64xf32, #tpu.memory_space<vmem>>, vector<16xf32>,
        %add3A_777 = arith.addf %get3A_776, %get3A_494 : vector<16xf32>
        tpu.vector_store_idx %arg12[%select_n3A_61, %select_n3A_181, %get3A_765], %add3A_777 : memref<8x8x129xf32, #tpu.memory_space<vmem>>[vector<16xi32>, vector<16xi32>, vector<16xi32>], vector<16xf32>,
        %add3A_778 = arith.constant 128 : i32
        %add3A_779 = arith.addi %add3A_778, %scan3A_762 : i32
        %get3A_780 = arith.index_cast %add3A_779 : i32 to index
        %get3A_781 = arith.constant 32 : index
        %get3A_782 = tpu.vector_load %arg8[%get3A_780, %get3A_781] {strides = array<i32>} : memref<256x64xf32, #tpu.memory_space<vmem>>, vector<16xf32>,
        %add3A_783 = arith.addf %get3A_782, %get3A_497 : vector<16xf32>
        tpu.vector_store_idx %arg12[%select_n3A_96, %select_n3A_207, %get3A_765], %add3A_783 : memref<8x8x129xf32, #tpu.memory_space<vmem>>[vector<16xi32>, vector<16xi32>, vector<16xi32>], vector<16xf32>,
        %add3A_784 = arith.constant 128 : i32
        %add3A_785 = arith.addi %add3A_784, %scan3A_762 : i32
        %get3A_786 = arith.index_cast %add3A_785 : i32 to index
        %get3A_787 = arith.constant 48 : index
        %get3A_788 = tpu.vector_load %arg8[%get3A_786, %get3A_787] {strides = array<i32>} : memref<256x64xf32, #tpu.memory_space<vmem>>, vector<16xf32>,
        %add3A_789 = arith.addf %get3A_788, %get3A_500 : vector<16xf32>
        tpu.vector_store_idx %arg12[%select_n3A_131, %select_n3A_233, %get3A_765], %add3A_789 : memref<8x8x129xf32, #tpu.memory_space<vmem>>[vector<16xi32>, vector<16xi32>, vector<16xi32>], vector<16xf32>,
        %scan3A_790 = arith.constant 9 : i32
        %scan3A_791 = arith.addi %scan3A_530, %scan3A_790 : i32
        %get3A_792 = arith.index_cast %scan3A_791 : i32 to index
        %get3A_793 = arith.constant 0 : index
        %get3A_794 = tpu.vector_load %arg13[%get3A_792, %get3A_793] {strides = array<i32>} : memref<128x16xi32, #tpu.memory_space<vmem>>, vector<16xi32>,
        %add3A_795 = arith.constant 128 : i32
        %add3A_796 = arith.addi %add3A_795, %scan3A_791 : i32
        %get3A_797 = arith.index_cast %add3A_796 : i32 to index
        %get3A_798 = arith.constant 0 : index
        %get3A_799 = tpu.vector_load %arg8[%get3A_797, %get3A_798] {strides = array<i32>} : memref<256x64xf32, #tpu.memory_space<vmem>>, vector<16xf32>,
        %add3A_800 = arith.addf %get3A_799, %get3A_491 : vector<16xf32>
        tpu.vector_store_idx %arg12[%select_n3A, %select_n3A_155, %get3A_794], %add3A_800 : memref<8x8x129xf32, #tpu.memory_space<vmem>>[vector<16xi32>, vector<16xi32>, vector<16xi32>], vector<16xf32>,
        %add3A_801 = arith.constant 128 : i32
        %add3A_802 = arith.addi %add3A_801, %scan3A_791 : i32
        %get3A_803 = arith.index_cast %add3A_802 : i32 to index
        %get3A_804 = arith.constant 16 : index
        %get3A_805 = tpu.vector_load %arg8[%get3A_803, %get3A_804] {strides = array<i32>} : memref<256x64xf32, #tpu.memory_space<vmem>>, vector<16xf32>,
        %add3A_806 = arith.addf %get3A_805, %get3A_494 : vector<16xf32>
        tpu.vector_store_idx %arg12[%select_n3A_61, %select_n3A_181, %get3A_794], %add3A_806 : memref<8x8x129xf32, #tpu.memory_space<vmem>>[vector<16xi32>, vector<16xi32>, vector<16xi32>], vector<16xf32>,
        %add3A_807 = arith.constant 128 : i32
        %add3A_808 = arith.addi %add3A_807, %scan3A_791 : i32
        %get3A_809 = arith.index_cast %add3A_808 : i32 to index
        %get3A_810 = arith.constant 32 : index
        %get3A_811 = tpu.vector_load %arg8[%get3A_809, %get3A_810] {strides = array<i32>} : memref<256x64xf32, #tpu.memory_space<vmem>>, vector<16xf32>,
        %add3A_812 = arith.addf %get3A_811, %get3A_497 : vector<16xf32>
        tpu.vector_store_idx %arg12[%select_n3A_96, %select_n3A_207, %get3A_794], %add3A_812 : memref<8x8x129xf32, #tpu.memory_space<vmem>>[vector<16xi32>, vector<16xi32>, vector<16xi32>], vector<16xf32>,
        %add3A_813 = arith.constant 128 : i32
        %add3A_814 = arith.addi %add3A_813, %scan3A_791 : i32
        %get3A_815 = arith.index_cast %add3A_814 : i32 to index
        %get3A_816 = arith.constant 48 : index
        %get3A_817 = tpu.vector_load %arg8[%get3A_815, %get3A_816] {strides = array<i32>} : memref<256x64xf32, #tpu.memory_space<vmem>>, vector<16xf32>,
        %add3A_818 = arith.addf %get3A_817, %get3A_500 : vector<16xf32>
        tpu.vector_store_idx %arg12[%select_n3A_131, %select_n3A_233, %get3A_794], %add3A_818 : memref<8x8x129xf32, #tpu.memory_space<vmem>>[vector<16xi32>, vector<16xi32>, vector<16xi32>], vector<16xf32>,
        %scan3A_819 = arith.constant 10 : i32
        %scan3A_820 = arith.addi %scan3A_530, %scan3A_819 : i32
        %get3A_821 = arith.index_cast %scan3A_820 : i32 to index
        %get3A_822 = arith.constant 0 : index
        %get3A_823 = tpu.vector_load %arg13[%get3A_821, %get3A_822] {strides = array<i32>} : memref<128x16xi32, #tpu.memory_space<vmem>>, vector<16xi32>,
        %add3A_824 = arith.constant 128 : i32
        %add3A_825 = arith.addi %add3A_824, %scan3A_820 : i32
        %get3A_826 = arith.index_cast %add3A_825 : i32 to index
        %get3A_827 = arith.constant 0 : index
        %get3A_828 = tpu.vector_load %arg8[%get3A_826, %get3A_827] {strides = array<i32>} : memref<256x64xf32, #tpu.memory_space<vmem>>, vector<16xf32>,
        %add3A_829 = arith.addf %get3A_828, %get3A_491 : vector<16xf32>
        tpu.vector_store_idx %arg12[%select_n3A, %select_n3A_155, %get3A_823], %add3A_829 : memref<8x8x129xf32, #tpu.memory_space<vmem>>[vector<16xi32>, vector<16xi32>, vector<16xi32>], vector<16xf32>,
        %add3A_830 = arith.constant 128 : i32
        %add3A_831 = arith.addi %add3A_830, %scan3A_820 : i32
        %get3A_832 = arith.index_cast %add3A_831 : i32 to index
        %get3A_833 = arith.constant 16 : index
        %get3A_834 = tpu.vector_load %arg8[%get3A_832, %get3A_833] {strides = array<i32>} : memref<256x64xf32, #tpu.memory_space<vmem>>, vector<16xf32>,
        %add3A_835 = arith.addf %get3A_834, %get3A_494 : vector<16xf32>
        tpu.vector_store_idx %arg12[%select_n3A_61, %select_n3A_181, %get3A_823], %add3A_835 : memref<8x8x129xf32, #tpu.memory_space<vmem>>[vector<16xi32>, vector<16xi32>, vector<16xi32>], vector<16xf32>,
        %add3A_836 = arith.constant 128 : i32
        %add3A_837 = arith.addi %add3A_836, %scan3A_820 : i32
        %get3A_838 = arith.index_cast %add3A_837 : i32 to index
        %get3A_839 = arith.constant 32 : index
        %get3A_840 = tpu.vector_load %arg8[%get3A_838, %get3A_839] {strides = array<i32>} : memref<256x64xf32, #tpu.memory_space<vmem>>, vector<16xf32>,
        %add3A_841 = arith.addf %get3A_840, %get3A_497 : vector<16xf32>
        tpu.vector_store_idx %arg12[%select_n3A_96, %select_n3A_207, %get3A_823], %add3A_841 : memref<8x8x129xf32, #tpu.memory_space<vmem>>[vector<16xi32>, vector<16xi32>, vector<16xi32>], vector<16xf32>,
        %add3A_842 = arith.constant 128 : i32
        %add3A_843 = arith.addi %add3A_842, %scan3A_820 : i32
        %get3A_844 = arith.index_cast %add3A_843 : i32 to index
        %get3A_845 = arith.constant 48 : index
        %get3A_846 = tpu.vector_load %arg8[%get3A_844, %get3A_845] {strides = array<i32>} : memref<256x64xf32, #tpu.memory_space<vmem>>, vector<16xf32>,
        %add3A_847 = arith.addf %get3A_846, %get3A_500 : vector<16xf32>
        tpu.vector_store_idx %arg12[%select_n3A_131, %select_n3A_233, %get3A_823], %add3A_847 : memref<8x8x129xf32, #tpu.memory_space<vmem>>[vector<16xi32>, vector<16xi32>, vector<16xi32>], vector<16xf32>,
        %scan3A_848 = arith.constant 11 : i32
        %scan3A_849 = arith.addi %scan3A_530, %scan3A_848 : i32
        %get3A_850 = arith.index_cast %scan3A_849 : i32 to index
        %get3A_851 = arith.constant 0 : index
        %get3A_852 = tpu.vector_load %arg13[%get3A_850, %get3A_851] {strides = array<i32>} : memref<128x16xi32, #tpu.memory_space<vmem>>, vector<16xi32>,
        %add3A_853 = arith.constant 128 : i32
        %add3A_854 = arith.addi %add3A_853, %scan3A_849 : i32
        %get3A_855 = arith.index_cast %add3A_854 : i32 to index
        %get3A_856 = arith.constant 0 : index
        %get3A_857 = tpu.vector_load %arg8[%get3A_855, %get3A_856] {strides = array<i32>} : memref<256x64xf32, #tpu.memory_space<vmem>>, vector<16xf32>,
        %add3A_858 = arith.addf %get3A_857, %get3A_491 : vector<16xf32>
        tpu.vector_store_idx %arg12[%select_n3A, %select_n3A_155, %get3A_852], %add3A_858 : memref<8x8x129xf32, #tpu.memory_space<vmem>>[vector<16xi32>, vector<16xi32>, vector<16xi32>], vector<16xf32>,
        %add3A_859 = arith.constant 128 : i32
        %add3A_860 = arith.addi %add3A_859, %scan3A_849 : i32
        %get3A_861 = arith.index_cast %add3A_860 : i32 to index
        %get3A_862 = arith.constant 16 : index
        %get3A_863 = tpu.vector_load %arg8[%get3A_861, %get3A_862] {strides = array<i32>} : memref<256x64xf32, #tpu.memory_space<vmem>>, vector<16xf32>,
        %add3A_864 = arith.addf %get3A_863, %get3A_494 : vector<16xf32>
        tpu.vector_store_idx %arg12[%select_n3A_61, %select_n3A_181, %get3A_852], %add3A_864 : memref<8x8x129xf32, #tpu.memory_space<vmem>>[vector<16xi32>, vector<16xi32>, vector<16xi32>], vector<16xf32>,
        %add3A_865 = arith.constant 128 : i32
        %add3A_866 = arith.addi %add3A_865, %scan3A_849 : i32
        %get3A_867 = arith.index_cast %add3A_866 : i32 to index
        %get3A_868 = arith.constant 32 : index
        %get3A_869 = tpu.vector_load %arg8[%get3A_867, %get3A_868] {strides = array<i32>} : memref<256x64xf32, #tpu.memory_space<vmem>>, vector<16xf32>,
        %add3A_870 = arith.addf %get3A_869, %get3A_497 : vector<16xf32>
        tpu.vector_store_idx %arg12[%select_n3A_96, %select_n3A_207, %get3A_852], %add3A_870 : memref<8x8x129xf32, #tpu.memory_space<vmem>>[vector<16xi32>, vector<16xi32>, vector<16xi32>], vector<16xf32>,
        %add3A_871 = arith.constant 128 : i32
        %add3A_872 = arith.addi %add3A_871, %scan3A_849 : i32
        %get3A_873 = arith.index_cast %add3A_872 : i32 to index
        %get3A_874 = arith.constant 48 : index
        %get3A_875 = tpu.vector_load %arg8[%get3A_873, %get3A_874] {strides = array<i32>} : memref<256x64xf32, #tpu.memory_space<vmem>>, vector<16xf32>,
        %add3A_876 = arith.addf %get3A_875, %get3A_500 : vector<16xf32>
        tpu.vector_store_idx %arg12[%select_n3A_131, %select_n3A_233, %get3A_852], %add3A_876 : memref<8x8x129xf32, #tpu.memory_space<vmem>>[vector<16xi32>, vector<16xi32>, vector<16xi32>], vector<16xf32>,
        %scan3A_877 = arith.constant 12 : i32
        %scan3A_878 = arith.addi %scan3A_530, %scan3A_877 : i32
        %get3A_879 = arith.index_cast %scan3A_878 : i32 to index
        %get3A_880 = arith.constant 0 : index
        %get3A_881 = tpu.vector_load %arg13[%get3A_879, %get3A_880] {strides = array<i32>} : memref<128x16xi32, #tpu.memory_space<vmem>>, vector<16xi32>,
        %add3A_882 = arith.constant 128 : i32
        %add3A_883 = arith.addi %add3A_882, %scan3A_878 : i32
        %get3A_884 = arith.index_cast %add3A_883 : i32 to index
        %get3A_885 = arith.constant 0 : index
        %get3A_886 = tpu.vector_load %arg8[%get3A_884, %get3A_885] {strides = array<i32>} : memref<256x64xf32, #tpu.memory_space<vmem>>, vector<16xf32>,
        %add3A_887 = arith.addf %get3A_886, %get3A_491 : vector<16xf32>
        tpu.vector_store_idx %arg12[%select_n3A, %select_n3A_155, %get3A_881], %add3A_887 : memref<8x8x129xf32, #tpu.memory_space<vmem>>[vector<16xi32>, vector<16xi32>, vector<16xi32>], vector<16xf32>,
        %add3A_888 = arith.constant 128 : i32
        %add3A_889 = arith.addi %add3A_888, %scan3A_878 : i32
        %get3A_890 = arith.index_cast %add3A_889 : i32 to index
        %get3A_891 = arith.constant 16 : index
        %get3A_892 = tpu.vector_load %arg8[%get3A_890, %get3A_891] {strides = array<i32>} : memref<256x64xf32, #tpu.memory_space<vmem>>, vector<16xf32>,
        %add3A_893 = arith.addf %get3A_892, %get3A_494 : vector<16xf32>
        tpu.vector_store_idx %arg12[%select_n3A_61, %select_n3A_181, %get3A_881], %add3A_893 : memref<8x8x129xf32, #tpu.memory_space<vmem>>[vector<16xi32>, vector<16xi32>, vector<16xi32>], vector<16xf32>,
        %add3A_894 = arith.constant 128 : i32
        %add3A_895 = arith.addi %add3A_894, %scan3A_878 : i32
        %get3A_896 = arith.index_cast %add3A_895 : i32 to index
        %get3A_897 = arith.constant 32 : index
        %get3A_898 = tpu.vector_load %arg8[%get3A_896, %get3A_897] {strides = array<i32>} : memref<256x64xf32, #tpu.memory_space<vmem>>, vector<16xf32>,
        %add3A_899 = arith.addf %get3A_898, %get3A_497 : vector<16xf32>
        tpu.vector_store_idx %arg12[%select_n3A_96, %select_n3A_207, %get3A_881], %add3A_899 : memref<8x8x129xf32, #tpu.memory_space<vmem>>[vector<16xi32>, vector<16xi32>, vector<16xi32>], vector<16xf32>,
        %add3A_900 = arith.constant 128 : i32
        %add3A_901 = arith.addi %add3A_900, %scan3A_878 : i32
        %get3A_902 = arith.index_cast %add3A_901 : i32 to index
        %get3A_903 = arith.constant 48 : index
        %get3A_904 = tpu.vector_load %arg8[%get3A_902, %get3A_903] {strides = array<i32>} : memref<256x64xf32, #tpu.memory_space<vmem>>, vector<16xf32>,
        %add3A_905 = arith.addf %get3A_904, %get3A_500 : vector<16xf32>
        tpu.vector_store_idx %arg12[%select_n3A_131, %select_n3A_233, %get3A_881], %add3A_905 : memref<8x8x129xf32, #tpu.memory_space<vmem>>[vector<16xi32>, vector<16xi32>, vector<16xi32>], vector<16xf32>,
        %scan3A_906 = arith.constant 13 : i32
        %scan3A_907 = arith.addi %scan3A_530, %scan3A_906 : i32
        %get3A_908 = arith.index_cast %scan3A_907 : i32 to index
        %get3A_909 = arith.constant 0 : index
        %get3A_910 = tpu.vector_load %arg13[%get3A_908, %get3A_909] {strides = array<i32>} : memref<128x16xi32, #tpu.memory_space<vmem>>, vector<16xi32>,
        %add3A_911 = arith.constant 128 : i32
        %add3A_912 = arith.addi %add3A_911, %scan3A_907 : i32
        %get3A_913 = arith.index_cast %add3A_912 : i32 to index
        %get3A_914 = arith.constant 0 : index
        %get3A_915 = tpu.vector_load %arg8[%get3A_913, %get3A_914] {strides = array<i32>} : memref<256x64xf32, #tpu.memory_space<vmem>>, vector<16xf32>,
        %add3A_916 = arith.addf %get3A_915, %get3A_491 : vector<16xf32>
        tpu.vector_store_idx %arg12[%select_n3A, %select_n3A_155, %get3A_910], %add3A_916 : memref<8x8x129xf32, #tpu.memory_space<vmem>>[vector<16xi32>, vector<16xi32>, vector<16xi32>], vector<16xf32>,
        %add3A_917 = arith.constant 128 : i32
        %add3A_918 = arith.addi %add3A_917, %scan3A_907 : i32
        %get3A_919 = arith.index_cast %add3A_918 : i32 to index
        %get3A_920 = arith.constant 16 : index
        %get3A_921 = tpu.vector_load %arg8[%get3A_919, %get3A_920] {strides = array<i32>} : memref<256x64xf32, #tpu.memory_space<vmem>>, vector<16xf32>,
        %add3A_922 = arith.addf %get3A_921, %get3A_494 : vector<16xf32>
        tpu.vector_store_idx %arg12[%select_n3A_61, %select_n3A_181, %get3A_910], %add3A_922 : memref<8x8x129xf32, #tpu.memory_space<vmem>>[vector<16xi32>, vector<16xi32>, vector<16xi32>], vector<16xf32>,
        %add3A_923 = arith.constant 128 : i32
        %add3A_924 = arith.addi %add3A_923, %scan3A_907 : i32
        %get3A_925 = arith.index_cast %add3A_924 : i32 to index
        %get3A_926 = arith.constant 32 : index
        %get3A_927 = tpu.vector_load %arg8[%get3A_925, %get3A_926] {strides = array<i32>} : memref<256x64xf32, #tpu.memory_space<vmem>>, vector<16xf32>,
        %add3A_928 = arith.addf %get3A_927, %get3A_497 : vector<16xf32>
        tpu.vector_store_idx %arg12[%select_n3A_96, %select_n3A_207, %get3A_910], %add3A_928 : memref<8x8x129xf32, #tpu.memory_space<vmem>>[vector<16xi32>, vector<16xi32>, vector<16xi32>], vector<16xf32>,
        %add3A_929 = arith.constant 128 : i32
        %add3A_930 = arith.addi %add3A_929, %scan3A_907 : i32
        %get3A_931 = arith.index_cast %add3A_930 : i32 to index
        %get3A_932 = arith.constant 48 : index
        %get3A_933 = tpu.vector_load %arg8[%get3A_931, %get3A_932] {strides = array<i32>} : memref<256x64xf32, #tpu.memory_space<vmem>>, vector<16xf32>,
        %add3A_934 = arith.addf %get3A_933, %get3A_500 : vector<16xf32>
        tpu.vector_store_idx %arg12[%select_n3A_131, %select_n3A_233, %get3A_910], %add3A_934 : memref<8x8x129xf32, #tpu.memory_space<vmem>>[vector<16xi32>, vector<16xi32>, vector<16xi32>], vector<16xf32>,
        %scan3A_935 = arith.constant 14 : i32
        %scan3A_936 = arith.addi %scan3A_530, %scan3A_935 : i32
        %get3A_937 = arith.index_cast %scan3A_936 : i32 to index
        %get3A_938 = arith.constant 0 : index
        %get3A_939 = tpu.vector_load %arg13[%get3A_937, %get3A_938] {strides = array<i32>} : memref<128x16xi32, #tpu.memory_space<vmem>>, vector<16xi32>,
        %add3A_940 = arith.constant 128 : i32
        %add3A_941 = arith.addi %add3A_940, %scan3A_936 : i32
        %get3A_942 = arith.index_cast %add3A_941 : i32 to index
        %get3A_943 = arith.constant 0 : index
        %get3A_944 = tpu.vector_load %arg8[%get3A_942, %get3A_943] {strides = array<i32>} : memref<256x64xf32, #tpu.memory_space<vmem>>, vector<16xf32>,
        %add3A_945 = arith.addf %get3A_944, %get3A_491 : vector<16xf32>
        tpu.vector_store_idx %arg12[%select_n3A, %select_n3A_155, %get3A_939], %add3A_945 : memref<8x8x129xf32, #tpu.memory_space<vmem>>[vector<16xi32>, vector<16xi32>, vector<16xi32>], vector<16xf32>,
        %add3A_946 = arith.constant 128 : i32
        %add3A_947 = arith.addi %add3A_946, %scan3A_936 : i32
        %get3A_948 = arith.index_cast %add3A_947 : i32 to index
        %get3A_949 = arith.constant 16 : index
        %get3A_950 = tpu.vector_load %arg8[%get3A_948, %get3A_949] {strides = array<i32>} : memref<256x64xf32, #tpu.memory_space<vmem>>, vector<16xf32>,
        %add3A_951 = arith.addf %get3A_950, %get3A_494 : vector<16xf32>
        tpu.vector_store_idx %arg12[%select_n3A_61, %select_n3A_181, %get3A_939], %add3A_951 : memref<8x8x129xf32, #tpu.memory_space<vmem>>[vector<16xi32>, vector<16xi32>, vector<16xi32>], vector<16xf32>,
        %add3A_952 = arith.constant 128 : i32
        %add3A_953 = arith.addi %add3A_952, %scan3A_936 : i32
        %get3A_954 = arith.index_cast %add3A_953 : i32 to index
        %get3A_955 = arith.constant 32 : index
        %get3A_956 = tpu.vector_load %arg8[%get3A_954, %get3A_955] {strides = array<i32>} : memref<256x64xf32, #tpu.memory_space<vmem>>, vector<16xf32>,
        %add3A_957 = arith.addf %get3A_956, %get3A_497 : vector<16xf32>
        tpu.vector_store_idx %arg12[%select_n3A_96, %select_n3A_207, %get3A_939], %add3A_957 : memref<8x8x129xf32, #tpu.memory_space<vmem>>[vector<16xi32>, vector<16xi32>, vector<16xi32>], vector<16xf32>,
        %add3A_958 = arith.constant 128 : i32
        %add3A_959 = arith.addi %add3A_958, %scan3A_936 : i32
        %get3A_960 = arith.index_cast %add3A_959 : i32 to index
        %get3A_961 = arith.constant 48 : index
        %get3A_962 = tpu.vector_load %arg8[%get3A_960, %get3A_961] {strides = array<i32>} : memref<256x64xf32, #tpu.memory_space<vmem>>, vector<16xf32>,
        %add3A_963 = arith.addf %get3A_962, %get3A_500 : vector<16xf32>
        tpu.vector_store_idx %arg12[%select_n3A_131, %select_n3A_233, %get3A_939], %add3A_963 : memref<8x8x129xf32, #tpu.memory_space<vmem>>[vector<16xi32>, vector<16xi32>, vector<16xi32>], vector<16xf32>,
        %scan3A_964 = arith.constant 15 : i32
        %scan3A_965 = arith.addi %scan3A_530, %scan3A_964 : i32
        %get3A_966 = arith.index_cast %scan3A_965 : i32 to index
        %get3A_967 = arith.constant 0 : index
        %get3A_968 = tpu.vector_load %arg13[%get3A_966, %get3A_967] {strides = array<i32>} : memref<128x16xi32, #tpu.memory_space<vmem>>, vector<16xi32>,
        %add3A_969 = arith.constant 128 : i32
        %add3A_970 = arith.addi %add3A_969, %scan3A_965 : i32
        %get3A_971 = arith.index_cast %add3A_970 : i32 to index
        %get3A_972 = arith.constant 0 : index
        %get3A_973 = tpu.vector_load %arg8[%get3A_971, %get3A_972] {strides = array<i32>} : memref<256x64xf32, #tpu.memory_space<vmem>>, vector<16xf32>,
        %add3A_974 = arith.addf %get3A_973, %get3A_491 : vector<16xf32>
        tpu.vector_store_idx %arg12[%select_n3A, %select_n3A_155, %get3A_968], %add3A_974 : memref<8x8x129xf32, #tpu.memory_space<vmem>>[vector<16xi32>, vector<16xi32>, vector<16xi32>], vector<16xf32>,
        %add3A_975 = arith.constant 128 : i32
        %add3A_976 = arith.addi %add3A_975, %scan3A_965 : i32
        %get3A_977 = arith.index_cast %add3A_976 : i32 to index
        %get3A_978 = arith.constant 16 : index
        %get3A_979 = tpu.vector_load %arg8[%get3A_977, %get3A_978] {strides = array<i32>} : memref<256x64xf32, #tpu.memory_space<vmem>>, vector<16xf32>,
        %add3A_980 = arith.addf %get3A_979, %get3A_494 : vector<16xf32>
        tpu.vector_store_idx %arg12[%select_n3A_61, %select_n3A_181, %get3A_968], %add3A_980 : memref<8x8x129xf32, #tpu.memory_space<vmem>>[vector<16xi32>, vector<16xi32>, vector<16xi32>], vector<16xf32>,
        %add3A_981 = arith.constant 128 : i32
        %add3A_982 = arith.addi %add3A_981, %scan3A_965 : i32
        %get3A_983 = arith.index_cast %add3A_982 : i32 to index
        %get3A_984 = arith.constant 32 : index
        %get3A_985 = tpu.vector_load %arg8[%get3A_983, %get3A_984] {strides = array<i32>} : memref<256x64xf32, #tpu.memory_space<vmem>>, vector<16xf32>,
        %add3A_986 = arith.addf %get3A_985, %get3A_497 : vector<16xf32>
        tpu.vector_store_idx %arg12[%select_n3A_96, %select_n3A_207, %get3A_968], %add3A_986 : memref<8x8x129xf32, #tpu.memory_space<vmem>>[vector<16xi32>, vector<16xi32>, vector<16xi32>], vector<16xf32>,
        %add3A_987 = arith.constant 128 : i32
        %add3A_988 = arith.addi %add3A_987, %scan3A_965 : i32
        %get3A_989 = arith.index_cast %add3A_988 : i32 to index
        %get3A_990 = arith.constant 48 : index
        %get3A_991 = tpu.vector_load %arg8[%get3A_989, %get3A_990] {strides = array<i32>} : memref<256x64xf32, #tpu.memory_space<vmem>>, vector<16xf32>,
        %add3A_992 = arith.addf %get3A_991, %get3A_500 : vector<16xf32>
        tpu.vector_store_idx %arg12[%select_n3A_131, %select_n3A_233, %get3A_968], %add3A_992 : memref<8x8x129xf32, #tpu.memory_space<vmem>>[vector<16xi32>, vector<16xi32>, vector<16xi32>], vector<16xf32>,
      }
      %scan3A_506 = arith.constant 128 : i32
      %dma_start3A_507 = arith.constant 0 : i32
      %dma_start3A_508 = arith.constant 0 : i32
      %dma_start3A_509 = arith.constant 0 : i32
      %dma_start3A_510 = tpu.memref_slice %arg12[%dma_start3A_507, %dma_start3A_508, %dma_start3A_509] : memref<8x8x129xf32, #tpu.memory_space<vmem>> -> memref<8x8x128xf32, #tpu.memory_space<vmem>>
      %dma_start3A_511 = arith.constant 0 : i32
      %dma_start3A_512 = arith.constant 0 : i32
      %dma_start3A_513 = arith.constant 0 : i32
      %dma_start3A_514 = tpu.memref_slice %arg5[%add3A_488, %dma_start3A_511, %add3A, %dma_start3A_512, %dma_start3A_513] : memref<200x8x32x8x128xf32, #tpu.memory_space<hbm>> -> memref<1x8x1x8x128xf32, #tpu.memory_space<hbm>>
      %dma_start3A_515 = tpu.memref_squeeze %dma_start3A_514 : memref<1x8x1x8x128xf32, #tpu.memory_space<hbm>> -> memref<8x8x128xf32, #tpu.memory_space<hbm>>
      %dma_start3A_516 = arith.constant 0 : i32
      %dma_start3A_517 = arith.constant 0 : i32
      %dma_start3A_518 = arith.constant 0 : i32
      %dma_start3A_519 = tpu.memref_slice %arg5[%add3A_488, %dma_start3A_516, %add3A, %dma_start3A_517, %dma_start3A_518] : memref<200x8x32x8x128xf32, #tpu.memory_space<hbm>> -> memref<1x8x1x8x128xf32, #tpu.memory_space<hbm>>
      %dma_start3A_520 = tpu.memref_squeeze %dma_start3A_519 : memref<1x8x1x8x128xf32, #tpu.memory_space<hbm>> -> memref<8x8x128xf32, #tpu.memory_space<hbm>>
      %dma_start3A_521 = arith.constant 0 : i32
      %dma_start3A_522 = arith.constant 0 : i32
      %dma_start3A_523 = arith.constant 0 : i32
      %dma_start3A_524 = tpu.memref_slice %arg12[%dma_start3A_521, %dma_start3A_522, %dma_start3A_523] : memref<8x8x129xf32, #tpu.memory_space<vmem>> -> memref<8x8x128xf32, #tpu.memory_space<vmem>>
      tpu.enqueue_dma source(%dma_start3A_524 : memref<8x8x128xf32, #tpu.memory_space<vmem>>) target(%dma_start3A_520 : memref<8x8x128xf32, #tpu.memory_space<hbm>>) target_semaphore(%arg20 : memref<!tpu.dma_semaphore, #tpu.memory_space<semaphore_mem>>)
      %lt3A_525 = arith.constant 98 : i32
      %lt3A_526 = arith.cmpi slt, %add3A_433, %lt3A_525 : i32
      %convert_element_type3A_527 = arith.extui %lt3A_526 : i1 to i32
      %cond3A_528 = arith.constant 0 : i32
      %cond3A_529 = arith.cmpi ne, %convert_element_type3A_527, %cond3A_528 : i32
      scf.if %cond3A_529 {
        %add3A_530 = arith.constant 2 : i32
        %add3A_531 = arith.addi %add3A_433, %add3A_530 : i32
        %dma_start3A_532 = arith.constant 0 : i32
        %dma_start3A_533 = tpu.memref_slice %arg6[%add3A_531, %dma_start3A_532] : memref<100x256xi32, #tpu.memory_space<vmem>> -> memref<1x256xi32, #tpu.memory_space<vmem>>
        %dma_start3A_534 = tpu.memref_squeeze %dma_start3A_533 : memref<1x256xi32, #tpu.memory_space<vmem>> -> memref<256xi32, #tpu.memory_space<vmem>>
        %dma_start3A_535 = arith.constant 0 : i32
        %dma_start3A_536 = arith.constant 0 : i32
        %dma_start3A_537 = tpu.memref_slice %arg3[%dma_start3A_535, %dma_start3A_536] : memref<100000x64xf32, #tpu.memory_space<hbm>> -> memref<100000x64xf32, #tpu.memory_space<hbm>>
        tpu.enqueue_indirect_dma source(%dma_start3A_537 : memref<100000x64xf32, #tpu.memory_space<hbm>>) target(%arg8 : memref<256x64xf32, #tpu.memory_space<vmem>>) offsets(%dma_start3A_534 : memref<256xi32, #tpu.memory_space<vmem>>) semaphore(%arg16 : memref<!tpu.dma_semaphore, #tpu.memory_space<semaphore_mem>>)
      } else {
      }
    }
    %scan3A_257 = arith.constant 50 : i32
    %dma_wait3A = arith.constant 0 : i32
    %dma_wait3A_258 = arith.constant 0 : i32
    %dma_wait3A_259 = arith.constant 0 : i32
    %dma_wait3A_260 = arith.constant 0 : i32
    %dma_wait3A_261 = tpu.memref_slice %arg9[%dma_wait3A_258, %dma_wait3A_259, %dma_wait3A_260] : memref<8x8x129xf32, #tpu.memory_space<vmem>> -> memref<8x8x128xf32, #tpu.memory_space<vmem>>
    %dma_wait3A_262 = arith.constant 0 : i32
    %dma_wait3A_263 = arith.constant 0 : i32
    %dma_wait3A_264 = arith.constant 0 : i32
    %dma_wait3A_265 = tpu.memref_slice %arg5[%dma_wait3A, %dma_wait3A_262, %add3A, %dma_wait3A_263, %dma_wait3A_264] : memref<200x8x32x8x128xf32, #tpu.memory_space<hbm>> -> memref<1x8x1x8x128xf32, #tpu.memory_space<hbm>>
    %dma_wait3A_266 = tpu.memref_squeeze %dma_wait3A_265 : memref<1x8x1x8x128xf32, #tpu.memory_space<hbm>> -> memref<8x8x128xf32, #tpu.memory_space<hbm>>
    %dma_wait3A_267 = arith.constant 0 : i32
    %dma_wait3A_268 = arith.constant 0 : i32
    %dma_wait3A_269 = arith.constant 0 : i32
    %dma_wait3A_270 = tpu.memref_slice %arg5[%dma_wait3A, %dma_wait3A_267, %add3A, %dma_wait3A_268, %dma_wait3A_269] : memref<200x8x32x8x128xf32, #tpu.memory_space<hbm>> -> memref<1x8x1x8x128xf32, #tpu.memory_space<hbm>>
    %dma_wait3A_271 = tpu.memref_squeeze %dma_wait3A_270 : memref<1x8x1x8x128xf32, #tpu.memory_space<hbm>> -> memref<8x8x128xf32, #tpu.memory_space<hbm>>
    %dma_wait3A_272 = arith.constant 0 : i32
    %dma_wait3A_273 = arith.constant 0 : i32
    %dma_wait3A_274 = arith.constant 0 : i32
    %dma_wait3A_275 = tpu.memref_slice %arg9[%dma_wait3A_272, %dma_wait3A_273, %dma_wait3A_274] : memref<8x8x129xf32, #tpu.memory_space<vmem>> -> memref<8x8x128xf32, #tpu.memory_space<vmem>>
    tpu.wait_dma2 semaphore(%arg17 : memref<!tpu.dma_semaphore, #tpu.memory_space<semaphore_mem>>) src(%dma_wait3A_275 : memref<8x8x128xf32, #tpu.memory_space<vmem>>) dst(%dma_wait3A_271 : memref<8x8x128xf32, #tpu.memory_space<hbm>>)
    %dma_wait3A_276 = arith.constant 0 : i32
    %dma_wait3A_277 = arith.constant 0 : i32
    %dma_wait3A_278 = arith.constant 0 : i32
    %dma_wait3A_279 = arith.constant 0 : i32
    %dma_wait3A_280 = tpu.memref_slice %arg10[%dma_wait3A_277, %dma_wait3A_278, %dma_wait3A_279] : memref<8x8x129xf32, #tpu.memory_space<vmem>> -> memref<8x8x128xf32, #tpu.memory_space<vmem>>
    %dma_wait3A_281 = arith.constant 0 : i32
    %dma_wait3A_282 = arith.constant 0 : i32
    %dma_wait3A_283 = arith.constant 0 : i32
    %dma_wait3A_284 = tpu.memref_slice %arg5[%dma_wait3A_276, %dma_wait3A_281, %add3A, %dma_wait3A_282, %dma_wait3A_283] : memref<200x8x32x8x128xf32, #tpu.memory_space<hbm>> -> memref<1x8x1x8x128xf32, #tpu.memory_space<hbm>>
    %dma_wait3A_285 = tpu.memref_squeeze %dma_wait3A_284 : memref<1x8x1x8x128xf32, #tpu.memory_space<hbm>> -> memref<8x8x128xf32, #tpu.memory_space<hbm>>
    %dma_wait3A_286 = arith.constant 0 : i32
    %dma_wait3A_287 = arith.constant 0 : i32
    %dma_wait3A_288 = arith.constant 0 : i32
    %dma_wait3A_289 = tpu.memref_slice %arg5[%dma_wait3A_276, %dma_wait3A_286, %add3A, %dma_wait3A_287, %dma_wait3A_288] : memref<200x8x32x8x128xf32, #tpu.memory_space<hbm>> -> memref<1x8x1x8x128xf32, #tpu.memory_space<hbm>>
    %dma_wait3A_290 = tpu.memref_squeeze %dma_wait3A_289 : memref<1x8x1x8x128xf32, #tpu.memory_space<hbm>> -> memref<8x8x128xf32, #tpu.memory_space<hbm>>
    %dma_wait3A_291 = arith.constant 0 : i32
    %dma_wait3A_292 = arith.constant 0 : i32
    %dma_wait3A_293 = arith.constant 0 : i32
    %dma_wait3A_294 = tpu.memref_slice %arg10[%dma_wait3A_291, %dma_wait3A_292, %dma_wait3A_293] : memref<8x8x129xf32, #tpu.memory_space<vmem>> -> memref<8x8x128xf32, #tpu.memory_space<vmem>>
    tpu.wait_dma2 semaphore(%arg18 : memref<!tpu.dma_semaphore, #tpu.memory_space<semaphore_mem>>) src(%dma_wait3A_294 : memref<8x8x128xf32, #tpu.memory_space<vmem>>) dst(%dma_wait3A_290 : memref<8x8x128xf32, #tpu.memory_space<hbm>>)
    %dma_wait3A_295 = arith.constant 0 : i32
    %dma_wait3A_296 = arith.constant 0 : i32
    %dma_wait3A_297 = arith.constant 0 : i32
    %dma_wait3A_298 = arith.constant 0 : i32
    %dma_wait3A_299 = tpu.memref_slice %arg11[%dma_wait3A_296, %dma_wait3A_297, %dma_wait3A_298] : memref<8x8x129xf32, #tpu.memory_space<vmem>> -> memref<8x8x128xf32, #tpu.memory_space<vmem>>
    %dma_wait3A_300 = arith.constant 0 : i32
    %dma_wait3A_301 = arith.constant 0 : i32
    %dma_wait3A_302 = arith.constant 0 : i32
    %dma_wait3A_303 = tpu.memref_slice %arg5[%dma_wait3A_295, %dma_wait3A_300, %add3A, %dma_wait3A_301, %dma_wait3A_302] : memref<200x8x32x8x128xf32, #tpu.memory_space<hbm>> -> memref<1x8x1x8x128xf32, #tpu.memory_space<hbm>>
    %dma_wait3A_304 = tpu.memref_squeeze %dma_wait3A_303 : memref<1x8x1x8x128xf32, #tpu.memory_space<hbm>> -> memref<8x8x128xf32, #tpu.memory_space<hbm>>
    %dma_wait3A_305 = arith.constant 0 : i32
    %dma_wait3A_306 = arith.constant 0 : i32
    %dma_wait3A_307 = arith.constant 0 : i32
    %dma_wait3A_308 = tpu.memref_slice %arg5[%dma_wait3A_295, %dma_wait3A_305, %add3A, %dma_wait3A_306, %dma_wait3A_307] : memref<200x8x32x8x128xf32, #tpu.memory_space<hbm>> -> memref<1x8x1x8x128xf32, #tpu.memory_space<hbm>>
    %dma_wait3A_309 = tpu.memref_squeeze %dma_wait3A_308 : memref<1x8x1x8x128xf32, #tpu.memory_space<hbm>> -> memref<8x8x128xf32, #tpu.memory_space<hbm>>
    %dma_wait3A_310 = arith.constant 0 : i32
    %dma_wait3A_311 = arith.constant 0 : i32
    %dma_wait3A_312 = arith.constant 0 : i32
    %dma_wait3A_313 = tpu.memref_slice %arg11[%dma_wait3A_310, %dma_wait3A_311, %dma_wait3A_312] : memref<8x8x129xf32, #tpu.memory_space<vmem>> -> memref<8x8x128xf32, #tpu.memory_space<vmem>>
    tpu.wait_dma2 semaphore(%arg19 : memref<!tpu.dma_semaphore, #tpu.memory_space<semaphore_mem>>) src(%dma_wait3A_313 : memref<8x8x128xf32, #tpu.memory_space<vmem>>) dst(%dma_wait3A_309 : memref<8x8x128xf32, #tpu.memory_space<hbm>>)
    %dma_wait3A_314 = arith.constant 0 : i32
    %dma_wait3A_315 = arith.constant 0 : i32
    %dma_wait3A_316 = arith.constant 0 : i32
    %dma_wait3A_317 = arith.constant 0 : i32
    %dma_wait3A_318 = tpu.memref_slice %arg12[%dma_wait3A_315, %dma_wait3A_316, %dma_wait3A_317] : memref<8x8x129xf32, #tpu.memory_space<vmem>> -> memref<8x8x128xf32, #tpu.memory_space<vmem>>
    %dma_wait3A_319 = arith.constant 0 : i32
    %dma_wait3A_320 = arith.constant 0 : i32
    %dma_wait3A_321 = arith.constant 0 : i32
    %dma_wait3A_322 = tpu.memref_slice %arg5[%dma_wait3A_314, %dma_wait3A_319, %add3A, %dma_wait3A_320, %dma_wait3A_321] : memref<200x8x32x8x128xf32, #tpu.memory_space<hbm>> -> memref<1x8x1x8x128xf32, #tpu.memory_space<hbm>>
    %dma_wait3A_323 = tpu.memref_squeeze %dma_wait3A_322 : memref<1x8x1x8x128xf32, #tpu.memory_space<hbm>> -> memref<8x8x128xf32, #tpu.memory_space<hbm>>
    %dma_wait3A_324 = arith.constant 0 : i32
    %dma_wait3A_325 = arith.constant 0 : i32
    %dma_wait3A_326 = arith.constant 0 : i32
    %dma_wait3A_327 = tpu.memref_slice %arg5[%dma_wait3A_314, %dma_wait3A_324, %add3A, %dma_wait3A_325, %dma_wait3A_326] : memref<200x8x32x8x128xf32, #tpu.memory_space<hbm>> -> memref<1x8x1x8x128xf32, #tpu.memory_space<hbm>>
    %dma_wait3A_328 = tpu.memref_squeeze %dma_wait3A_327 : memref<1x8x1x8x128xf32, #tpu.memory_space<hbm>> -> memref<8x8x128xf32, #tpu.memory_space<hbm>>
    %dma_wait3A_329 = arith.constant 0 : i32
    %dma_wait3A_330 = arith.constant 0 : i32
    %dma_wait3A_331 = arith.constant 0 : i32
    %dma_wait3A_332 = tpu.memref_slice %arg12[%dma_wait3A_329, %dma_wait3A_330, %dma_wait3A_331] : memref<8x8x129xf32, #tpu.memory_space<vmem>> -> memref<8x8x128xf32, #tpu.memory_space<vmem>>
    tpu.wait_dma2 semaphore(%arg20 : memref<!tpu.dma_semaphore, #tpu.memory_space<semaphore_mem>>) src(%dma_wait3A_332 : memref<8x8x128xf32, #tpu.memory_space<vmem>>) dst(%dma_wait3A_328 : memref<8x8x128xf32, #tpu.memory_space<hbm>>)
    return
  }
}

</mosaic_0001>

<sc_bundles>
// kernel: kernel.3.cloned.1.call-start
scs
__scs_entry_jumppad:
0x0: {  	(pc) =	sbr.rel $0x88, $3  }
0x1: {  	(tag) =	ssettag $0x0;
	lr =	simm.s32 $0x1  }
0x2: {  	[smem:$0x3F9E] =	sst lr;
	_ =	strace $0xD0000000  }
0x3: {  	_ = 	snop  }
0x4: {  	_ = 	snop  }
0x5: {  	_ = 	snop  }
0x6: {  	_ = 	snop  }
0x7: {  	_ = 	snop  }
__scs_overlays_trampoline_lowered:
0x8: {  	[smem:$0x3FAD] =	sst s0  }
0x9: {  	[smem:$0x3FAE] =	sst s1  }
0xa: {  	[smem:$0x3FAF] =	sst s2  }
0xb: {  	[smem:$0x3FB0] =	sst s3  }
0xc: {  	[smem:$0x3FB1] =	sst s4  }
0xd: {  	[smem:$0x3FB2] =	sst s5  }
0xe: {  	[smem:$0x3FB3] =	sst s6  }
0xf: {  	[smem:$0x3FB4] =	sst s7  }
0x10: {  	[smem:$0x3FB5] =	sst s8  }
0x11: {  	[smem:$0x3FB6] =	sst s9;
	s0 =	simm.s32 @!p0 $0x0  }
0x12: {  	s1 =	sld [smem:$0x3F9C];
	s0 =	simm.s32 @p0 $0x1  }
0x13: {  	[smem:$0x3FB7] =	sst s0;
	s0 =	simm.s32 @!p1 $0x0  }
0x14: {  	s2 =	sld [smem:$0x3F9B];
	s0 =	simm.s32 @p1 $0x1  }
0x15: {  	[smem:$0x3FB8] =	sst s0;
	s0 =	simm.s32 @!p2 $0x0  }
0x16: {  	s3 =	sld [smem:$0x3FDB];
	s0 =	simm.s32 @p2 $0x1  }
0x17: {  	s4 =	simm.s32 $0x1BF5;
	[smem:$0x3FBA] =	sst s0  }
0x18: {  	s0 =	sld [smem:$0x3F9D];
	_ =	swait.ge [sflag:s4], $0x0  }
0x19: {  	s7 =	sld [smem:$0x3F9E]  }
0x1a: {  	s8 =	sadd.s32 $0xFFFFE003, lr  }
0x1b: {  	s9 =	sadd.s32 $0xFFFFFEF7, lr;
	s5 =	simm.s32 $0xFFFFFFFF;
	p2 =	slt.u32 s8, $0xFFFFF086  }
0x1c: {  	p1 =	slt.u32 s9, $0xF7A;
	s5 =	simm.s32 @!p2 $0x0  }
0x1d: {  	s5 =	simm.s32 @p1 $0x1;
	p0 =	seq.s32 s7, s2  }
0x1e: {  	s7 =	smul.u32 @!p0 $0xF7A, s2;
	p2 =	seq.s32 @!p0 s5, $0x0  }
0x1f: {  	s9 =	smul.u32 $0xF7A, s1;
	s8 =	simm.s32 @!p0 $0x1BF5;
	p2 =	por !p2, p0  }
0x20: {  	[sflag:s8] =	ssyncset.s32 @!p0 $0xFFFFF086;
	s6 =	sadd.s32 @!p0 s3, s7;
	s7 =	simm.s32 @!p0 $0x108  }
0x21: {  	s3 =	sadd.s32 s3, s9;
	s6 =	sadd.s32 @!p0 $0x88, s6;
	s7 =	simm.s32 @p2 $0x1082  }
0x22: {  	[simem:s7], [sflag:s8] =	dma.local @!p0 [hbm:s6], $0xF7A  }
0x23: {  	s9 =	sor.u32 $0xD0000000, s2;
	s6 =	simm.s32 $0x108;
	_ =	swait.ge @!p0 [sflag:s8], $0x0  }
0x24: {  	s3 =	sadd.s32 $0x88, s3;
	s6 =	simm.s32 @!p1 $0x1082;
	[sflag:s4] =	ssyncset.s32 $0xFFFFF086  }
0x25: {  	[simem:s6], [sflag:s4] =	dma.local [hbm:s3], $0xF7A  }
0x26: {  	[smem:$0x3F9E] =	sst s1;
	(tag) =	ssettag s2;
	_ =	strace s9  }
0x27: {  	s1 =	sld [smem:$0x3FAE]  }
0x28: {  	s2 =	sld [smem:$0x3FAF]  }
0x29: {  	s4 =	sld [smem:$0x3FB1]  }
0x2a: {  	p0 =	seq.s32 s5, $0x0;
	s5 =	sld [smem:$0x3FB2]  }
0x2b: {  	s6 =	sld [smem:$0x3FB3]  }
0x2c: {  	s7 =	sld [smem:$0x3FB4]  }
0x2d: {  	s3 =	simm.s32 $0x108;
	s8 =	sld [smem:$0x3FB5]  }
0x2e: {  	s3 =	simm.s32 @!p0 $0x1082;
	s9 =	sld [smem:$0x3FB6]  }
0x2f: {  	lr =	sadd.s32 s0, s3;
	s0 =	sld [smem:$0x3FAD]  }
0x30: {  	s3 =	sld [smem:$0x3FB0]  }
0x31: {  	[smem:$0x3FB9] =	sst s10  }
0x32: {  	s10 =	sld [smem:$0x3FB7];
	_ =	sdelay $0x3  }
0x33: {  	p0 =	seq.s32 s10, $0x1;
	s10 =	sld [smem:$0x3FB9];
	_ =	sdelay $0x3  }
0x34: {  	[smem:$0x3FB9] =	sst s10  }
0x35: {  	s10 =	sld [smem:$0x3FB8];
	_ =	sdelay $0x3  }
0x36: {  	p1 =	seq.s32 s10, $0x1;
	s10 =	sld [smem:$0x3FB9];
	_ =	sdelay $0x3  }
0x37: {  	[smem:$0x3FB9] =	sst s10  }
0x38: {  	s10 =	sld [smem:$0x3FBA]  }
0x39: {  	_ = 	snop;
	(pc) =	sbr.ind lr, $3  }
0x3a: {  	_ = 	snop  }
0x3b: {  	_ = 	snop  }
0x3c: {  	p2 =	seq.s32 s10, $0x1;
	s10 =	sld [smem:$0x3FB9]  }
0x3d: {  	_ =	shalt  }
0x3e: {  	_ =	shalt  }
0x3f: {  	_ =	shalt  }
0x40: {  	_ =	shalt  }
0x41: {  	_ =	shalt  }
0x42: {  	_ =	shalt  }
0x43: {  	_ =	shalt  }
0x44: {  	_ =	shalt  }
0x45: {  	_ =	shalt  }
0x46: {  	_ =	shalt  }
0x47: {  	_ =	shalt  }
0x48: {  	_ =	shalt  }
0x49: {  	_ =	shalt  }
0x4a: {  	_ =	shalt  }
0x4b: {  	_ =	shalt  }
0x4c: {  	_ =	shalt  }
0x4d: {  	_ =	shalt  }
0x4e: {  	_ =	shalt  }
0x4f: {  	_ =	shalt  }
0x50: {  	_ =	shalt  }
0x51: {  	_ =	shalt  }
0x52: {  	_ =	shalt  }
0x53: {  	_ =	shalt  }
0x54: {  	_ =	shalt  }
0x55: {  	_ =	shalt  }
0x56: {  	_ =	shalt  }
0x57: {  	_ =	shalt  }
0x58: {  	_ =	shalt  }
0x59: {  	_ =	shalt  }
0x5a: {  	_ =	shalt  }
0x5b: {  	_ =	shalt  }
0x5c: {  	_ =	shalt  }
0x5d: {  	_ =	shalt  }
0x5e: {  	_ =	shalt  }
0x5f: {  	_ =	shalt  }
0x60: {  	_ =	shalt  }
0x61: {  	_ =	shalt  }
0x62: {  	_ =	shalt  }
0x63: {  	_ =	shalt  }
0x64: {  	_ =	shalt  }
0x65: {  	_ =	shalt  }
0x66: {  	_ =	shalt  }
0x67: {  	_ =	shalt  }
0x68: {  	_ =	shalt  }
0x69: {  	_ =	shalt  }
0x6a: {  	_ =	shalt  }
0x6b: {  	_ =	shalt  }
0x6c: {  	_ =	shalt  }
0x6d: {  	_ =	shalt  }
0x6e: {  	_ =	shalt  }
0x6f: {  	_ =	shalt  }
0x70: {  	_ =	shalt  }
0x71: {  	_ =	shalt  }
0x72: {  	_ =	shalt  }
0x73: {  	_ =	shalt  }
0x74: {  	_ =	shalt  }
0x75: {  	_ =	shalt  }
0x76: {  	_ =	shalt  }
0x77: {  	_ =	shalt  }
0x78: {  	_ =	shalt  }
0x79: {  	_ =	shalt  }
0x7a: {  	_ =	shalt  }
0x7b: {  	_ =	shalt  }
0x7c: {  	_ =	shalt  }
0x7d: {  	_ =	shalt  }
0x7e: {  	_ =	shalt  }
0x7f: {  	_ =	shalt  }
0x80: {  	_ =	shalt  }
0x81: {  	_ =	shalt  }
0x82: {  	_ =	shalt  }
0x83: {  	_ =	shalt  }
0x84: {  	_ =	shalt  }
0x85: {  	_ =	shalt  }
0x86: {  	_ =	shalt  }
0x87: {  	_ =	shalt  }
.Lfunc_end0:
.L_simem_size_0:
called_computation_lowered:
.L_overlay_start_0:
0x88: {  	s2 =	sld [smem:$0x3FD9]  }
0x89: {  	s3 =	sld [smem:$0x3FFE];
	_ =	sdelay $0x1  }
0x8a: {  	s1 =	srdreg.scid  }
0x8b: {  	s0 =	sand.u32 $0x1, s1  }
0x8c: {  	s17 =	sshll.u32 s0, $0xA;
	s2 =	sadd.s32 s3, s2  }
0x8d: {  	s2 =	sadd.s32 s2, s17  }
0x8e: {  	[smem:$0x3FC5] =	sst s2  }
0x8f: {  	_ = 	snop  }
0x90: {  	s2 =	sld [smem:$0x3FD0];
	(tm) =	ssettm $0x1  }
0x91: {  	s18 =	sld [smem:$0x3FFB];
	_ =	sdelay $0x3  }
0x92: {  	_ =	strace s18  }
0x93: {  	s3 =	sld [smem:$0x3FFC];
	_ =	sdelay $0x3  }
0x94: {  	_ =	strace s3  }
0x95: {  	s3 =	sld [smem:$0x3FFD];
	_ =	sdelay $0x3  }
0x96: {  	_ =	strace s3  }
0x97: {  	_ =	strace $0x8FFFFFFF  }
0x98: {  	s19 =	sld [smem:$0x3FDB];
	_ =	sdelay $0x1  }
0x99: {  	s4 =	simm.s32 $_scs_section_size  }
0x9a: {  	s5 =	simm.s32 $_size__tile_overlayer_lowered;
	s6 =	simm.s32 $_tile_overlayer_lowered  }
0x9b: {  	s22 =	simm.s32 $0x1BFF;
	s21 =	sshll.u32 s6, $0x1;
	s3 =	sadd.s32 s4, s19  }
0x9c: {  	s7 =	simm.s32 $0x0;
	s20 =	sshll.u32 s5, $0x1;
	s5 =	sadd.s32 s21, s3  }
0x9d: {  	[timem:s7], [sflag:s22] =	dma.local [hbm:s5], s20  }
0x9e: {  	_ =	swait.ge [sflag:s22], s20  }
0x9f: {  	s4 =	ssub.s32 $0x0, s20;
	[sflag:s22] =	ssyncset.done $0x0  }
0xa0: {  	[sflag:s22] =	ssyncadd.s32 s4;
	_ =	sdelay $0x1  }
0xa1: {  	s23 =	simm.s32 $0x1B8B  }
0xa2: {  	_ =	swait.ge [sflag:s23], $0x1  }
0xa3: {  	[sflag:s23] =	ssyncset.done $0x0  }
0xa4: {  	s25 =	simm.s32 $0x1B8E;
	s24 =	sld [smem:$0x3FFE];
	[sflag:s23] =	ssyncadd.s32 $0xFFFFFFFF  }
0xa5: {  	s26 =	simm.s32 $execute0_lowered;
	[smem:$0x3FD2] =	sst s25  }
0xa6: {  	s5 =	sshll.u32 s26, $0x1;
	_ =	strace $0x80000046;
	[dreg:$0x1] =	wrdreg $0xFFFFFFFF  }
0xa7: {  	s28 =	simm.s32 $_size_execute0_lowered;
	s3 =	sadd.s32 s3, s5;
	[dreg:$0x0] =	wrdreg $0x0  }
0xa8: {  	s5 =	sshll.u32 s28, $0x1;
	[dreg:$0x2] =	wrdreg s3  }
0xa9: {  	[dreg:$0x3] =	wrdreg s5  }
0xaa: {  	[dreg:$0x4] =	wrdreg $0xC0  }
0xab: {  	_ =	task [dreg:s7], $0x5FFFF  }
0xac: {  	[dreg:$0x1] =	wrdreg $0xFFFFFFFF  }
0xad: {  	[dreg:$0x0] =	wrdreg $0x60  }
0xae: {  	[dreg:$0x2] =	wrdreg s24  }
0xaf: {  	[dreg:$0x3] =	wrdreg s2  }
0xb0: {  	[dreg:$0x4] =	wrdreg $0x9  }
0xb1: {  	_ =	task.clear_ibuf [dreg:s7], $0x5FFFF;
	_ =	strace $0x90000046  }
0xb2: {  	s29 =	simm.s32 $0x9;
	_ =	strace $0x80000048  }
0xb3: {  	_ =	swait.ge [sflag:s29], $0x1  }
0xb4: {  	[sflag:s29] =	ssyncadd.s32 $0xFFFFFFFF  }
0xb5: {  	_ =	strace $0x90000048  }
0xb6: {  	_ =	sfence  }
0xb7: {  	s30 =	sld [smem:$0x0];
	_ =	sdelay $0x2  }
0xb8: {  	s31 =	sshll.u32 s1, $0xD;
	s1 =	sshrl.u32 s1, $0x2  }
0xb9: {  	s3 =	sand.u32 $0x4000, s31;
	s1 =	sadd.s32 s1, s30  }
0xba: {  	s0 =	sor.u32 s3, s0;
	s1 =	sshll.u32 s1, $0x11  }
0xbb: {  	s0 =	sor.u32 s1, s0  }
0xbc: {  	s0 =	sadd.s32 $0x8F2B, s0  }
0xbd: {  	[sflag:s0] =	ssyncadd.remote.s32 $0x1  }
0xbe: {  	_ =	sfence.sel $0xFFFF  }
0xbf: {  	[dreg:$0x0] =	wrdreg $0xFFFFFFFF;
	(pc) =	sbr.abs _section_cstart, $3  }
0xc0: {  	[dreg:$0x1] =	wrdreg $0xFFFFFFFF  }
0xc1: {  	_ =	task.clear_ibuf [dreg:s7], $0x2FFFF;
	_ =	strace $0x9FFFFFFF  }
0xc2: {  	(tm) =	ssettm $0x7FFFFFFF  }
0xc3: {  	_ =	shalt  }
tec
execute0_lowered:
.L_overlay_start_1:
0x0: {  	(tag) =	ssettag $0x1  }
0x1: {  	s1 =	rddreg [dreg:$0x0]  }
0x2: {  	s3 =	srdreg.scid;
	s0 =	stileid.u32  }
0x3: {  	s2 =	rddreg [dreg:$0x1];
	s11 =	simm.s32 $0x100;
	s12 =	simm.s32 $0x6400  }
0x4: {  	s13 =	simm.s32 $0xA400;
	s14 =	simm.s32 $0x1;
	s15 =	simm.s32 $0xE400  }
0x5: {  	s16 =	simm.s32 $0x10600;
	s17 =	simm.s32 $0x2;
	s18 =	simm.s32 $0x12800  }
0x6: {  	s19 =	simm.s32 $0x14A00;
	s20 =	simm.s32 $0x3;
	s21 =	simm.s32 $0x4  }
0x7: {  	s22 =	simm.s32 $0x5;
	s23 =	simm.s32 $0x6;
	s24 =	simm.s32 $0x0  }
0x8: {  	s4 =	sand.u32 $0x1, s3;
	s5 =	sshll.u32 s0, $0x1;
	s3 =	simm.s32 $0x0  }
.Ltmp0:
0x9: {  	s7 =	sor.u32 s4, s5;
	[smem:$0x7FF] =	sst s3;
	(pc) =	sbr.rel .LBB2_1-.Ltmp0, $4  }
0xa: {  	v0 =	vlaneseq.u32;
	s6 =	ssub.s32 $0x2, s4;
	s4 =	sadd.s32 $0x1A800, s1;
	s5 =	smul.u32 $0xC80, s7  }
0xb: {  	v0 =	vmul.u32 $0x88, v0;
	_ =	strace $0x80000047;
	s9 =	sshrl.u32 s6, $0x1;
	s7 =	sshll.u32 s7, $0xA  }
0xc: {  	s31 =	ssub.s32 s6, s9;
	s9 =	simm.s32 $0x7;
	s8 =	sadd.s32 s5, s1  }
0xd: {  	v1 =	vadd.s32 $0x880, v0;
	v2 =	vadd.s32 $0x1100, v0;
	v3 =	vadd.s32 $0x1980, v0;
	s5 =	sadd.s32 $0x800, s1;
	s6 =	sadd.s32 $0x1800, s8;
	s8 =	smax.u32 s31, $0x1  }
.LBB2_22:
0xe: {  	_ =	swait.ge [sflag:s20], $0x2000  }
0xf: {  	[sflag:s20] =	ssyncset.done $0x0  }
0x10: {  	[sflag:s20] =	ssyncadd.s32 $0xFFFFE000  }
0x11: {  	_ =	swait.ge [sflag:s21], $0x2000  }
0x12: {  	[sflag:s21] =	ssyncset.done $0x0  }
0x13: {  	s24 =	sadd.s32 $0x1, s24;
	[sflag:s21] =	ssyncadd.s32 $0xFFFFE000  }
0x14: {  	p0 =	sne.s32 s24, s8;
	_ =	swait.ge [sflag:s22], $0x2000  }
.Ltmp1:
0x15: {  	[sflag:s22] =	ssyncset.done $0x0;
	(pc) =	sbr.rel @!p0 .LBB2_23-.Ltmp1, $4  }
0x16: {  	[sflag:s22] =	ssyncadd.s32 $0xFFFFE000  }
0x17: {  	_ =	swait.ge [sflag:s23], $0x2000  }
0x18: {  	[sflag:s23] =	ssyncset.done $0x0  }
0x19: {  	[sflag:s23] =	ssyncadd.s32 $0xFFFFE000  }
.LBB2_1:
0x1a: {  	[tilespmem:s3], [sflag:$0x7] =	stream.linear.gather [hbm4b:s6+s3], $0x6400, $0x38;
	[tilespmem:$0x1A600] =	vst v63  }
0x1b: {  	_ =	swait.ge [sflag:s9], $0x6400  }
0x1c: {  	[sflag:s9] =	ssyncset.done $0x0  }
0x1d: {  	s0 =	simm.s32 $0x17400;
	[sflag:s9] =	ssyncadd.s32 $0xFFFF9C00  }
0x1e: {  	[tilespmem:s0], [sflag:$0x7] =	stream.linear.gather [hbm4b:s5+s3], $0x3200, $0x38;
	[tilespmem:$0x1A600] =	vst v63  }
0x1f: {  	_ =	swait.ge [sflag:s9], $0x3200  }
0x20: {  	[sflag:s9] =	ssyncset.done $0x0  }
0x21: {  	s25 =	simm.s32 $0x16C00;
	v4 =	vmov s3;
	[sflag:s9] =	ssyncadd.s32 $0xFFFFCE00  }
0x22: {  	s26 =	simm.s32 $0x1;
	[tilespmem:s25+$0x0] =	vst v4  }
.LBB2_2:
0x23: {  	p0 =	sne.s32 s26, $0x7F  }
.Ltmp2:
0x24: {  	_ = 	snop;
	(pc) =	sbr.rel @p0 .LBB2_2-.Ltmp2, $3  }
0x25: {  	_ =	sdelay $0x1  }
0x26: {  	v4 =	vmov s26;
	s26 =	sadd.s32 $0x1, s26;
	s25 =	sadd.s32 $0x10, s25  }
0x27: {  	[tilespmem:s25+$0x0] =	vst v4  }
0x28: {  	s25 =	simm.s32 $0x0  }
0x29: {  	[tilespmem:s12], [sflag:$0x1] =	stream.indirect.gather [hbm4b:s4+s11], $0x40, s25, s11, $0xb8;
	[tilespmem:$0x1A600] =	vst v63  }
0x2a: {  	_ = 	snop  }
0x2b: {  	[tilespmem:s13], [sflag:$0x2] =	stream.indirect.gather [hbm4b:s4+s11], $0x40, s11, s11, $0xb8;
	[tilespmem:$0x1A600] =	vst v63  }
.LBB2_4:
0x2c: {  	_ =	swait.ge [sflag:s14], $0x4000  }
0x2d: {  	p0 =	seq.s32 s25, $0x0;
	[sflag:s14] =	ssyncset.done $0x0  }
0x2e: {  	s1 =	simm.s32 @!p0 $0x3;
	[sflag:s14] =	ssyncadd.s32 $0xFFFFC000  }
0x2f: {  	_ =	swait.ge @!p0 [sflag:s1], $0x2000  }
0x30: {  	[sflag:s1] =	ssyncset.done @!p0 $0x0  }
0x31: {  	[sflag:s1] =	ssyncadd.s32 @!p0 $0xFFFFE000;
	s1 =	simm.s32 @!p0 $0x4  }
0x32: {  	_ =	swait.ge @!p0 [sflag:s1], $0x2000  }
0x33: {  	s26 =	sshll.u32 s25, $0x8;
	[sflag:s1] =	ssyncset.done @!p0 $0x0  }
0x34: {  	s31 =	sand.u32 $0x3FFFFF00, s26;
	[sflag:s1] =	ssyncadd.s32 @!p0 $0xFFFFE000  }
0x35: {  	v4 =	vld [tilespmem:s31+$0x17400]  }
0x36: {  	v5 =	vld [tilespmem:s31+$0x17410]  }
0x37: {  	s28 =	simm.s32 $0xFFFFFFF0;
	v6 =	vld [tilespmem:s31+$0x17420]  }
0x38: {  	s29 =	simm.s32 $0x16C80;
	s30 =	simm.s32 $0x6600;
	s26 =	sshll.u32 s25, $0x1;
	v7 =	vld [tilespmem:s31+$0x17430]  }
.LBB2_5:
0x39: {  	v8 =	vld [tilespmem:s29+$0xFFFFFF80];
	_ =	sdelay $0x2  }
0x3a: {  	v9 =	vld [tilespmem:s30+$0xFFFFFE00];
	_ =	sdelay $0x1  }
0x3b: {  	v10 =	vadd.s32 v0, v8;
	_ =	sdelay $0x2  }
0x3c: {  	v9 =	vadd.f32 v9, v4;
	_ =	sdelay $0x1  }
0x3d: {  	[tilespmem:v10+s15+$0x0] =	vst.idx.msk $0xffff, v9  }
0x3e: {  	v9 =	vld [tilespmem:s30+$0xFFFFFE10];
	_ =	sdelay $0x1  }
0x3f: {  	v17 =	vadd.s32 v1, v8;
	_ =	sdelay $0x2  }
0x40: {  	v9 =	vadd.f32 v9, v5;
	_ =	sdelay $0x1  }
0x41: {  	[tilespmem:v17+s15+$0x0] =	vst.idx.msk $0xffff, v9  }
0x42: {  	v9 =	vld [tilespmem:s30+$0xFFFFFE20];
	_ =	sdelay $0x1  }
0x43: {  	v18 =	vadd.s32 v2, v8;
	_ =	sdelay $0x2  }
0x44: {  	v9 =	vadd.f32 v9, v6;
	_ =	sdelay $0x1  }
0x45: {  	[tilespmem:v18+s15+$0x0] =	vst.idx.msk $0xffff, v9  }
0x46: {  	v9 =	vld [tilespmem:s30+$0xFFFFFE30];
	_ =	sdelay $0x1  }
0x47: {  	v8 =	vadd.s32 v3, v8;
	_ =	sdelay $0x2  }
0x48: {  	v9 =	vadd.f32 v9, v7;
	_ =	sdelay $0x1  }
0x49: {  	[tilespmem:v8+s15+$0x0] =	vst.idx.msk $0xffff, v9  }
0x4a: {  	v8 =	vld [tilespmem:s29+$0xFFFFFF90];
	_ =	sdelay $0x2  }
0x4b: {  	v9 =	vld [tilespmem:s30+$0xFFFFFE40];
	_ =	sdelay $0x1  }
0x4c: {  	v19 =	vadd.s32 v0, v8;
	_ =	sdelay $0x2  }
0x4d: {  	v9 =	vadd.f32 v9, v4;
	_ =	sdelay $0x1  }
0x4e: {  	[tilespmem:v19+s15+$0x0] =	vst.idx.msk $0xffff, v9  }
0x4f: {  	v9 =	vld [tilespmem:s30+$0xFFFFFE50];
	_ =	sdelay $0x1  }
0x50: {  	v20 =	vadd.s32 v1, v8;
	_ =	sdelay $0x2  }
0x51: {  	v9 =	vadd.f32 v9, v5;
	_ =	sdelay $0x1  }
0x52: {  	[tilespmem:v20+s15+$0x0] =	vst.idx.msk $0xffff, v9  }
0x53: {  	v9 =	vld [tilespmem:s30+$0xFFFFFE60];
	_ =	sdelay $0x1  }
0x54: {  	v21 =	vadd.s32 v2, v8;
	_ =	sdelay $0x2  }
0x55: {  	v9 =	vadd.f32 v9, v6;
	_ =	sdelay $0x1  }
0x56: {  	[tilespmem:v21+s15+$0x0] =	vst.idx.msk $0xffff, v9  }
0x57: {  	v9 =	vld [tilespmem:s30+$0xFFFFFE70];
	_ =	sdelay $0x1  }
0x58: {  	v8 =	vadd.s32 v3, v8;
	_ =	sdelay $0x2  }
0x59: {  	v9 =	vadd.f32 v9, v7;
	_ =	sdelay $0x1  }
0x5a: {  	[tilespmem:v8+s15+$0x0] =	vst.idx.msk $0xffff, v9  }
0x5b: {  	v8 =	vld [tilespmem:s29+$0xFFFFFFA0];
	_ =	sdelay $0x2  }
0x5c: {  	v9 =	vld [tilespmem:s30+$0xFFFFFE80];
	_ =	sdelay $0x1  }
0x5d: {  	v22 =	vadd.s32 v0, v8;
	_ =	sdelay $0x2  }
0x5e: {  	v9 =	vadd.f32 v9, v4;
	_ =	sdelay $0x1  }
0x5f: {  	[tilespmem:v22+s15+$0x0] =	vst.idx.msk $0xffff, v9  }
0x60: {  	v9 =	vld [tilespmem:s30+$0xFFFFFE90];
	_ =	sdelay $0x1  }
0x61: {  	v23 =	vadd.s32 v1, v8;
	_ =	sdelay $0x2  }
0x62: {  	v9 =	vadd.f32 v9, v5;
	_ =	sdelay $0x1  }
0x63: {  	[tilespmem:v23+s15+$0x0] =	vst.idx.msk $0xffff, v9  }
0x64: {  	v9 =	vld [tilespmem:s30+$0xFFFFFEA0];
	_ =	sdelay $0x1  }
0x65: {  	v24 =	vadd.s32 v2, v8;
	_ =	sdelay $0x2  }
0x66: {  	v9 =	vadd.f32 v9, v6;
	_ =	sdelay $0x1  }
0x67: {  	[tilespmem:v24+s15+$0x0] =	vst.idx.msk $0xffff, v9  }
0x68: {  	v9 =	vld [tilespmem:s30+$0xFFFFFEB0];
	_ =	sdelay $0x1  }
0x69: {  	v8 =	vadd.s32 v3, v8;
	_ =	sdelay $0x2  }
0x6a: {  	v9 =	vadd.f32 v9, v7;
	_ =	sdelay $0x1  }
0x6b: {  	[tilespmem:v8+s15+$0x0] =	vst.idx.msk $0xffff, v9  }
0x6c: {  	v8 =	vld [tilespmem:s29+$0xFFFFFFB0];
	_ =	sdelay $0x2  }
0x6d: {  	v9 =	vld [tilespmem:s30+$0xFFFFFEC0];
	_ =	sdelay $0x1  }
0x6e: {  	v25 =	vadd.s32 v0, v8;
	_ =	sdelay $0x2  }
0x6f: {  	v9 =	vadd.f32 v9, v4;
	_ =	sdelay $0x1  }
0x70: {  	[tilespmem:v25+s15+$0x0] =	vst.idx.msk $0xffff, v9  }
0x71: {  	v9 =	vld [tilespmem:s30+$0xFFFFFED0];
	_ =	sdelay $0x1  }
0x72: {  	v26 =	vadd.s32 v1, v8;
	_ =	sdelay $0x2  }
0x73: {  	v9 =	vadd.f32 v9, v5;
	_ =	sdelay $0x1  }
0x74: {  	[tilespmem:v26+s15+$0x0] =	vst.idx.msk $0xffff, v9  }
0x75: {  	v9 =	vld [tilespmem:s30+$0xFFFFFEE0];
	_ =	sdelay $0x1  }
0x76: {  	v27 =	vadd.s32 v2, v8;
	_ =	sdelay $0x2  }
0x77: {  	v9 =	vadd.f32 v9, v6;
	_ =	sdelay $0x1  }
0x78: {  	[tilespmem:v27+s15+$0x0] =	vst.idx.msk $0xffff, v9  }
0x79: {  	v9 =	vld [tilespmem:s30+$0xFFFFFEF0];
	_ =	sdelay $0x1  }
0x7a: {  	v8 =	vadd.s32 v3, v8;
	_ =	sdelay $0x2  }
0x7b: {  	v9 =	vadd.f32 v9, v7;
	_ =	sdelay $0x1  }
0x7c: {  	[tilespmem:v8+s15+$0x0] =	vst.idx.msk $0xffff, v9  }
0x7d: {  	v8 =	vld [tilespmem:s29+$0xFFFFFFC0];
	_ =	sdelay $0x2  }
0x7e: {  	v9 =	vld [tilespmem:s30+$0xFFFFFF00];
	_ =	sdelay $0x1  }
0x7f: {  	v28 =	vadd.s32 v0, v8;
	_ =	sdelay $0x2  }
0x80: {  	v9 =	vadd.f32 v9, v4;
	_ =	sdelay $0x1  }
0x81: {  	[tilespmem:v28+s15+$0x0] =	vst.idx.msk $0xffff, v9  }
0x82: {  	v9 =	vld [tilespmem:s30+$0xFFFFFF10];
	_ =	sdelay $0x1  }
0x83: {  	v29 =	vadd.s32 v1, v8;
	_ =	sdelay $0x2  }
0x84: {  	v9 =	vadd.f32 v9, v5;
	_ =	sdelay $0x1  }
0x85: {  	[tilespmem:v29+s15+$0x0] =	vst.idx.msk $0xffff, v9  }
0x86: {  	v9 =	vld [tilespmem:s30+$0xFFFFFF20];
	_ =	sdelay $0x1  }
0x87: {  	v30 =	vadd.s32 v2, v8;
	_ =	sdelay $0x2  }
0x88: {  	v9 =	vadd.f32 v9, v6;
	_ =	sdelay $0x1  }
0x89: {  	[tilespmem:v30+s15+$0x0] =	vst.idx.msk $0xffff, v9  }
0x8a: {  	v9 =	vld [tilespmem:s30+$0xFFFFFF30];
	_ =	sdelay $0x1  }
0x8b: {  	v8 =	vadd.s32 v3, v8;
	_ =	sdelay $0x2  }
0x8c: {  	v9 =	vadd.f32 v9, v7;
	_ =	sdelay $0x1  }
0x8d: {  	[tilespmem:v8+s15+$0x0] =	vst.idx.msk $0xffff, v9  }
0x8e: {  	v8 =	vld [tilespmem:s29+$0xFFFFFFD0];
	_ =	sdelay $0x2  }
0x8f: {  	v9 =	vld [tilespmem:s30+$0xFFFFFF40];
	_ =	sdelay $0x1  }
0x90: {  	v31 =	vadd.s32 v0, v8;
	_ =	sdelay $0x2  }
0x91: {  	v9 =	vadd.f32 v9, v4;
	_ =	sdelay $0x1  }
0x92: {  	[tilespmem:v31+s15+$0x0] =	vst.idx.msk $0xffff, v9  }
0x93: {  	v9 =	vld [tilespmem:s30+$0xFFFFFF50];
	_ =	sdelay $0x1  }
0x94: {  	v32 =	vadd.s32 v1, v8;
	_ =	sdelay $0x2  }
0x95: {  	v9 =	vadd.f32 v9, v5;
	_ =	sdelay $0x1  }
0x96: {  	[tilespmem:v32+s15+$0x0] =	vst.idx.msk $0xffff, v9  }
0x97: {  	v9 =	vld [tilespmem:s30+$0xFFFFFF60];
	_ =	sdelay $0x1  }
0x98: {  	v33 =	vadd.s32 v2, v8;
	_ =	sdelay $0x2  }
0x99: {  	v9 =	vadd.f32 v9, v6;
	_ =	sdelay $0x1  }
0x9a: {  	[tilespmem:v33+s15+$0x0] =	vst.idx.msk $0xffff, v9  }
0x9b: {  	v9 =	vld [tilespmem:s30+$0xFFFFFF70];
	_ =	sdelay $0x1  }
0x9c: {  	v8 =	vadd.s32 v3, v8;
	_ =	sdelay $0x2  }
0x9d: {  	v9 =	vadd.f32 v9, v7;
	_ =	sdelay $0x1  }
0x9e: {  	[tilespmem:v8+s15+$0x0] =	vst.idx.msk $0xffff, v9  }
0x9f: {  	v8 =	vld [tilespmem:s29+$0xFFFFFFE0];
	_ =	sdelay $0x2  }
0xa0: {  	v9 =	vld [tilespmem:s30+$0xFFFFFF80];
	_ =	sdelay $0x1  }
0xa1: {  	v34 =	vadd.s32 v0, v8;
	_ =	sdelay $0x2  }
0xa2: {  	v9 =	vadd.f32 v9, v4;
	_ =	sdelay $0x1  }
0xa3: {  	[tilespmem:v34+s15+$0x0] =	vst.idx.msk $0xffff, v9  }
0xa4: {  	v9 =	vld [tilespmem:s30+$0xFFFFFF90];
	_ =	sdelay $0x1  }
0xa5: {  	v35 =	vadd.s32 v1, v8;
	_ =	sdelay $0x2  }
0xa6: {  	v9 =	vadd.f32 v9, v5;
	_ =	sdelay $0x1  }
0xa7: {  	[tilespmem:v35+s15+$0x0] =	vst.idx.msk $0xffff, v9  }
0xa8: {  	v9 =	vld [tilespmem:s30+$0xFFFFFFA0];
	_ =	sdelay $0x1  }
0xa9: {  	v36 =	vadd.s32 v2, v8;
	_ =	sdelay $0x2  }
0xaa: {  	v9 =	vadd.f32 v9, v6;
	_ =	sdelay $0x1  }
0xab: {  	[tilespmem:v36+s15+$0x0] =	vst.idx.msk $0xffff, v9  }
0xac: {  	v9 =	vld [tilespmem:s30+$0xFFFFFFB0];
	_ =	sdelay $0x1  }
0xad: {  	v8 =	vadd.s32 v3, v8;
	_ =	sdelay $0x2  }
0xae: {  	v9 =	vadd.f32 v9, v7;
	_ =	sdelay $0x1  }
0xaf: {  	[tilespmem:v8+s15+$0x0] =	vst.idx.msk $0xffff, v9  }
0xb0: {  	v8 =	vld [tilespmem:s29+$0xFFFFFFF0];
	_ =	sdelay $0x2  }
0xb1: {  	v9 =	vld [tilespmem:s30+$0xFFFFFFC0];
	_ =	sdelay $0x1  }
0xb2: {  	v37 =	vadd.s32 v0, v8;
	_ =	sdelay $0x2  }
0xb3: {  	v9 =	vadd.f32 v9, v4;
	_ =	sdelay $0x1  }
0xb4: {  	[tilespmem:v37+s15+$0x0] =	vst.idx.msk $0xffff, v9  }
0xb5: {  	v9 =	vld [tilespmem:s30+$0xFFFFFFD0];
	_ =	sdelay $0x1  }
0xb6: {  	v38 =	vadd.s32 v1, v8;
	_ =	sdelay $0x2  }
0xb7: {  	v9 =	vadd.f32 v9, v5;
	_ =	sdelay $0x1  }
0xb8: {  	[tilespmem:v38+s15+$0x0] =	vst.idx.msk $0xffff, v9  }
0xb9: {  	v9 =	vld [tilespmem:s30+$0xFFFFFFE0];
	_ =	sdelay $0x1  }
0xba: {  	v39 =	vadd.s32 v2, v8;
	_ =	sdelay $0x2  }
0xbb: {  	v9 =	vadd.f32 v9, v6;
	_ =	sdelay $0x1  }
0xbc: {  	[tilespmem:v39+s15+$0x0] =	vst.idx.msk $0xffff, v9  }
0xbd: {  	v9 =	vld [tilespmem:s30+$0xFFFFFFF0];
	_ =	sdelay $0x1  }
0xbe: {  	v8 =	vadd.s32 v3, v8;
	_ =	sdelay $0x2  }
0xbf: {  	v9 =	vadd.f32 v9, v7;
	_ =	sdelay $0x1  }
0xc0: {  	[tilespmem:v8+s15+$0x0] =	vst.idx.msk $0xffff, v9  }
0xc1: {  	v8 =	vld [tilespmem:s29+$0x0];
	_ =	sdelay $0x2  }
0xc2: {  	v9 =	vld [tilespmem:s30+$0x0];
	_ =	sdelay $0x1  }
0xc3: {  	v40 =	vadd.s32 v0, v8;
	_ =	sdelay $0x2  }
0xc4: {  	v9 =	vadd.f32 v9, v4;
	_ =	sdelay $0x1  }
0xc5: {  	[tilespmem:v40+s15+$0x0] =	vst.idx.msk $0xffff, v9  }
0xc6: {  	v9 =	vld [tilespmem:s30+$0x10];
	_ =	sdelay $0x1  }
0xc7: {  	v41 =	vadd.s32 v1, v8;
	_ =	sdelay $0x2  }
0xc8: {  	v9 =	vadd.f32 v9, v5;
	_ =	sdelay $0x1  }
0xc9: {  	[tilespmem:v41+s15+$0x0] =	vst.idx.msk $0xffff, v9  }
0xca: {  	v9 =	vld [tilespmem:s30+$0x20];
	_ =	sdelay $0x1  }
0xcb: {  	v42 =	vadd.s32 v2, v8;
	_ =	sdelay $0x2  }
0xcc: {  	v9 =	vadd.f32 v9, v6;
	_ =	sdelay $0x1  }
0xcd: {  	[tilespmem:v42+s15+$0x0] =	vst.idx.msk $0xffff, v9  }
0xce: {  	v9 =	vld [tilespmem:s30+$0x30];
	_ =	sdelay $0x1  }
0xcf: {  	v8 =	vadd.s32 v3, v8;
	_ =	sdelay $0x2  }
0xd0: {  	v9 =	vadd.f32 v9, v7;
	_ =	sdelay $0x1  }
0xd1: {  	[tilespmem:v8+s15+$0x0] =	vst.idx.msk $0xffff, v9  }
0xd2: {  	v8 =	vld [tilespmem:s29+$0x10];
	_ =	sdelay $0x2  }
0xd3: {  	v9 =	vld [tilespmem:s30+$0x40];
	_ =	sdelay $0x1  }
0xd4: {  	v43 =	vadd.s32 v0, v8;
	_ =	sdelay $0x2  }
0xd5: {  	v9 =	vadd.f32 v9, v4;
	_ =	sdelay $0x1  }
0xd6: {  	[tilespmem:v43+s15+$0x0] =	vst.idx.msk $0xffff, v9  }
0xd7: {  	v9 =	vld [tilespmem:s30+$0x50];
	_ =	sdelay $0x1  }
0xd8: {  	v44 =	vadd.s32 v1, v8;
	_ =	sdelay $0x2  }
0xd9: {  	v9 =	vadd.f32 v9, v5;
	_ =	sdelay $0x1  }
0xda: {  	[tilespmem:v44+s15+$0x0] =	vst.idx.msk $0xffff, v9  }
0xdb: {  	v9 =	vld [tilespmem:s30+$0x60];
	_ =	sdelay $0x1  }
0xdc: {  	v45 =	vadd.s32 v2, v8;
	_ =	sdelay $0x2  }
0xdd: {  	v9 =	vadd.f32 v9, v6;
	_ =	sdelay $0x1  }
0xde: {  	[tilespmem:v45+s15+$0x0] =	vst.idx.msk $0xffff, v9  }
0xdf: {  	v9 =	vld [tilespmem:s30+$0x70];
	_ =	sdelay $0x1  }
0xe0: {  	v8 =	vadd.s32 v3, v8;
	_ =	sdelay $0x2  }
0xe1: {  	v9 =	vadd.f32 v9, v7;
	_ =	sdelay $0x1  }
0xe2: {  	[tilespmem:v8+s15+$0x0] =	vst.idx.msk $0xffff, v9  }
0xe3: {  	v8 =	vld [tilespmem:s29+$0x20];
	_ =	sdelay $0x2  }
0xe4: {  	v9 =	vld [tilespmem:s30+$0x80];
	_ =	sdelay $0x1  }
0xe5: {  	v46 =	vadd.s32 v0, v8;
	_ =	sdelay $0x2  }
0xe6: {  	v9 =	vadd.f32 v9, v4;
	_ =	sdelay $0x1  }
0xe7: {  	[tilespmem:v46+s15+$0x0] =	vst.idx.msk $0xffff, v9  }
0xe8: {  	v9 =	vld [tilespmem:s30+$0x90];
	_ =	sdelay $0x1  }
0xe9: {  	v47 =	vadd.s32 v1, v8;
	_ =	sdelay $0x2  }
0xea: {  	v9 =	vadd.f32 v9, v5;
	_ =	sdelay $0x1  }
0xeb: {  	[tilespmem:v47+s15+$0x0] =	vst.idx.msk $0xffff, v9  }
0xec: {  	v9 =	vld [tilespmem:s30+$0xA0];
	_ =	sdelay $0x1  }
0xed: {  	v48 =	vadd.s32 v2, v8;
	_ =	sdelay $0x2  }
0xee: {  	v9 =	vadd.f32 v9, v6;
	_ =	sdelay $0x1  }
0xef: {  	[tilespmem:v48+s15+$0x0] =	vst.idx.msk $0xffff, v9  }
0xf0: {  	v9 =	vld [tilespmem:s30+$0xB0];
	_ =	sdelay $0x1  }
0xf1: {  	v8 =	vadd.s32 v3, v8;
	_ =	sdelay $0x2  }
0xf2: {  	v9 =	vadd.f32 v9, v7;
	_ =	sdelay $0x1  }
0xf3: {  	[tilespmem:v8+s15+$0x0] =	vst.idx.msk $0xffff, v9  }
0xf4: {  	v8 =	vld [tilespmem:s29+$0x30];
	_ =	sdelay $0x2  }
0xf5: {  	v9 =	vld [tilespmem:s30+$0xC0];
	_ =	sdelay $0x1  }
0xf6: {  	v49 =	vadd.s32 v0, v8;
	_ =	sdelay $0x2  }
0xf7: {  	v9 =	vadd.f32 v9, v4;
	_ =	sdelay $0x1  }
0xf8: {  	[tilespmem:v49+s15+$0x0] =	vst.idx.msk $0xffff, v9  }
0xf9: {  	v9 =	vld [tilespmem:s30+$0xD0];
	_ =	sdelay $0x1  }
0xfa: {  	v50 =	vadd.s32 v1, v8;
	_ =	sdelay $0x2  }
0xfb: {  	v9 =	vadd.f32 v9, v5;
	_ =	sdelay $0x1  }
0xfc: {  	[tilespmem:v50+s15+$0x0] =	vst.idx.msk $0xffff, v9  }
0xfd: {  	v9 =	vld [tilespmem:s30+$0xE0];
	_ =	sdelay $0x1  }
0xfe: {  	v51 =	vadd.s32 v2, v8;
	_ =	sdelay $0x2  }
0xff: {  	v9 =	vadd.f32 v9, v6;
	_ =	sdelay $0x1  }
0x100: {  	[tilespmem:v51+s15+$0x0] =	vst.idx.msk $0xffff, v9  }
0x101: {  	v9 =	vld [tilespmem:s30+$0xF0];
	_ =	sdelay $0x1  }
0x102: {  	v8 =	vadd.s32 v3, v8;
	_ =	sdelay $0x2  }
0x103: {  	v9 =	vadd.f32 v9, v7;
	_ =	sdelay $0x1  }
0x104: {  	[tilespmem:v8+s15+$0x0] =	vst.idx.msk $0xffff, v9  }
0x105: {  	v8 =	vld [tilespmem:s29+$0x40];
	_ =	sdelay $0x2  }
0x106: {  	v9 =	vld [tilespmem:s30+$0x100];
	_ =	sdelay $0x1  }
0x107: {  	v52 =	vadd.s32 v0, v8;
	_ =	sdelay $0x2  }
0x108: {  	v9 =	vadd.f32 v9, v4;
	_ =	sdelay $0x1  }
0x109: {  	[tilespmem:v52+s15+$0x0] =	vst.idx.msk $0xffff, v9  }
0x10a: {  	v9 =	vld [tilespmem:s30+$0x110];
	_ =	sdelay $0x1  }
0x10b: {  	v53 =	vadd.s32 v1, v8;
	_ =	sdelay $0x2  }
0x10c: {  	v9 =	vadd.f32 v9, v5;
	_ =	sdelay $0x1  }
0x10d: {  	[tilespmem:v53+s15+$0x0] =	vst.idx.msk $0xffff, v9  }
0x10e: {  	v9 =	vld [tilespmem:s30+$0x120];
	_ =	sdelay $0x1  }
0x10f: {  	v54 =	vadd.s32 v2, v8;
	_ =	sdelay $0x2  }
0x110: {  	v9 =	vadd.f32 v9, v6;
	_ =	sdelay $0x1  }
0x111: {  	[tilespmem:v54+s15+$0x0] =	vst.idx.msk $0xffff, v9  }
0x112: {  	v9 =	vld [tilespmem:s30+$0x130];
	_ =	sdelay $0x1  }
0x113: {  	v8 =	vadd.s32 v3, v8;
	_ =	sdelay $0x2  }
0x114: {  	v9 =	vadd.f32 v9, v7;
	_ =	sdelay $0x1  }
0x115: {  	[tilespmem:v8+s15+$0x0] =	vst.idx.msk $0xffff, v9  }
0x116: {  	v8 =	vld [tilespmem:s29+$0x50];
	_ =	sdelay $0x2  }
0x117: {  	v9 =	vld [tilespmem:s30+$0x140];
	_ =	sdelay $0x1  }
0x118: {  	v55 =	vadd.s32 v0, v8;
	_ =	sdelay $0x2  }
0x119: {  	v9 =	vadd.f32 v9, v4;
	_ =	sdelay $0x1  }
0x11a: {  	[tilespmem:v55+s15+$0x0] =	vst.idx.msk $0xffff, v9  }
0x11b: {  	v9 =	vld [tilespmem:s30+$0x150];
	_ =	sdelay $0x1  }
0x11c: {  	v56 =	vadd.s32 v1, v8;
	_ =	sdelay $0x2  }
0x11d: {  	v9 =	vadd.f32 v9, v5;
	_ =	sdelay $0x1  }
0x11e: {  	[tilespmem:v56+s15+$0x0] =	vst.idx.msk $0xffff, v9  }
0x11f: {  	v9 =	vld [tilespmem:s30+$0x160];
	_ =	sdelay $0x1  }
0x120: {  	v57 =	vadd.s32 v2, v8;
	_ =	sdelay $0x2  }
0x121: {  	v9 =	vadd.f32 v9, v6;
	_ =	sdelay $0x1  }
0x122: {  	[tilespmem:v57+s15+$0x0] =	vst.idx.msk $0xffff, v9  }
0x123: {  	v9 =	vld [tilespmem:s30+$0x170];
	_ =	sdelay $0x1  }
0x124: {  	v8 =	vadd.s32 v3, v8;
	_ =	sdelay $0x2  }
0x125: {  	v9 =	vadd.f32 v9, v7;
	_ =	sdelay $0x1  }
0x126: {  	[tilespmem:v8+s15+$0x0] =	vst.idx.msk $0xffff, v9  }
0x127: {  	v8 =	vld [tilespmem:s29+$0x60];
	_ =	sdelay $0x2  }
0x128: {  	v9 =	vld [tilespmem:s30+$0x180];
	_ =	sdelay $0x1  }
0x129: {  	v58 =	vadd.s32 v0, v8;
	_ =	sdelay $0x2  }
0x12a: {  	v9 =	vadd.f32 v9, v4;
	_ =	sdelay $0x1  }
0x12b: {  	[tilespmem:v58+s15+$0x0] =	vst.idx.msk $0xffff, v9  }
0x12c: {  	v9 =	vld [tilespmem:s30+$0x190];
	_ =	sdelay $0x1  }
0x12d: {  	v59 =	vadd.s32 v1, v8;
	_ =	sdelay $0x2  }
0x12e: {  	v9 =	vadd.f32 v9, v5;
	_ =	sdelay $0x1  }
0x12f: {  	[tilespmem:v59+s15+$0x0] =	vst.idx.msk $0xffff, v9  }
0x130: {  	v9 =	vld [tilespmem:s30+$0x1A0];
	_ =	sdelay $0x1  }
0x131: {  	v60 =	vadd.s32 v2, v8;
	_ =	sdelay $0x2  }
0x132: {  	v9 =	vadd.f32 v9, v6;
	_ =	sdelay $0x1  }
0x133: {  	[tilespmem:v60+s15+$0x0] =	vst.idx.msk $0xffff, v9  }
0x134: {  	v9 =	vld [tilespmem:s30+$0x1B0];
	_ =	sdelay $0x1  }
0x135: {  	v8 =	vadd.s32 v3, v8;
	_ =	sdelay $0x2  }
0x136: {  	v9 =	vadd.f32 v9, v7;
	_ =	sdelay $0x1  }
0x137: {  	[tilespmem:v8+s15+$0x0] =	vst.idx.msk $0xffff, v9  }
0x138: {  	v8 =	vld [tilespmem:s29+$0x70];
	_ =	sdelay $0x2  }
0x139: {  	v9 =	vld [tilespmem:s30+$0x1C0];
	_ =	sdelay $0x1  }
0x13a: {  	v61 =	vadd.s32 v0, v8;
	_ =	sdelay $0x2  }
0x13b: {  	v9 =	vadd.f32 v9, v4;
	_ =	sdelay $0x1  }
0x13c: {  	[tilespmem:v61+s15+$0x0] =	vst.idx.msk $0xffff, v9  }
0x13d: {  	v9 =	vld [tilespmem:s30+$0x1D0];
	_ =	sdelay $0x1  }
0x13e: {  	v62 =	vadd.s32 v1, v8;
	_ =	sdelay $0x2  }
0x13f: {  	v9 =	vadd.f32 v9, v5;
	_ =	sdelay $0x1  }
0x140: {  	[tilespmem:v62+s15+$0x0] =	vst.idx.msk $0xffff, v9  }
0x141: {  	v9 =	vld [tilespmem:s30+$0x1E0];
	_ =	sdelay $0x1  }
0x142: {  	v63 =	vadd.s32 v2, v8;
	_ =	sdelay $0x2  }
0x143: {  	v9 =	vadd.f32 v9, v6;
	_ =	sdelay $0x1  }
0x144: {  	[tilespmem:v63+s15+$0x0] =	vst.idx.msk $0xffff, v9  }
0x145: {  	v9 =	vld [tilespmem:s30+$0x1F0]  }
0x146: {  	s28 =	sadd.s32 $0x10, s28  }
0x147: {  	p1 =	slt.u32 s28, $0x70;
	v8 =	vadd.s32 v3, v8  }
.Ltmp3:
0x148: {  	_ = 	snop;
	(pc) =	sbr.rel @p1 .LBB2_5-.Ltmp3, $3  }
0x149: {  	_ = 	snop  }
0x14a: {  	v9 =	vadd.f32 v9, v7;
	_ =	sdelay $0x1  }
0x14b: {  	s29 =	sadd.s32 $0x100, s29;
	s30 =	sadd.s32 $0x400, s30;
	[tilespmem:v8+s15+$0x0] =	vst.idx.msk $0xffff, v9  }
0x14c: {  	s1 =	sshll.u32 s25, $0x14  }
0x14d: {  	s1 =	sor.u32 s7, s1  }
0x14e: {  	s1 =	sshrl.u32 s1, $0x3  }
0x14f: {  	s10 =	simm.s32 $0xE400;
	s29 =	sadd.s32 s2, s1  }
0x150: {  	[hbm4b:s29+s3] =	stream.linear.scatter [tilespmem:s10], [sflag:$0x3], $0x80, $0x38;
	[tilespmem:$0x1A600] =	vst v63  }
0x151: {  	s0 =	simm.s32 $0xE488;
	s28 =	sadd.s32 $0x10, s29  }
0x152: {  	[hbm4b:s28+s3] =	stream.linear.scatter [tilespmem:s0], [sflag:$0x3], $0x80, $0x38;
	[tilespmem:$0x1A600] =	vst v63  }
0x153: {  	s10 =	simm.s32 $0xE510;
	s28 =	sadd.s32 $0x20, s29  }
0x154: {  	[hbm4b:s28+s3] =	stream.linear.scatter [tilespmem:s10], [sflag:$0x3], $0x80, $0x38;
	[tilespmem:$0x1A600] =	vst v63  }
0x155: {  	s0 =	simm.s32 $0xE598;
	s28 =	sadd.s32 $0x30, s29  }
0x156: {  	[hbm4b:s28+s3] =	stream.linear.scatter [tilespmem:s0], [sflag:$0x3], $0x80, $0x38;
	[tilespmem:$0x1A600] =	vst v63  }
0x157: {  	s10 =	simm.s32 $0xE620;
	s28 =	sadd.s32 $0x40, s29  }
0x158: {  	[hbm4b:s28+s3] =	stream.linear.scatter [tilespmem:s10], [sflag:$0x3], $0x80, $0x38;
	[tilespmem:$0x1A600] =	vst v63  }
0x159: {  	s30 =	simm.s32 $0x2200;
	s0 =	simm.s32 $0xE6A8;
	s28 =	sadd.s32 $0x50, s29  }
0x15a: {  	[hbm4b:s28+s3] =	stream.linear.scatter [tilespmem:s0], [sflag:$0x3], $0x80, $0x38;
	[tilespmem:$0x1A600] =	vst v63  }
0x15b: {  	s31 =	simm.s32 $0xE7B8;
	s10 =	simm.s32 $0xE730;
	s28 =	sadd.s32 $0x60, s29  }
0x15c: {  	[hbm4b:s28+s3] =	stream.linear.scatter [tilespmem:s10], [sflag:$0x3], $0x80, $0x38;
	[tilespmem:$0x1A600] =	vst v63  }
0x15d: {  	s1 =	sadd.s32 $0x70, s29;
	s29 =	sadd.s32 $0x1000, s29;
	s28 =	simm.s32 $0x440  }
.LBB2_7:
0x15e: {  	[hbm4b:s1+s3] =	stream.linear.scatter [tilespmem:s31], [sflag:$0x3], $0x80, $0x38;
	[tilespmem:$0x1A600] =	vst v63  }
0x15f: {  	s1 =	smov.u32 s28;
	s28 =	smov.u32 s30  }
0x160: {  	s0 =	sadd.s32 $0x1100, s30;
	s28 =	sshra.s32 s28, $0x2;
	s31 =	sadd.s32 $0xE400, s1  }
0x161: {  	[hbm4b:s29+s3] =	stream.linear.scatter [tilespmem:s31], [sflag:$0x3], $0x80, $0x38;
	[tilespmem:$0x1A600] =	vst v63  }
0x162: {  	p1 =	sne.s32 s30, $0x7700;
	s30 =	sadd.s32 $0xE488, s1;
	s31 =	sadd.s32 $0x10, s29  }
0x163: {  	[hbm4b:s31+s3] =	stream.linear.scatter [tilespmem:s30], [sflag:$0x3], $0x80, $0x38;
	[tilespmem:$0x1A600] =	vst v63  }
0x164: {  	s30 =	sadd.s32 $0xE510, s1;
	s31 =	sadd.s32 $0x20, s29  }
0x165: {  	[hbm4b:s31+s3] =	stream.linear.scatter [tilespmem:s30], [sflag:$0x3], $0x80, $0x38;
	[tilespmem:$0x1A600] =	vst v63  }
0x166: {  	s30 =	sadd.s32 $0xE598, s1;
	s31 =	sadd.s32 $0x30, s29  }
0x167: {  	[hbm4b:s31+s3] =	stream.linear.scatter [tilespmem:s30], [sflag:$0x3], $0x80, $0x38;
	[tilespmem:$0x1A600] =	vst v63  }
0x168: {  	s30 =	sadd.s32 $0xE620, s1;
	s31 =	sadd.s32 $0x40, s29  }
0x169: {  	[hbm4b:s31+s3] =	stream.linear.scatter [tilespmem:s30], [sflag:$0x3], $0x80, $0x38;
	[tilespmem:$0x1A600] =	vst v63  }
0x16a: {  	s30 =	sadd.s32 $0xE6A8, s1;
	s31 =	sadd.s32 $0x50, s29  }
0x16b: {  	[hbm4b:s31+s3] =	stream.linear.scatter [tilespmem:s30], [sflag:$0x3], $0x80, $0x38;
	[tilespmem:$0x1A600] =	vst v63  }
.Ltmp4:
0x16c: {  	_ = 	snop;
	(pc) =	sbr.rel @p1 .LBB2_7-.Ltmp4, $4  }
0x16d: {  	s30 =	sadd.s32 $0xE730, s1;
	s31 =	sadd.s32 $0x60, s29  }
0x16e: {  	[hbm4b:s31+s3] =	stream.linear.scatter [tilespmem:s30], [sflag:$0x3], $0x80, $0x38;
	[tilespmem:$0x1A600] =	vst v63  }
0x16f: {  	s31 =	sadd.s32 $0xE7B8, s1  }
0x170: {  	s1 =	sadd.s32 $0x70, s29;
	s29 =	sadd.s32 $0x1000, s29;
	s30 =	smov.u32 s0  }
0x171: {  	[hbm4b:s1+s3] =	stream.linear.scatter [tilespmem:s31], [sflag:$0x3], $0x80, $0x38;
	[tilespmem:$0x1A600] =	vst v63  }
0x172: {  	s0 =	sadd.s32 $0xE400, s28  }
0x173: {  	[hbm4b:s29+s3] =	stream.linear.scatter [tilespmem:s0], [sflag:$0x3], $0x80, $0x38;
	[tilespmem:$0x1A600] =	vst v63  }
0x174: {  	s1 =	sadd.s32 $0xE488, s28;
	s10 =	sadd.s32 $0x10, s29  }
0x175: {  	[hbm4b:s10+s3] =	stream.linear.scatter [tilespmem:s1], [sflag:$0x3], $0x80, $0x38;
	[tilespmem:$0x1A600] =	vst v63  }
0x176: {  	s1 =	sadd.s32 $0xE510, s28;
	s10 =	sadd.s32 $0x20, s29  }
0x177: {  	[hbm4b:s10+s3] =	stream.linear.scatter [tilespmem:s1], [sflag:$0x3], $0x80, $0x38;
	[tilespmem:$0x1A600] =	vst v63  }
0x178: {  	s1 =	sadd.s32 $0xE598, s28;
	s10 =	sadd.s32 $0x30, s29  }
0x179: {  	[hbm4b:s10+s3] =	stream.linear.scatter [tilespmem:s1], [sflag:$0x3], $0x80, $0x38;
	[tilespmem:$0x1A600] =	vst v63  }
0x17a: {  	s1 =	sadd.s32 $0xE620, s28;
	s10 =	sadd.s32 $0x40, s29  }
0x17b: {  	[hbm4b:s10+s3] =	stream.linear.scatter [tilespmem:s1], [sflag:$0x3], $0x80, $0x38;
	[tilespmem:$0x1A600] =	vst v63  }
0x17c: {  	s1 =	sadd.s32 $0xE6A8, s28;
	s10 =	sadd.s32 $0x50, s29  }
0x17d: {  	[hbm4b:s10+s3] =	stream.linear.scatter [tilespmem:s1], [sflag:$0x3], $0x80, $0x38;
	[tilespmem:$0x1A600] =	vst v63  }
0x17e: {  	s1 =	sadd.s32 $0xE730, s28;
	s10 =	sadd.s32 $0x60, s29  }
0x17f: {  	[hbm4b:s10+s3] =	stream.linear.scatter [tilespmem:s1], [sflag:$0x3], $0x80, $0x38;
	[tilespmem:$0x1A600] =	vst v63  }
0x180: {  	s1 =	sadd.s32 $0xE7B8, s28;
	s10 =	sadd.s32 $0x70, s29  }
0x181: {  	[hbm4b:s10+s3] =	stream.linear.scatter [tilespmem:s1], [sflag:$0x3], $0x80, $0x38;
	[tilespmem:$0x1A600] =	vst v63  }
0x182: {  	s10 =	sshll.u32 s25, $0x2  }
0x183: {  	s28 =	sor.u32 $0x1, s10  }
0x184: {  	s0 =	sshll.u32 s28, $0x6  }
0x185: {  	s0 =	sand.u32 $0x3FFFFF40, s0  }
0x186: {  	v4 =	vld [tilespmem:s0+$0x17400]  }
0x187: {  	v5 =	vld [tilespmem:s0+$0x17410]  }
0x188: {  	v6 =	vld [tilespmem:s0+$0x17420]  }
0x189: {  	s30 =	simm.s32 $0x16C80;
	s31 =	simm.s32 $0x87F0;
	s29 =	simm.s32 $0xFFFFFFF0;
	v7 =	vld [tilespmem:s0+$0x17430]  }
.LBB2_9:
0x18a: {  	v8 =	vld [tilespmem:s30+$0xFFFFFF80];
	_ =	sdelay $0x2  }
0x18b: {  	v9 =	vld [tilespmem:s31+$0xFFFFFC10];
	_ =	sdelay $0x1  }
0x18c: {  	v10 =	vadd.s32 v0, v8;
	_ =	sdelay $0x2  }
0x18d: {  	v9 =	vadd.f32 v9, v4;
	_ =	sdelay $0x1  }
0x18e: {  	[tilespmem:v10+s16+$0x0] =	vst.idx.msk $0xffff, v9  }
0x18f: {  	v9 =	vld [tilespmem:s31+$0xFFFFFC20];
	_ =	sdelay $0x1  }
0x190: {  	v17 =	vadd.s32 v1, v8;
	_ =	sdelay $0x2  }
0x191: {  	v9 =	vadd.f32 v9, v5;
	_ =	sdelay $0x1  }
0x192: {  	[tilespmem:v17+s16+$0x0] =	vst.idx.msk $0xffff, v9  }
0x193: {  	v9 =	vld [tilespmem:s31+$0xFFFFFC30];
	_ =	sdelay $0x1  }
0x194: {  	v18 =	vadd.s32 v2, v8;
	_ =	sdelay $0x2  }
0x195: {  	v9 =	vadd.f32 v9, v6;
	_ =	sdelay $0x1  }
0x196: {  	[tilespmem:v18+s16+$0x0] =	vst.idx.msk $0xffff, v9  }
0x197: {  	v9 =	vld [tilespmem:s31+$0xFFFFFC40];
	_ =	sdelay $0x1  }
0x198: {  	v8 =	vadd.s32 v3, v8;
	_ =	sdelay $0x2  }
0x199: {  	v9 =	vadd.f32 v9, v7;
	_ =	sdelay $0x1  }
0x19a: {  	[tilespmem:v8+s16+$0x0] =	vst.idx.msk $0xffff, v9  }
0x19b: {  	v8 =	vld [tilespmem:s30+$0xFFFFFF90];
	_ =	sdelay $0x2  }
0x19c: {  	v9 =	vld [tilespmem:s31+$0xFFFFFC50];
	_ =	sdelay $0x1  }
0x19d: {  	v19 =	vadd.s32 v0, v8;
	_ =	sdelay $0x2  }
0x19e: {  	v9 =	vadd.f32 v9, v4;
	_ =	sdelay $0x1  }
0x19f: {  	[tilespmem:v19+s16+$0x0] =	vst.idx.msk $0xffff, v9  }
0x1a0: {  	v9 =	vld [tilespmem:s31+$0xFFFFFC60];
	_ =	sdelay $0x1  }
0x1a1: {  	v20 =	vadd.s32 v1, v8;
	_ =	sdelay $0x2  }
0x1a2: {  	v9 =	vadd.f32 v9, v5;
	_ =	sdelay $0x1  }
0x1a3: {  	[tilespmem:v20+s16+$0x0] =	vst.idx.msk $0xffff, v9  }
0x1a4: {  	v9 =	vld [tilespmem:s31+$0xFFFFFC70];
	_ =	sdelay $0x1  }
0x1a5: {  	v21 =	vadd.s32 v2, v8;
	_ =	sdelay $0x2  }
0x1a6: {  	v9 =	vadd.f32 v9, v6;
	_ =	sdelay $0x1  }
0x1a7: {  	[tilespmem:v21+s16+$0x0] =	vst.idx.msk $0xffff, v9  }
0x1a8: {  	v9 =	vld [tilespmem:s31+$0xFFFFFC80];
	_ =	sdelay $0x1  }
0x1a9: {  	v8 =	vadd.s32 v3, v8;
	_ =	sdelay $0x2  }
0x1aa: {  	v9 =	vadd.f32 v9, v7;
	_ =	sdelay $0x1  }
0x1ab: {  	[tilespmem:v8+s16+$0x0] =	vst.idx.msk $0xffff, v9  }
0x1ac: {  	v8 =	vld [tilespmem:s30+$0xFFFFFFA0];
	_ =	sdelay $0x2  }
0x1ad: {  	v9 =	vld [tilespmem:s31+$0xFFFFFC90];
	_ =	sdelay $0x1  }
0x1ae: {  	v22 =	vadd.s32 v0, v8;
	_ =	sdelay $0x2  }
0x1af: {  	v9 =	vadd.f32 v9, v4;
	_ =	sdelay $0x1  }
0x1b0: {  	[tilespmem:v22+s16+$0x0] =	vst.idx.msk $0xffff, v9  }
0x1b1: {  	v9 =	vld [tilespmem:s31+$0xFFFFFCA0];
	_ =	sdelay $0x1  }
0x1b2: {  	v23 =	vadd.s32 v1, v8;
	_ =	sdelay $0x2  }
0x1b3: {  	v9 =	vadd.f32 v9, v5;
	_ =	sdelay $0x1  }
0x1b4: {  	[tilespmem:v23+s16+$0x0] =	vst.idx.msk $0xffff, v9  }
0x1b5: {  	v9 =	vld [tilespmem:s31+$0xFFFFFCB0];
	_ =	sdelay $0x1  }
0x1b6: {  	v24 =	vadd.s32 v2, v8;
	_ =	sdelay $0x2  }
0x1b7: {  	v9 =	vadd.f32 v9, v6;
	_ =	sdelay $0x1  }
0x1b8: {  	[tilespmem:v24+s16+$0x0] =	vst.idx.msk $0xffff, v9  }
0x1b9: {  	v9 =	vld [tilespmem:s31+$0xFFFFFCC0];
	_ =	sdelay $0x1  }
0x1ba: {  	v8 =	vadd.s32 v3, v8;
	_ =	sdelay $0x2  }
0x1bb: {  	v9 =	vadd.f32 v9, v7;
	_ =	sdelay $0x1  }
0x1bc: {  	[tilespmem:v8+s16+$0x0] =	vst.idx.msk $0xffff, v9  }
0x1bd: {  	v8 =	vld [tilespmem:s30+$0xFFFFFFB0];
	_ =	sdelay $0x2  }
0x1be: {  	v9 =	vld [tilespmem:s31+$0xFFFFFCD0];
	_ =	sdelay $0x1  }
0x1bf: {  	v25 =	vadd.s32 v0, v8;
	_ =	sdelay $0x2  }
0x1c0: {  	v9 =	vadd.f32 v9, v4;
	_ =	sdelay $0x1  }
0x1c1: {  	[tilespmem:v25+s16+$0x0] =	vst.idx.msk $0xffff, v9  }
0x1c2: {  	v9 =	vld [tilespmem:s31+$0xFFFFFCE0];
	_ =	sdelay $0x1  }
0x1c3: {  	v26 =	vadd.s32 v1, v8;
	_ =	sdelay $0x2  }
0x1c4: {  	v9 =	vadd.f32 v9, v5;
	_ =	sdelay $0x1  }
0x1c5: {  	[tilespmem:v26+s16+$0x0] =	vst.idx.msk $0xffff, v9  }
0x1c6: {  	v9 =	vld [tilespmem:s31+$0xFFFFFCF0];
	_ =	sdelay $0x1  }
0x1c7: {  	v27 =	vadd.s32 v2, v8;
	_ =	sdelay $0x2  }
0x1c8: {  	v9 =	vadd.f32 v9, v6;
	_ =	sdelay $0x1  }
0x1c9: {  	[tilespmem:v27+s16+$0x0] =	vst.idx.msk $0xffff, v9  }
0x1ca: {  	v9 =	vld [tilespmem:s31+$0xFFFFFD00];
	_ =	sdelay $0x1  }
0x1cb: {  	v8 =	vadd.s32 v3, v8;
	_ =	sdelay $0x2  }
0x1cc: {  	v9 =	vadd.f32 v9, v7;
	_ =	sdelay $0x1  }
0x1cd: {  	[tilespmem:v8+s16+$0x0] =	vst.idx.msk $0xffff, v9  }
0x1ce: {  	v8 =	vld [tilespmem:s30+$0xFFFFFFC0];
	_ =	sdelay $0x2  }
0x1cf: {  	v9 =	vld [tilespmem:s31+$0xFFFFFD10];
	_ =	sdelay $0x1  }
0x1d0: {  	v28 =	vadd.s32 v0, v8;
	_ =	sdelay $0x2  }
0x1d1: {  	v9 =	vadd.f32 v9, v4;
	_ =	sdelay $0x1  }
0x1d2: {  	[tilespmem:v28+s16+$0x0] =	vst.idx.msk $0xffff, v9  }
0x1d3: {  	v9 =	vld [tilespmem:s31+$0xFFFFFD20];
	_ =	sdelay $0x1  }
0x1d4: {  	v29 =	vadd.s32 v1, v8;
	_ =	sdelay $0x2  }
0x1d5: {  	v9 =	vadd.f32 v9, v5;
	_ =	sdelay $0x1  }
0x1d6: {  	[tilespmem:v29+s16+$0x0] =	vst.idx.msk $0xffff, v9  }
0x1d7: {  	v9 =	vld [tilespmem:s31+$0xFFFFFD30];
	_ =	sdelay $0x1  }
0x1d8: {  	v30 =	vadd.s32 v2, v8;
	_ =	sdelay $0x2  }
0x1d9: {  	v9 =	vadd.f32 v9, v6;
	_ =	sdelay $0x1  }
0x1da: {  	[tilespmem:v30+s16+$0x0] =	vst.idx.msk $0xffff, v9  }
0x1db: {  	v9 =	vld [tilespmem:s31+$0xFFFFFD40];
	_ =	sdelay $0x1  }
0x1dc: {  	v8 =	vadd.s32 v3, v8;
	_ =	sdelay $0x2  }
0x1dd: {  	v9 =	vadd.f32 v9, v7;
	_ =	sdelay $0x1  }
0x1de: {  	[tilespmem:v8+s16+$0x0] =	vst.idx.msk $0xffff, v9  }
0x1df: {  	v8 =	vld [tilespmem:s30+$0xFFFFFFD0];
	_ =	sdelay $0x2  }
0x1e0: {  	v9 =	vld [tilespmem:s31+$0xFFFFFD50];
	_ =	sdelay $0x1  }
0x1e1: {  	v31 =	vadd.s32 v0, v8;
	_ =	sdelay $0x2  }
0x1e2: {  	v9 =	vadd.f32 v9, v4;
	_ =	sdelay $0x1  }
0x1e3: {  	[tilespmem:v31+s16+$0x0] =	vst.idx.msk $0xffff, v9  }
0x1e4: {  	v9 =	vld [tilespmem:s31+$0xFFFFFD60];
	_ =	sdelay $0x1  }
0x1e5: {  	v32 =	vadd.s32 v1, v8;
	_ =	sdelay $0x2  }
0x1e6: {  	v9 =	vadd.f32 v9, v5;
	_ =	sdelay $0x1  }
0x1e7: {  	[tilespmem:v32+s16+$0x0] =	vst.idx.msk $0xffff, v9  }
0x1e8: {  	v9 =	vld [tilespmem:s31+$0xFFFFFD70];
	_ =	sdelay $0x1  }
0x1e9: {  	v33 =	vadd.s32 v2, v8;
	_ =	sdelay $0x2  }
0x1ea: {  	v9 =	vadd.f32 v9, v6;
	_ =	sdelay $0x1  }
0x1eb: {  	[tilespmem:v33+s16+$0x0] =	vst.idx.msk $0xffff, v9  }
0x1ec: {  	v9 =	vld [tilespmem:s31+$0xFFFFFD80];
	_ =	sdelay $0x1  }
0x1ed: {  	v8 =	vadd.s32 v3, v8;
	_ =	sdelay $0x2  }
0x1ee: {  	v9 =	vadd.f32 v9, v7;
	_ =	sdelay $0x1  }
0x1ef: {  	[tilespmem:v8+s16+$0x0] =	vst.idx.msk $0xffff, v9  }
0x1f0: {  	v8 =	vld [tilespmem:s30+$0xFFFFFFE0];
	_ =	sdelay $0x2  }
0x1f1: {  	v9 =	vld [tilespmem:s31+$0xFFFFFD90];
	_ =	sdelay $0x1  }
0x1f2: {  	v34 =	vadd.s32 v0, v8;
	_ =	sdelay $0x2  }
0x1f3: {  	v9 =	vadd.f32 v9, v4;
	_ =	sdelay $0x1  }
0x1f4: {  	[tilespmem:v34+s16+$0x0] =	vst.idx.msk $0xffff, v9  }
0x1f5: {  	v9 =	vld [tilespmem:s31+$0xFFFFFDA0];
	_ =	sdelay $0x1  }
0x1f6: {  	v35 =	vadd.s32 v1, v8;
	_ =	sdelay $0x2  }
0x1f7: {  	v9 =	vadd.f32 v9, v5;
	_ =	sdelay $0x1  }
0x1f8: {  	[tilespmem:v35+s16+$0x0] =	vst.idx.msk $0xffff, v9  }
0x1f9: {  	v9 =	vld [tilespmem:s31+$0xFFFFFDB0];
	_ =	sdelay $0x1  }
0x1fa: {  	v36 =	vadd.s32 v2, v8;
	_ =	sdelay $0x2  }
0x1fb: {  	v9 =	vadd.f32 v9, v6;
	_ =	sdelay $0x1  }
0x1fc: {  	[tilespmem:v36+s16+$0x0] =	vst.idx.msk $0xffff, v9  }
0x1fd: {  	v9 =	vld [tilespmem:s31+$0xFFFFFDC0];
	_ =	sdelay $0x1  }
0x1fe: {  	v8 =	vadd.s32 v3, v8;
	_ =	sdelay $0x2  }
0x1ff: {  	v9 =	vadd.f32 v9, v7;
	_ =	sdelay $0x1  }
0x200: {  	[tilespmem:v8+s16+$0x0] =	vst.idx.msk $0xffff, v9  }
0x201: {  	v8 =	vld [tilespmem:s30+$0xFFFFFFF0];
	_ =	sdelay $0x2  }
0x202: {  	v9 =	vld [tilespmem:s31+$0xFFFFFDD0];
	_ =	sdelay $0x1  }
0x203: {  	v37 =	vadd.s32 v0, v8;
	_ =	sdelay $0x2  }
0x204: {  	v9 =	vadd.f32 v9, v4;
	_ =	sdelay $0x1  }
0x205: {  	[tilespmem:v37+s16+$0x0] =	vst.idx.msk $0xffff, v9  }
0x206: {  	v9 =	vld [tilespmem:s31+$0xFFFFFDE0];
	_ =	sdelay $0x1  }
0x207: {  	v38 =	vadd.s32 v1, v8;
	_ =	sdelay $0x2  }
0x208: {  	v9 =	vadd.f32 v9, v5;
	_ =	sdelay $0x1  }
0x209: {  	[tilespmem:v38+s16+$0x0] =	vst.idx.msk $0xffff, v9  }
0x20a: {  	v9 =	vld [tilespmem:s31+$0xFFFFFDF0];
	_ =	sdelay $0x1  }
0x20b: {  	v39 =	vadd.s32 v2, v8;
	_ =	sdelay $0x2  }
0x20c: {  	v9 =	vadd.f32 v9, v6;
	_ =	sdelay $0x1  }
0x20d: {  	[tilespmem:v39+s16+$0x0] =	vst.idx.msk $0xffff, v9  }
0x20e: {  	v9 =	vld [tilespmem:s31+$0xFFFFFE00];
	_ =	sdelay $0x1  }
0x20f: {  	v8 =	vadd.s32 v3, v8;
	_ =	sdelay $0x2  }
0x210: {  	v9 =	vadd.f32 v9, v7;
	_ =	sdelay $0x1  }
0x211: {  	[tilespmem:v8+s16+$0x0] =	vst.idx.msk $0xffff, v9  }
0x212: {  	v8 =	vld [tilespmem:s30+$0x0];
	_ =	sdelay $0x2  }
0x213: {  	v9 =	vld [tilespmem:s31+$0xFFFFFE10];
	_ =	sdelay $0x1  }
0x214: {  	v40 =	vadd.s32 v0, v8;
	_ =	sdelay $0x2  }
0x215: {  	v9 =	vadd.f32 v9, v4;
	_ =	sdelay $0x1  }
0x216: {  	[tilespmem:v40+s16+$0x0] =	vst.idx.msk $0xffff, v9  }
0x217: {  	v9 =	vld [tilespmem:s31+$0xFFFFFE20];
	_ =	sdelay $0x1  }
0x218: {  	v41 =	vadd.s32 v1, v8;
	_ =	sdelay $0x2  }
0x219: {  	v9 =	vadd.f32 v9, v5;
	_ =	sdelay $0x1  }
0x21a: {  	[tilespmem:v41+s16+$0x0] =	vst.idx.msk $0xffff, v9  }
0x21b: {  	v9 =	vld [tilespmem:s31+$0xFFFFFE30];
	_ =	sdelay $0x1  }
0x21c: {  	v42 =	vadd.s32 v2, v8;
	_ =	sdelay $0x2  }
0x21d: {  	v9 =	vadd.f32 v9, v6;
	_ =	sdelay $0x1  }
0x21e: {  	[tilespmem:v42+s16+$0x0] =	vst.idx.msk $0xffff, v9  }
0x21f: {  	v9 =	vld [tilespmem:s31+$0xFFFFFE40];
	_ =	sdelay $0x1  }
0x220: {  	v8 =	vadd.s32 v3, v8;
	_ =	sdelay $0x2  }
0x221: {  	v9 =	vadd.f32 v9, v7;
	_ =	sdelay $0x1  }
0x222: {  	[tilespmem:v8+s16+$0x0] =	vst.idx.msk $0xffff, v9  }
0x223: {  	v8 =	vld [tilespmem:s30+$0x10];
	_ =	sdelay $0x2  }
0x224: {  	v9 =	vld [tilespmem:s31+$0xFFFFFE50];
	_ =	sdelay $0x1  }
0x225: {  	v43 =	vadd.s32 v0, v8;
	_ =	sdelay $0x2  }
0x226: {  	v9 =	vadd.f32 v9, v4;
	_ =	sdelay $0x1  }
0x227: {  	[tilespmem:v43+s16+$0x0] =	vst.idx.msk $0xffff, v9  }
0x228: {  	v9 =	vld [tilespmem:s31+$0xFFFFFE60];
	_ =	sdelay $0x1  }
0x229: {  	v44 =	vadd.s32 v1, v8;
	_ =	sdelay $0x2  }
0x22a: {  	v9 =	vadd.f32 v9, v5;
	_ =	sdelay $0x1  }
0x22b: {  	[tilespmem:v44+s16+$0x0] =	vst.idx.msk $0xffff, v9  }
0x22c: {  	v9 =	vld [tilespmem:s31+$0xFFFFFE70];
	_ =	sdelay $0x1  }
0x22d: {  	v45 =	vadd.s32 v2, v8;
	_ =	sdelay $0x2  }
0x22e: {  	v9 =	vadd.f32 v9, v6;
	_ =	sdelay $0x1  }
0x22f: {  	[tilespmem:v45+s16+$0x0] =	vst.idx.msk $0xffff, v9  }
0x230: {  	v9 =	vld [tilespmem:s31+$0xFFFFFE80];
	_ =	sdelay $0x1  }
0x231: {  	v8 =	vadd.s32 v3, v8;
	_ =	sdelay $0x2  }
0x232: {  	v9 =	vadd.f32 v9, v7;
	_ =	sdelay $0x1  }
0x233: {  	[tilespmem:v8+s16+$0x0] =	vst.idx.msk $0xffff, v9  }
0x234: {  	v8 =	vld [tilespmem:s30+$0x20];
	_ =	sdelay $0x2  }
0x235: {  	v9 =	vld [tilespmem:s31+$0xFFFFFE90];
	_ =	sdelay $0x1  }
0x236: {  	v46 =	vadd.s32 v0, v8;
	_ =	sdelay $0x2  }
0x237: {  	v9 =	vadd.f32 v9, v4;
	_ =	sdelay $0x1  }
0x238: {  	[tilespmem:v46+s16+$0x0] =	vst.idx.msk $0xffff, v9  }
0x239: {  	v9 =	vld [tilespmem:s31+$0xFFFFFEA0];
	_ =	sdelay $0x1  }
0x23a: {  	v47 =	vadd.s32 v1, v8;
	_ =	sdelay $0x2  }
0x23b: {  	v9 =	vadd.f32 v9, v5;
	_ =	sdelay $0x1  }
0x23c: {  	[tilespmem:v47+s16+$0x0] =	vst.idx.msk $0xffff, v9  }
0x23d: {  	v9 =	vld [tilespmem:s31+$0xFFFFFEB0];
	_ =	sdelay $0x1  }
0x23e: {  	v48 =	vadd.s32 v2, v8;
	_ =	sdelay $0x2  }
0x23f: {  	v9 =	vadd.f32 v9, v6;
	_ =	sdelay $0x1  }
0x240: {  	[tilespmem:v48+s16+$0x0] =	vst.idx.msk $0xffff, v9  }
0x241: {  	v9 =	vld [tilespmem:s31+$0xFFFFFEC0];
	_ =	sdelay $0x1  }
0x242: {  	v8 =	vadd.s32 v3, v8;
	_ =	sdelay $0x2  }
0x243: {  	v9 =	vadd.f32 v9, v7;
	_ =	sdelay $0x1  }
0x244: {  	[tilespmem:v8+s16+$0x0] =	vst.idx.msk $0xffff, v9  }
0x245: {  	v8 =	vld [tilespmem:s30+$0x30];
	_ =	sdelay $0x2  }
0x246: {  	v9 =	vld [tilespmem:s31+$0xFFFFFED0];
	_ =	sdelay $0x1  }
0x247: {  	v49 =	vadd.s32 v0, v8;
	_ =	sdelay $0x2  }
0x248: {  	v9 =	vadd.f32 v9, v4;
	_ =	sdelay $0x1  }
0x249: {  	[tilespmem:v49+s16+$0x0] =	vst.idx.msk $0xffff, v9  }
0x24a: {  	v9 =	vld [tilespmem:s31+$0xFFFFFEE0];
	_ =	sdelay $0x1  }
0x24b: {  	v50 =	vadd.s32 v1, v8;
	_ =	sdelay $0x2  }
0x24c: {  	v9 =	vadd.f32 v9, v5;
	_ =	sdelay $0x1  }
0x24d: {  	[tilespmem:v50+s16+$0x0] =	vst.idx.msk $0xffff, v9  }
0x24e: {  	v9 =	vld [tilespmem:s31+$0xFFFFFEF0];
	_ =	sdelay $0x1  }
0x24f: {  	v51 =	vadd.s32 v2, v8;
	_ =	sdelay $0x2  }
0x250: {  	v9 =	vadd.f32 v9, v6;
	_ =	sdelay $0x1  }
0x251: {  	[tilespmem:v51+s16+$0x0] =	vst.idx.msk $0xffff, v9  }
0x252: {  	v9 =	vld [tilespmem:s31+$0xFFFFFF00];
	_ =	sdelay $0x1  }
0x253: {  	v8 =	vadd.s32 v3, v8;
	_ =	sdelay $0x2  }
0x254: {  	v9 =	vadd.f32 v9, v7;
	_ =	sdelay $0x1  }
0x255: {  	[tilespmem:v8+s16+$0x0] =	vst.idx.msk $0xffff, v9  }
0x256: {  	v8 =	vld [tilespmem:s30+$0x40];
	_ =	sdelay $0x2  }
0x257: {  	v9 =	vld [tilespmem:s31+$0xFFFFFF10];
	_ =	sdelay $0x1  }
0x258: {  	v52 =	vadd.s32 v0, v8;
	_ =	sdelay $0x2  }
0x259: {  	v9 =	vadd.f32 v9, v4;
	_ =	sdelay $0x1  }
0x25a: {  	[tilespmem:v52+s16+$0x0] =	vst.idx.msk $0xffff, v9  }
0x25b: {  	v9 =	vld [tilespmem:s31+$0xFFFFFF20];
	_ =	sdelay $0x1  }
0x25c: {  	v53 =	vadd.s32 v1, v8;
	_ =	sdelay $0x2  }
0x25d: {  	v9 =	vadd.f32 v9, v5;
	_ =	sdelay $0x1  }
0x25e: {  	[tilespmem:v53+s16+$0x0] =	vst.idx.msk $0xffff, v9  }
0x25f: {  	v9 =	vld [tilespmem:s31+$0xFFFFFF30];
	_ =	sdelay $0x1  }
0x260: {  	v54 =	vadd.s32 v2, v8;
	_ =	sdelay $0x2  }
0x261: {  	v9 =	vadd.f32 v9, v6;
	_ =	sdelay $0x1  }
0x262: {  	[tilespmem:v54+s16+$0x0] =	vst.idx.msk $0xffff, v9  }
0x263: {  	v9 =	vld [tilespmem:s31+$0xFFFFFF40];
	_ =	sdelay $0x1  }
0x264: {  	v8 =	vadd.s32 v3, v8;
	_ =	sdelay $0x2  }
0x265: {  	v9 =	vadd.f32 v9, v7;
	_ =	sdelay $0x1  }
0x266: {  	[tilespmem:v8+s16+$0x0] =	vst.idx.msk $0xffff, v9  }
0x267: {  	v8 =	vld [tilespmem:s30+$0x50];
	_ =	sdelay $0x2  }
0x268: {  	v9 =	vld [tilespmem:s31+$0xFFFFFF50];
	_ =	sdelay $0x1  }
0x269: {  	v55 =	vadd.s32 v0, v8;
	_ =	sdelay $0x2  }
0x26a: {  	v9 =	vadd.f32 v9, v4;
	_ =	sdelay $0x1  }
0x26b: {  	[tilespmem:v55+s16+$0x0] =	vst.idx.msk $0xffff, v9  }
0x26c: {  	v9 =	vld [tilespmem:s31+$0xFFFFFF60];
	_ =	sdelay $0x1  }
0x26d: {  	v56 =	vadd.s32 v1, v8;
	_ =	sdelay $0x2  }
0x26e: {  	v9 =	vadd.f32 v9, v5;
	_ =	sdelay $0x1  }
0x26f: {  	[tilespmem:v56+s16+$0x0] =	vst.idx.msk $0xffff, v9  }
0x270: {  	v9 =	vld [tilespmem:s31+$0xFFFFFF70];
	_ =	sdelay $0x1  }
0x271: {  	v57 =	vadd.s32 v2, v8;
	_ =	sdelay $0x2  }
0x272: {  	v9 =	vadd.f32 v9, v6;
	_ =	sdelay $0x1  }
0x273: {  	[tilespmem:v57+s16+$0x0] =	vst.idx.msk $0xffff, v9  }
0x274: {  	v9 =	vld [tilespmem:s31+$0xFFFFFF80];
	_ =	sdelay $0x1  }
0x275: {  	v8 =	vadd.s32 v3, v8;
	_ =	sdelay $0x2  }
0x276: {  	v9 =	vadd.f32 v9, v7;
	_ =	sdelay $0x1  }
0x277: {  	[tilespmem:v8+s16+$0x0] =	vst.idx.msk $0xffff, v9  }
0x278: {  	v8 =	vld [tilespmem:s30+$0x60];
	_ =	sdelay $0x2  }
0x279: {  	v9 =	vld [tilespmem:s31+$0xFFFFFF90];
	_ =	sdelay $0x1  }
0x27a: {  	v58 =	vadd.s32 v0, v8;
	_ =	sdelay $0x2  }
0x27b: {  	v9 =	vadd.f32 v9, v4;
	_ =	sdelay $0x1  }
0x27c: {  	[tilespmem:v58+s16+$0x0] =	vst.idx.msk $0xffff, v9  }
0x27d: {  	v9 =	vld [tilespmem:s31+$0xFFFFFFA0];
	_ =	sdelay $0x1  }
0x27e: {  	v59 =	vadd.s32 v1, v8;
	_ =	sdelay $0x2  }
0x27f: {  	v9 =	vadd.f32 v9, v5;
	_ =	sdelay $0x1  }
0x280: {  	[tilespmem:v59+s16+$0x0] =	vst.idx.msk $0xffff, v9  }
0x281: {  	v9 =	vld [tilespmem:s31+$0xFFFFFFB0];
	_ =	sdelay $0x1  }
0x282: {  	v60 =	vadd.s32 v2, v8;
	_ =	sdelay $0x2  }
0x283: {  	v9 =	vadd.f32 v9, v6;
	_ =	sdelay $0x1  }
0x284: {  	[tilespmem:v60+s16+$0x0] =	vst.idx.msk $0xffff, v9  }
0x285: {  	v9 =	vld [tilespmem:s31+$0xFFFFFFC0];
	_ =	sdelay $0x1  }
0x286: {  	v8 =	vadd.s32 v3, v8;
	_ =	sdelay $0x2  }
0x287: {  	v9 =	vadd.f32 v9, v7;
	_ =	sdelay $0x1  }
0x288: {  	[tilespmem:v8+s16+$0x0] =	vst.idx.msk $0xffff, v9  }
0x289: {  	v8 =	vld [tilespmem:s30+$0x70];
	_ =	sdelay $0x2  }
0x28a: {  	v9 =	vld [tilespmem:s31+$0xFFFFFFD0];
	_ =	sdelay $0x1  }
0x28b: {  	v61 =	vadd.s32 v0, v8;
	_ =	sdelay $0x2  }
0x28c: {  	v9 =	vadd.f32 v9, v4;
	_ =	sdelay $0x1  }
0x28d: {  	[tilespmem:v61+s16+$0x0] =	vst.idx.msk $0xffff, v9  }
0x28e: {  	v9 =	vld [tilespmem:s31+$0xFFFFFFE0];
	_ =	sdelay $0x1  }
0x28f: {  	v62 =	vadd.s32 v1, v8;
	_ =	sdelay $0x2  }
0x290: {  	v9 =	vadd.f32 v9, v5;
	_ =	sdelay $0x1  }
0x291: {  	[tilespmem:v62+s16+$0x0] =	vst.idx.msk $0xffff, v9  }
0x292: {  	v9 =	vld [tilespmem:s31+$0xFFFFFFF0];
	_ =	sdelay $0x1  }
0x293: {  	v63 =	vadd.s32 v2, v8;
	_ =	sdelay $0x2  }
0x294: {  	v9 =	vadd.f32 v9, v6;
	_ =	sdelay $0x1  }
0x295: {  	[tilespmem:v63+s16+$0x0] =	vst.idx.msk $0xffff, v9  }
0x296: {  	v9 =	vld [tilespmem:s31+$0x0]  }
0x297: {  	s29 =	sadd.s32 $0x10, s29  }
0x298: {  	p1 =	slt.u32 s29, $0x70;
	v8 =	vadd.s32 v3, v8  }
.Ltmp5:
0x299: {  	_ = 	snop;
	(pc) =	sbr.rel @p1 .LBB2_9-.Ltmp5, $3  }
0x29a: {  	_ = 	snop  }
0x29b: {  	v9 =	vadd.f32 v9, v7;
	_ =	sdelay $0x1  }
0x29c: {  	s30 =	sadd.s32 $0x100, s30;
	s31 =	sadd.s32 $0x400, s31;
	[tilespmem:v8+s16+$0x0] =	vst.idx.msk $0xffff, v9  }
0x29d: {  	s0 =	sshll.u32 s28, $0x12  }
0x29e: {  	s0 =	sor.u32 s7, s0  }
0x29f: {  	s0 =	sshrl.u32 s0, $0x3  }
0x2a0: {  	s1 =	simm.s32 $0x10600;
	s0 =	sadd.s32 s2, s0  }
0x2a1: {  	[hbm4b:s0+s3] =	stream.linear.scatter [tilespmem:s1], [sflag:$0x4], $0x80, $0x38;
	[tilespmem:$0x1A600] =	vst v63  }
0x2a2: {  	s10 =	simm.s32 $0x10688;
	s28 =	sadd.s32 $0x10, s0  }
0x2a3: {  	[hbm4b:s28+s3] =	stream.linear.scatter [tilespmem:s10], [sflag:$0x4], $0x80, $0x38;
	[tilespmem:$0x1A600] =	vst v63  }
0x2a4: {  	s10 =	simm.s32 $0x10710;
	s28 =	sadd.s32 $0x20, s0  }
0x2a5: {  	[hbm4b:s28+s3] =	stream.linear.scatter [tilespmem:s10], [sflag:$0x4], $0x80, $0x38;
	[tilespmem:$0x1A600] =	vst v63  }
0x2a6: {  	s10 =	simm.s32 $0x10798;
	s28 =	sadd.s32 $0x30, s0  }
0x2a7: {  	[hbm4b:s28+s3] =	stream.linear.scatter [tilespmem:s10], [sflag:$0x4], $0x80, $0x38;
	[tilespmem:$0x1A600] =	vst v63  }
0x2a8: {  	s10 =	simm.s32 $0x10820;
	s28 =	sadd.s32 $0x40, s0  }
0x2a9: {  	[hbm4b:s28+s3] =	stream.linear.scatter [tilespmem:s10], [sflag:$0x4], $0x80, $0x38;
	[tilespmem:$0x1A600] =	vst v63  }
0x2aa: {  	s30 =	simm.s32 $0x2200;
	s10 =	simm.s32 $0x108A8;
	s28 =	sadd.s32 $0x50, s0  }
0x2ab: {  	[hbm4b:s28+s3] =	stream.linear.scatter [tilespmem:s10], [sflag:$0x4], $0x80, $0x38;
	[tilespmem:$0x1A600] =	vst v63  }
0x2ac: {  	s31 =	simm.s32 $0x109B8;
	s10 =	simm.s32 $0x10930;
	s28 =	sadd.s32 $0x60, s0  }
0x2ad: {  	[hbm4b:s28+s3] =	stream.linear.scatter [tilespmem:s10], [sflag:$0x4], $0x80, $0x38;
	[tilespmem:$0x1A600] =	vst v63  }
0x2ae: {  	s1 =	sadd.s32 $0x70, s0;
	s29 =	sadd.s32 $0x1000, s0;
	s28 =	simm.s32 $0x440  }
.LBB2_11:
0x2af: {  	[hbm4b:s1+s3] =	stream.linear.scatter [tilespmem:s31], [sflag:$0x4], $0x80, $0x38;
	[tilespmem:$0x1A600] =	vst v63  }
0x2b0: {  	s0 =	smov.u32 s28;
	s1 =	smov.u32 s30  }
0x2b1: {  	s10 =	sadd.s32 $0x1100, s30;
	s28 =	sshra.s32 s1, $0x2;
	s1 =	sadd.s32 $0x10600, s0  }
0x2b2: {  	[hbm4b:s29+s3] =	stream.linear.scatter [tilespmem:s1], [sflag:$0x4], $0x80, $0x38;
	[tilespmem:$0x1A600] =	vst v63  }
0x2b3: {  	p1 =	sne.s32 s30, $0x7700;
	s30 =	sadd.s32 $0x10, s29;
	s1 =	sadd.s32 $0x10688, s0  }
0x2b4: {  	[hbm4b:s30+s3] =	stream.linear.scatter [tilespmem:s1], [sflag:$0x4], $0x80, $0x38;
	[tilespmem:$0x1A600] =	vst v63  }
0x2b5: {  	s1 =	sadd.s32 $0x10710, s0;
	s30 =	sadd.s32 $0x20, s29  }
0x2b6: {  	[hbm4b:s30+s3] =	stream.linear.scatter [tilespmem:s1], [sflag:$0x4], $0x80, $0x38;
	[tilespmem:$0x1A600] =	vst v63  }
0x2b7: {  	s1 =	sadd.s32 $0x10798, s0;
	s30 =	sadd.s32 $0x30, s29  }
0x2b8: {  	[hbm4b:s30+s3] =	stream.linear.scatter [tilespmem:s1], [sflag:$0x4], $0x80, $0x38;
	[tilespmem:$0x1A600] =	vst v63  }
0x2b9: {  	s1 =	sadd.s32 $0x10820, s0;
	s30 =	sadd.s32 $0x40, s29  }
0x2ba: {  	[hbm4b:s30+s3] =	stream.linear.scatter [tilespmem:s1], [sflag:$0x4], $0x80, $0x38;
	[tilespmem:$0x1A600] =	vst v63  }
.Ltmp6:
0x2bb: {  	s1 =	sadd.s32 $0x108A8, s0;
	s30 =	sadd.s32 $0x50, s29;
	(pc) =	sbr.rel @p1 .LBB2_11-.Ltmp6, $4  }
0x2bc: {  	[hbm4b:s30+s3] =	stream.linear.scatter [tilespmem:s1], [sflag:$0x4], $0x80, $0x38;
	[tilespmem:$0x1A600] =	vst v63  }
0x2bd: {  	s31 =	sadd.s32 $0x109B8, s0;
	s1 =	sadd.s32 $0x10930, s0;
	s30 =	sadd.s32 $0x60, s29  }
0x2be: {  	[hbm4b:s30+s3] =	stream.linear.scatter [tilespmem:s1], [sflag:$0x4], $0x80, $0x38;
	[tilespmem:$0x1A600] =	vst v63  }
0x2bf: {  	s1 =	sadd.s32 $0x70, s29;
	s29 =	sadd.s32 $0x1000, s29;
	s30 =	smov.u32 s10  }
0x2c0: {  	[hbm4b:s1+s3] =	stream.linear.scatter [tilespmem:s31], [sflag:$0x4], $0x80, $0x38;
	[tilespmem:$0x1A600] =	vst v63  }
0x2c1: {  	s0 =	sadd.s32 $0x10600, s28  }
0x2c2: {  	[hbm4b:s29+s3] =	stream.linear.scatter [tilespmem:s0], [sflag:$0x4], $0x80, $0x38;
	[tilespmem:$0x1A600] =	vst v63  }
0x2c3: {  	s10 =	sadd.s32 $0x10688, s28;
	s31 =	sadd.s32 $0x10, s29  }
0x2c4: {  	[hbm4b:s31+s3] =	stream.linear.scatter [tilespmem:s10], [sflag:$0x4], $0x80, $0x38;
	[tilespmem:$0x1A600] =	vst v63  }
0x2c5: {  	s10 =	sadd.s32 $0x10710, s28;
	s31 =	sadd.s32 $0x20, s29  }
0x2c6: {  	[hbm4b:s31+s3] =	stream.linear.scatter [tilespmem:s10], [sflag:$0x4], $0x80, $0x38;
	[tilespmem:$0x1A600] =	vst v63  }
0x2c7: {  	s10 =	sadd.s32 $0x10798, s28;
	s31 =	sadd.s32 $0x30, s29  }
0x2c8: {  	[hbm4b:s31+s3] =	stream.linear.scatter [tilespmem:s10], [sflag:$0x4], $0x80, $0x38;
	[tilespmem:$0x1A600] =	vst v63  }
0x2c9: {  	s10 =	sadd.s32 $0x10820, s28;
	s31 =	sadd.s32 $0x40, s29  }
0x2ca: {  	[hbm4b:s31+s3] =	stream.linear.scatter [tilespmem:s10], [sflag:$0x4], $0x80, $0x38;
	[tilespmem:$0x1A600] =	vst v63  }
0x2cb: {  	p1 =	seq.s32 s25, $0x31;
	s10 =	sadd.s32 $0x108A8, s28;
	s31 =	sadd.s32 $0x50, s29  }
0x2cc: {  	[hbm4b:s31+s3] =	stream.linear.scatter [tilespmem:s10], [sflag:$0x4], $0x80, $0x38;
	[tilespmem:$0x1A600] =	vst v63  }
0x2cd: {  	s0 =	sshll.u32 @!p1 s25, $0x9;
	s10 =	sadd.s32 $0x10930, s28;
	s31 =	sadd.s32 $0x60, s29  }
0x2ce: {  	[hbm4b:s31+s3] =	stream.linear.scatter [tilespmem:s10], [sflag:$0x4], $0x80, $0x38;
	[tilespmem:$0x1A600] =	vst v63  }
0x2cf: {  	s0 =	sand.u32 @!p1 $0x3FFFFE00, s0;
	s10 =	sadd.s32 $0x109B8, s28;
	s31 =	sadd.s32 $0x70, s29  }
0x2d0: {  	[hbm4b:s31+s3] =	stream.linear.scatter [tilespmem:s10], [sflag:$0x4], $0x80, $0x38;
	[tilespmem:$0x1A600] =	vst v63  }
0x2d1: {  	s1 =	simm.s32 @!p1 $0x100;
	s0 =	sadd.s32 @!p1 $0x200, s0;
	s10 =	simm.s32 @!p1 $0x6400  }
0x2d2: {  	[tilespmem:s10], [sflag:$0x1] =	stream.indirect.gather @!p1 [hbm4b:s4+s1], $0x40, s0, s1, $0xb8;
	[tilespmem:$0x1A600] =	vst v63  }
0x2d3: {  	_ =	swait.ge [sflag:s17], $0x4000  }
0x2d4: {  	[sflag:s17] =	ssyncset.done $0x0  }
0x2d5: {  	s0 =	simm.s32 @!p0 $0x5;
	[sflag:s17] =	ssyncadd.s32 $0xFFFFC000  }
0x2d6: {  	_ =	swait.ge @!p0 [sflag:s0], $0x2000  }
0x2d7: {  	[sflag:s0] =	ssyncset.done @!p0 $0x0  }
0x2d8: {  	[sflag:s0] =	ssyncadd.s32 @!p0 $0xFFFFE000;
	s0 =	simm.s32 @!p0 $0x6  }
0x2d9: {  	s26 =	sor.u32 $0x1, s26;
	_ =	swait.ge @!p0 [sflag:s0], $0x2000  }
0x2da: {  	s10 =	sshll.u32 s26, $0x7;
	[sflag:s0] =	ssyncset.done @!p0 $0x0  }
0x2db: {  	s31 =	sand.u32 $0x3FFFFF80, s10;
	[sflag:s0] =	ssyncadd.s32 @!p0 $0xFFFFE000  }
0x2dc: {  	v4 =	vld [tilespmem:s31+$0x17400]  }
0x2dd: {  	v5 =	vld [tilespmem:s31+$0x17410]  }
0x2de: {  	v6 =	vld [tilespmem:s31+$0x17420]  }
0x2df: {  	s30 =	simm.s32 $0xA600;
	s28 =	simm.s32 $0xFFFFFFF0;
	s29 =	simm.s32 $0x16C80;
	v7 =	vld [tilespmem:s31+$0x17430]  }
.LBB2_13:
0x2e0: {  	v8 =	vld [tilespmem:s29+$0xFFFFFF80];
	_ =	sdelay $0x2  }
0x2e1: {  	v9 =	vld [tilespmem:s30+$0xFFFFFE00];
	_ =	sdelay $0x1  }
0x2e2: {  	v10 =	vadd.s32 v0, v8;
	_ =	sdelay $0x2  }
0x2e3: {  	v9 =	vadd.f32 v9, v4;
	_ =	sdelay $0x1  }
0x2e4: {  	[tilespmem:v10+s18+$0x0] =	vst.idx.msk $0xffff, v9  }
0x2e5: {  	v9 =	vld [tilespmem:s30+$0xFFFFFE10];
	_ =	sdelay $0x1  }
0x2e6: {  	v17 =	vadd.s32 v1, v8;
	_ =	sdelay $0x2  }
0x2e7: {  	v9 =	vadd.f32 v9, v5;
	_ =	sdelay $0x1  }
0x2e8: {  	[tilespmem:v17+s18+$0x0] =	vst.idx.msk $0xffff, v9  }
0x2e9: {  	v9 =	vld [tilespmem:s30+$0xFFFFFE20];
	_ =	sdelay $0x1  }
0x2ea: {  	v18 =	vadd.s32 v2, v8;
	_ =	sdelay $0x2  }
0x2eb: {  	v9 =	vadd.f32 v9, v6;
	_ =	sdelay $0x1  }
0x2ec: {  	[tilespmem:v18+s18+$0x0] =	vst.idx.msk $0xffff, v9  }
0x2ed: {  	v9 =	vld [tilespmem:s30+$0xFFFFFE30];
	_ =	sdelay $0x1  }
0x2ee: {  	v8 =	vadd.s32 v3, v8;
	_ =	sdelay $0x2  }
0x2ef: {  	v9 =	vadd.f32 v9, v7;
	_ =	sdelay $0x1  }
0x2f0: {  	[tilespmem:v8+s18+$0x0] =	vst.idx.msk $0xffff, v9  }
0x2f1: {  	v8 =	vld [tilespmem:s29+$0xFFFFFF90];
	_ =	sdelay $0x2  }
0x2f2: {  	v9 =	vld [tilespmem:s30+$0xFFFFFE40];
	_ =	sdelay $0x1  }
0x2f3: {  	v19 =	vadd.s32 v0, v8;
	_ =	sdelay $0x2  }
0x2f4: {  	v9 =	vadd.f32 v9, v4;
	_ =	sdelay $0x1  }
0x2f5: {  	[tilespmem:v19+s18+$0x0] =	vst.idx.msk $0xffff, v9  }
0x2f6: {  	v9 =	vld [tilespmem:s30+$0xFFFFFE50];
	_ =	sdelay $0x1  }
0x2f7: {  	v20 =	vadd.s32 v1, v8;
	_ =	sdelay $0x2  }
0x2f8: {  	v9 =	vadd.f32 v9, v5;
	_ =	sdelay $0x1  }
0x2f9: {  	[tilespmem:v20+s18+$0x0] =	vst.idx.msk $0xffff, v9  }
0x2fa: {  	v9 =	vld [tilespmem:s30+$0xFFFFFE60];
	_ =	sdelay $0x1  }
0x2fb: {  	v21 =	vadd.s32 v2, v8;
	_ =	sdelay $0x2  }
0x2fc: {  	v9 =	vadd.f32 v9, v6;
	_ =	sdelay $0x1  }
0x2fd: {  	[tilespmem:v21+s18+$0x0] =	vst.idx.msk $0xffff, v9  }
0x2fe: {  	v9 =	vld [tilespmem:s30+$0xFFFFFE70];
	_ =	sdelay $0x1  }
0x2ff: {  	v8 =	vadd.s32 v3, v8;
	_ =	sdelay $0x2  }
0x300: {  	v9 =	vadd.f32 v9, v7;
	_ =	sdelay $0x1  }
0x301: {  	[tilespmem:v8+s18+$0x0] =	vst.idx.msk $0xffff, v9  }
0x302: {  	v8 =	vld [tilespmem:s29+$0xFFFFFFA0];
	_ =	sdelay $0x2  }
0x303: {  	v9 =	vld [tilespmem:s30+$0xFFFFFE80];
	_ =	sdelay $0x1  }
0x304: {  	v22 =	vadd.s32 v0, v8;
	_ =	sdelay $0x2  }
0x305: {  	v9 =	vadd.f32 v9, v4;
	_ =	sdelay $0x1  }
0x306: {  	[tilespmem:v22+s18+$0x0] =	vst.idx.msk $0xffff, v9  }
0x307: {  	v9 =	vld [tilespmem:s30+$0xFFFFFE90];
	_ =	sdelay $0x1  }
0x308: {  	v23 =	vadd.s32 v1, v8;
	_ =	sdelay $0x2  }
0x309: {  	v9 =	vadd.f32 v9, v5;
	_ =	sdelay $0x1  }
0x30a: {  	[tilespmem:v23+s18+$0x0] =	vst.idx.msk $0xffff, v9  }
0x30b: {  	v9 =	vld [tilespmem:s30+$0xFFFFFEA0];
	_ =	sdelay $0x1  }
0x30c: {  	v24 =	vadd.s32 v2, v8;
	_ =	sdelay $0x2  }
0x30d: {  	v9 =	vadd.f32 v9, v6;
	_ =	sdelay $0x1  }
0x30e: {  	[tilespmem:v24+s18+$0x0] =	vst.idx.msk $0xffff, v9  }
0x30f: {  	v9 =	vld [tilespmem:s30+$0xFFFFFEB0];
	_ =	sdelay $0x1  }
0x310: {  	v8 =	vadd.s32 v3, v8;
	_ =	sdelay $0x2  }
0x311: {  	v9 =	vadd.f32 v9, v7;
	_ =	sdelay $0x1  }
0x312: {  	[tilespmem:v8+s18+$0x0] =	vst.idx.msk $0xffff, v9  }
0x313: {  	v8 =	vld [tilespmem:s29+$0xFFFFFFB0];
	_ =	sdelay $0x2  }
0x314: {  	v9 =	vld [tilespmem:s30+$0xFFFFFEC0];
	_ =	sdelay $0x1  }
0x315: {  	v25 =	vadd.s32 v0, v8;
	_ =	sdelay $0x2  }
0x316: {  	v9 =	vadd.f32 v9, v4;
	_ =	sdelay $0x1  }
0x317: {  	[tilespmem:v25+s18+$0x0] =	vst.idx.msk $0xffff, v9  }
0x318: {  	v9 =	vld [tilespmem:s30+$0xFFFFFED0];
	_ =	sdelay $0x1  }
0x319: {  	v26 =	vadd.s32 v1, v8;
	_ =	sdelay $0x2  }
0x31a: {  	v9 =	vadd.f32 v9, v5;
	_ =	sdelay $0x1  }
0x31b: {  	[tilespmem:v26+s18+$0x0] =	vst.idx.msk $0xffff, v9  }
0x31c: {  	v9 =	vld [tilespmem:s30+$0xFFFFFEE0];
	_ =	sdelay $0x1  }
0x31d: {  	v27 =	vadd.s32 v2, v8;
	_ =	sdelay $0x2  }
0x31e: {  	v9 =	vadd.f32 v9, v6;
	_ =	sdelay $0x1  }
0x31f: {  	[tilespmem:v27+s18+$0x0] =	vst.idx.msk $0xffff, v9  }
0x320: {  	v9 =	vld [tilespmem:s30+$0xFFFFFEF0];
	_ =	sdelay $0x1  }
0x321: {  	v8 =	vadd.s32 v3, v8;
	_ =	sdelay $0x2  }
0x322: {  	v9 =	vadd.f32 v9, v7;
	_ =	sdelay $0x1  }
0x323: {  	[tilespmem:v8+s18+$0x0] =	vst.idx.msk $0xffff, v9  }
0x324: {  	v8 =	vld [tilespmem:s29+$0xFFFFFFC0];
	_ =	sdelay $0x2  }
0x325: {  	v9 =	vld [tilespmem:s30+$0xFFFFFF00];
	_ =	sdelay $0x1  }
0x326: {  	v28 =	vadd.s32 v0, v8;
	_ =	sdelay $0x2  }
0x327: {  	v9 =	vadd.f32 v9, v4;
	_ =	sdelay $0x1  }
0x328: {  	[tilespmem:v28+s18+$0x0] =	vst.idx.msk $0xffff, v9  }
0x329: {  	v9 =	vld [tilespmem:s30+$0xFFFFFF10];
	_ =	sdelay $0x1  }
0x32a: {  	v29 =	vadd.s32 v1, v8;
	_ =	sdelay $0x2  }
0x32b: {  	v9 =	vadd.f32 v9, v5;
	_ =	sdelay $0x1  }
0x32c: {  	[tilespmem:v29+s18+$0x0] =	vst.idx.msk $0xffff, v9  }
0x32d: {  	v9 =	vld [tilespmem:s30+$0xFFFFFF20];
	_ =	sdelay $0x1  }
0x32e: {  	v30 =	vadd.s32 v2, v8;
	_ =	sdelay $0x2  }
0x32f: {  	v9 =	vadd.f32 v9, v6;
	_ =	sdelay $0x1  }
0x330: {  	[tilespmem:v30+s18+$0x0] =	vst.idx.msk $0xffff, v9  }
0x331: {  	v9 =	vld [tilespmem:s30+$0xFFFFFF30];
	_ =	sdelay $0x1  }
0x332: {  	v8 =	vadd.s32 v3, v8;
	_ =	sdelay $0x2  }
0x333: {  	v9 =	vadd.f32 v9, v7;
	_ =	sdelay $0x1  }
0x334: {  	[tilespmem:v8+s18+$0x0] =	vst.idx.msk $0xffff, v9  }
0x335: {  	v8 =	vld [tilespmem:s29+$0xFFFFFFD0];
	_ =	sdelay $0x2  }
0x336: {  	v9 =	vld [tilespmem:s30+$0xFFFFFF40];
	_ =	sdelay $0x1  }
0x337: {  	v31 =	vadd.s32 v0, v8;
	_ =	sdelay $0x2  }
0x338: {  	v9 =	vadd.f32 v9, v4;
	_ =	sdelay $0x1  }
0x339: {  	[tilespmem:v31+s18+$0x0] =	vst.idx.msk $0xffff, v9  }
0x33a: {  	v9 =	vld [tilespmem:s30+$0xFFFFFF50];
	_ =	sdelay $0x1  }
0x33b: {  	v32 =	vadd.s32 v1, v8;
	_ =	sdelay $0x2  }
0x33c: {  	v9 =	vadd.f32 v9, v5;
	_ =	sdelay $0x1  }
0x33d: {  	[tilespmem:v32+s18+$0x0] =	vst.idx.msk $0xffff, v9  }
0x33e: {  	v9 =	vld [tilespmem:s30+$0xFFFFFF60];
	_ =	sdelay $0x1  }
0x33f: {  	v33 =	vadd.s32 v2, v8;
	_ =	sdelay $0x2  }
0x340: {  	v9 =	vadd.f32 v9, v6;
	_ =	sdelay $0x1  }
0x341: {  	[tilespmem:v33+s18+$0x0] =	vst.idx.msk $0xffff, v9  }
0x342: {  	v9 =	vld [tilespmem:s30+$0xFFFFFF70];
	_ =	sdelay $0x1  }
0x343: {  	v8 =	vadd.s32 v3, v8;
	_ =	sdelay $0x2  }
0x344: {  	v9 =	vadd.f32 v9, v7;
	_ =	sdelay $0x1  }
0x345: {  	[tilespmem:v8+s18+$0x0] =	vst.idx.msk $0xffff, v9  }
0x346: {  	v8 =	vld [tilespmem:s29+$0xFFFFFFE0];
	_ =	sdelay $0x2  }
0x347: {  	v9 =	vld [tilespmem:s30+$0xFFFFFF80];
	_ =	sdelay $0x1  }
0x348: {  	v34 =	vadd.s32 v0, v8;
	_ =	sdelay $0x2  }
0x349: {  	v9 =	vadd.f32 v9, v4;
	_ =	sdelay $0x1  }
0x34a: {  	[tilespmem:v34+s18+$0x0] =	vst.idx.msk $0xffff, v9  }
0x34b: {  	v9 =	vld [tilespmem:s30+$0xFFFFFF90];
	_ =	sdelay $0x1  }
0x34c: {  	v35 =	vadd.s32 v1, v8;
	_ =	sdelay $0x2  }
0x34d: {  	v9 =	vadd.f32 v9, v5;
	_ =	sdelay $0x1  }
0x34e: {  	[tilespmem:v35+s18+$0x0] =	vst.idx.msk $0xffff, v9  }
0x34f: {  	v9 =	vld [tilespmem:s30+$0xFFFFFFA0];
	_ =	sdelay $0x1  }
0x350: {  	v36 =	vadd.s32 v2, v8;
	_ =	sdelay $0x2  }
0x351: {  	v9 =	vadd.f32 v9, v6;
	_ =	sdelay $0x1  }
0x352: {  	[tilespmem:v36+s18+$0x0] =	vst.idx.msk $0xffff, v9  }
0x353: {  	v9 =	vld [tilespmem:s30+$0xFFFFFFB0];
	_ =	sdelay $0x1  }
0x354: {  	v8 =	vadd.s32 v3, v8;
	_ =	sdelay $0x2  }
0x355: {  	v9 =	vadd.f32 v9, v7;
	_ =	sdelay $0x1  }
0x356: {  	[tilespmem:v8+s18+$0x0] =	vst.idx.msk $0xffff, v9  }
0x357: {  	v8 =	vld [tilespmem:s29+$0xFFFFFFF0];
	_ =	sdelay $0x2  }
0x358: {  	v9 =	vld [tilespmem:s30+$0xFFFFFFC0];
	_ =	sdelay $0x1  }
0x359: {  	v37 =	vadd.s32 v0, v8;
	_ =	sdelay $0x2  }
0x35a: {  	v9 =	vadd.f32 v9, v4;
	_ =	sdelay $0x1  }
0x35b: {  	[tilespmem:v37+s18+$0x0] =	vst.idx.msk $0xffff, v9  }
0x35c: {  	v9 =	vld [tilespmem:s30+$0xFFFFFFD0];
	_ =	sdelay $0x1  }
0x35d: {  	v38 =	vadd.s32 v1, v8;
	_ =	sdelay $0x2  }
0x35e: {  	v9 =	vadd.f32 v9, v5;
	_ =	sdelay $0x1  }
0x35f: {  	[tilespmem:v38+s18+$0x0] =	vst.idx.msk $0xffff, v9  }
0x360: {  	v9 =	vld [tilespmem:s30+$0xFFFFFFE0];
	_ =	sdelay $0x1  }
0x361: {  	v39 =	vadd.s32 v2, v8;
	_ =	sdelay $0x2  }
0x362: {  	v9 =	vadd.f32 v9, v6;
	_ =	sdelay $0x1  }
0x363: {  	[tilespmem:v39+s18+$0x0] =	vst.idx.msk $0xffff, v9  }
0x364: {  	v9 =	vld [tilespmem:s30+$0xFFFFFFF0];
	_ =	sdelay $0x1  }
0x365: {  	v8 =	vadd.s32 v3, v8;
	_ =	sdelay $0x2  }
0x366: {  	v9 =	vadd.f32 v9, v7;
	_ =	sdelay $0x1  }
0x367: {  	[tilespmem:v8+s18+$0x0] =	vst.idx.msk $0xffff, v9  }
0x368: {  	v8 =	vld [tilespmem:s29+$0x0];
	_ =	sdelay $0x2  }
0x369: {  	v9 =	vld [tilespmem:s30+$0x0];
	_ =	sdelay $0x1  }
0x36a: {  	v40 =	vadd.s32 v0, v8;
	_ =	sdelay $0x2  }
0x36b: {  	v9 =	vadd.f32 v9, v4;
	_ =	sdelay $0x1  }
0x36c: {  	[tilespmem:v40+s18+$0x0] =	vst.idx.msk $0xffff, v9  }
0x36d: {  	v9 =	vld [tilespmem:s30+$0x10];
	_ =	sdelay $0x1  }
0x36e: {  	v41 =	vadd.s32 v1, v8;
	_ =	sdelay $0x2  }
0x36f: {  	v9 =	vadd.f32 v9, v5;
	_ =	sdelay $0x1  }
0x370: {  	[tilespmem:v41+s18+$0x0] =	vst.idx.msk $0xffff, v9  }
0x371: {  	v9 =	vld [tilespmem:s30+$0x20];
	_ =	sdelay $0x1  }
0x372: {  	v42 =	vadd.s32 v2, v8;
	_ =	sdelay $0x2  }
0x373: {  	v9 =	vadd.f32 v9, v6;
	_ =	sdelay $0x1  }
0x374: {  	[tilespmem:v42+s18+$0x0] =	vst.idx.msk $0xffff, v9  }
0x375: {  	v9 =	vld [tilespmem:s30+$0x30];
	_ =	sdelay $0x1  }
0x376: {  	v8 =	vadd.s32 v3, v8;
	_ =	sdelay $0x2  }
0x377: {  	v9 =	vadd.f32 v9, v7;
	_ =	sdelay $0x1  }
0x378: {  	[tilespmem:v8+s18+$0x0] =	vst.idx.msk $0xffff, v9  }
0x379: {  	v8 =	vld [tilespmem:s29+$0x10];
	_ =	sdelay $0x2  }
0x37a: {  	v9 =	vld [tilespmem:s30+$0x40];
	_ =	sdelay $0x1  }
0x37b: {  	v43 =	vadd.s32 v0, v8;
	_ =	sdelay $0x2  }
0x37c: {  	v9 =	vadd.f32 v9, v4;
	_ =	sdelay $0x1  }
0x37d: {  	[tilespmem:v43+s18+$0x0] =	vst.idx.msk $0xffff, v9  }
0x37e: {  	v9 =	vld [tilespmem:s30+$0x50];
	_ =	sdelay $0x1  }
0x37f: {  	v44 =	vadd.s32 v1, v8;
	_ =	sdelay $0x2  }
0x380: {  	v9 =	vadd.f32 v9, v5;
	_ =	sdelay $0x1  }
0x381: {  	[tilespmem:v44+s18+$0x0] =	vst.idx.msk $0xffff, v9  }
0x382: {  	v9 =	vld [tilespmem:s30+$0x60];
	_ =	sdelay $0x1  }
0x383: {  	v45 =	vadd.s32 v2, v8;
	_ =	sdelay $0x2  }
0x384: {  	v9 =	vadd.f32 v9, v6;
	_ =	sdelay $0x1  }
0x385: {  	[tilespmem:v45+s18+$0x0] =	vst.idx.msk $0xffff, v9  }
0x386: {  	v9 =	vld [tilespmem:s30+$0x70];
	_ =	sdelay $0x1  }
0x387: {  	v8 =	vadd.s32 v3, v8;
	_ =	sdelay $0x2  }
0x388: {  	v9 =	vadd.f32 v9, v7;
	_ =	sdelay $0x1  }
0x389: {  	[tilespmem:v8+s18+$0x0] =	vst.idx.msk $0xffff, v9  }
0x38a: {  	v8 =	vld [tilespmem:s29+$0x20];
	_ =	sdelay $0x2  }
0x38b: {  	v9 =	vld [tilespmem:s30+$0x80];
	_ =	sdelay $0x1  }
0x38c: {  	v46 =	vadd.s32 v0, v8;
	_ =	sdelay $0x2  }
0x38d: {  	v9 =	vadd.f32 v9, v4;
	_ =	sdelay $0x1  }
0x38e: {  	[tilespmem:v46+s18+$0x0] =	vst.idx.msk $0xffff, v9  }
0x38f: {  	v9 =	vld [tilespmem:s30+$0x90];
	_ =	sdelay $0x1  }
0x390: {  	v47 =	vadd.s32 v1, v8;
	_ =	sdelay $0x2  }
0x391: {  	v9 =	vadd.f32 v9, v5;
	_ =	sdelay $0x1  }
0x392: {  	[tilespmem:v47+s18+$0x0] =	vst.idx.msk $0xffff, v9  }
0x393: {  	v9 =	vld [tilespmem:s30+$0xA0];
	_ =	sdelay $0x1  }
0x394: {  	v48 =	vadd.s32 v2, v8;
	_ =	sdelay $0x2  }
0x395: {  	v9 =	vadd.f32 v9, v6;
	_ =	sdelay $0x1  }
0x396: {  	[tilespmem:v48+s18+$0x0] =	vst.idx.msk $0xffff, v9  }
0x397: {  	v9 =	vld [tilespmem:s30+$0xB0];
	_ =	sdelay $0x1  }
0x398: {  	v8 =	vadd.s32 v3, v8;
	_ =	sdelay $0x2  }
0x399: {  	v9 =	vadd.f32 v9, v7;
	_ =	sdelay $0x1  }
0x39a: {  	[tilespmem:v8+s18+$0x0] =	vst.idx.msk $0xffff, v9  }
0x39b: {  	v8 =	vld [tilespmem:s29+$0x30];
	_ =	sdelay $0x2  }
0x39c: {  	v9 =	vld [tilespmem:s30+$0xC0];
	_ =	sdelay $0x1  }
0x39d: {  	v49 =	vadd.s32 v0, v8;
	_ =	sdelay $0x2  }
0x39e: {  	v9 =	vadd.f32 v9, v4;
	_ =	sdelay $0x1  }
0x39f: {  	[tilespmem:v49+s18+$0x0] =	vst.idx.msk $0xffff, v9  }
0x3a0: {  	v9 =	vld [tilespmem:s30+$0xD0];
	_ =	sdelay $0x1  }
0x3a1: {  	v50 =	vadd.s32 v1, v8;
	_ =	sdelay $0x2  }
0x3a2: {  	v9 =	vadd.f32 v9, v5;
	_ =	sdelay $0x1  }
0x3a3: {  	[tilespmem:v50+s18+$0x0] =	vst.idx.msk $0xffff, v9  }
0x3a4: {  	v9 =	vld [tilespmem:s30+$0xE0];
	_ =	sdelay $0x1  }
0x3a5: {  	v51 =	vadd.s32 v2, v8;
	_ =	sdelay $0x2  }
0x3a6: {  	v9 =	vadd.f32 v9, v6;
	_ =	sdelay $0x1  }
0x3a7: {  	[tilespmem:v51+s18+$0x0] =	vst.idx.msk $0xffff, v9  }
0x3a8: {  	v9 =	vld [tilespmem:s30+$0xF0];
	_ =	sdelay $0x1  }
0x3a9: {  	v8 =	vadd.s32 v3, v8;
	_ =	sdelay $0x2  }
0x3aa: {  	v9 =	vadd.f32 v9, v7;
	_ =	sdelay $0x1  }
0x3ab: {  	[tilespmem:v8+s18+$0x0] =	vst.idx.msk $0xffff, v9  }
0x3ac: {  	v8 =	vld [tilespmem:s29+$0x40];
	_ =	sdelay $0x2  }
0x3ad: {  	v9 =	vld [tilespmem:s30+$0x100];
	_ =	sdelay $0x1  }
0x3ae: {  	v52 =	vadd.s32 v0, v8;
	_ =	sdelay $0x2  }
0x3af: {  	v9 =	vadd.f32 v9, v4;
	_ =	sdelay $0x1  }
0x3b0: {  	[tilespmem:v52+s18+$0x0] =	vst.idx.msk $0xffff, v9  }
0x3b1: {  	v9 =	vld [tilespmem:s30+$0x110];
	_ =	sdelay $0x1  }
0x3b2: {  	v53 =	vadd.s32 v1, v8;
	_ =	sdelay $0x2  }
0x3b3: {  	v9 =	vadd.f32 v9, v5;
	_ =	sdelay $0x1  }
0x3b4: {  	[tilespmem:v53+s18+$0x0] =	vst.idx.msk $0xffff, v9  }
0x3b5: {  	v9 =	vld [tilespmem:s30+$0x120];
	_ =	sdelay $0x1  }
0x3b6: {  	v54 =	vadd.s32 v2, v8;
	_ =	sdelay $0x2  }
0x3b7: {  	v9 =	vadd.f32 v9, v6;
	_ =	sdelay $0x1  }
0x3b8: {  	[tilespmem:v54+s18+$0x0] =	vst.idx.msk $0xffff, v9  }
0x3b9: {  	v9 =	vld [tilespmem:s30+$0x130];
	_ =	sdelay $0x1  }
0x3ba: {  	v8 =	vadd.s32 v3, v8;
	_ =	sdelay $0x2  }
0x3bb: {  	v9 =	vadd.f32 v9, v7;
	_ =	sdelay $0x1  }
0x3bc: {  	[tilespmem:v8+s18+$0x0] =	vst.idx.msk $0xffff, v9  }
0x3bd: {  	v8 =	vld [tilespmem:s29+$0x50];
	_ =	sdelay $0x2  }
0x3be: {  	v9 =	vld [tilespmem:s30+$0x140];
	_ =	sdelay $0x1  }
0x3bf: {  	v55 =	vadd.s32 v0, v8;
	_ =	sdelay $0x2  }
0x3c0: {  	v9 =	vadd.f32 v9, v4;
	_ =	sdelay $0x1  }
0x3c1: {  	[tilespmem:v55+s18+$0x0] =	vst.idx.msk $0xffff, v9  }
0x3c2: {  	v9 =	vld [tilespmem:s30+$0x150];
	_ =	sdelay $0x1  }
0x3c3: {  	v56 =	vadd.s32 v1, v8;
	_ =	sdelay $0x2  }
0x3c4: {  	v9 =	vadd.f32 v9, v5;
	_ =	sdelay $0x1  }
0x3c5: {  	[tilespmem:v56+s18+$0x0] =	vst.idx.msk $0xffff, v9  }
0x3c6: {  	v9 =	vld [tilespmem:s30+$0x160];
	_ =	sdelay $0x1  }
0x3c7: {  	v57 =	vadd.s32 v2, v8;
	_ =	sdelay $0x2  }
0x3c8: {  	v9 =	vadd.f32 v9, v6;
	_ =	sdelay $0x1  }
0x3c9: {  	[tilespmem:v57+s18+$0x0] =	vst.idx.msk $0xffff, v9  }
0x3ca: {  	v9 =	vld [tilespmem:s30+$0x170];
	_ =	sdelay $0x1  }
0x3cb: {  	v8 =	vadd.s32 v3, v8;
	_ =	sdelay $0x2  }
0x3cc: {  	v9 =	vadd.f32 v9, v7;
	_ =	sdelay $0x1  }
0x3cd: {  	[tilespmem:v8+s18+$0x0] =	vst.idx.msk $0xffff, v9  }
0x3ce: {  	v8 =	vld [tilespmem:s29+$0x60];
	_ =	sdelay $0x2  }
0x3cf: {  	v9 =	vld [tilespmem:s30+$0x180];
	_ =	sdelay $0x1  }
0x3d0: {  	v58 =	vadd.s32 v0, v8;
	_ =	sdelay $0x2  }
0x3d1: {  	v9 =	vadd.f32 v9, v4;
	_ =	sdelay $0x1  }
0x3d2: {  	[tilespmem:v58+s18+$0x0] =	vst.idx.msk $0xffff, v9  }
0x3d3: {  	v9 =	vld [tilespmem:s30+$0x190];
	_ =	sdelay $0x1  }
0x3d4: {  	v59 =	vadd.s32 v1, v8;
	_ =	sdelay $0x2  }
0x3d5: {  	v9 =	vadd.f32 v9, v5;
	_ =	sdelay $0x1  }
0x3d6: {  	[tilespmem:v59+s18+$0x0] =	vst.idx.msk $0xffff, v9  }
0x3d7: {  	v9 =	vld [tilespmem:s30+$0x1A0];
	_ =	sdelay $0x1  }
0x3d8: {  	v60 =	vadd.s32 v2, v8;
	_ =	sdelay $0x2  }
0x3d9: {  	v9 =	vadd.f32 v9, v6;
	_ =	sdelay $0x1  }
0x3da: {  	[tilespmem:v60+s18+$0x0] =	vst.idx.msk $0xffff, v9  }
0x3db: {  	v9 =	vld [tilespmem:s30+$0x1B0];
	_ =	sdelay $0x1  }
0x3dc: {  	v8 =	vadd.s32 v3, v8;
	_ =	sdelay $0x2  }
0x3dd: {  	v9 =	vadd.f32 v9, v7;
	_ =	sdelay $0x1  }
0x3de: {  	[tilespmem:v8+s18+$0x0] =	vst.idx.msk $0xffff, v9  }
0x3df: {  	v8 =	vld [tilespmem:s29+$0x70];
	_ =	sdelay $0x2  }
0x3e0: {  	v9 =	vld [tilespmem:s30+$0x1C0];
	_ =	sdelay $0x1  }
0x3e1: {  	v61 =	vadd.s32 v0, v8;
	_ =	sdelay $0x2  }
0x3e2: {  	v9 =	vadd.f32 v9, v4;
	_ =	sdelay $0x1  }
0x3e3: {  	[tilespmem:v61+s18+$0x0] =	vst.idx.msk $0xffff, v9  }
0x3e4: {  	v9 =	vld [tilespmem:s30+$0x1D0];
	_ =	sdelay $0x1  }
0x3e5: {  	v62 =	vadd.s32 v1, v8;
	_ =	sdelay $0x2  }
0x3e6: {  	v9 =	vadd.f32 v9, v5;
	_ =	sdelay $0x1  }
0x3e7: {  	[tilespmem:v62+s18+$0x0] =	vst.idx.msk $0xffff, v9  }
0x3e8: {  	v9 =	vld [tilespmem:s30+$0x1E0];
	_ =	sdelay $0x1  }
0x3e9: {  	v63 =	vadd.s32 v2, v8;
	_ =	sdelay $0x2  }
0x3ea: {  	v9 =	vadd.f32 v9, v6;
	_ =	sdelay $0x1  }
0x3eb: {  	[tilespmem:v63+s18+$0x0] =	vst.idx.msk $0xffff, v9  }
0x3ec: {  	v9 =	vld [tilespmem:s30+$0x1F0]  }
0x3ed: {  	s28 =	sadd.s32 $0x10, s28  }
0x3ee: {  	p0 =	slt.u32 s28, $0x70;
	v8 =	vadd.s32 v3, v8  }
.Ltmp7:
0x3ef: {  	_ = 	snop;
	(pc) =	sbr.rel @p0 .LBB2_13-.Ltmp7, $3  }
0x3f0: {  	_ = 	snop  }
0x3f1: {  	v9 =	vadd.f32 v9, v7;
	_ =	sdelay $0x1  }
0x3f2: {  	s29 =	sadd.s32 $0x100, s29;
	s30 =	sadd.s32 $0x400, s30;
	[tilespmem:v8+s18+$0x0] =	vst.idx.msk $0xffff, v9  }
0x3f3: {  	s0 =	sshll.u32 s26, $0x13  }
0x3f4: {  	s0 =	sor.u32 s7, s0  }
0x3f5: {  	s0 =	sshrl.u32 s0, $0x3  }
0x3f6: {  	s1 =	simm.s32 $0x12800;
	s0 =	sadd.s32 s2, s0  }
0x3f7: {  	[hbm4b:s0+s3] =	stream.linear.scatter [tilespmem:s1], [sflag:$0x5], $0x80, $0x38;
	[tilespmem:$0x1A600] =	vst v63  }
0x3f8: {  	s1 =	simm.s32 $0x12888;
	s10 =	sadd.s32 $0x10, s0  }
0x3f9: {  	[hbm4b:s10+s3] =	stream.linear.scatter [tilespmem:s1], [sflag:$0x5], $0x80, $0x38;
	[tilespmem:$0x1A600] =	vst v63  }
0x3fa: {  	s1 =	simm.s32 $0x12910;
	s10 =	sadd.s32 $0x20, s0  }
0x3fb: {  	[hbm4b:s10+s3] =	stream.linear.scatter [tilespmem:s1], [sflag:$0x5], $0x80, $0x38;
	[tilespmem:$0x1A600] =	vst v63  }
0x3fc: {  	s1 =	simm.s32 $0x12998;
	s10 =	sadd.s32 $0x30, s0  }
0x3fd: {  	[hbm4b:s10+s3] =	stream.linear.scatter [tilespmem:s1], [sflag:$0x5], $0x80, $0x38;
	[tilespmem:$0x1A600] =	vst v63  }
0x3fe: {  	s1 =	simm.s32 $0x12A20;
	s10 =	sadd.s32 $0x40, s0  }
0x3ff: {  	[hbm4b:s10+s3] =	stream.linear.scatter [tilespmem:s1], [sflag:$0x5], $0x80, $0x38;
	[tilespmem:$0x1A600] =	vst v63  }
0x400: {  	s28 =	simm.s32 $0x440;
	s1 =	simm.s32 $0x12AA8;
	s10 =	sadd.s32 $0x50, s0  }
0x401: {  	[hbm4b:s10+s3] =	stream.linear.scatter [tilespmem:s1], [sflag:$0x5], $0x80, $0x38;
	[tilespmem:$0x1A600] =	vst v63  }
0x402: {  	s30 =	simm.s32 $0x2200;
	s1 =	simm.s32 $0x12B30;
	s10 =	sadd.s32 $0x60, s0  }
0x403: {  	[hbm4b:s10+s3] =	stream.linear.scatter [tilespmem:s1], [sflag:$0x5], $0x80, $0x38;
	[tilespmem:$0x1A600] =	vst v63  }
0x404: {  	s31 =	simm.s32 $0x12BB8;
	s29 =	sadd.s32 $0x1000, s0;
	s1 =	sadd.s32 $0x70, s0  }
.LBB2_15:
0x405: {  	[hbm4b:s1+s3] =	stream.linear.scatter [tilespmem:s31], [sflag:$0x5], $0x80, $0x38;
	[tilespmem:$0x1A600] =	vst v63  }
0x406: {  	s0 =	smov.u32 s28;
	s1 =	smov.u32 s30  }
0x407: {  	s10 =	sadd.s32 $0x1100, s30;
	s28 =	sshra.s32 s1, $0x2;
	s1 =	sadd.s32 $0x12800, s0  }
0x408: {  	[hbm4b:s29+s3] =	stream.linear.scatter [tilespmem:s1], [sflag:$0x5], $0x80, $0x38;
	[tilespmem:$0x1A600] =	vst v63  }
0x409: {  	p0 =	sne.s32 s30, $0x7700;
	s30 =	sadd.s32 $0x10, s29;
	s1 =	sadd.s32 $0x12888, s0  }
0x40a: {  	[hbm4b:s30+s3] =	stream.linear.scatter [tilespmem:s1], [sflag:$0x5], $0x80, $0x38;
	[tilespmem:$0x1A600] =	vst v63  }
0x40b: {  	s1 =	sadd.s32 $0x12910, s0;
	s30 =	sadd.s32 $0x20, s29  }
0x40c: {  	[hbm4b:s30+s3] =	stream.linear.scatter [tilespmem:s1], [sflag:$0x5], $0x80, $0x38;
	[tilespmem:$0x1A600] =	vst v63  }
0x40d: {  	s1 =	sadd.s32 $0x12998, s0;
	s30 =	sadd.s32 $0x30, s29  }
0x40e: {  	[hbm4b:s30+s3] =	stream.linear.scatter [tilespmem:s1], [sflag:$0x5], $0x80, $0x38;
	[tilespmem:$0x1A600] =	vst v63  }
0x40f: {  	s1 =	sadd.s32 $0x12A20, s0;
	s30 =	sadd.s32 $0x40, s29  }
0x410: {  	[hbm4b:s30+s3] =	stream.linear.scatter [tilespmem:s1], [sflag:$0x5], $0x80, $0x38;
	[tilespmem:$0x1A600] =	vst v63  }
.Ltmp8:
0x411: {  	s1 =	sadd.s32 $0x12AA8, s0;
	s30 =	sadd.s32 $0x50, s29;
	(pc) =	sbr.rel @p0 .LBB2_15-.Ltmp8, $4  }
0x412: {  	[hbm4b:s30+s3] =	stream.linear.scatter [tilespmem:s1], [sflag:$0x5], $0x80, $0x38;
	[tilespmem:$0x1A600] =	vst v63  }
0x413: {  	s31 =	sadd.s32 $0x12BB8, s0;
	s1 =	sadd.s32 $0x12B30, s0;
	s30 =	sadd.s32 $0x60, s29  }
0x414: {  	[hbm4b:s30+s3] =	stream.linear.scatter [tilespmem:s1], [sflag:$0x5], $0x80, $0x38;
	[tilespmem:$0x1A600] =	vst v63  }
0x415: {  	s1 =	sadd.s32 $0x70, s29;
	s29 =	sadd.s32 $0x1000, s29;
	s30 =	smov.u32 s10  }
0x416: {  	[hbm4b:s1+s3] =	stream.linear.scatter [tilespmem:s31], [sflag:$0x5], $0x80, $0x38;
	[tilespmem:$0x1A600] =	vst v63  }
0x417: {  	s0 =	sadd.s32 $0x12800, s28  }
0x418: {  	[hbm4b:s29+s3] =	stream.linear.scatter [tilespmem:s0], [sflag:$0x5], $0x80, $0x38;
	[tilespmem:$0x1A600] =	vst v63  }
0x419: {  	s10 =	sadd.s32 $0x12888, s28;
	s31 =	sadd.s32 $0x10, s29  }
0x41a: {  	[hbm4b:s31+s3] =	stream.linear.scatter [tilespmem:s10], [sflag:$0x5], $0x80, $0x38;
	[tilespmem:$0x1A600] =	vst v63  }
0x41b: {  	s10 =	sadd.s32 $0x12910, s28;
	s31 =	sadd.s32 $0x20, s29  }
0x41c: {  	[hbm4b:s31+s3] =	stream.linear.scatter [tilespmem:s10], [sflag:$0x5], $0x80, $0x38;
	[tilespmem:$0x1A600] =	vst v63  }
0x41d: {  	s10 =	sadd.s32 $0x12998, s28;
	s31 =	sadd.s32 $0x30, s29  }
0x41e: {  	[hbm4b:s31+s3] =	stream.linear.scatter [tilespmem:s10], [sflag:$0x5], $0x80, $0x38;
	[tilespmem:$0x1A600] =	vst v63  }
0x41f: {  	s10 =	sadd.s32 $0x12A20, s28;
	s31 =	sadd.s32 $0x40, s29  }
0x420: {  	[hbm4b:s31+s3] =	stream.linear.scatter [tilespmem:s10], [sflag:$0x5], $0x80, $0x38;
	[tilespmem:$0x1A600] =	vst v63  }
0x421: {  	s10 =	sadd.s32 $0x12AA8, s28;
	s31 =	sadd.s32 $0x50, s29  }
0x422: {  	[hbm4b:s31+s3] =	stream.linear.scatter [tilespmem:s10], [sflag:$0x5], $0x80, $0x38;
	[tilespmem:$0x1A600] =	vst v63  }
0x423: {  	s26 =	sshllo.u32 s26, $0x1;
	s10 =	sadd.s32 $0x12B30, s28;
	s31 =	sadd.s32 $0x60, s29  }
0x424: {  	[hbm4b:s31+s3] =	stream.linear.scatter [tilespmem:s10], [sflag:$0x5], $0x80, $0x38;
	[tilespmem:$0x1A600] =	vst v63  }
0x425: {  	s31 =	sshll.u32 s26, $0x6  }
0x426: {  	s1 =	sadd.s32 $0x12BB8, s28;
	s10 =	sadd.s32 $0x70, s29;
	s0 =	sand.u32 $0x3FFFFFC0, s31  }
0x427: {  	[hbm4b:s10+s3] =	stream.linear.scatter [tilespmem:s1], [sflag:$0x5], $0x80, $0x38;
	[tilespmem:$0x1A600] =	vst v63  }
0x428: {  	v4 =	vld [tilespmem:s0+$0x17400]  }
0x429: {  	v5 =	vld [tilespmem:s0+$0x17410]  }
0x42a: {  	v6 =	vld [tilespmem:s0+$0x17420]  }
0x42b: {  	s30 =	simm.s32 $0xC7F0;
	s28 =	simm.s32 $0xFFFFFFF0;
	s29 =	simm.s32 $0x16C80;
	v7 =	vld [tilespmem:s0+$0x17430]  }
.LBB2_17:
0x42c: {  	v8 =	vld [tilespmem:s29+$0xFFFFFF80];
	_ =	sdelay $0x2  }
0x42d: {  	v9 =	vld [tilespmem:s30+$0xFFFFFC10];
	_ =	sdelay $0x1  }
0x42e: {  	v10 =	vadd.s32 v0, v8;
	_ =	sdelay $0x2  }
0x42f: {  	v9 =	vadd.f32 v9, v4;
	_ =	sdelay $0x1  }
0x430: {  	[tilespmem:v10+s19+$0x0] =	vst.idx.msk $0xffff, v9  }
0x431: {  	v9 =	vld [tilespmem:s30+$0xFFFFFC20];
	_ =	sdelay $0x1  }
0x432: {  	v17 =	vadd.s32 v1, v8;
	_ =	sdelay $0x2  }
0x433: {  	v9 =	vadd.f32 v9, v5;
	_ =	sdelay $0x1  }
0x434: {  	[tilespmem:v17+s19+$0x0] =	vst.idx.msk $0xffff, v9  }
0x435: {  	v9 =	vld [tilespmem:s30+$0xFFFFFC30];
	_ =	sdelay $0x1  }
0x436: {  	v18 =	vadd.s32 v2, v8;
	_ =	sdelay $0x2  }
0x437: {  	v9 =	vadd.f32 v9, v6;
	_ =	sdelay $0x1  }
0x438: {  	[tilespmem:v18+s19+$0x0] =	vst.idx.msk $0xffff, v9  }
0x439: {  	v9 =	vld [tilespmem:s30+$0xFFFFFC40];
	_ =	sdelay $0x1  }
0x43a: {  	v8 =	vadd.s32 v3, v8;
	_ =	sdelay $0x2  }
0x43b: {  	v9 =	vadd.f32 v9, v7;
	_ =	sdelay $0x1  }
0x43c: {  	[tilespmem:v8+s19+$0x0] =	vst.idx.msk $0xffff, v9  }
0x43d: {  	v8 =	vld [tilespmem:s29+$0xFFFFFF90];
	_ =	sdelay $0x2  }
0x43e: {  	v9 =	vld [tilespmem:s30+$0xFFFFFC50];
	_ =	sdelay $0x1  }
0x43f: {  	v19 =	vadd.s32 v0, v8;
	_ =	sdelay $0x2  }
0x440: {  	v9 =	vadd.f32 v9, v4;
	_ =	sdelay $0x1  }
0x441: {  	[tilespmem:v19+s19+$0x0] =	vst.idx.msk $0xffff, v9  }
0x442: {  	v9 =	vld [tilespmem:s30+$0xFFFFFC60];
	_ =	sdelay $0x1  }
0x443: {  	v20 =	vadd.s32 v1, v8;
	_ =	sdelay $0x2  }
0x444: {  	v9 =	vadd.f32 v9, v5;
	_ =	sdelay $0x1  }
0x445: {  	[tilespmem:v20+s19+$0x0] =	vst.idx.msk $0xffff, v9  }
0x446: {  	v9 =	vld [tilespmem:s30+$0xFFFFFC70];
	_ =	sdelay $0x1  }
0x447: {  	v21 =	vadd.s32 v2, v8;
	_ =	sdelay $0x2  }
0x448: {  	v9 =	vadd.f32 v9, v6;
	_ =	sdelay $0x1  }
0x449: {  	[tilespmem:v21+s19+$0x0] =	vst.idx.msk $0xffff, v9  }
0x44a: {  	v9 =	vld [tilespmem:s30+$0xFFFFFC80];
	_ =	sdelay $0x1  }
0x44b: {  	v8 =	vadd.s32 v3, v8;
	_ =	sdelay $0x2  }
0x44c: {  	v9 =	vadd.f32 v9, v7;
	_ =	sdelay $0x1  }
0x44d: {  	[tilespmem:v8+s19+$0x0] =	vst.idx.msk $0xffff, v9  }
0x44e: {  	v8 =	vld [tilespmem:s29+$0xFFFFFFA0];
	_ =	sdelay $0x2  }
0x44f: {  	v9 =	vld [tilespmem:s30+$0xFFFFFC90];
	_ =	sdelay $0x1  }
0x450: {  	v22 =	vadd.s32 v0, v8;
	_ =	sdelay $0x2  }
0x451: {  	v9 =	vadd.f32 v9, v4;
	_ =	sdelay $0x1  }
0x452: {  	[tilespmem:v22+s19+$0x0] =	vst.idx.msk $0xffff, v9  }
0x453: {  	v9 =	vld [tilespmem:s30+$0xFFFFFCA0];
	_ =	sdelay $0x1  }
0x454: {  	v23 =	vadd.s32 v1, v8;
	_ =	sdelay $0x2  }
0x455: {  	v9 =	vadd.f32 v9, v5;
	_ =	sdelay $0x1  }
0x456: {  	[tilespmem:v23+s19+$0x0] =	vst.idx.msk $0xffff, v9  }
0x457: {  	v9 =	vld [tilespmem:s30+$0xFFFFFCB0];
	_ =	sdelay $0x1  }
0x458: {  	v24 =	vadd.s32 v2, v8;
	_ =	sdelay $0x2  }
0x459: {  	v9 =	vadd.f32 v9, v6;
	_ =	sdelay $0x1  }
0x45a: {  	[tilespmem:v24+s19+$0x0] =	vst.idx.msk $0xffff, v9  }
0x45b: {  	v9 =	vld [tilespmem:s30+$0xFFFFFCC0];
	_ =	sdelay $0x1  }
0x45c: {  	v8 =	vadd.s32 v3, v8;
	_ =	sdelay $0x2  }
0x45d: {  	v9 =	vadd.f32 v9, v7;
	_ =	sdelay $0x1  }
0x45e: {  	[tilespmem:v8+s19+$0x0] =	vst.idx.msk $0xffff, v9  }
0x45f: {  	v8 =	vld [tilespmem:s29+$0xFFFFFFB0];
	_ =	sdelay $0x2  }
0x460: {  	v9 =	vld [tilespmem:s30+$0xFFFFFCD0];
	_ =	sdelay $0x1  }
0x461: {  	v25 =	vadd.s32 v0, v8;
	_ =	sdelay $0x2  }
0x462: {  	v9 =	vadd.f32 v9, v4;
	_ =	sdelay $0x1  }
0x463: {  	[tilespmem:v25+s19+$0x0] =	vst.idx.msk $0xffff, v9  }
0x464: {  	v9 =	vld [tilespmem:s30+$0xFFFFFCE0];
	_ =	sdelay $0x1  }
0x465: {  	v26 =	vadd.s32 v1, v8;
	_ =	sdelay $0x2  }
0x466: {  	v9 =	vadd.f32 v9, v5;
	_ =	sdelay $0x1  }
0x467: {  	[tilespmem:v26+s19+$0x0] =	vst.idx.msk $0xffff, v9  }
0x468: {  	v9 =	vld [tilespmem:s30+$0xFFFFFCF0];
	_ =	sdelay $0x1  }
0x469: {  	v27 =	vadd.s32 v2, v8;
	_ =	sdelay $0x2  }
0x46a: {  	v9 =	vadd.f32 v9, v6;
	_ =	sdelay $0x1  }
0x46b: {  	[tilespmem:v27+s19+$0x0] =	vst.idx.msk $0xffff, v9  }
0x46c: {  	v9 =	vld [tilespmem:s30+$0xFFFFFD00];
	_ =	sdelay $0x1  }
0x46d: {  	v8 =	vadd.s32 v3, v8;
	_ =	sdelay $0x2  }
0x46e: {  	v9 =	vadd.f32 v9, v7;
	_ =	sdelay $0x1  }
0x46f: {  	[tilespmem:v8+s19+$0x0] =	vst.idx.msk $0xffff, v9  }
0x470: {  	v8 =	vld [tilespmem:s29+$0xFFFFFFC0];
	_ =	sdelay $0x2  }
0x471: {  	v9 =	vld [tilespmem:s30+$0xFFFFFD10];
	_ =	sdelay $0x1  }
0x472: {  	v28 =	vadd.s32 v0, v8;
	_ =	sdelay $0x2  }
0x473: {  	v9 =	vadd.f32 v9, v4;
	_ =	sdelay $0x1  }
0x474: {  	[tilespmem:v28+s19+$0x0] =	vst.idx.msk $0xffff, v9  }
0x475: {  	v9 =	vld [tilespmem:s30+$0xFFFFFD20];
	_ =	sdelay $0x1  }
0x476: {  	v29 =	vadd.s32 v1, v8;
	_ =	sdelay $0x2  }
0x477: {  	v9 =	vadd.f32 v9, v5;
	_ =	sdelay $0x1  }
0x478: {  	[tilespmem:v29+s19+$0x0] =	vst.idx.msk $0xffff, v9  }
0x479: {  	v9 =	vld [tilespmem:s30+$0xFFFFFD30];
	_ =	sdelay $0x1  }
0x47a: {  	v30 =	vadd.s32 v2, v8;
	_ =	sdelay $0x2  }
0x47b: {  	v9 =	vadd.f32 v9, v6;
	_ =	sdelay $0x1  }
0x47c: {  	[tilespmem:v30+s19+$0x0] =	vst.idx.msk $0xffff, v9  }
0x47d: {  	v9 =	vld [tilespmem:s30+$0xFFFFFD40];
	_ =	sdelay $0x1  }
0x47e: {  	v8 =	vadd.s32 v3, v8;
	_ =	sdelay $0x2  }
0x47f: {  	v9 =	vadd.f32 v9, v7;
	_ =	sdelay $0x1  }
0x480: {  	[tilespmem:v8+s19+$0x0] =	vst.idx.msk $0xffff, v9  }
0x481: {  	v8 =	vld [tilespmem:s29+$0xFFFFFFD0];
	_ =	sdelay $0x2  }
0x482: {  	v9 =	vld [tilespmem:s30+$0xFFFFFD50];
	_ =	sdelay $0x1  }
0x483: {  	v31 =	vadd.s32 v0, v8;
	_ =	sdelay $0x2  }
0x484: {  	v9 =	vadd.f32 v9, v4;
	_ =	sdelay $0x1  }
0x485: {  	[tilespmem:v31+s19+$0x0] =	vst.idx.msk $0xffff, v9  }
0x486: {  	v9 =	vld [tilespmem:s30+$0xFFFFFD60];
	_ =	sdelay $0x1  }
0x487: {  	v32 =	vadd.s32 v1, v8;
	_ =	sdelay $0x2  }
0x488: {  	v9 =	vadd.f32 v9, v5;
	_ =	sdelay $0x1  }
0x489: {  	[tilespmem:v32+s19+$0x0] =	vst.idx.msk $0xffff, v9  }
0x48a: {  	v9 =	vld [tilespmem:s30+$0xFFFFFD70];
	_ =	sdelay $0x1  }
0x48b: {  	v33 =	vadd.s32 v2, v8;
	_ =	sdelay $0x2  }
0x48c: {  	v9 =	vadd.f32 v9, v6;
	_ =	sdelay $0x1  }
0x48d: {  	[tilespmem:v33+s19+$0x0] =	vst.idx.msk $0xffff, v9  }
0x48e: {  	v9 =	vld [tilespmem:s30+$0xFFFFFD80];
	_ =	sdelay $0x1  }
0x48f: {  	v8 =	vadd.s32 v3, v8;
	_ =	sdelay $0x2  }
0x490: {  	v9 =	vadd.f32 v9, v7;
	_ =	sdelay $0x1  }
0x491: {  	[tilespmem:v8+s19+$0x0] =	vst.idx.msk $0xffff, v9  }
0x492: {  	v8 =	vld [tilespmem:s29+$0xFFFFFFE0];
	_ =	sdelay $0x2  }
0x493: {  	v9 =	vld [tilespmem:s30+$0xFFFFFD90];
	_ =	sdelay $0x1  }
0x494: {  	v34 =	vadd.s32 v0, v8;
	_ =	sdelay $0x2  }
0x495: {  	v9 =	vadd.f32 v9, v4;
	_ =	sdelay $0x1  }
0x496: {  	[tilespmem:v34+s19+$0x0] =	vst.idx.msk $0xffff, v9  }
0x497: {  	v9 =	vld [tilespmem:s30+$0xFFFFFDA0];
	_ =	sdelay $0x1  }
0x498: {  	v35 =	vadd.s32 v1, v8;
	_ =	sdelay $0x2  }
0x499: {  	v9 =	vadd.f32 v9, v5;
	_ =	sdelay $0x1  }
0x49a: {  	[tilespmem:v35+s19+$0x0] =	vst.idx.msk $0xffff, v9  }
0x49b: {  	v9 =	vld [tilespmem:s30+$0xFFFFFDB0];
	_ =	sdelay $0x1  }
0x49c: {  	v36 =	vadd.s32 v2, v8;
	_ =	sdelay $0x2  }
0x49d: {  	v9 =	vadd.f32 v9, v6;
	_ =	sdelay $0x1  }
0x49e: {  	[tilespmem:v36+s19+$0x0] =	vst.idx.msk $0xffff, v9  }
0x49f: {  	v9 =	vld [tilespmem:s30+$0xFFFFFDC0];
	_ =	sdelay $0x1  }
0x4a0: {  	v8 =	vadd.s32 v3, v8;
	_ =	sdelay $0x2  }
0x4a1: {  	v9 =	vadd.f32 v9, v7;
	_ =	sdelay $0x1  }
0x4a2: {  	[tilespmem:v8+s19+$0x0] =	vst.idx.msk $0xffff, v9  }
0x4a3: {  	v8 =	vld [tilespmem:s29+$0xFFFFFFF0];
	_ =	sdelay $0x2  }
0x4a4: {  	v9 =	vld [tilespmem:s30+$0xFFFFFDD0];
	_ =	sdelay $0x1  }
0x4a5: {  	v37 =	vadd.s32 v0, v8;
	_ =	sdelay $0x2  }
0x4a6: {  	v9 =	vadd.f32 v9, v4;
	_ =	sdelay $0x1  }
0x4a7: {  	[tilespmem:v37+s19+$0x0] =	vst.idx.msk $0xffff, v9  }
0x4a8: {  	v9 =	vld [tilespmem:s30+$0xFFFFFDE0];
	_ =	sdelay $0x1  }
0x4a9: {  	v38 =	vadd.s32 v1, v8;
	_ =	sdelay $0x2  }
0x4aa: {  	v9 =	vadd.f32 v9, v5;
	_ =	sdelay $0x1  }
0x4ab: {  	[tilespmem:v38+s19+$0x0] =	vst.idx.msk $0xffff, v9  }
0x4ac: {  	v9 =	vld [tilespmem:s30+$0xFFFFFDF0];
	_ =	sdelay $0x1  }
0x4ad: {  	v39 =	vadd.s32 v2, v8;
	_ =	sdelay $0x2  }
0x4ae: {  	v9 =	vadd.f32 v9, v6;
	_ =	sdelay $0x1  }
0x4af: {  	[tilespmem:v39+s19+$0x0] =	vst.idx.msk $0xffff, v9  }
0x4b0: {  	v9 =	vld [tilespmem:s30+$0xFFFFFE00];
	_ =	sdelay $0x1  }
0x4b1: {  	v8 =	vadd.s32 v3, v8;
	_ =	sdelay $0x2  }
0x4b2: {  	v9 =	vadd.f32 v9, v7;
	_ =	sdelay $0x1  }
0x4b3: {  	[tilespmem:v8+s19+$0x0] =	vst.idx.msk $0xffff, v9  }
0x4b4: {  	v8 =	vld [tilespmem:s29+$0x0];
	_ =	sdelay $0x2  }
0x4b5: {  	v9 =	vld [tilespmem:s30+$0xFFFFFE10];
	_ =	sdelay $0x1  }
0x4b6: {  	v40 =	vadd.s32 v0, v8;
	_ =	sdelay $0x2  }
0x4b7: {  	v9 =	vadd.f32 v9, v4;
	_ =	sdelay $0x1  }
0x4b8: {  	[tilespmem:v40+s19+$0x0] =	vst.idx.msk $0xffff, v9  }
0x4b9: {  	v9 =	vld [tilespmem:s30+$0xFFFFFE20];
	_ =	sdelay $0x1  }
0x4ba: {  	v41 =	vadd.s32 v1, v8;
	_ =	sdelay $0x2  }
0x4bb: {  	v9 =	vadd.f32 v9, v5;
	_ =	sdelay $0x1  }
0x4bc: {  	[tilespmem:v41+s19+$0x0] =	vst.idx.msk $0xffff, v9  }
0x4bd: {  	v9 =	vld [tilespmem:s30+$0xFFFFFE30];
	_ =	sdelay $0x1  }
0x4be: {  	v42 =	vadd.s32 v2, v8;
	_ =	sdelay $0x2  }
0x4bf: {  	v9 =	vadd.f32 v9, v6;
	_ =	sdelay $0x1  }
0x4c0: {  	[tilespmem:v42+s19+$0x0] =	vst.idx.msk $0xffff, v9  }
0x4c1: {  	v9 =	vld [tilespmem:s30+$0xFFFFFE40];
	_ =	sdelay $0x1  }
0x4c2: {  	v8 =	vadd.s32 v3, v8;
	_ =	sdelay $0x2  }
0x4c3: {  	v9 =	vadd.f32 v9, v7;
	_ =	sdelay $0x1  }
0x4c4: {  	[tilespmem:v8+s19+$0x0] =	vst.idx.msk $0xffff, v9  }
0x4c5: {  	v8 =	vld [tilespmem:s29+$0x10];
	_ =	sdelay $0x2  }
0x4c6: {  	v9 =	vld [tilespmem:s30+$0xFFFFFE50];
	_ =	sdelay $0x1  }
0x4c7: {  	v43 =	vadd.s32 v0, v8;
	_ =	sdelay $0x2  }
0x4c8: {  	v9 =	vadd.f32 v9, v4;
	_ =	sdelay $0x1  }
0x4c9: {  	[tilespmem:v43+s19+$0x0] =	vst.idx.msk $0xffff, v9  }
0x4ca: {  	v9 =	vld [tilespmem:s30+$0xFFFFFE60];
	_ =	sdelay $0x1  }
0x4cb: {  	v44 =	vadd.s32 v1, v8;
	_ =	sdelay $0x2  }
0x4cc: {  	v9 =	vadd.f32 v9, v5;
	_ =	sdelay $0x1  }
0x4cd: {  	[tilespmem:v44+s19+$0x0] =	vst.idx.msk $0xffff, v9  }
0x4ce: {  	v9 =	vld [tilespmem:s30+$0xFFFFFE70];
	_ =	sdelay $0x1  }
0x4cf: {  	v45 =	vadd.s32 v2, v8;
	_ =	sdelay $0x2  }
0x4d0: {  	v9 =	vadd.f32 v9, v6;
	_ =	sdelay $0x1  }
0x4d1: {  	[tilespmem:v45+s19+$0x0] =	vst.idx.msk $0xffff, v9  }
0x4d2: {  	v9 =	vld [tilespmem:s30+$0xFFFFFE80];
	_ =	sdelay $0x1  }
0x4d3: {  	v8 =	vadd.s32 v3, v8;
	_ =	sdelay $0x2  }
0x4d4: {  	v9 =	vadd.f32 v9, v7;
	_ =	sdelay $0x1  }
0x4d5: {  	[tilespmem:v8+s19+$0x0] =	vst.idx.msk $0xffff, v9  }
0x4d6: {  	v8 =	vld [tilespmem:s29+$0x20];
	_ =	sdelay $0x2  }
0x4d7: {  	v9 =	vld [tilespmem:s30+$0xFFFFFE90];
	_ =	sdelay $0x1  }
0x4d8: {  	v46 =	vadd.s32 v0, v8;
	_ =	sdelay $0x2  }
0x4d9: {  	v9 =	vadd.f32 v9, v4;
	_ =	sdelay $0x1  }
0x4da: {  	[tilespmem:v46+s19+$0x0] =	vst.idx.msk $0xffff, v9  }
0x4db: {  	v9 =	vld [tilespmem:s30+$0xFFFFFEA0];
	_ =	sdelay $0x1  }
0x4dc: {  	v47 =	vadd.s32 v1, v8;
	_ =	sdelay $0x2  }
0x4dd: {  	v9 =	vadd.f32 v9, v5;
	_ =	sdelay $0x1  }
0x4de: {  	[tilespmem:v47+s19+$0x0] =	vst.idx.msk $0xffff, v9  }
0x4df: {  	v9 =	vld [tilespmem:s30+$0xFFFFFEB0];
	_ =	sdelay $0x1  }
0x4e0: {  	v48 =	vadd.s32 v2, v8;
	_ =	sdelay $0x2  }
0x4e1: {  	v9 =	vadd.f32 v9, v6;
	_ =	sdelay $0x1  }
0x4e2: {  	[tilespmem:v48+s19+$0x0] =	vst.idx.msk $0xffff, v9  }
0x4e3: {  	v9 =	vld [tilespmem:s30+$0xFFFFFEC0];
	_ =	sdelay $0x1  }
0x4e4: {  	v8 =	vadd.s32 v3, v8;
	_ =	sdelay $0x2  }
0x4e5: {  	v9 =	vadd.f32 v9, v7;
	_ =	sdelay $0x1  }
0x4e6: {  	[tilespmem:v8+s19+$0x0] =	vst.idx.msk $0xffff, v9  }
0x4e7: {  	v8 =	vld [tilespmem:s29+$0x30];
	_ =	sdelay $0x2  }
0x4e8: {  	v9 =	vld [tilespmem:s30+$0xFFFFFED0];
	_ =	sdelay $0x1  }
0x4e9: {  	v49 =	vadd.s32 v0, v8;
	_ =	sdelay $0x2  }
0x4ea: {  	v9 =	vadd.f32 v9, v4;
	_ =	sdelay $0x1  }
0x4eb: {  	[tilespmem:v49+s19+$0x0] =	vst.idx.msk $0xffff, v9  }
0x4ec: {  	v9 =	vld [tilespmem:s30+$0xFFFFFEE0];
	_ =	sdelay $0x1  }
0x4ed: {  	v50 =	vadd.s32 v1, v8;
	_ =	sdelay $0x2  }
0x4ee: {  	v9 =	vadd.f32 v9, v5;
	_ =	sdelay $0x1  }
0x4ef: {  	[tilespmem:v50+s19+$0x0] =	vst.idx.msk $0xffff, v9  }
0x4f0: {  	v9 =	vld [tilespmem:s30+$0xFFFFFEF0];
	_ =	sdelay $0x1  }
0x4f1: {  	v51 =	vadd.s32 v2, v8;
	_ =	sdelay $0x2  }
0x4f2: {  	v9 =	vadd.f32 v9, v6;
	_ =	sdelay $0x1  }
0x4f3: {  	[tilespmem:v51+s19+$0x0] =	vst.idx.msk $0xffff, v9  }
0x4f4: {  	v9 =	vld [tilespmem:s30+$0xFFFFFF00];
	_ =	sdelay $0x1  }
0x4f5: {  	v8 =	vadd.s32 v3, v8;
	_ =	sdelay $0x2  }
0x4f6: {  	v9 =	vadd.f32 v9, v7;
	_ =	sdelay $0x1  }
0x4f7: {  	[tilespmem:v8+s19+$0x0] =	vst.idx.msk $0xffff, v9  }
0x4f8: {  	v8 =	vld [tilespmem:s29+$0x40];
	_ =	sdelay $0x2  }
0x4f9: {  	v9 =	vld [tilespmem:s30+$0xFFFFFF10];
	_ =	sdelay $0x1  }
0x4fa: {  	v52 =	vadd.s32 v0, v8;
	_ =	sdelay $0x2  }
0x4fb: {  	v9 =	vadd.f32 v9, v4;
	_ =	sdelay $0x1  }
0x4fc: {  	[tilespmem:v52+s19+$0x0] =	vst.idx.msk $0xffff, v9  }
0x4fd: {  	v9 =	vld [tilespmem:s30+$0xFFFFFF20];
	_ =	sdelay $0x1  }
0x4fe: {  	v53 =	vadd.s32 v1, v8;
	_ =	sdelay $0x2  }
0x4ff: {  	v9 =	vadd.f32 v9, v5;
	_ =	sdelay $0x1  }
0x500: {  	[tilespmem:v53+s19+$0x0] =	vst.idx.msk $0xffff, v9  }
0x501: {  	v9 =	vld [tilespmem:s30+$0xFFFFFF30];
	_ =	sdelay $0x1  }
0x502: {  	v54 =	vadd.s32 v2, v8;
	_ =	sdelay $0x2  }
0x503: {  	v9 =	vadd.f32 v9, v6;
	_ =	sdelay $0x1  }
0x504: {  	[tilespmem:v54+s19+$0x0] =	vst.idx.msk $0xffff, v9  }
0x505: {  	v9 =	vld [tilespmem:s30+$0xFFFFFF40];
	_ =	sdelay $0x1  }
0x506: {  	v8 =	vadd.s32 v3, v8;
	_ =	sdelay $0x2  }
0x507: {  	v9 =	vadd.f32 v9, v7;
	_ =	sdelay $0x1  }
0x508: {  	[tilespmem:v8+s19+$0x0] =	vst.idx.msk $0xffff, v9  }
0x509: {  	v8 =	vld [tilespmem:s29+$0x50];
	_ =	sdelay $0x2  }
0x50a: {  	v9 =	vld [tilespmem:s30+$0xFFFFFF50];
	_ =	sdelay $0x1  }
0x50b: {  	v55 =	vadd.s32 v0, v8;
	_ =	sdelay $0x2  }
0x50c: {  	v9 =	vadd.f32 v9, v4;
	_ =	sdelay $0x1  }
0x50d: {  	[tilespmem:v55+s19+$0x0] =	vst.idx.msk $0xffff, v9  }
0x50e: {  	v9 =	vld [tilespmem:s30+$0xFFFFFF60];
	_ =	sdelay $0x1  }
0x50f: {  	v56 =	vadd.s32 v1, v8;
	_ =	sdelay $0x2  }
0x510: {  	v9 =	vadd.f32 v9, v5;
	_ =	sdelay $0x1  }
0x511: {  	[tilespmem:v56+s19+$0x0] =	vst.idx.msk $0xffff, v9  }
0x512: {  	v9 =	vld [tilespmem:s30+$0xFFFFFF70];
	_ =	sdelay $0x1  }
0x513: {  	v57 =	vadd.s32 v2, v8;
	_ =	sdelay $0x2  }
0x514: {  	v9 =	vadd.f32 v9, v6;
	_ =	sdelay $0x1  }
0x515: {  	[tilespmem:v57+s19+$0x0] =	vst.idx.msk $0xffff, v9  }
0x516: {  	v9 =	vld [tilespmem:s30+$0xFFFFFF80];
	_ =	sdelay $0x1  }
0x517: {  	v8 =	vadd.s32 v3, v8;
	_ =	sdelay $0x2  }
0x518: {  	v9 =	vadd.f32 v9, v7;
	_ =	sdelay $0x1  }
0x519: {  	[tilespmem:v8+s19+$0x0] =	vst.idx.msk $0xffff, v9  }
0x51a: {  	v8 =	vld [tilespmem:s29+$0x60];
	_ =	sdelay $0x2  }
0x51b: {  	v9 =	vld [tilespmem:s30+$0xFFFFFF90];
	_ =	sdelay $0x1  }
0x51c: {  	v58 =	vadd.s32 v0, v8;
	_ =	sdelay $0x2  }
0x51d: {  	v9 =	vadd.f32 v9, v4;
	_ =	sdelay $0x1  }
0x51e: {  	[tilespmem:v58+s19+$0x0] =	vst.idx.msk $0xffff, v9  }
0x51f: {  	v9 =	vld [tilespmem:s30+$0xFFFFFFA0];
	_ =	sdelay $0x1  }
0x520: {  	v59 =	vadd.s32 v1, v8;
	_ =	sdelay $0x2  }
0x521: {  	v9 =	vadd.f32 v9, v5;
	_ =	sdelay $0x1  }
0x522: {  	[tilespmem:v59+s19+$0x0] =	vst.idx.msk $0xffff, v9  }
0x523: {  	v9 =	vld [tilespmem:s30+$0xFFFFFFB0];
	_ =	sdelay $0x1  }
0x524: {  	v60 =	vadd.s32 v2, v8;
	_ =	sdelay $0x2  }
0x525: {  	v9 =	vadd.f32 v9, v6;
	_ =	sdelay $0x1  }
0x526: {  	[tilespmem:v60+s19+$0x0] =	vst.idx.msk $0xffff, v9  }
0x527: {  	v9 =	vld [tilespmem:s30+$0xFFFFFFC0];
	_ =	sdelay $0x1  }
0x528: {  	v8 =	vadd.s32 v3, v8;
	_ =	sdelay $0x2  }
0x529: {  	v9 =	vadd.f32 v9, v7;
	_ =	sdelay $0x1  }
0x52a: {  	[tilespmem:v8+s19+$0x0] =	vst.idx.msk $0xffff, v9  }
0x52b: {  	v8 =	vld [tilespmem:s29+$0x70];
	_ =	sdelay $0x2  }
0x52c: {  	v9 =	vld [tilespmem:s30+$0xFFFFFFD0];
	_ =	sdelay $0x1  }
0x52d: {  	v61 =	vadd.s32 v0, v8;
	_ =	sdelay $0x2  }
0x52e: {  	v9 =	vadd.f32 v9, v4;
	_ =	sdelay $0x1  }
0x52f: {  	[tilespmem:v61+s19+$0x0] =	vst.idx.msk $0xffff, v9  }
0x530: {  	v9 =	vld [tilespmem:s30+$0xFFFFFFE0];
	_ =	sdelay $0x1  }
0x531: {  	v62 =	vadd.s32 v1, v8;
	_ =	sdelay $0x2  }
0x532: {  	v9 =	vadd.f32 v9, v5;
	_ =	sdelay $0x1  }
0x533: {  	[tilespmem:v62+s19+$0x0] =	vst.idx.msk $0xffff, v9  }
0x534: {  	v9 =	vld [tilespmem:s30+$0xFFFFFFF0];
	_ =	sdelay $0x1  }
0x535: {  	v63 =	vadd.s32 v2, v8;
	_ =	sdelay $0x2  }
0x536: {  	v9 =	vadd.f32 v9, v6;
	_ =	sdelay $0x1  }
0x537: {  	[tilespmem:v63+s19+$0x0] =	vst.idx.msk $0xffff, v9  }
0x538: {  	v9 =	vld [tilespmem:s30+$0x0]  }
0x539: {  	s28 =	sadd.s32 $0x10, s28  }
0x53a: {  	p0 =	slt.u32 s28, $0x70;
	v8 =	vadd.s32 v3, v8  }
.Ltmp9:
0x53b: {  	_ = 	snop;
	(pc) =	sbr.rel @p0 .LBB2_17-.Ltmp9, $3  }
0x53c: {  	_ = 	snop  }
0x53d: {  	v9 =	vadd.f32 v9, v7;
	_ =	sdelay $0x1  }
0x53e: {  	s29 =	sadd.s32 $0x100, s29;
	s30 =	sadd.s32 $0x400, s30;
	[tilespmem:v8+s19+$0x0] =	vst.idx.msk $0xffff, v9  }
0x53f: {  	s0 =	sshll.u32 s26, $0x12  }
0x540: {  	s0 =	sor.u32 s7, s0  }
0x541: {  	s0 =	sshrl.u32 s0, $0x3  }
0x542: {  	s1 =	simm.s32 $0x14A00;
	s0 =	sadd.s32 s2, s0  }
0x543: {  	[hbm4b:s0+s3] =	stream.linear.scatter [tilespmem:s1], [sflag:$0x6], $0x80, $0x38;
	[tilespmem:$0x1A600] =	vst v63  }
0x544: {  	s31 =	simm.s32 $0x14A88;
	s10 =	sadd.s32 $0x10, s0  }
0x545: {  	[hbm4b:s10+s3] =	stream.linear.scatter [tilespmem:s31], [sflag:$0x6], $0x80, $0x38;
	[tilespmem:$0x1A600] =	vst v63  }
0x546: {  	s26 =	simm.s32 $0x14B10;
	s31 =	sadd.s32 $0x20, s0  }
0x547: {  	[hbm4b:s31+s3] =	stream.linear.scatter [tilespmem:s26], [sflag:$0x6], $0x80, $0x38;
	[tilespmem:$0x1A600] =	vst v63  }
0x548: {  	s26 =	simm.s32 $0x14B98;
	s31 =	sadd.s32 $0x30, s0  }
0x549: {  	[hbm4b:s31+s3] =	stream.linear.scatter [tilespmem:s26], [sflag:$0x6], $0x80, $0x38;
	[tilespmem:$0x1A600] =	vst v63  }
0x54a: {  	s26 =	simm.s32 $0x14C20;
	s31 =	sadd.s32 $0x40, s0  }
0x54b: {  	[hbm4b:s31+s3] =	stream.linear.scatter [tilespmem:s26], [sflag:$0x6], $0x80, $0x38;
	[tilespmem:$0x1A600] =	vst v63  }
0x54c: {  	s29 =	simm.s32 $0x2200;
	s26 =	simm.s32 $0x14CA8;
	s31 =	sadd.s32 $0x50, s0  }
0x54d: {  	[hbm4b:s31+s3] =	stream.linear.scatter [tilespmem:s26], [sflag:$0x6], $0x80, $0x38;
	[tilespmem:$0x1A600] =	vst v63  }
0x54e: {  	s30 =	simm.s32 $0x14DB8;
	s26 =	simm.s32 $0x14D30;
	s31 =	sadd.s32 $0x60, s0  }
0x54f: {  	[hbm4b:s31+s3] =	stream.linear.scatter [tilespmem:s26], [sflag:$0x6], $0x80, $0x38;
	[tilespmem:$0x1A600] =	vst v63  }
0x550: {  	s1 =	sadd.s32 $0x70, s0;
	s28 =	sadd.s32 $0x1000, s0;
	s26 =	simm.s32 $0x440  }
.LBB2_19:
0x551: {  	[hbm4b:s1+s3] =	stream.linear.scatter [tilespmem:s30], [sflag:$0x6], $0x80, $0x38;
	[tilespmem:$0x1A600] =	vst v63  }
0x552: {  	s0 =	smov.u32 s26;
	s1 =	smov.u32 s29  }
0x553: {  	s10 =	sadd.s32 $0x1100, s29;
	s26 =	sshra.s32 s1, $0x2;
	s1 =	sadd.s32 $0x14A00, s0  }
0x554: {  	[hbm4b:s28+s3] =	stream.linear.scatter [tilespmem:s1], [sflag:$0x6], $0x80, $0x38;
	[tilespmem:$0x1A600] =	vst v63  }
0x555: {  	p0 =	sne.s32 s29, $0x7700;
	s29 =	sadd.s32 $0x10, s28;
	s1 =	sadd.s32 $0x14A88, s0  }
0x556: {  	[hbm4b:s29+s3] =	stream.linear.scatter [tilespmem:s1], [sflag:$0x6], $0x80, $0x38;
	[tilespmem:$0x1A600] =	vst v63  }
0x557: {  	s1 =	sadd.s32 $0x14B10, s0;
	s29 =	sadd.s32 $0x20, s28  }
0x558: {  	[hbm4b:s29+s3] =	stream.linear.scatter [tilespmem:s1], [sflag:$0x6], $0x80, $0x38;
	[tilespmem:$0x1A600] =	vst v63  }
0x559: {  	s1 =	sadd.s32 $0x14B98, s0;
	s29 =	sadd.s32 $0x30, s28  }
0x55a: {  	[hbm4b:s29+s3] =	stream.linear.scatter [tilespmem:s1], [sflag:$0x6], $0x80, $0x38;
	[tilespmem:$0x1A600] =	vst v63  }
0x55b: {  	s1 =	sadd.s32 $0x14C20, s0;
	s29 =	sadd.s32 $0x40, s28  }
0x55c: {  	[hbm4b:s29+s3] =	stream.linear.scatter [tilespmem:s1], [sflag:$0x6], $0x80, $0x38;
	[tilespmem:$0x1A600] =	vst v63  }
.Ltmp10:
0x55d: {  	s1 =	sadd.s32 $0x14CA8, s0;
	s29 =	sadd.s32 $0x50, s28;
	(pc) =	sbr.rel @p0 .LBB2_19-.Ltmp10, $4  }
0x55e: {  	[hbm4b:s29+s3] =	stream.linear.scatter [tilespmem:s1], [sflag:$0x6], $0x80, $0x38;
	[tilespmem:$0x1A600] =	vst v63  }
0x55f: {  	s30 =	sadd.s32 $0x14DB8, s0;
	s1 =	sadd.s32 $0x14D30, s0;
	s29 =	sadd.s32 $0x60, s28  }
0x560: {  	[hbm4b:s29+s3] =	stream.linear.scatter [tilespmem:s1], [sflag:$0x6], $0x80, $0x38;
	[tilespmem:$0x1A600] =	vst v63  }
0x561: {  	s1 =	sadd.s32 $0x70, s28;
	s28 =	sadd.s32 $0x1000, s28;
	s29 =	smov.u32 s10  }
0x562: {  	[hbm4b:s1+s3] =	stream.linear.scatter [tilespmem:s30], [sflag:$0x6], $0x80, $0x38;
	[tilespmem:$0x1A600] =	vst v63  }
0x563: {  	s0 =	sadd.s32 $0x14A00, s26  }
0x564: {  	[hbm4b:s28+s3] =	stream.linear.scatter [tilespmem:s0], [sflag:$0x6], $0x80, $0x38;
	[tilespmem:$0x1A600] =	vst v63  }
0x565: {  	s30 =	sadd.s32 $0x14A88, s26;
	s31 =	sadd.s32 $0x10, s28  }
0x566: {  	[hbm4b:s31+s3] =	stream.linear.scatter [tilespmem:s30], [sflag:$0x6], $0x80, $0x38;
	[tilespmem:$0x1A600] =	vst v63  }
0x567: {  	s10 =	sadd.s32 $0x14B10, s26;
	s29 =	sadd.s32 $0x20, s28  }
0x568: {  	[hbm4b:s29+s3] =	stream.linear.scatter [tilespmem:s10], [sflag:$0x6], $0x80, $0x38;
	[tilespmem:$0x1A600] =	vst v63  }
0x569: {  	s30 =	sadd.s32 $0x14B98, s26;
	s31 =	sadd.s32 $0x30, s28  }
0x56a: {  	[hbm4b:s31+s3] =	stream.linear.scatter [tilespmem:s30], [sflag:$0x6], $0x80, $0x38;
	[tilespmem:$0x1A600] =	vst v63  }
0x56b: {  	s10 =	sadd.s32 $0x14C20, s26;
	s29 =	sadd.s32 $0x40, s28  }
0x56c: {  	[hbm4b:s29+s3] =	stream.linear.scatter [tilespmem:s10], [sflag:$0x6], $0x80, $0x38;
	[tilespmem:$0x1A600] =	vst v63  }
0x56d: {  	s30 =	sadd.s32 $0x14CA8, s26;
	s31 =	sadd.s32 $0x50, s28  }
0x56e: {  	[hbm4b:s31+s3] =	stream.linear.scatter [tilespmem:s30], [sflag:$0x6], $0x80, $0x38;
	[tilespmem:$0x1A600] =	vst v63  }
.Ltmp11:
0x56f: {  	_ = 	snop;
	(pc) =	sbr.rel @p1 .LBB2_22-.Ltmp11, $4  }
0x570: {  	s10 =	sadd.s32 $0x14D30, s26;
	s29 =	sadd.s32 $0x60, s28  }
0x571: {  	[hbm4b:s29+s3] =	stream.linear.scatter [tilespmem:s10], [sflag:$0x6], $0x80, $0x38;
	[tilespmem:$0x1A600] =	vst v63  }
0x572: {  	s30 =	sadd.s32 $0x14DB8, s26;
	s31 =	sadd.s32 $0x70, s28  }
0x573: {  	[hbm4b:s31+s3] =	stream.linear.scatter [tilespmem:s30], [sflag:$0x6], $0x80, $0x38;
	[tilespmem:$0x1A600] =	vst v63  }
.Ltmp12:
0x574: {  	(pc) =	sbr.rel .LBB2_4-.Ltmp12, $4  }
0x575: {  	s0 =	sshll.u32 s25, $0x9  }
0x576: {  	s0 =	sand.u32 $0x3FFFFE00, s0  }
0x577: {  	s25 =	sadd.s32 $0x1, s25;
	s0 =	sadd.s32 $0x300, s0  }
0x578: {  	[tilespmem:s13], [sflag:$0x2] =	stream.indirect.gather [hbm4b:s4+s11], $0x40, s0, s11, $0xb8;
	[tilespmem:$0x1A600] =	vst v63  }
.LBB2_23:
0x579: {  	_ =	sfence.sel $0x180000  }
0x57a: {  	[bflag:$0x0] =	sbarrier.arrive $0xFFFF  }
0x57b: {  	_ =	strace $0x90000047  }
0x57c: {  	s0 =	stileid.u32;
	[bflag:$0x2] =	sbarrier.arrive $0xFFFF  }
0x57d: {  	p0 =	sne.s32 s0, $0x0;
	s0 =	rddreg [dreg:$0x2]  }
0x57e: {  	s0 =	sadd.s32 @!p0 $0x100000, s0  }
0x57f: {  	[sflag:s0] =	ssyncadd.tile.s32 @!p0 $0x1;
	_ =	shalt  }
.Lfunc_end2:
_tile_overlayer_lowered:
.L_overlay_start_2:
0x580: {  	(tag) =	ssettag $0x2  }
0x581: {  	s0 =	rddreg [dreg:$0x0];
	s2 =	stileid.u32  }
0x582: {  	s1 =	rddreg [dreg:$0x1];
	p0 =	sne.s32 s2, $0x0  }
0x583: {  	s3 =	rddreg [dreg:$0x2];
	[bflag:$0x3] =	sbarrier.arrive $0xFFFF;
	s2 =	simm.s32 @!p0 $0x1C07  }
0x584: {  	[timem:s3], [sflag:s2] =	dma.local @!p0 [hbm:s0], s1  }
0x585: {  	s0 =	simm.s32 @!p0 $0x7  }
0x586: {  	_ =	swait.ge @!p0 [sflag:s0], s1  }
0x587: {  	s1 =	ssub.s32 @!p0 $0x0, s1;
	[sflag:s0] =	ssyncset.done @!p0 $0x0  }
0x588: {  	[sflag:s0] =	ssyncadd.s32 @!p0 s1  }
0x589: {  	[bflag:$0x3] =	sbarrier.arrive $0xFFFF  }
0x58a: {  	_ =	shalt  }

</sc_bundles>
